<compile_context>
chip_gen: v7x
topology: tpu7x:2x2x1
jax: 0.10.2.dev20260603
libtpu: 0.0.44.dev20260713+nightly
codegen_flags: <defaults>
</compile_context>

<pallas_src>
import functools

import jax
import jax.numpy as jnp
from jax import lax
from jax.experimental import pallas as pl
from jax.experimental.pallas import tpu as pltpu
from jax.experimental.pallas import tpu_sc as plsc

N = 10000
NP = 10240
D = 128
H = 16
NC = 2
NS = 16
NW = NC * NS
E = 320000
EP = E // NW
CH = 128
G = 8
K1 = 80
NG = K1 // G
EPP = K1 * CH
RPT = NP // NS
U = 5

_mesh = plsc.VectorSubcoreMesh(core_axis_name="c", subcore_axis_name="s")
_params = pltpu.CompilerParams(needs_layout_passes=False,
                               use_tc_tiling_on_sc=False)


def _zero_1d(ref, n):
    def zbody(i, carry):
        ref[pl.ds(i * 16, 16)] = jnp.zeros((16,), jnp.float32)
        return carry

    lax.fori_loop(0, n // 16, zbody, 0)


def _spmem_reduce_write(acc_v, shared, red, tmp, out0, out1, cid, sid):
    pltpu.sync_copy(acc_v, shared.at[sid])
    plsc.subcore_barrier()
    sl = pl.ds(sid * RPT, RPT)
    pltpu.sync_copy(shared.at[0].at[sl], red)
    for t in range(1, NS):
        pltpu.sync_copy(shared.at[t].at[sl], tmp)

        def abody(i, c2):
            red[pl.ds(i * 16, 16)] = (red[pl.ds(i * 16, 16)]
                                      + tmp[pl.ds(i * 16, 16)])
            return c2

        lax.fori_loop(0, RPT // 16, abody, 0)

    @pl.when(cid == 0)
    def _w0():
        pltpu.sync_copy(red, out0.at[sl])

    @pl.when(cid == 1)
    def _w1():
        pltpu.sync_copy(red, out1.at[sl])


@functools.partial(
    pl.kernel,
    out_type=[jax.ShapeDtypeStruct((NP,), jnp.float32),
              jax.ShapeDtypeStruct((NP,), jnp.float32)],
    mesh=_mesh,
    compiler_params=_params,
    scratch_types=[
        pltpu.VMEM((EP,), jnp.int32),
        pltpu.VMEM((NP,), jnp.float32),
        pltpu.VMEM_SHARED((NS, NP), jnp.float32),
        pltpu.VMEM((RPT,), jnp.float32),
        pltpu.VMEM((RPT,), jnp.float32),
        pltpu.SemaphoreType.DMA,
    ],
)
def _deg_kernel(edge_hbm, out0, out1, dst_v, acc_v, shared, red, tmp, sem):
    del sem
    cid = lax.axis_index("c")
    sid = lax.axis_index("s")
    wid = sid * NC + cid
    pltpu.sync_copy(edge_hbm.at[1].at[pl.ds(wid * EP, EP)], dst_v)
    _zero_1d(acc_v, NP)
    ones = jnp.ones((16,), jnp.float32)

    def cbody(j, carry):
        for u in range(U):
            d16 = dst_v[pl.ds((j * U + u) * 16, 16)]
            plsc.addupdate_scatter(acc_v, [d16], ones)
        return carry

    lax.fori_loop(0, EP // (16 * U), cbody, 0)
    _spmem_reduce_write(acc_v, shared, red, tmp, out0, out1, cid, sid)


@functools.partial(
    pl.kernel,
    out_type=jax.ShapeDtypeStruct((NC, NP, H), jnp.float32),
    mesh=_mesh,
    compiler_params=_params,
    scratch_types=[
        pltpu.VMEM((K1, CH), jnp.int32),
        pltpu.VMEM((K1, CH), jnp.int32),
        pltpu.VMEM((3, G, CH, H), jnp.float32),
        pltpu.VMEM((RPT, H), jnp.float32),
        pltpu.VMEM_SHARED((NP, H), jnp.float32),
        pltpu.SemaphoreType.DMA,
        pltpu.SemaphoreType.DMA,
    ],
)
def _agg1_kernel(hs_hbm, epad_hbm, out_hbm, si, di, rows, zbuf,
                 acc_sh, sem_g, sem_s):
    cid = lax.axis_index("c")
    sid = lax.axis_index("s")
    wid = sid * NC + cid
    pltpu.sync_copy(epad_hbm.at[0].at[wid], si)
    pltpu.sync_copy(epad_hbm.at[1].at[wid], di)

    def zb(i, carry):
        zbuf[i, :] = jnp.zeros((H,), jnp.float32)
        return carry

    lax.fori_loop(0, RPT, zb, 0)
    pltpu.sync_copy(zbuf, acc_sh.at[pl.ds(sid * RPT, RPT)])
    plsc.subcore_barrier()

    for b in range(G):
        pltpu.async_copy(hs_hbm.at[si.at[b]], rows.at[0, b], sem_g)

    def body(g, carry):
        b_cur = lax.rem(g, 3)
        b_nxt = lax.rem(g + 1, 3)

        @pl.when(g >= 2)
        def _drain():
            for b in range(G):
                pltpu.make_async_copy(rows.at[b_nxt, b],
                                      acc_sh.at[di.at[(g - 2) * G + b]],
                                      sem_s).wait()

        @pl.when(g + 1 < NG)
        def _fire():
            for b in range(G):
                pltpu.async_copy(hs_hbm.at[si.at[(g + 1) * G + b]],
                                 rows.at[b_nxt, b], sem_g)

        for b in range(G):
            pltpu.make_async_copy(hs_hbm.at[si.at[g * G + b]],
                                  rows.at[b_cur, b], sem_g).wait()
        for b in range(G):
            pltpu.async_copy(rows.at[b_cur, b], acc_sh.at[di.at[g * G + b]],
                             sem_s, add=True)
        return carry

    lax.fori_loop(0, NG, body, 0)
    for g in (NG - 2, NG - 1):
        for b in range(G):
            pltpu.make_async_copy(rows.at[g % 3, b],
                                  acc_sh.at[di.at[g * G + b]], sem_s).wait()
    plsc.subcore_barrier()
    sl = pl.ds(sid * RPT, RPT)
    pltpu.sync_copy(acc_sh.at[sl], out_hbm.at[cid].at[sl])


@functools.partial(
    pl.kernel,
    out_type=[jax.ShapeDtypeStruct((NP,), jnp.float32),
              jax.ShapeDtypeStruct((NP,), jnp.float32)],
    mesh=_mesh,
    compiler_params=_params,
    scratch_types=[
        pltpu.VMEM((NP,), jnp.float32),
        pltpu.VMEM((EP,), jnp.int32),
        pltpu.VMEM((EP,), jnp.int32),
        pltpu.VMEM((NP,), jnp.float32),
        pltpu.VMEM_SHARED((NS, NP), jnp.float32),
        pltpu.VMEM((RPT,), jnp.float32),
        pltpu.VMEM((RPT,), jnp.float32),
        pltpu.SemaphoreType.DMA,
    ],
)
def _agg2_kernel(hs_hbm, edge_hbm, out0, out1, hv, sv, dv, acc_v,
                 shared, red, tmp, sem):
    del sem
    cid = lax.axis_index("c")
    sid = lax.axis_index("s")
    wid = sid * NC + cid
    pltpu.sync_copy(hs_hbm, hv)
    pltpu.sync_copy(edge_hbm.at[0].at[pl.ds(wid * EP, EP)], sv)
    pltpu.sync_copy(edge_hbm.at[1].at[pl.ds(wid * EP, EP)], dv)
    _zero_1d(acc_v, NP)

    def gbody(j, carry):
        for u in range(U):
            s16 = sv[pl.ds((j * U + u) * 16, 16)]
            d16 = dv[pl.ds((j * U + u) * 16, 16)]
            vals = plsc.load_gather(hv, [s16])
            plsc.addupdate_scatter(acc_v, [d16], vals)
        return carry

    lax.fori_loop(0, EP // (16 * U), gbody, 0)
    _spmem_reduce_write(acc_v, shared, red, tmp, out0, out1, cid, sid)


_R = 2048


def _tc1_body(x_ref, w_ref, p0_ref, p1_ref, hs_ref, dis_ref):
    i = pl.program_id(0)
    deg = 1.0 + p0_ref[pl.ds(i * _R, _R)] + p1_ref[pl.ds(i * _R, _R)]
    dis = lax.rsqrt(deg)[:, None]
    h = jnp.dot(x_ref[...], w_ref[...], preferred_element_type=jnp.float32)
    hs_ref[...] = h * dis
    dis_ref[...] = dis


def _tc2_body(p_ref, hs_ref, dis_ref, w2_ref, b1_ref, hs2_ref, hs2f_ref):
    agg = p_ref[0] + p_ref[1] + hs_ref[...]
    dis = dis_ref[...]
    out1 = agg * dis + b1_ref[...]
    r = jnp.maximum(out1, 0.0)
    h2 = jnp.dot(r, w2_ref[...], preferred_element_type=jnp.float32)
    h2d = h2 * dis
    hs2_ref[...] = h2d
    hs2f_ref[...] = h2d[:, 0]


def _tc3_body(p0_ref, p1_ref, hs2_ref, dis_ref, b2_ref, out_ref):
    i = pl.program_id(0)
    agg = (p0_ref[pl.ds(i * _R, _R)] + p1_ref[pl.ds(i * _R, _R)])[:, None]
    out_ref[...] = dis_ref[...] * (agg + hs2_ref[...]) + b2_ref[...]


def kernel(x, edge_index, W1, b1, W2, b2):
    padn = EPP - EP
    pad_src = (jnp.arange(padn, dtype=jnp.int32) * 41 + 7) % N
    pad_dst = N + jnp.arange(padn, dtype=jnp.int32) % (NP - N)
    pads = jnp.stack([pad_src, pad_dst])
    epad = jnp.concatenate(
        [edge_index.reshape(2, NW, EP),
         jnp.broadcast_to(pads[:, None, :], (2, NW, padn))], axis=2
    ).reshape(2, NW, K1, CH)

    degp0, degp1 = _deg_kernel(edge_index)

    hs1, dis = pl.pallas_call(
        _tc1_body,
        grid=(NP // _R,),
        in_specs=[
            pl.BlockSpec((_R, D), lambda i: (i, 0)),
            pl.BlockSpec((D, H), lambda i: (0, 0)),
            pl.BlockSpec((NP,), lambda i: (0,)),
            pl.BlockSpec((NP,), lambda i: (0,)),
        ],
        out_specs=[
            pl.BlockSpec((_R, H), lambda i: (i, 0)),
            pl.BlockSpec((_R, 1), lambda i: (i, 0)),
        ],
        out_shape=[
            jax.ShapeDtypeStruct((NP, H), jnp.float32),
            jax.ShapeDtypeStruct((NP, 1), jnp.float32),
        ],
    )(x, W1, degp0, degp1)

    part1 = _agg1_kernel(hs1, epad)

    hs2 = pl.pallas_call(
        _tc2_body,
        grid=(NP // _R,),
        in_specs=[
            pl.BlockSpec((NC, _R, H), lambda i: (0, i, 0)),
            pl.BlockSpec((_R, H), lambda i: (i, 0)),
            pl.BlockSpec((_R, 1), lambda i: (i, 0)),
            pl.BlockSpec((H, 1), lambda i: (0, 0)),
            pl.BlockSpec((1, H), lambda i: (0, 0)),
        ],
        out_specs=[pl.BlockSpec((_R, 1), lambda i: (i, 0)),
                   pl.BlockSpec((_R,), lambda i: (i,))],
        out_shape=[jax.ShapeDtypeStruct((NP, 1), jnp.float32),
                   jax.ShapeDtypeStruct((NP,), jnp.float32)],
    )(part1, hs1, dis, W2, b1.reshape(1, H))
    hs2, hs2f = hs2

    p20, p21 = _agg2_kernel(hs2f, edge_index)

    out = pl.pallas_call(
        _tc3_body,
        grid=(NP // _R,),
        in_specs=[
            pl.BlockSpec((NP,), lambda i: (0,)),
            pl.BlockSpec((NP,), lambda i: (0,)),
            pl.BlockSpec((_R, 1), lambda i: (i, 0)),
            pl.BlockSpec((_R, 1), lambda i: (i, 0)),
            pl.BlockSpec((1, 1), lambda i: (0, 0)),
        ],
        out_specs=pl.BlockSpec((_R, 1), lambda i: (i, 0)),
        out_shape=jax.ShapeDtypeStruct((N, 1), jnp.float32),
    )(p20, p21, hs2, dis, b2.reshape(1, 1))

    return out

# --- scband reference (transcript-rebuilt; emitter-appended) ---
"""Pipeline reference for scband-tourism-gnn-25632364822987 (READ-ONLY COPY).

The authoritative reference and input builder live on the scoring server;
editing this copy changes nothing except your own understanding.
"""

import jax, jax.numpy as jnp
import numpy as np

N = 10000
E = 320000
D = 128
H = 16
O = 1

def setup_inputs(seed: int = 0):
    key = jax.random.key(seed)
    k1, k2, k3, k4 = jax.random.split(key, 4)
    x = jax.random.normal(k1, (N, D), dtype=jnp.float32)
    edge_index = jax.random.randint(k2, (2, E), 0, N, dtype=jnp.int32)
    # GCNConv weights (glorot-ish init) and biases
    W1 = jax.random.normal(k3, (D, H), dtype=jnp.float32) * (1.0 / np.sqrt(D))
    b1 = jnp.zeros((H,), dtype=jnp.float32)
    W2 = jax.random.normal(k4, (H, O), dtype=jnp.float32) * (1.0 / np.sqrt(H))
    b2 = jnp.zeros((O,), dtype=jnp.float32)
    return {"x": x, "edge_index": edge_index, "W1": W1, "b1": b1, "W2": W2, "b2": b2}


def _gcn_conv(x, src, dst, W, b, num_nodes):
    # x' = D^{-1/2} (A + I) D^{-1/2} X W + b  (self loops already appended to src/dst)
    h = x @ W
    deg = jnp.zeros((num_nodes,), dtype=h.dtype).at[dst].add(1.0)
    deg_inv_sqrt = jnp.where(deg > 0, jax.lax.rsqrt(jnp.maximum(deg, 1e-12)), 0.0)
    norm = deg_inv_sqrt[src] * deg_inv_sqrt[dst]
    msg = h[src] * norm[:, None]
    out = jnp.zeros((num_nodes, h.shape[1]), dtype=h.dtype).at[dst].add(msg)
    return out + b


def reference(x, edge_index, W1, b1, W2, b2):
    num_nodes = x.shape[0]
    loops = jnp.arange(num_nodes, dtype=edge_index.dtype)
    src = jnp.concatenate([edge_index[0], loops])
    dst = jnp.concatenate([edge_index[1], loops])
    h = _gcn_conv(x, src, dst, W1, b1, num_nodes)
    h = jax.nn.relu(h)
    out = _gcn_conv(h, src, dst, W2, b2, num_nodes)
    return out

if __name__ == "__main__":
    import jax
    _d = setup_inputs()
    print(jax.jit(kernel)(*tuple(_d.values())))

</pallas_src>

<mosaic_0001>
#map = affine_map<(d0, d1) -> (0)>
#map1 = affine_map<(d0, d1) -> (0, 0)>
module attributes {stable_mosaic.version = 14 : i64} {
  func.func @_agg2_kernel(%arg0: i32, %arg1: i32, %arg2: memref<10240xf32, #tpu.memory_space<hbm>>, %arg3: memref<2x320000xi32, #tpu.memory_space<hbm>>, %arg4: memref<10240xf32, #tpu.memory_space<hbm>>, %arg5: memref<10240xf32, #tpu.memory_space<hbm>>, %arg6: memref<10240xf32, #tpu.memory_space<vmem>>, %arg7: memref<10000xi32, #tpu.memory_space<vmem>>, %arg8: memref<10000xi32, #tpu.memory_space<vmem>>, %arg9: memref<10240xf32, #tpu.memory_space<vmem>>, %arg10: memref<16x10240xf32, #tpu.memory_space<vmem_shared>>, %arg11: memref<640xf32, #tpu.memory_space<vmem>>, %arg12: memref<640xf32, #tpu.memory_space<vmem>>, %arg13: memref<!tpu.dma_semaphore, #tpu.memory_space<semaphore_mem>>) attributes {dimension_semantics = [#tpu.dimension_semantics<core_parallel>, #tpu.dimension_semantics<subcore_parallel>], iteration_bounds = array<i64: 2, 16>, scalar_prefetch = 0 : i64, scratch_operands = 8 : i64, tpu.core_type = #tpu.core_type<sc_vector_subcore>, window_params = [{transform_indices = #map}, {transform_indices = #map1}, {transform_indices = #map}, {transform_indices = #map}]} {
    %mul3A = arith.constant 2 : i32
    %mul3A_0 = arith.muli %arg1, %mul3A : i32
    %add3A = arith.addi %mul3A_0, %arg0 : i32
    "tpu.region"() ({
      %run_scoped3A_132 = tpu.sem_alloc : memref<!tpu.dma_semaphore, #tpu.memory_space<semaphore_mem>>
      tpu.enqueue_dma source(%arg2 : memref<10240xf32, #tpu.memory_space<hbm>>) target(%arg6 : memref<10240xf32, #tpu.memory_space<vmem>>) target_semaphore(%run_scoped3A_132 : memref<!tpu.dma_semaphore, #tpu.memory_space<semaphore_mem>>)
      tpu.wait_dma2 semaphore(%run_scoped3A_132 : memref<!tpu.dma_semaphore, #tpu.memory_space<semaphore_mem>>) src(%arg2 : memref<10240xf32, #tpu.memory_space<hbm>>) dst(%arg6 : memref<10240xf32, #tpu.memory_space<vmem>>)
      tpu.yield
    }) : () -> ()
    %mul3A_1 = arith.constant 10000 : i32
    %mul3A_2 = arith.muli %add3A, %mul3A_1 : i32
    %run_scoped3A = arith.constant 0 : i32
    "tpu.region"() ({
      %run_scoped3A_132 = tpu.sem_alloc : memref<!tpu.dma_semaphore, #tpu.memory_space<semaphore_mem>>
      %dma_start3A = arith.constant 0 : i32
      %dma_start3A_133 = tpu.memref_slice %arg3[%run_scoped3A, %dma_start3A] : memref<2x320000xi32, #tpu.memory_space<hbm>> -> memref<1x320000xi32, #tpu.memory_space<hbm>>
      %dma_start3A_134 = tpu.memref_squeeze %dma_start3A_133 : memref<1x320000xi32, #tpu.memory_space<hbm>> -> memref<320000xi32, #tpu.memory_space<hbm>>
      %dma_start3A_135 = tpu.memref_slice %dma_start3A_134[%mul3A_2] : memref<320000xi32, #tpu.memory_space<hbm>> -> memref<10000xi32, #tpu.memory_space<hbm>>
      %dma_start3A_136 = arith.constant 0 : i32
      %dma_start3A_137 = tpu.memref_slice %arg3[%run_scoped3A, %dma_start3A_136] : memref<2x320000xi32, #tpu.memory_space<hbm>> -> memref<1x320000xi32, #tpu.memory_space<hbm>>
      %dma_start3A_138 = tpu.memref_squeeze %dma_start3A_137 : memref<1x320000xi32, #tpu.memory_space<hbm>> -> memref<320000xi32, #tpu.memory_space<hbm>>
      %dma_start3A_139 = tpu.memref_slice %dma_start3A_138[%mul3A_2] : memref<320000xi32, #tpu.memory_space<hbm>> -> memref<10000xi32, #tpu.memory_space<hbm>>
      tpu.enqueue_dma source(%dma_start3A_139 : memref<10000xi32, #tpu.memory_space<hbm>>) target(%arg7 : memref<10000xi32, #tpu.memory_space<vmem>>) target_semaphore(%run_scoped3A_132 : memref<!tpu.dma_semaphore, #tpu.memory_space<semaphore_mem>>)
      %dma_wait3A = arith.constant 0 : i32
      %dma_wait3A_140 = tpu.memref_slice %arg3[%run_scoped3A, %dma_wait3A] : memref<2x320000xi32, #tpu.memory_space<hbm>> -> memref<1x320000xi32, #tpu.memory_space<hbm>>
      %dma_wait3A_141 = tpu.memref_squeeze %dma_wait3A_140 : memref<1x320000xi32, #tpu.memory_space<hbm>> -> memref<320000xi32, #tpu.memory_space<hbm>>
      %dma_wait3A_142 = tpu.memref_slice %dma_wait3A_141[%mul3A_2] : memref<320000xi32, #tpu.memory_space<hbm>> -> memref<10000xi32, #tpu.memory_space<hbm>>
      %dma_wait3A_143 = arith.constant 0 : i32
      %dma_wait3A_144 = tpu.memref_slice %arg3[%run_scoped3A, %dma_wait3A_143] : memref<2x320000xi32, #tpu.memory_space<hbm>> -> memref<1x320000xi32, #tpu.memory_space<hbm>>
      %dma_wait3A_145 = tpu.memref_squeeze %dma_wait3A_144 : memref<1x320000xi32, #tpu.memory_space<hbm>> -> memref<320000xi32, #tpu.memory_space<hbm>>
      %dma_wait3A_146 = tpu.memref_slice %dma_wait3A_145[%mul3A_2] : memref<320000xi32, #tpu.memory_space<hbm>> -> memref<10000xi32, #tpu.memory_space<hbm>>
      tpu.wait_dma2 semaphore(%run_scoped3A_132 : memref<!tpu.dma_semaphore, #tpu.memory_space<semaphore_mem>>) src(%dma_wait3A_146 : memref<10000xi32, #tpu.memory_space<hbm>>) dst(%arg7 : memref<10000xi32, #tpu.memory_space<vmem>>)
      tpu.yield
    }) : () -> ()
    %mul3A_3 = arith.constant 10000 : i32
    %mul3A_4 = arith.muli %add3A, %mul3A_3 : i32
    %run_scoped3A_5 = arith.constant 1 : i32
    "tpu.region"() ({
      %run_scoped3A_132 = tpu.sem_alloc : memref<!tpu.dma_semaphore, #tpu.memory_space<semaphore_mem>>
      %dma_start3A = arith.constant 0 : i32
      %dma_start3A_133 = tpu.memref_slice %arg3[%run_scoped3A_5, %dma_start3A] : memref<2x320000xi32, #tpu.memory_space<hbm>> -> memref<1x320000xi32, #tpu.memory_space<hbm>>
      %dma_start3A_134 = tpu.memref_squeeze %dma_start3A_133 : memref<1x320000xi32, #tpu.memory_space<hbm>> -> memref<320000xi32, #tpu.memory_space<hbm>>
      %dma_start3A_135 = tpu.memref_slice %dma_start3A_134[%mul3A_4] : memref<320000xi32, #tpu.memory_space<hbm>> -> memref<10000xi32, #tpu.memory_space<hbm>>
      %dma_start3A_136 = arith.constant 0 : i32
      %dma_start3A_137 = tpu.memref_slice %arg3[%run_scoped3A_5, %dma_start3A_136] : memref<2x320000xi32, #tpu.memory_space<hbm>> -> memref<1x320000xi32, #tpu.memory_space<hbm>>
      %dma_start3A_138 = tpu.memref_squeeze %dma_start3A_137 : memref<1x320000xi32, #tpu.memory_space<hbm>> -> memref<320000xi32, #tpu.memory_space<hbm>>
      %dma_start3A_139 = tpu.memref_slice %dma_start3A_138[%mul3A_4] : memref<320000xi32, #tpu.memory_space<hbm>> -> memref<10000xi32, #tpu.memory_space<hbm>>
      tpu.enqueue_dma source(%dma_start3A_139 : memref<10000xi32, #tpu.memory_space<hbm>>) target(%arg8 : memref<10000xi32, #tpu.memory_space<vmem>>) target_semaphore(%run_scoped3A_132 : memref<!tpu.dma_semaphore, #tpu.memory_space<semaphore_mem>>)
      %dma_wait3A = arith.constant 0 : i32
      %dma_wait3A_140 = tpu.memref_slice %arg3[%run_scoped3A_5, %dma_wait3A] : memref<2x320000xi32, #tpu.memory_space<hbm>> -> memref<1x320000xi32, #tpu.memory_space<hbm>>
      %dma_wait3A_141 = tpu.memref_squeeze %dma_wait3A_140 : memref<1x320000xi32, #tpu.memory_space<hbm>> -> memref<320000xi32, #tpu.memory_space<hbm>>
      %dma_wait3A_142 = tpu.memref_slice %dma_wait3A_141[%mul3A_4] : memref<320000xi32, #tpu.memory_space<hbm>> -> memref<10000xi32, #tpu.memory_space<hbm>>
      %dma_wait3A_143 = arith.constant 0 : i32
      %dma_wait3A_144 = tpu.memref_slice %arg3[%run_scoped3A_5, %dma_wait3A_143] : memref<2x320000xi32, #tpu.memory_space<hbm>> -> memref<1x320000xi32, #tpu.memory_space<hbm>>
      %dma_wait3A_145 = tpu.memref_squeeze %dma_wait3A_144 : memref<1x320000xi32, #tpu.memory_space<hbm>> -> memref<320000xi32, #tpu.memory_space<hbm>>
      %dma_wait3A_146 = tpu.memref_slice %dma_wait3A_145[%mul3A_4] : memref<320000xi32, #tpu.memory_space<hbm>> -> memref<10000xi32, #tpu.memory_space<hbm>>
      tpu.wait_dma2 semaphore(%run_scoped3A_132 : memref<!tpu.dma_semaphore, #tpu.memory_space<semaphore_mem>>) src(%dma_wait3A_146 : memref<10000xi32, #tpu.memory_space<hbm>>) dst(%arg8 : memref<10000xi32, #tpu.memory_space<vmem>>)
      tpu.yield
    }) : () -> ()
    %scan3A = arith.constant 0 : i32
    %scan3A_6 = arith.constant 0 : i32
    %scan3A_7 = arith.constant 640 : i32
    %scan3A_8 = arith.addi %scan3A_6, %scan3A_7 : i32
    %scan3A_9 = arith.constant 1 : i32
    scf.for %scan3A_132 = %scan3A_6 to %scan3A_8 step %scan3A_9  : i32 {
      %broadcast_in_dim3A = arith.constant 0.000000e+00 : f32
      %broadcast_in_dim3A_133 = vector.broadcast %broadcast_in_dim3A : f32 to vector<16xf32>
      %mul3A_134 = arith.constant 16 : i32
      %mul3A_135 = arith.muli %scan3A_132, %mul3A_134 : i32
      %swap3A = arith.index_cast %mul3A_135 : i32 to index
      %swap3A_136 = tpu.vector_load %arg9[%swap3A] {strides = array<i32>} : memref<10240xf32, #tpu.memory_space<vmem>>, vector<16xf32>,
      tpu.vector_store %arg9[%swap3A], %broadcast_in_dim3A_133 {strides = array<i32>} : memref<10240xf32, #tpu.memory_space<vmem>>, vector<16xf32>,
    }
    %scan3A_10 = arith.constant 640 : i32
    %scan3A_11 = arith.constant 0 : i32
    %scan3A_12 = arith.constant 0 : i32
    %scan3A_13 = arith.constant 125 : i32
    %scan3A_14 = arith.addi %scan3A_12, %scan3A_13 : i32
    %scan3A_15 = arith.constant 1 : i32
    scf.for %scan3A_132 = %scan3A_12 to %scan3A_14 step %scan3A_15  : i32 {
      %mul3A_133 = arith.constant 5 : i32
      %mul3A_134 = arith.muli %scan3A_132, %mul3A_133 : i32
      %add3A_135 = arith.constant 0 : i32
      %add3A_136 = arith.addi %mul3A_134, %add3A_135 : i32
      %mul3A_137 = arith.constant 16 : i32
      %mul3A_138 = arith.muli %add3A_136, %mul3A_137 : i32
      %get3A = arith.index_cast %mul3A_138 : i32 to index
      %get3A_139 = tpu.vector_load %arg7[%get3A] {strides = array<i32>} : memref<10000xi32, #tpu.memory_space<vmem>>, vector<16xi32>,
      %mul3A_140 = arith.constant 5 : i32
      %mul3A_141 = arith.muli %scan3A_132, %mul3A_140 : i32
      %add3A_142 = arith.constant 0 : i32
      %add3A_143 = arith.addi %mul3A_141, %add3A_142 : i32
      %mul3A_144 = arith.constant 16 : i32
      %mul3A_145 = arith.muli %add3A_143, %mul3A_144 : i32
      %get3A_146 = arith.index_cast %mul3A_145 : i32 to index
      %get3A_147 = tpu.vector_load %arg8[%get3A_146] {strides = array<i32>} : memref<10000xi32, #tpu.memory_space<vmem>>, vector<16xi32>,
      %gather3A = tpu.vector_load_idx %arg6[%get3A_139] : memref<10240xf32, #tpu.memory_space<vmem>>[vector<16xi32>], vector<16xf32>,
      tpu.vector_store_idx %arg9[%get3A_147], %gather3A {add = true} : memref<10240xf32, #tpu.memory_space<vmem>>[vector<16xi32>], vector<16xf32>,
      %mul3A_148 = arith.constant 5 : i32
      %mul3A_149 = arith.muli %scan3A_132, %mul3A_148 : i32
      %add3A_150 = arith.constant 1 : i32
      %add3A_151 = arith.addi %mul3A_149, %add3A_150 : i32
      %mul3A_152 = arith.constant 16 : i32
      %mul3A_153 = arith.muli %add3A_151, %mul3A_152 : i32
      %get3A_154 = arith.index_cast %mul3A_153 : i32 to index
      %get3A_155 = tpu.vector_load %arg7[%get3A_154] {strides = array<i32>} : memref<10000xi32, #tpu.memory_space<vmem>>, vector<16xi32>,
      %mul3A_156 = arith.constant 5 : i32
      %mul3A_157 = arith.muli %scan3A_132, %mul3A_156 : i32
      %add3A_158 = arith.constant 1 : i32
      %add3A_159 = arith.addi %mul3A_157, %add3A_158 : i32
      %mul3A_160 = arith.constant 16 : i32
      %mul3A_161 = arith.muli %add3A_159, %mul3A_160 : i32
      %get3A_162 = arith.index_cast %mul3A_161 : i32 to index
      %get3A_163 = tpu.vector_load %arg8[%get3A_162] {strides = array<i32>} : memref<10000xi32, #tpu.memory_space<vmem>>, vector<16xi32>,
      %gather3A_164 = tpu.vector_load_idx %arg6[%get3A_155] : memref<10240xf32, #tpu.memory_space<vmem>>[vector<16xi32>], vector<16xf32>,
      tpu.vector_store_idx %arg9[%get3A_163], %gather3A_164 {add = true} : memref<10240xf32, #tpu.memory_space<vmem>>[vector<16xi32>], vector<16xf32>,
      %mul3A_165 = arith.constant 5 : i32
      %mul3A_166 = arith.muli %scan3A_132, %mul3A_165 : i32
      %add3A_167 = arith.constant 2 : i32
      %add3A_168 = arith.addi %mul3A_166, %add3A_167 : i32
      %mul3A_169 = arith.constant 16 : i32
      %mul3A_170 = arith.muli %add3A_168, %mul3A_169 : i32
      %get3A_171 = arith.index_cast %mul3A_170 : i32 to index
      %get3A_172 = tpu.vector_load %arg7[%get3A_171] {strides = array<i32>} : memref<10000xi32, #tpu.memory_space<vmem>>, vector<16xi32>,
      %mul3A_173 = arith.constant 5 : i32
      %mul3A_174 = arith.muli %scan3A_132, %mul3A_173 : i32
      %add3A_175 = arith.constant 2 : i32
      %add3A_176 = arith.addi %mul3A_174, %add3A_175 : i32
      %mul3A_177 = arith.constant 16 : i32
      %mul3A_178 = arith.muli %add3A_176, %mul3A_177 : i32
      %get3A_179 = arith.index_cast %mul3A_178 : i32 to index
      %get3A_180 = tpu.vector_load %arg8[%get3A_179] {strides = array<i32>} : memref<10000xi32, #tpu.memory_space<vmem>>, vector<16xi32>,
      %gather3A_181 = tpu.vector_load_idx %arg6[%get3A_172] : memref<10240xf32, #tpu.memory_space<vmem>>[vector<16xi32>], vector<16xf32>,
      tpu.vector_store_idx %arg9[%get3A_180], %gather3A_181 {add = true} : memref<10240xf32, #tpu.memory_space<vmem>>[vector<16xi32>], vector<16xf32>,
      %mul3A_182 = arith.constant 5 : i32
      %mul3A_183 = arith.muli %scan3A_132, %mul3A_182 : i32
      %add3A_184 = arith.constant 3 : i32
      %add3A_185 = arith.addi %mul3A_183, %add3A_184 : i32
      %mul3A_186 = arith.constant 16 : i32
      %mul3A_187 = arith.muli %add3A_185, %mul3A_186 : i32
      %get3A_188 = arith.index_cast %mul3A_187 : i32 to index
      %get3A_189 = tpu.vector_load %arg7[%get3A_188] {strides = array<i32>} : memref<10000xi32, #tpu.memory_space<vmem>>, vector<16xi32>,
      %mul3A_190 = arith.constant 5 : i32
      %mul3A_191 = arith.muli %scan3A_132, %mul3A_190 : i32
      %add3A_192 = arith.constant 3 : i32
      %add3A_193 = arith.addi %mul3A_191, %add3A_192 : i32
      %mul3A_194 = arith.constant 16 : i32
      %mul3A_195 = arith.muli %add3A_193, %mul3A_194 : i32
      %get3A_196 = arith.index_cast %mul3A_195 : i32 to index
      %get3A_197 = tpu.vector_load %arg8[%get3A_196] {strides = array<i32>} : memref<10000xi32, #tpu.memory_space<vmem>>, vector<16xi32>,
      %gather3A_198 = tpu.vector_load_idx %arg6[%get3A_189] : memref<10240xf32, #tpu.memory_space<vmem>>[vector<16xi32>], vector<16xf32>,
      tpu.vector_store_idx %arg9[%get3A_197], %gather3A_198 {add = true} : memref<10240xf32, #tpu.memory_space<vmem>>[vector<16xi32>], vector<16xf32>,
      %mul3A_199 = arith.constant 5 : i32
      %mul3A_200 = arith.muli %scan3A_132, %mul3A_199 : i32
      %add3A_201 = arith.constant 4 : i32
      %add3A_202 = arith.addi %mul3A_200, %add3A_201 : i32
      %mul3A_203 = arith.constant 16 : i32
      %mul3A_204 = arith.muli %add3A_202, %mul3A_203 : i32
      %get3A_205 = arith.index_cast %mul3A_204 : i32 to index
      %get3A_206 = tpu.vector_load %arg7[%get3A_205] {strides = array<i32>} : memref<10000xi32, #tpu.memory_space<vmem>>, vector<16xi32>,
      %mul3A_207 = arith.constant 5 : i32
      %mul3A_208 = arith.muli %scan3A_132, %mul3A_207 : i32
      %add3A_209 = arith.constant 4 : i32
      %add3A_210 = arith.addi %mul3A_208, %add3A_209 : i32
      %mul3A_211 = arith.constant 16 : i32
      %mul3A_212 = arith.muli %add3A_210, %mul3A_211 : i32
      %get3A_213 = arith.index_cast %mul3A_212 : i32 to index
      %get3A_214 = tpu.vector_load %arg8[%get3A_213] {strides = array<i32>} : memref<10000xi32, #tpu.memory_space<vmem>>, vector<16xi32>,
      %gather3A_215 = tpu.vector_load_idx %arg6[%get3A_206] : memref<10240xf32, #tpu.memory_space<vmem>>[vector<16xi32>], vector<16xf32>,
      tpu.vector_store_idx %arg9[%get3A_214], %gather3A_215 {add = true} : memref<10240xf32, #tpu.memory_space<vmem>>[vector<16xi32>], vector<16xf32>,
    }
    %scan3A_16 = arith.constant 125 : i32
    "tpu.region"() ({
      %run_scoped3A_132 = tpu.sem_alloc : memref<!tpu.dma_semaphore, #tpu.memory_space<semaphore_mem>>
      %dma_start3A = arith.constant 0 : i32
      %dma_start3A_133 = tpu.memref_slice %arg10[%arg1, %dma_start3A] : memref<16x10240xf32, #tpu.memory_space<vmem_shared>> -> memref<1x10240xf32, #tpu.memory_space<vmem_shared>>
      %dma_start3A_134 = tpu.memref_squeeze %dma_start3A_133 : memref<1x10240xf32, #tpu.memory_space<vmem_shared>> -> memref<10240xf32, #tpu.memory_space<vmem_shared>>
      %dma_start3A_135 = arith.constant 0 : i32
      %dma_start3A_136 = tpu.memref_slice %arg10[%arg1, %dma_start3A_135] : memref<16x10240xf32, #tpu.memory_space<vmem_shared>> -> memref<1x10240xf32, #tpu.memory_space<vmem_shared>>
      %dma_start3A_137 = tpu.memref_squeeze %dma_start3A_136 : memref<1x10240xf32, #tpu.memory_space<vmem_shared>> -> memref<10240xf32, #tpu.memory_space<vmem_shared>>
      tpu.enqueue_dma source(%arg9 : memref<10240xf32, #tpu.memory_space<vmem>>) target(%dma_start3A_137 : memref<10240xf32, #tpu.memory_space<vmem_shared>>) target_semaphore(%run_scoped3A_132 : memref<!tpu.dma_semaphore, #tpu.memory_space<semaphore_mem>>)
      %dma_wait3A = arith.constant 0 : i32
      %dma_wait3A_138 = tpu.memref_slice %arg10[%arg1, %dma_wait3A] : memref<16x10240xf32, #tpu.memory_space<vmem_shared>> -> memref<1x10240xf32, #tpu.memory_space<vmem_shared>>
      %dma_wait3A_139 = tpu.memref_squeeze %dma_wait3A_138 : memref<1x10240xf32, #tpu.memory_space<vmem_shared>> -> memref<10240xf32, #tpu.memory_space<vmem_shared>>
      %dma_wait3A_140 = arith.constant 0 : i32
      %dma_wait3A_141 = tpu.memref_slice %arg10[%arg1, %dma_wait3A_140] : memref<16x10240xf32, #tpu.memory_space<vmem_shared>> -> memref<1x10240xf32, #tpu.memory_space<vmem_shared>>
      %dma_wait3A_142 = tpu.memref_squeeze %dma_wait3A_141 : memref<1x10240xf32, #tpu.memory_space<vmem_shared>> -> memref<10240xf32, #tpu.memory_space<vmem_shared>>
      tpu.wait_dma2 semaphore(%run_scoped3A_132 : memref<!tpu.dma_semaphore, #tpu.memory_space<semaphore_mem>>) src(%arg9 : memref<10240xf32, #tpu.memory_space<vmem>>) dst(%dma_wait3A_142 : memref<10240xf32, #tpu.memory_space<vmem_shared>>)
      tpu.yield
    }) : () -> ()
    %barrier3A = arith.constant 0 : index
    tpu.barrier barrier_id(%barrier3A)
    %mul3A_17 = arith.constant 640 : i32
    %mul3A_18 = arith.muli %arg1, %mul3A_17 : i32
    %run_scoped3A_19 = arith.constant 0 : i32
    "tpu.region"() ({
      %run_scoped3A_132 = tpu.sem_alloc : memref<!tpu.dma_semaphore, #tpu.memory_space<semaphore_mem>>
      %dma_start3A = arith.constant 0 : i32
      %dma_start3A_133 = tpu.memref_slice %arg10[%run_scoped3A_19, %dma_start3A] : memref<16x10240xf32, #tpu.memory_space<vmem_shared>> -> memref<1x10240xf32, #tpu.memory_space<vmem_shared>>
      %dma_start3A_134 = tpu.memref_squeeze %dma_start3A_133 : memref<1x10240xf32, #tpu.memory_space<vmem_shared>> -> memref<10240xf32, #tpu.memory_space<vmem_shared>>
      %dma_start3A_135 = tpu.memref_slice %dma_start3A_134[%mul3A_18] : memref<10240xf32, #tpu.memory_space<vmem_shared>> -> memref<640xf32, #tpu.memory_space<vmem_shared>>
      %dma_start3A_136 = arith.constant 0 : i32
      %dma_start3A_137 = tpu.memref_slice %arg10[%run_scoped3A_19, %dma_start3A_136] : memref<16x10240xf32, #tpu.memory_space<vmem_shared>> -> memref<1x10240xf32, #tpu.memory_space<vmem_shared>>
      %dma_start3A_138 = tpu.memref_squeeze %dma_start3A_137 : memref<1x10240xf32, #tpu.memory_space<vmem_shared>> -> memref<10240xf32, #tpu.memory_space<vmem_shared>>
      %dma_start3A_139 = tpu.memref_slice %dma_start3A_138[%mul3A_18] : memref<10240xf32, #tpu.memory_space<vmem_shared>> -> memref<640xf32, #tpu.memory_space<vmem_shared>>
      tpu.enqueue_dma source(%dma_start3A_139 : memref<640xf32, #tpu.memory_space<vmem_shared>>) target(%arg11 : memref<640xf32, #tpu.memory_space<vmem>>) target_semaphore(%run_scoped3A_132 : memref<!tpu.dma_semaphore, #tpu.memory_space<semaphore_mem>>)
      %dma_wait3A = arith.constant 0 : i32
      %dma_wait3A_140 = tpu.memref_slice %arg10[%run_scoped3A_19, %dma_wait3A] : memref<16x10240xf32, #tpu.memory_space<vmem_shared>> -> memref<1x10240xf32, #tpu.memory_space<vmem_shared>>
      %dma_wait3A_141 = tpu.memref_squeeze %dma_wait3A_140 : memref<1x10240xf32, #tpu.memory_space<vmem_shared>> -> memref<10240xf32, #tpu.memory_space<vmem_shared>>
      %dma_wait3A_142 = tpu.memref_slice %dma_wait3A_141[%mul3A_18] : memref<10240xf32, #tpu.memory_space<vmem_shared>> -> memref<640xf32, #tpu.memory_space<vmem_shared>>
      %dma_wait3A_143 = arith.constant 0 : i32
      %dma_wait3A_144 = tpu.memref_slice %arg10[%run_scoped3A_19, %dma_wait3A_143] : memref<16x10240xf32, #tpu.memory_space<vmem_shared>> -> memref<1x10240xf32, #tpu.memory_space<vmem_shared>>
      %dma_wait3A_145 = tpu.memref_squeeze %dma_wait3A_144 : memref<1x10240xf32, #tpu.memory_space<vmem_shared>> -> memref<10240xf32, #tpu.memory_space<vmem_shared>>
      %dma_wait3A_146 = tpu.memref_slice %dma_wait3A_145[%mul3A_18] : memref<10240xf32, #tpu.memory_space<vmem_shared>> -> memref<640xf32, #tpu.memory_space<vmem_shared>>
      tpu.wait_dma2 semaphore(%run_scoped3A_132 : memref<!tpu.dma_semaphore, #tpu.memory_space<semaphore_mem>>) src(%dma_wait3A_146 : memref<640xf32, #tpu.memory_space<vmem_shared>>) dst(%arg11 : memref<640xf32, #tpu.memory_space<vmem>>)
      tpu.yield
    }) : () -> ()
    %run_scoped3A_20 = arith.constant 1 : i32
    "tpu.region"() ({
      %run_scoped3A_132 = tpu.sem_alloc : memref<!tpu.dma_semaphore, #tpu.memory_space<semaphore_mem>>
      %dma_start3A = arith.constant 0 : i32
      %dma_start3A_133 = tpu.memref_slice %arg10[%run_scoped3A_20, %dma_start3A] : memref<16x10240xf32, #tpu.memory_space<vmem_shared>> -> memref<1x10240xf32, #tpu.memory_space<vmem_shared>>
      %dma_start3A_134 = tpu.memref_squeeze %dma_start3A_133 : memref<1x10240xf32, #tpu.memory_space<vmem_shared>> -> memref<10240xf32, #tpu.memory_space<vmem_shared>>
      %dma_start3A_135 = tpu.memref_slice %dma_start3A_134[%mul3A_18] : memref<10240xf32, #tpu.memory_space<vmem_shared>> -> memref<640xf32, #tpu.memory_space<vmem_shared>>
      %dma_start3A_136 = arith.constant 0 : i32
      %dma_start3A_137 = tpu.memref_slice %arg10[%run_scoped3A_20, %dma_start3A_136] : memref<16x10240xf32, #tpu.memory_space<vmem_shared>> -> memref<1x10240xf32, #tpu.memory_space<vmem_shared>>
      %dma_start3A_138 = tpu.memref_squeeze %dma_start3A_137 : memref<1x10240xf32, #tpu.memory_space<vmem_shared>> -> memref<10240xf32, #tpu.memory_space<vmem_shared>>
      %dma_start3A_139 = tpu.memref_slice %dma_start3A_138[%mul3A_18] : memref<10240xf32, #tpu.memory_space<vmem_shared>> -> memref<640xf32, #tpu.memory_space<vmem_shared>>
      tpu.enqueue_dma source(%dma_start3A_139 : memref<640xf32, #tpu.memory_space<vmem_shared>>) target(%arg12 : memref<640xf32, #tpu.memory_space<vmem>>) target_semaphore(%run_scoped3A_132 : memref<!tpu.dma_semaphore, #tpu.memory_space<semaphore_mem>>)
      %dma_wait3A = arith.constant 0 : i32
      %dma_wait3A_140 = tpu.memref_slice %arg10[%run_scoped3A_20, %dma_wait3A] : memref<16x10240xf32, #tpu.memory_space<vmem_shared>> -> memref<1x10240xf32, #tpu.memory_space<vmem_shared>>
      %dma_wait3A_141 = tpu.memref_squeeze %dma_wait3A_140 : memref<1x10240xf32, #tpu.memory_space<vmem_shared>> -> memref<10240xf32, #tpu.memory_space<vmem_shared>>
      %dma_wait3A_142 = tpu.memref_slice %dma_wait3A_141[%mul3A_18] : memref<10240xf32, #tpu.memory_space<vmem_shared>> -> memref<640xf32, #tpu.memory_space<vmem_shared>>
      %dma_wait3A_143 = arith.constant 0 : i32
      %dma_wait3A_144 = tpu.memref_slice %arg10[%run_scoped3A_20, %dma_wait3A_143] : memref<16x10240xf32, #tpu.memory_space<vmem_shared>> -> memref<1x10240xf32, #tpu.memory_space<vmem_shared>>
      %dma_wait3A_145 = tpu.memref_squeeze %dma_wait3A_144 : memref<1x10240xf32, #tpu.memory_space<vmem_shared>> -> memref<10240xf32, #tpu.memory_space<vmem_shared>>
      %dma_wait3A_146 = tpu.memref_slice %dma_wait3A_145[%mul3A_18] : memref<10240xf32, #tpu.memory_space<vmem_shared>> -> memref<640xf32, #tpu.memory_space<vmem_shared>>
      tpu.wait_dma2 semaphore(%run_scoped3A_132 : memref<!tpu.dma_semaphore, #tpu.memory_space<semaphore_mem>>) src(%dma_wait3A_146 : memref<640xf32, #tpu.memory_space<vmem_shared>>) dst(%arg12 : memref<640xf32, #tpu.memory_space<vmem>>)
      tpu.yield
    }) : () -> ()
    %scan3A_21 = arith.constant 0 : i32
    %scan3A_22 = arith.constant 0 : i32
    %scan3A_23 = arith.constant 40 : i32
    %scan3A_24 = arith.addi %scan3A_22, %scan3A_23 : i32
    %scan3A_25 = arith.constant 1 : i32
    scf.for %scan3A_132 = %scan3A_22 to %scan3A_24 step %scan3A_25  : i32 {
      %mul3A_133 = arith.constant 16 : i32
      %mul3A_134 = arith.muli %scan3A_132, %mul3A_133 : i32
      %get3A = arith.index_cast %mul3A_134 : i32 to index
      %get3A_135 = tpu.vector_load %arg11[%get3A] {strides = array<i32>} : memref<640xf32, #tpu.memory_space<vmem>>, vector<16xf32>,
      %mul3A_136 = arith.constant 16 : i32
      %mul3A_137 = arith.muli %scan3A_132, %mul3A_136 : i32
      %get3A_138 = arith.index_cast %mul3A_137 : i32 to index
      %get3A_139 = tpu.vector_load %arg12[%get3A_138] {strides = array<i32>} : memref<640xf32, #tpu.memory_space<vmem>>, vector<16xf32>,
      %add3A_140 = arith.addf %get3A_135, %get3A_139 : vector<16xf32>
      %mul3A_141 = arith.constant 16 : i32
      %mul3A_142 = arith.muli %scan3A_132, %mul3A_141 : i32
      %swap3A = arith.index_cast %mul3A_142 : i32 to index
      %swap3A_143 = tpu.vector_load %arg11[%swap3A] {strides = array<i32>} : memref<640xf32, #tpu.memory_space<vmem>>, vector<16xf32>,
      tpu.vector_store %arg11[%swap3A], %add3A_140 {strides = array<i32>} : memref<640xf32, #tpu.memory_space<vmem>>, vector<16xf32>,
    }
    %scan3A_26 = arith.constant 40 : i32
    %run_scoped3A_27 = arith.constant 2 : i32
    "tpu.region"() ({
      %run_scoped3A_132 = tpu.sem_alloc : memref<!tpu.dma_semaphore, #tpu.memory_space<semaphore_mem>>
      %dma_start3A = arith.constant 0 : i32
      %dma_start3A_133 = tpu.memref_slice %arg10[%run_scoped3A_27, %dma_start3A] : memref<16x10240xf32, #tpu.memory_space<vmem_shared>> -> memref<1x10240xf32, #tpu.memory_space<vmem_shared>>
      %dma_start3A_134 = tpu.memref_squeeze %dma_start3A_133 : memref<1x10240xf32, #tpu.memory_space<vmem_shared>> -> memref<10240xf32, #tpu.memory_space<vmem_shared>>
      %dma_start3A_135 = tpu.memref_slice %dma_start3A_134[%mul3A_18] : memref<10240xf32, #tpu.memory_space<vmem_shared>> -> memref<640xf32, #tpu.memory_space<vmem_shared>>
      %dma_start3A_136 = arith.constant 0 : i32
      %dma_start3A_137 = tpu.memref_slice %arg10[%run_scoped3A_27, %dma_start3A_136] : memref<16x10240xf32, #tpu.memory_space<vmem_shared>> -> memref<1x10240xf32, #tpu.memory_space<vmem_shared>>
      %dma_start3A_138 = tpu.memref_squeeze %dma_start3A_137 : memref<1x10240xf32, #tpu.memory_space<vmem_shared>> -> memref<10240xf32, #tpu.memory_space<vmem_shared>>
      %dma_start3A_139 = tpu.memref_slice %dma_start3A_138[%mul3A_18] : memref<10240xf32, #tpu.memory_space<vmem_shared>> -> memref<640xf32, #tpu.memory_space<vmem_shared>>
      tpu.enqueue_dma source(%dma_start3A_139 : memref<640xf32, #tpu.memory_space<vmem_shared>>) target(%arg12 : memref<640xf32, #tpu.memory_space<vmem>>) target_semaphore(%run_scoped3A_132 : memref<!tpu.dma_semaphore, #tpu.memory_space<semaphore_mem>>)
      %dma_wait3A = arith.constant 0 : i32
      %dma_wait3A_140 = tpu.memref_slice %arg10[%run_scoped3A_27, %dma_wait3A] : memref<16x10240xf32, #tpu.memory_space<vmem_shared>> -> memref<1x10240xf32, #tpu.memory_space<vmem_shared>>
      %dma_wait3A_141 = tpu.memref_squeeze %dma_wait3A_140 : memref<1x10240xf32, #tpu.memory_space<vmem_shared>> -> memref<10240xf32, #tpu.memory_space<vmem_shared>>
      %dma_wait3A_142 = tpu.memref_slice %dma_wait3A_141[%mul3A_18] : memref<10240xf32, #tpu.memory_space<vmem_shared>> -> memref<640xf32, #tpu.memory_space<vmem_shared>>
      %dma_wait3A_143 = arith.constant 0 : i32
      %dma_wait3A_144 = tpu.memref_slice %arg10[%run_scoped3A_27, %dma_wait3A_143] : memref<16x10240xf32, #tpu.memory_space<vmem_shared>> -> memref<1x10240xf32, #tpu.memory_space<vmem_shared>>
      %dma_wait3A_145 = tpu.memref_squeeze %dma_wait3A_144 : memref<1x10240xf32, #tpu.memory_space<vmem_shared>> -> memref<10240xf32, #tpu.memory_space<vmem_shared>>
      %dma_wait3A_146 = tpu.memref_slice %dma_wait3A_145[%mul3A_18] : memref<10240xf32, #tpu.memory_space<vmem_shared>> -> memref<640xf32, #tpu.memory_space<vmem_shared>>
      tpu.wait_dma2 semaphore(%run_scoped3A_132 : memref<!tpu.dma_semaphore, #tpu.memory_space<semaphore_mem>>) src(%dma_wait3A_146 : memref<640xf32, #tpu.memory_space<vmem_shared>>) dst(%arg12 : memref<640xf32, #tpu.memory_space<vmem>>)
      tpu.yield
    }) : () -> ()
    %scan3A_28 = arith.constant 0 : i32
    %scan3A_29 = arith.constant 0 : i32
    %scan3A_30 = arith.constant 40 : i32
    %scan3A_31 = arith.addi %scan3A_29, %scan3A_30 : i32
    %scan3A_32 = arith.constant 1 : i32
    scf.for %scan3A_132 = %scan3A_29 to %scan3A_31 step %scan3A_32  : i32 {
      %mul3A_133 = arith.constant 16 : i32
      %mul3A_134 = arith.muli %scan3A_132, %mul3A_133 : i32
      %get3A = arith.index_cast %mul3A_134 : i32 to index
      %get3A_135 = tpu.vector_load %arg11[%get3A] {strides = array<i32>} : memref<640xf32, #tpu.memory_space<vmem>>, vector<16xf32>,
      %mul3A_136 = arith.constant 16 : i32
      %mul3A_137 = arith.muli %scan3A_132, %mul3A_136 : i32
      %get3A_138 = arith.index_cast %mul3A_137 : i32 to index
      %get3A_139 = tpu.vector_load %arg12[%get3A_138] {strides = array<i32>} : memref<640xf32, #tpu.memory_space<vmem>>, vector<16xf32>,
      %add3A_140 = arith.addf %get3A_135, %get3A_139 : vector<16xf32>
      %mul3A_141 = arith.constant 16 : i32
      %mul3A_142 = arith.muli %scan3A_132, %mul3A_141 : i32
      %swap3A = arith.index_cast %mul3A_142 : i32 to index
      %swap3A_143 = tpu.vector_load %arg11[%swap3A] {strides = array<i32>} : memref<640xf32, #tpu.memory_space<vmem>>, vector<16xf32>,
      tpu.vector_store %arg11[%swap3A], %add3A_140 {strides = array<i32>} : memref<640xf32, #tpu.memory_space<vmem>>, vector<16xf32>,
    }
    %scan3A_33 = arith.constant 40 : i32
    %run_scoped3A_34 = arith.constant 3 : i32
    "tpu.region"() ({
      %run_scoped3A_132 = tpu.sem_alloc : memref<!tpu.dma_semaphore, #tpu.memory_space<semaphore_mem>>
      %dma_start3A = arith.constant 0 : i32
      %dma_start3A_133 = tpu.memref_slice %arg10[%run_scoped3A_34, %dma_start3A] : memref<16x10240xf32, #tpu.memory_space<vmem_shared>> -> memref<1x10240xf32, #tpu.memory_space<vmem_shared>>
      %dma_start3A_134 = tpu.memref_squeeze %dma_start3A_133 : memref<1x10240xf32, #tpu.memory_space<vmem_shared>> -> memref<10240xf32, #tpu.memory_space<vmem_shared>>
      %dma_start3A_135 = tpu.memref_slice %dma_start3A_134[%mul3A_18] : memref<10240xf32, #tpu.memory_space<vmem_shared>> -> memref<640xf32, #tpu.memory_space<vmem_shared>>
      %dma_start3A_136 = arith.constant 0 : i32
      %dma_start3A_137 = tpu.memref_slice %arg10[%run_scoped3A_34, %dma_start3A_136] : memref<16x10240xf32, #tpu.memory_space<vmem_shared>> -> memref<1x10240xf32, #tpu.memory_space<vmem_shared>>
      %dma_start3A_138 = tpu.memref_squeeze %dma_start3A_137 : memref<1x10240xf32, #tpu.memory_space<vmem_shared>> -> memref<10240xf32, #tpu.memory_space<vmem_shared>>
      %dma_start3A_139 = tpu.memref_slice %dma_start3A_138[%mul3A_18] : memref<10240xf32, #tpu.memory_space<vmem_shared>> -> memref<640xf32, #tpu.memory_space<vmem_shared>>
      tpu.enqueue_dma source(%dma_start3A_139 : memref<640xf32, #tpu.memory_space<vmem_shared>>) target(%arg12 : memref<640xf32, #tpu.memory_space<vmem>>) target_semaphore(%run_scoped3A_132 : memref<!tpu.dma_semaphore, #tpu.memory_space<semaphore_mem>>)
      %dma_wait3A = arith.constant 0 : i32
      %dma_wait3A_140 = tpu.memref_slice %arg10[%run_scoped3A_34, %dma_wait3A] : memref<16x10240xf32, #tpu.memory_space<vmem_shared>> -> memref<1x10240xf32, #tpu.memory_space<vmem_shared>>
      %dma_wait3A_141 = tpu.memref_squeeze %dma_wait3A_140 : memref<1x10240xf32, #tpu.memory_space<vmem_shared>> -> memref<10240xf32, #tpu.memory_space<vmem_shared>>
      %dma_wait3A_142 = tpu.memref_slice %dma_wait3A_141[%mul3A_18] : memref<10240xf32, #tpu.memory_space<vmem_shared>> -> memref<640xf32, #tpu.memory_space<vmem_shared>>
      %dma_wait3A_143 = arith.constant 0 : i32
      %dma_wait3A_144 = tpu.memref_slice %arg10[%run_scoped3A_34, %dma_wait3A_143] : memref<16x10240xf32, #tpu.memory_space<vmem_shared>> -> memref<1x10240xf32, #tpu.memory_space<vmem_shared>>
      %dma_wait3A_145 = tpu.memref_squeeze %dma_wait3A_144 : memref<1x10240xf32, #tpu.memory_space<vmem_shared>> -> memref<10240xf32, #tpu.memory_space<vmem_shared>>
      %dma_wait3A_146 = tpu.memref_slice %dma_wait3A_145[%mul3A_18] : memref<10240xf32, #tpu.memory_space<vmem_shared>> -> memref<640xf32, #tpu.memory_space<vmem_shared>>
      tpu.wait_dma2 semaphore(%run_scoped3A_132 : memref<!tpu.dma_semaphore, #tpu.memory_space<semaphore_mem>>) src(%dma_wait3A_146 : memref<640xf32, #tpu.memory_space<vmem_shared>>) dst(%arg12 : memref<640xf32, #tpu.memory_space<vmem>>)
      tpu.yield
    }) : () -> ()
    %scan3A_35 = arith.constant 0 : i32
    %scan3A_36 = arith.constant 0 : i32
    %scan3A_37 = arith.constant 40 : i32
    %scan3A_38 = arith.addi %scan3A_36, %scan3A_37 : i32
    %scan3A_39 = arith.constant 1 : i32
    scf.for %scan3A_132 = %scan3A_36 to %scan3A_38 step %scan3A_39  : i32 {
      %mul3A_133 = arith.constant 16 : i32
      %mul3A_134 = arith.muli %scan3A_132, %mul3A_133 : i32
      %get3A = arith.index_cast %mul3A_134 : i32 to index
      %get3A_135 = tpu.vector_load %arg11[%get3A] {strides = array<i32>} : memref<640xf32, #tpu.memory_space<vmem>>, vector<16xf32>,
      %mul3A_136 = arith.constant 16 : i32
      %mul3A_137 = arith.muli %scan3A_132, %mul3A_136 : i32
      %get3A_138 = arith.index_cast %mul3A_137 : i32 to index
      %get3A_139 = tpu.vector_load %arg12[%get3A_138] {strides = array<i32>} : memref<640xf32, #tpu.memory_space<vmem>>, vector<16xf32>,
      %add3A_140 = arith.addf %get3A_135, %get3A_139 : vector<16xf32>
      %mul3A_141 = arith.constant 16 : i32
      %mul3A_142 = arith.muli %scan3A_132, %mul3A_141 : i32
      %swap3A = arith.index_cast %mul3A_142 : i32 to index
      %swap3A_143 = tpu.vector_load %arg11[%swap3A] {strides = array<i32>} : memref<640xf32, #tpu.memory_space<vmem>>, vector<16xf32>,
      tpu.vector_store %arg11[%swap3A], %add3A_140 {strides = array<i32>} : memref<640xf32, #tpu.memory_space<vmem>>, vector<16xf32>,
    }
    %scan3A_40 = arith.constant 40 : i32
    %run_scoped3A_41 = arith.constant 4 : i32
    "tpu.region"() ({
      %run_scoped3A_132 = tpu.sem_alloc : memref<!tpu.dma_semaphore, #tpu.memory_space<semaphore_mem>>
      %dma_start3A = arith.constant 0 : i32
      %dma_start3A_133 = tpu.memref_slice %arg10[%run_scoped3A_41, %dma_start3A] : memref<16x10240xf32, #tpu.memory_space<vmem_shared>> -> memref<1x10240xf32, #tpu.memory_space<vmem_shared>>
      %dma_start3A_134 = tpu.memref_squeeze %dma_start3A_133 : memref<1x10240xf32, #tpu.memory_space<vmem_shared>> -> memref<10240xf32, #tpu.memory_space<vmem_shared>>
      %dma_start3A_135 = tpu.memref_slice %dma_start3A_134[%mul3A_18] : memref<10240xf32, #tpu.memory_space<vmem_shared>> -> memref<640xf32, #tpu.memory_space<vmem_shared>>
      %dma_start3A_136 = arith.constant 0 : i32
      %dma_start3A_137 = tpu.memref_slice %arg10[%run_scoped3A_41, %dma_start3A_136] : memref<16x10240xf32, #tpu.memory_space<vmem_shared>> -> memref<1x10240xf32, #tpu.memory_space<vmem_shared>>
      %dma_start3A_138 = tpu.memref_squeeze %dma_start3A_137 : memref<1x10240xf32, #tpu.memory_space<vmem_shared>> -> memref<10240xf32, #tpu.memory_space<vmem_shared>>
      %dma_start3A_139 = tpu.memref_slice %dma_start3A_138[%mul3A_18] : memref<10240xf32, #tpu.memory_space<vmem_shared>> -> memref<640xf32, #tpu.memory_space<vmem_shared>>
      tpu.enqueue_dma source(%dma_start3A_139 : memref<640xf32, #tpu.memory_space<vmem_shared>>) target(%arg12 : memref<640xf32, #tpu.memory_space<vmem>>) target_semaphore(%run_scoped3A_132 : memref<!tpu.dma_semaphore, #tpu.memory_space<semaphore_mem>>)
      %dma_wait3A = arith.constant 0 : i32
      %dma_wait3A_140 = tpu.memref_slice %arg10[%run_scoped3A_41, %dma_wait3A] : memref<16x10240xf32, #tpu.memory_space<vmem_shared>> -> memref<1x10240xf32, #tpu.memory_space<vmem_shared>>
      %dma_wait3A_141 = tpu.memref_squeeze %dma_wait3A_140 : memref<1x10240xf32, #tpu.memory_space<vmem_shared>> -> memref<10240xf32, #tpu.memory_space<vmem_shared>>
      %dma_wait3A_142 = tpu.memref_slice %dma_wait3A_141[%mul3A_18] : memref<10240xf32, #tpu.memory_space<vmem_shared>> -> memref<640xf32, #tpu.memory_space<vmem_shared>>
      %dma_wait3A_143 = arith.constant 0 : i32
      %dma_wait3A_144 = tpu.memref_slice %arg10[%run_scoped3A_41, %dma_wait3A_143] : memref<16x10240xf32, #tpu.memory_space<vmem_shared>> -> memref<1x10240xf32, #tpu.memory_space<vmem_shared>>
      %dma_wait3A_145 = tpu.memref_squeeze %dma_wait3A_144 : memref<1x10240xf32, #tpu.memory_space<vmem_shared>> -> memref<10240xf32, #tpu.memory_space<vmem_shared>>
      %dma_wait3A_146 = tpu.memref_slice %dma_wait3A_145[%mul3A_18] : memref<10240xf32, #tpu.memory_space<vmem_shared>> -> memref<640xf32, #tpu.memory_space<vmem_shared>>
      tpu.wait_dma2 semaphore(%run_scoped3A_132 : memref<!tpu.dma_semaphore, #tpu.memory_space<semaphore_mem>>) src(%dma_wait3A_146 : memref<640xf32, #tpu.memory_space<vmem_shared>>) dst(%arg12 : memref<640xf32, #tpu.memory_space<vmem>>)
      tpu.yield
    }) : () -> ()
    %scan3A_42 = arith.constant 0 : i32
    %scan3A_43 = arith.constant 0 : i32
    %scan3A_44 = arith.constant 40 : i32
    %scan3A_45 = arith.addi %scan3A_43, %scan3A_44 : i32
    %scan3A_46 = arith.constant 1 : i32
    scf.for %scan3A_132 = %scan3A_43 to %scan3A_45 step %scan3A_46  : i32 {
      %mul3A_133 = arith.constant 16 : i32
      %mul3A_134 = arith.muli %scan3A_132, %mul3A_133 : i32
      %get3A = arith.index_cast %mul3A_134 : i32 to index
      %get3A_135 = tpu.vector_load %arg11[%get3A] {strides = array<i32>} : memref<640xf32, #tpu.memory_space<vmem>>, vector<16xf32>,
      %mul3A_136 = arith.constant 16 : i32
      %mul3A_137 = arith.muli %scan3A_132, %mul3A_136 : i32
      %get3A_138 = arith.index_cast %mul3A_137 : i32 to index
      %get3A_139 = tpu.vector_load %arg12[%get3A_138] {strides = array<i32>} : memref<640xf32, #tpu.memory_space<vmem>>, vector<16xf32>,
      %add3A_140 = arith.addf %get3A_135, %get3A_139 : vector<16xf32>
      %mul3A_141 = arith.constant 16 : i32
      %mul3A_142 = arith.muli %scan3A_132, %mul3A_141 : i32
      %swap3A = arith.index_cast %mul3A_142 : i32 to index
      %swap3A_143 = tpu.vector_load %arg11[%swap3A] {strides = array<i32>} : memref<640xf32, #tpu.memory_space<vmem>>, vector<16xf32>,
      tpu.vector_store %arg11[%swap3A], %add3A_140 {strides = array<i32>} : memref<640xf32, #tpu.memory_space<vmem>>, vector<16xf32>,
    }
    %scan3A_47 = arith.constant 40 : i32
    %run_scoped3A_48 = arith.constant 5 : i32
    "tpu.region"() ({
      %run_scoped3A_132 = tpu.sem_alloc : memref<!tpu.dma_semaphore, #tpu.memory_space<semaphore_mem>>
      %dma_start3A = arith.constant 0 : i32
      %dma_start3A_133 = tpu.memref_slice %arg10[%run_scoped3A_48, %dma_start3A] : memref<16x10240xf32, #tpu.memory_space<vmem_shared>> -> memref<1x10240xf32, #tpu.memory_space<vmem_shared>>
      %dma_start3A_134 = tpu.memref_squeeze %dma_start3A_133 : memref<1x10240xf32, #tpu.memory_space<vmem_shared>> -> memref<10240xf32, #tpu.memory_space<vmem_shared>>
      %dma_start3A_135 = tpu.memref_slice %dma_start3A_134[%mul3A_18] : memref<10240xf32, #tpu.memory_space<vmem_shared>> -> memref<640xf32, #tpu.memory_space<vmem_shared>>
      %dma_start3A_136 = arith.constant 0 : i32
      %dma_start3A_137 = tpu.memref_slice %arg10[%run_scoped3A_48, %dma_start3A_136] : memref<16x10240xf32, #tpu.memory_space<vmem_shared>> -> memref<1x10240xf32, #tpu.memory_space<vmem_shared>>
      %dma_start3A_138 = tpu.memref_squeeze %dma_start3A_137 : memref<1x10240xf32, #tpu.memory_space<vmem_shared>> -> memref<10240xf32, #tpu.memory_space<vmem_shared>>
      %dma_start3A_139 = tpu.memref_slice %dma_start3A_138[%mul3A_18] : memref<10240xf32, #tpu.memory_space<vmem_shared>> -> memref<640xf32, #tpu.memory_space<vmem_shared>>
      tpu.enqueue_dma source(%dma_start3A_139 : memref<640xf32, #tpu.memory_space<vmem_shared>>) target(%arg12 : memref<640xf32, #tpu.memory_space<vmem>>) target_semaphore(%run_scoped3A_132 : memref<!tpu.dma_semaphore, #tpu.memory_space<semaphore_mem>>)
      %dma_wait3A = arith.constant 0 : i32
      %dma_wait3A_140 = tpu.memref_slice %arg10[%run_scoped3A_48, %dma_wait3A] : memref<16x10240xf32, #tpu.memory_space<vmem_shared>> -> memref<1x10240xf32, #tpu.memory_space<vmem_shared>>
      %dma_wait3A_141 = tpu.memref_squeeze %dma_wait3A_140 : memref<1x10240xf32, #tpu.memory_space<vmem_shared>> -> memref<10240xf32, #tpu.memory_space<vmem_shared>>
      %dma_wait3A_142 = tpu.memref_slice %dma_wait3A_141[%mul3A_18] : memref<10240xf32, #tpu.memory_space<vmem_shared>> -> memref<640xf32, #tpu.memory_space<vmem_shared>>
      %dma_wait3A_143 = arith.constant 0 : i32
      %dma_wait3A_144 = tpu.memref_slice %arg10[%run_scoped3A_48, %dma_wait3A_143] : memref<16x10240xf32, #tpu.memory_space<vmem_shared>> -> memref<1x10240xf32, #tpu.memory_space<vmem_shared>>
      %dma_wait3A_145 = tpu.memref_squeeze %dma_wait3A_144 : memref<1x10240xf32, #tpu.memory_space<vmem_shared>> -> memref<10240xf32, #tpu.memory_space<vmem_shared>>
      %dma_wait3A_146 = tpu.memref_slice %dma_wait3A_145[%mul3A_18] : memref<10240xf32, #tpu.memory_space<vmem_shared>> -> memref<640xf32, #tpu.memory_space<vmem_shared>>
      tpu.wait_dma2 semaphore(%run_scoped3A_132 : memref<!tpu.dma_semaphore, #tpu.memory_space<semaphore_mem>>) src(%dma_wait3A_146 : memref<640xf32, #tpu.memory_space<vmem_shared>>) dst(%arg12 : memref<640xf32, #tpu.memory_space<vmem>>)
      tpu.yield
    }) : () -> ()
    %scan3A_49 = arith.constant 0 : i32
    %scan3A_50 = arith.constant 0 : i32
    %scan3A_51 = arith.constant 40 : i32
    %scan3A_52 = arith.addi %scan3A_50, %scan3A_51 : i32
    %scan3A_53 = arith.constant 1 : i32
    scf.for %scan3A_132 = %scan3A_50 to %scan3A_52 step %scan3A_53  : i32 {
      %mul3A_133 = arith.constant 16 : i32
      %mul3A_134 = arith.muli %scan3A_132, %mul3A_133 : i32
      %get3A = arith.index_cast %mul3A_134 : i32 to index
      %get3A_135 = tpu.vector_load %arg11[%get3A] {strides = array<i32>} : memref<640xf32, #tpu.memory_space<vmem>>, vector<16xf32>,
      %mul3A_136 = arith.constant 16 : i32
      %mul3A_137 = arith.muli %scan3A_132, %mul3A_136 : i32
      %get3A_138 = arith.index_cast %mul3A_137 : i32 to index
      %get3A_139 = tpu.vector_load %arg12[%get3A_138] {strides = array<i32>} : memref<640xf32, #tpu.memory_space<vmem>>, vector<16xf32>,
      %add3A_140 = arith.addf %get3A_135, %get3A_139 : vector<16xf32>
      %mul3A_141 = arith.constant 16 : i32
      %mul3A_142 = arith.muli %scan3A_132, %mul3A_141 : i32
      %swap3A = arith.index_cast %mul3A_142 : i32 to index
      %swap3A_143 = tpu.vector_load %arg11[%swap3A] {strides = array<i32>} : memref<640xf32, #tpu.memory_space<vmem>>, vector<16xf32>,
      tpu.vector_store %arg11[%swap3A], %add3A_140 {strides = array<i32>} : memref<640xf32, #tpu.memory_space<vmem>>, vector<16xf32>,
    }
    %scan3A_54 = arith.constant 40 : i32
    %run_scoped3A_55 = arith.constant 6 : i32
    "tpu.region"() ({
      %run_scoped3A_132 = tpu.sem_alloc : memref<!tpu.dma_semaphore, #tpu.memory_space<semaphore_mem>>
      %dma_start3A = arith.constant 0 : i32
      %dma_start3A_133 = tpu.memref_slice %arg10[%run_scoped3A_55, %dma_start3A] : memref<16x10240xf32, #tpu.memory_space<vmem_shared>> -> memref<1x10240xf32, #tpu.memory_space<vmem_shared>>
      %dma_start3A_134 = tpu.memref_squeeze %dma_start3A_133 : memref<1x10240xf32, #tpu.memory_space<vmem_shared>> -> memref<10240xf32, #tpu.memory_space<vmem_shared>>
      %dma_start3A_135 = tpu.memref_slice %dma_start3A_134[%mul3A_18] : memref<10240xf32, #tpu.memory_space<vmem_shared>> -> memref<640xf32, #tpu.memory_space<vmem_shared>>
      %dma_start3A_136 = arith.constant 0 : i32
      %dma_start3A_137 = tpu.memref_slice %arg10[%run_scoped3A_55, %dma_start3A_136] : memref<16x10240xf32, #tpu.memory_space<vmem_shared>> -> memref<1x10240xf32, #tpu.memory_space<vmem_shared>>
      %dma_start3A_138 = tpu.memref_squeeze %dma_start3A_137 : memref<1x10240xf32, #tpu.memory_space<vmem_shared>> -> memref<10240xf32, #tpu.memory_space<vmem_shared>>
      %dma_start3A_139 = tpu.memref_slice %dma_start3A_138[%mul3A_18] : memref<10240xf32, #tpu.memory_space<vmem_shared>> -> memref<640xf32, #tpu.memory_space<vmem_shared>>
      tpu.enqueue_dma source(%dma_start3A_139 : memref<640xf32, #tpu.memory_space<vmem_shared>>) target(%arg12 : memref<640xf32, #tpu.memory_space<vmem>>) target_semaphore(%run_scoped3A_132 : memref<!tpu.dma_semaphore, #tpu.memory_space<semaphore_mem>>)
      %dma_wait3A = arith.constant 0 : i32
      %dma_wait3A_140 = tpu.memref_slice %arg10[%run_scoped3A_55, %dma_wait3A] : memref<16x10240xf32, #tpu.memory_space<vmem_shared>> -> memref<1x10240xf32, #tpu.memory_space<vmem_shared>>
      %dma_wait3A_141 = tpu.memref_squeeze %dma_wait3A_140 : memref<1x10240xf32, #tpu.memory_space<vmem_shared>> -> memref<10240xf32, #tpu.memory_space<vmem_shared>>
      %dma_wait3A_142 = tpu.memref_slice %dma_wait3A_141[%mul3A_18] : memref<10240xf32, #tpu.memory_space<vmem_shared>> -> memref<640xf32, #tpu.memory_space<vmem_shared>>
      %dma_wait3A_143 = arith.constant 0 : i32
      %dma_wait3A_144 = tpu.memref_slice %arg10[%run_scoped3A_55, %dma_wait3A_143] : memref<16x10240xf32, #tpu.memory_space<vmem_shared>> -> memref<1x10240xf32, #tpu.memory_space<vmem_shared>>
      %dma_wait3A_145 = tpu.memref_squeeze %dma_wait3A_144 : memref<1x10240xf32, #tpu.memory_space<vmem_shared>> -> memref<10240xf32, #tpu.memory_space<vmem_shared>>
      %dma_wait3A_146 = tpu.memref_slice %dma_wait3A_145[%mul3A_18] : memref<10240xf32, #tpu.memory_space<vmem_shared>> -> memref<640xf32, #tpu.memory_space<vmem_shared>>
      tpu.wait_dma2 semaphore(%run_scoped3A_132 : memref<!tpu.dma_semaphore, #tpu.memory_space<semaphore_mem>>) src(%dma_wait3A_146 : memref<640xf32, #tpu.memory_space<vmem_shared>>) dst(%arg12 : memref<640xf32, #tpu.memory_space<vmem>>)
      tpu.yield
    }) : () -> ()
    %scan3A_56 = arith.constant 0 : i32
    %scan3A_57 = arith.constant 0 : i32
    %scan3A_58 = arith.constant 40 : i32
    %scan3A_59 = arith.addi %scan3A_57, %scan3A_58 : i32
    %scan3A_60 = arith.constant 1 : i32
    scf.for %scan3A_132 = %scan3A_57 to %scan3A_59 step %scan3A_60  : i32 {
      %mul3A_133 = arith.constant 16 : i32
      %mul3A_134 = arith.muli %scan3A_132, %mul3A_133 : i32
      %get3A = arith.index_cast %mul3A_134 : i32 to index
      %get3A_135 = tpu.vector_load %arg11[%get3A] {strides = array<i32>} : memref<640xf32, #tpu.memory_space<vmem>>, vector<16xf32>,
      %mul3A_136 = arith.constant 16 : i32
      %mul3A_137 = arith.muli %scan3A_132, %mul3A_136 : i32
      %get3A_138 = arith.index_cast %mul3A_137 : i32 to index
      %get3A_139 = tpu.vector_load %arg12[%get3A_138] {strides = array<i32>} : memref<640xf32, #tpu.memory_space<vmem>>, vector<16xf32>,
      %add3A_140 = arith.addf %get3A_135, %get3A_139 : vector<16xf32>
      %mul3A_141 = arith.constant 16 : i32
      %mul3A_142 = arith.muli %scan3A_132, %mul3A_141 : i32
      %swap3A = arith.index_cast %mul3A_142 : i32 to index
      %swap3A_143 = tpu.vector_load %arg11[%swap3A] {strides = array<i32>} : memref<640xf32, #tpu.memory_space<vmem>>, vector<16xf32>,
      tpu.vector_store %arg11[%swap3A], %add3A_140 {strides = array<i32>} : memref<640xf32, #tpu.memory_space<vmem>>, vector<16xf32>,
    }
    %scan3A_61 = arith.constant 40 : i32
    %run_scoped3A_62 = arith.constant 7 : i32
    "tpu.region"() ({
      %run_scoped3A_132 = tpu.sem_alloc : memref<!tpu.dma_semaphore, #tpu.memory_space<semaphore_mem>>
      %dma_start3A = arith.constant 0 : i32
      %dma_start3A_133 = tpu.memref_slice %arg10[%run_scoped3A_62, %dma_start3A] : memref<16x10240xf32, #tpu.memory_space<vmem_shared>> -> memref<1x10240xf32, #tpu.memory_space<vmem_shared>>
      %dma_start3A_134 = tpu.memref_squeeze %dma_start3A_133 : memref<1x10240xf32, #tpu.memory_space<vmem_shared>> -> memref<10240xf32, #tpu.memory_space<vmem_shared>>
      %dma_start3A_135 = tpu.memref_slice %dma_start3A_134[%mul3A_18] : memref<10240xf32, #tpu.memory_space<vmem_shared>> -> memref<640xf32, #tpu.memory_space<vmem_shared>>
      %dma_start3A_136 = arith.constant 0 : i32
      %dma_start3A_137 = tpu.memref_slice %arg10[%run_scoped3A_62, %dma_start3A_136] : memref<16x10240xf32, #tpu.memory_space<vmem_shared>> -> memref<1x10240xf32, #tpu.memory_space<vmem_shared>>
      %dma_start3A_138 = tpu.memref_squeeze %dma_start3A_137 : memref<1x10240xf32, #tpu.memory_space<vmem_shared>> -> memref<10240xf32, #tpu.memory_space<vmem_shared>>
      %dma_start3A_139 = tpu.memref_slice %dma_start3A_138[%mul3A_18] : memref<10240xf32, #tpu.memory_space<vmem_shared>> -> memref<640xf32, #tpu.memory_space<vmem_shared>>
      tpu.enqueue_dma source(%dma_start3A_139 : memref<640xf32, #tpu.memory_space<vmem_shared>>) target(%arg12 : memref<640xf32, #tpu.memory_space<vmem>>) target_semaphore(%run_scoped3A_132 : memref<!tpu.dma_semaphore, #tpu.memory_space<semaphore_mem>>)
      %dma_wait3A = arith.constant 0 : i32
      %dma_wait3A_140 = tpu.memref_slice %arg10[%run_scoped3A_62, %dma_wait3A] : memref<16x10240xf32, #tpu.memory_space<vmem_shared>> -> memref<1x10240xf32, #tpu.memory_space<vmem_shared>>
      %dma_wait3A_141 = tpu.memref_squeeze %dma_wait3A_140 : memref<1x10240xf32, #tpu.memory_space<vmem_shared>> -> memref<10240xf32, #tpu.memory_space<vmem_shared>>
      %dma_wait3A_142 = tpu.memref_slice %dma_wait3A_141[%mul3A_18] : memref<10240xf32, #tpu.memory_space<vmem_shared>> -> memref<640xf32, #tpu.memory_space<vmem_shared>>
      %dma_wait3A_143 = arith.constant 0 : i32
      %dma_wait3A_144 = tpu.memref_slice %arg10[%run_scoped3A_62, %dma_wait3A_143] : memref<16x10240xf32, #tpu.memory_space<vmem_shared>> -> memref<1x10240xf32, #tpu.memory_space<vmem_shared>>
      %dma_wait3A_145 = tpu.memref_squeeze %dma_wait3A_144 : memref<1x10240xf32, #tpu.memory_space<vmem_shared>> -> memref<10240xf32, #tpu.memory_space<vmem_shared>>
      %dma_wait3A_146 = tpu.memref_slice %dma_wait3A_145[%mul3A_18] : memref<10240xf32, #tpu.memory_space<vmem_shared>> -> memref<640xf32, #tpu.memory_space<vmem_shared>>
      tpu.wait_dma2 semaphore(%run_scoped3A_132 : memref<!tpu.dma_semaphore, #tpu.memory_space<semaphore_mem>>) src(%dma_wait3A_146 : memref<640xf32, #tpu.memory_space<vmem_shared>>) dst(%arg12 : memref<640xf32, #tpu.memory_space<vmem>>)
      tpu.yield
    }) : () -> ()
    %scan3A_63 = arith.constant 0 : i32
    %scan3A_64 = arith.constant 0 : i32
    %scan3A_65 = arith.constant 40 : i32
    %scan3A_66 = arith.addi %scan3A_64, %scan3A_65 : i32
    %scan3A_67 = arith.constant 1 : i32
    scf.for %scan3A_132 = %scan3A_64 to %scan3A_66 step %scan3A_67  : i32 {
      %mul3A_133 = arith.constant 16 : i32
      %mul3A_134 = arith.muli %scan3A_132, %mul3A_133 : i32
      %get3A = arith.index_cast %mul3A_134 : i32 to index
      %get3A_135 = tpu.vector_load %arg11[%get3A] {strides = array<i32>} : memref<640xf32, #tpu.memory_space<vmem>>, vector<16xf32>,
      %mul3A_136 = arith.constant 16 : i32
      %mul3A_137 = arith.muli %scan3A_132, %mul3A_136 : i32
      %get3A_138 = arith.index_cast %mul3A_137 : i32 to index
      %get3A_139 = tpu.vector_load %arg12[%get3A_138] {strides = array<i32>} : memref<640xf32, #tpu.memory_space<vmem>>, vector<16xf32>,
      %add3A_140 = arith.addf %get3A_135, %get3A_139 : vector<16xf32>
      %mul3A_141 = arith.constant 16 : i32
      %mul3A_142 = arith.muli %scan3A_132, %mul3A_141 : i32
      %swap3A = arith.index_cast %mul3A_142 : i32 to index
      %swap3A_143 = tpu.vector_load %arg11[%swap3A] {strides = array<i32>} : memref<640xf32, #tpu.memory_space<vmem>>, vector<16xf32>,
      tpu.vector_store %arg11[%swap3A], %add3A_140 {strides = array<i32>} : memref<640xf32, #tpu.memory_space<vmem>>, vector<16xf32>,
    }
    %scan3A_68 = arith.constant 40 : i32
    %run_scoped3A_69 = arith.constant 8 : i32
    "tpu.region"() ({
      %run_scoped3A_132 = tpu.sem_alloc : memref<!tpu.dma_semaphore, #tpu.memory_space<semaphore_mem>>
      %dma_start3A = arith.constant 0 : i32
      %dma_start3A_133 = tpu.memref_slice %arg10[%run_scoped3A_69, %dma_start3A] : memref<16x10240xf32, #tpu.memory_space<vmem_shared>> -> memref<1x10240xf32, #tpu.memory_space<vmem_shared>>
      %dma_start3A_134 = tpu.memref_squeeze %dma_start3A_133 : memref<1x10240xf32, #tpu.memory_space<vmem_shared>> -> memref<10240xf32, #tpu.memory_space<vmem_shared>>
      %dma_start3A_135 = tpu.memref_slice %dma_start3A_134[%mul3A_18] : memref<10240xf32, #tpu.memory_space<vmem_shared>> -> memref<640xf32, #tpu.memory_space<vmem_shared>>
      %dma_start3A_136 = arith.constant 0 : i32
      %dma_start3A_137 = tpu.memref_slice %arg10[%run_scoped3A_69, %dma_start3A_136] : memref<16x10240xf32, #tpu.memory_space<vmem_shared>> -> memref<1x10240xf32, #tpu.memory_space<vmem_shared>>
      %dma_start3A_138 = tpu.memref_squeeze %dma_start3A_137 : memref<1x10240xf32, #tpu.memory_space<vmem_shared>> -> memref<10240xf32, #tpu.memory_space<vmem_shared>>
      %dma_start3A_139 = tpu.memref_slice %dma_start3A_138[%mul3A_18] : memref<10240xf32, #tpu.memory_space<vmem_shared>> -> memref<640xf32, #tpu.memory_space<vmem_shared>>
      tpu.enqueue_dma source(%dma_start3A_139 : memref<640xf32, #tpu.memory_space<vmem_shared>>) target(%arg12 : memref<640xf32, #tpu.memory_space<vmem>>) target_semaphore(%run_scoped3A_132 : memref<!tpu.dma_semaphore, #tpu.memory_space<semaphore_mem>>)
      %dma_wait3A = arith.constant 0 : i32
      %dma_wait3A_140 = tpu.memref_slice %arg10[%run_scoped3A_69, %dma_wait3A] : memref<16x10240xf32, #tpu.memory_space<vmem_shared>> -> memref<1x10240xf32, #tpu.memory_space<vmem_shared>>
      %dma_wait3A_141 = tpu.memref_squeeze %dma_wait3A_140 : memref<1x10240xf32, #tpu.memory_space<vmem_shared>> -> memref<10240xf32, #tpu.memory_space<vmem_shared>>
      %dma_wait3A_142 = tpu.memref_slice %dma_wait3A_141[%mul3A_18] : memref<10240xf32, #tpu.memory_space<vmem_shared>> -> memref<640xf32, #tpu.memory_space<vmem_shared>>
      %dma_wait3A_143 = arith.constant 0 : i32
      %dma_wait3A_144 = tpu.memref_slice %arg10[%run_scoped3A_69, %dma_wait3A_143] : memref<16x10240xf32, #tpu.memory_space<vmem_shared>> -> memref<1x10240xf32, #tpu.memory_space<vmem_shared>>
      %dma_wait3A_145 = tpu.memref_squeeze %dma_wait3A_144 : memref<1x10240xf32, #tpu.memory_space<vmem_shared>> -> memref<10240xf32, #tpu.memory_space<vmem_shared>>
      %dma_wait3A_146 = tpu.memref_slice %dma_wait3A_145[%mul3A_18] : memref<10240xf32, #tpu.memory_space<vmem_shared>> -> memref<640xf32, #tpu.memory_space<vmem_shared>>
      tpu.wait_dma2 semaphore(%run_scoped3A_132 : memref<!tpu.dma_semaphore, #tpu.memory_space<semaphore_mem>>) src(%dma_wait3A_146 : memref<640xf32, #tpu.memory_space<vmem_shared>>) dst(%arg12 : memref<640xf32, #tpu.memory_space<vmem>>)
      tpu.yield
    }) : () -> ()
    %scan3A_70 = arith.constant 0 : i32
    %scan3A_71 = arith.constant 0 : i32
    %scan3A_72 = arith.constant 40 : i32
    %scan3A_73 = arith.addi %scan3A_71, %scan3A_72 : i32
    %scan3A_74 = arith.constant 1 : i32
    scf.for %scan3A_132 = %scan3A_71 to %scan3A_73 step %scan3A_74  : i32 {
      %mul3A_133 = arith.constant 16 : i32
      %mul3A_134 = arith.muli %scan3A_132, %mul3A_133 : i32
      %get3A = arith.index_cast %mul3A_134 : i32 to index
      %get3A_135 = tpu.vector_load %arg11[%get3A] {strides = array<i32>} : memref<640xf32, #tpu.memory_space<vmem>>, vector<16xf32>,
      %mul3A_136 = arith.constant 16 : i32
      %mul3A_137 = arith.muli %scan3A_132, %mul3A_136 : i32
      %get3A_138 = arith.index_cast %mul3A_137 : i32 to index
      %get3A_139 = tpu.vector_load %arg12[%get3A_138] {strides = array<i32>} : memref<640xf32, #tpu.memory_space<vmem>>, vector<16xf32>,
      %add3A_140 = arith.addf %get3A_135, %get3A_139 : vector<16xf32>
      %mul3A_141 = arith.constant 16 : i32
      %mul3A_142 = arith.muli %scan3A_132, %mul3A_141 : i32
      %swap3A = arith.index_cast %mul3A_142 : i32 to index
      %swap3A_143 = tpu.vector_load %arg11[%swap3A] {strides = array<i32>} : memref<640xf32, #tpu.memory_space<vmem>>, vector<16xf32>,
      tpu.vector_store %arg11[%swap3A], %add3A_140 {strides = array<i32>} : memref<640xf32, #tpu.memory_space<vmem>>, vector<16xf32>,
    }
    %scan3A_75 = arith.constant 40 : i32
    %run_scoped3A_76 = arith.constant 9 : i32
    "tpu.region"() ({
      %run_scoped3A_132 = tpu.sem_alloc : memref<!tpu.dma_semaphore, #tpu.memory_space<semaphore_mem>>
      %dma_start3A = arith.constant 0 : i32
      %dma_start3A_133 = tpu.memref_slice %arg10[%run_scoped3A_76, %dma_start3A] : memref<16x10240xf32, #tpu.memory_space<vmem_shared>> -> memref<1x10240xf32, #tpu.memory_space<vmem_shared>>
      %dma_start3A_134 = tpu.memref_squeeze %dma_start3A_133 : memref<1x10240xf32, #tpu.memory_space<vmem_shared>> -> memref<10240xf32, #tpu.memory_space<vmem_shared>>
      %dma_start3A_135 = tpu.memref_slice %dma_start3A_134[%mul3A_18] : memref<10240xf32, #tpu.memory_space<vmem_shared>> -> memref<640xf32, #tpu.memory_space<vmem_shared>>
      %dma_start3A_136 = arith.constant 0 : i32
      %dma_start3A_137 = tpu.memref_slice %arg10[%run_scoped3A_76, %dma_start3A_136] : memref<16x10240xf32, #tpu.memory_space<vmem_shared>> -> memref<1x10240xf32, #tpu.memory_space<vmem_shared>>
      %dma_start3A_138 = tpu.memref_squeeze %dma_start3A_137 : memref<1x10240xf32, #tpu.memory_space<vmem_shared>> -> memref<10240xf32, #tpu.memory_space<vmem_shared>>
      %dma_start3A_139 = tpu.memref_slice %dma_start3A_138[%mul3A_18] : memref<10240xf32, #tpu.memory_space<vmem_shared>> -> memref<640xf32, #tpu.memory_space<vmem_shared>>
      tpu.enqueue_dma source(%dma_start3A_139 : memref<640xf32, #tpu.memory_space<vmem_shared>>) target(%arg12 : memref<640xf32, #tpu.memory_space<vmem>>) target_semaphore(%run_scoped3A_132 : memref<!tpu.dma_semaphore, #tpu.memory_space<semaphore_mem>>)
      %dma_wait3A = arith.constant 0 : i32
      %dma_wait3A_140 = tpu.memref_slice %arg10[%run_scoped3A_76, %dma_wait3A] : memref<16x10240xf32, #tpu.memory_space<vmem_shared>> -> memref<1x10240xf32, #tpu.memory_space<vmem_shared>>
      %dma_wait3A_141 = tpu.memref_squeeze %dma_wait3A_140 : memref<1x10240xf32, #tpu.memory_space<vmem_shared>> -> memref<10240xf32, #tpu.memory_space<vmem_shared>>
      %dma_wait3A_142 = tpu.memref_slice %dma_wait3A_141[%mul3A_18] : memref<10240xf32, #tpu.memory_space<vmem_shared>> -> memref<640xf32, #tpu.memory_space<vmem_shared>>
      %dma_wait3A_143 = arith.constant 0 : i32
      %dma_wait3A_144 = tpu.memref_slice %arg10[%run_scoped3A_76, %dma_wait3A_143] : memref<16x10240xf32, #tpu.memory_space<vmem_shared>> -> memref<1x10240xf32, #tpu.memory_space<vmem_shared>>
      %dma_wait3A_145 = tpu.memref_squeeze %dma_wait3A_144 : memref<1x10240xf32, #tpu.memory_space<vmem_shared>> -> memref<10240xf32, #tpu.memory_space<vmem_shared>>
      %dma_wait3A_146 = tpu.memref_slice %dma_wait3A_145[%mul3A_18] : memref<10240xf32, #tpu.memory_space<vmem_shared>> -> memref<640xf32, #tpu.memory_space<vmem_shared>>
      tpu.wait_dma2 semaphore(%run_scoped3A_132 : memref<!tpu.dma_semaphore, #tpu.memory_space<semaphore_mem>>) src(%dma_wait3A_146 : memref<640xf32, #tpu.memory_space<vmem_shared>>) dst(%arg12 : memref<640xf32, #tpu.memory_space<vmem>>)
      tpu.yield
    }) : () -> ()
    %scan3A_77 = arith.constant 0 : i32
    %scan3A_78 = arith.constant 0 : i32
    %scan3A_79 = arith.constant 40 : i32
    %scan3A_80 = arith.addi %scan3A_78, %scan3A_79 : i32
    %scan3A_81 = arith.constant 1 : i32
    scf.for %scan3A_132 = %scan3A_78 to %scan3A_80 step %scan3A_81  : i32 {
      %mul3A_133 = arith.constant 16 : i32
      %mul3A_134 = arith.muli %scan3A_132, %mul3A_133 : i32
      %get3A = arith.index_cast %mul3A_134 : i32 to index
      %get3A_135 = tpu.vector_load %arg11[%get3A] {strides = array<i32>} : memref<640xf32, #tpu.memory_space<vmem>>, vector<16xf32>,
      %mul3A_136 = arith.constant 16 : i32
      %mul3A_137 = arith.muli %scan3A_132, %mul3A_136 : i32
      %get3A_138 = arith.index_cast %mul3A_137 : i32 to index
      %get3A_139 = tpu.vector_load %arg12[%get3A_138] {strides = array<i32>} : memref<640xf32, #tpu.memory_space<vmem>>, vector<16xf32>,
      %add3A_140 = arith.addf %get3A_135, %get3A_139 : vector<16xf32>
      %mul3A_141 = arith.constant 16 : i32
      %mul3A_142 = arith.muli %scan3A_132, %mul3A_141 : i32
      %swap3A = arith.index_cast %mul3A_142 : i32 to index
      %swap3A_143 = tpu.vector_load %arg11[%swap3A] {strides = array<i32>} : memref<640xf32, #tpu.memory_space<vmem>>, vector<16xf32>,
      tpu.vector_store %arg11[%swap3A], %add3A_140 {strides = array<i32>} : memref<640xf32, #tpu.memory_space<vmem>>, vector<16xf32>,
    }
    %scan3A_82 = arith.constant 40 : i32
    %run_scoped3A_83 = arith.constant 10 : i32
    "tpu.region"() ({
      %run_scoped3A_132 = tpu.sem_alloc : memref<!tpu.dma_semaphore, #tpu.memory_space<semaphore_mem>>
      %dma_start3A = arith.constant 0 : i32
      %dma_start3A_133 = tpu.memref_slice %arg10[%run_scoped3A_83, %dma_start3A] : memref<16x10240xf32, #tpu.memory_space<vmem_shared>> -> memref<1x10240xf32, #tpu.memory_space<vmem_shared>>
      %dma_start3A_134 = tpu.memref_squeeze %dma_start3A_133 : memref<1x10240xf32, #tpu.memory_space<vmem_shared>> -> memref<10240xf32, #tpu.memory_space<vmem_shared>>
      %dma_start3A_135 = tpu.memref_slice %dma_start3A_134[%mul3A_18] : memref<10240xf32, #tpu.memory_space<vmem_shared>> -> memref<640xf32, #tpu.memory_space<vmem_shared>>
      %dma_start3A_136 = arith.constant 0 : i32
      %dma_start3A_137 = tpu.memref_slice %arg10[%run_scoped3A_83, %dma_start3A_136] : memref<16x10240xf32, #tpu.memory_space<vmem_shared>> -> memref<1x10240xf32, #tpu.memory_space<vmem_shared>>
      %dma_start3A_138 = tpu.memref_squeeze %dma_start3A_137 : memref<1x10240xf32, #tpu.memory_space<vmem_shared>> -> memref<10240xf32, #tpu.memory_space<vmem_shared>>
      %dma_start3A_139 = tpu.memref_slice %dma_start3A_138[%mul3A_18] : memref<10240xf32, #tpu.memory_space<vmem_shared>> -> memref<640xf32, #tpu.memory_space<vmem_shared>>
      tpu.enqueue_dma source(%dma_start3A_139 : memref<640xf32, #tpu.memory_space<vmem_shared>>) target(%arg12 : memref<640xf32, #tpu.memory_space<vmem>>) target_semaphore(%run_scoped3A_132 : memref<!tpu.dma_semaphore, #tpu.memory_space<semaphore_mem>>)
      %dma_wait3A = arith.constant 0 : i32
      %dma_wait3A_140 = tpu.memref_slice %arg10[%run_scoped3A_83, %dma_wait3A] : memref<16x10240xf32, #tpu.memory_space<vmem_shared>> -> memref<1x10240xf32, #tpu.memory_space<vmem_shared>>
      %dma_wait3A_141 = tpu.memref_squeeze %dma_wait3A_140 : memref<1x10240xf32, #tpu.memory_space<vmem_shared>> -> memref<10240xf32, #tpu.memory_space<vmem_shared>>
      %dma_wait3A_142 = tpu.memref_slice %dma_wait3A_141[%mul3A_18] : memref<10240xf32, #tpu.memory_space<vmem_shared>> -> memref<640xf32, #tpu.memory_space<vmem_shared>>
      %dma_wait3A_143 = arith.constant 0 : i32
      %dma_wait3A_144 = tpu.memref_slice %arg10[%run_scoped3A_83, %dma_wait3A_143] : memref<16x10240xf32, #tpu.memory_space<vmem_shared>> -> memref<1x10240xf32, #tpu.memory_space<vmem_shared>>
      %dma_wait3A_145 = tpu.memref_squeeze %dma_wait3A_144 : memref<1x10240xf32, #tpu.memory_space<vmem_shared>> -> memref<10240xf32, #tpu.memory_space<vmem_shared>>
      %dma_wait3A_146 = tpu.memref_slice %dma_wait3A_145[%mul3A_18] : memref<10240xf32, #tpu.memory_space<vmem_shared>> -> memref<640xf32, #tpu.memory_space<vmem_shared>>
      tpu.wait_dma2 semaphore(%run_scoped3A_132 : memref<!tpu.dma_semaphore, #tpu.memory_space<semaphore_mem>>) src(%dma_wait3A_146 : memref<640xf32, #tpu.memory_space<vmem_shared>>) dst(%arg12 : memref<640xf32, #tpu.memory_space<vmem>>)
      tpu.yield
    }) : () -> ()
    %scan3A_84 = arith.constant 0 : i32
    %scan3A_85 = arith.constant 0 : i32
    %scan3A_86 = arith.constant 40 : i32
    %scan3A_87 = arith.addi %scan3A_85, %scan3A_86 : i32
    %scan3A_88 = arith.constant 1 : i32
    scf.for %scan3A_132 = %scan3A_85 to %scan3A_87 step %scan3A_88  : i32 {
      %mul3A_133 = arith.constant 16 : i32
      %mul3A_134 = arith.muli %scan3A_132, %mul3A_133 : i32
      %get3A = arith.index_cast %mul3A_134 : i32 to index
      %get3A_135 = tpu.vector_load %arg11[%get3A] {strides = array<i32>} : memref<640xf32, #tpu.memory_space<vmem>>, vector<16xf32>,
      %mul3A_136 = arith.constant 16 : i32
      %mul3A_137 = arith.muli %scan3A_132, %mul3A_136 : i32
      %get3A_138 = arith.index_cast %mul3A_137 : i32 to index
      %get3A_139 = tpu.vector_load %arg12[%get3A_138] {strides = array<i32>} : memref<640xf32, #tpu.memory_space<vmem>>, vector<16xf32>,
      %add3A_140 = arith.addf %get3A_135, %get3A_139 : vector<16xf32>
      %mul3A_141 = arith.constant 16 : i32
      %mul3A_142 = arith.muli %scan3A_132, %mul3A_141 : i32
      %swap3A = arith.index_cast %mul3A_142 : i32 to index
      %swap3A_143 = tpu.vector_load %arg11[%swap3A] {strides = array<i32>} : memref<640xf32, #tpu.memory_space<vmem>>, vector<16xf32>,
      tpu.vector_store %arg11[%swap3A], %add3A_140 {strides = array<i32>} : memref<640xf32, #tpu.memory_space<vmem>>, vector<16xf32>,
    }
    %scan3A_89 = arith.constant 40 : i32
    %run_scoped3A_90 = arith.constant 11 : i32
    "tpu.region"() ({
      %run_scoped3A_132 = tpu.sem_alloc : memref<!tpu.dma_semaphore, #tpu.memory_space<semaphore_mem>>
      %dma_start3A = arith.constant 0 : i32
      %dma_start3A_133 = tpu.memref_slice %arg10[%run_scoped3A_90, %dma_start3A] : memref<16x10240xf32, #tpu.memory_space<vmem_shared>> -> memref<1x10240xf32, #tpu.memory_space<vmem_shared>>
      %dma_start3A_134 = tpu.memref_squeeze %dma_start3A_133 : memref<1x10240xf32, #tpu.memory_space<vmem_shared>> -> memref<10240xf32, #tpu.memory_space<vmem_shared>>
      %dma_start3A_135 = tpu.memref_slice %dma_start3A_134[%mul3A_18] : memref<10240xf32, #tpu.memory_space<vmem_shared>> -> memref<640xf32, #tpu.memory_space<vmem_shared>>
      %dma_start3A_136 = arith.constant 0 : i32
      %dma_start3A_137 = tpu.memref_slice %arg10[%run_scoped3A_90, %dma_start3A_136] : memref<16x10240xf32, #tpu.memory_space<vmem_shared>> -> memref<1x10240xf32, #tpu.memory_space<vmem_shared>>
      %dma_start3A_138 = tpu.memref_squeeze %dma_start3A_137 : memref<1x10240xf32, #tpu.memory_space<vmem_shared>> -> memref<10240xf32, #tpu.memory_space<vmem_shared>>
      %dma_start3A_139 = tpu.memref_slice %dma_start3A_138[%mul3A_18] : memref<10240xf32, #tpu.memory_space<vmem_shared>> -> memref<640xf32, #tpu.memory_space<vmem_shared>>
      tpu.enqueue_dma source(%dma_start3A_139 : memref<640xf32, #tpu.memory_space<vmem_shared>>) target(%arg12 : memref<640xf32, #tpu.memory_space<vmem>>) target_semaphore(%run_scoped3A_132 : memref<!tpu.dma_semaphore, #tpu.memory_space<semaphore_mem>>)
      %dma_wait3A = arith.constant 0 : i32
      %dma_wait3A_140 = tpu.memref_slice %arg10[%run_scoped3A_90, %dma_wait3A] : memref<16x10240xf32, #tpu.memory_space<vmem_shared>> -> memref<1x10240xf32, #tpu.memory_space<vmem_shared>>
      %dma_wait3A_141 = tpu.memref_squeeze %dma_wait3A_140 : memref<1x10240xf32, #tpu.memory_space<vmem_shared>> -> memref<10240xf32, #tpu.memory_space<vmem_shared>>
      %dma_wait3A_142 = tpu.memref_slice %dma_wait3A_141[%mul3A_18] : memref<10240xf32, #tpu.memory_space<vmem_shared>> -> memref<640xf32, #tpu.memory_space<vmem_shared>>
      %dma_wait3A_143 = arith.constant 0 : i32
      %dma_wait3A_144 = tpu.memref_slice %arg10[%run_scoped3A_90, %dma_wait3A_143] : memref<16x10240xf32, #tpu.memory_space<vmem_shared>> -> memref<1x10240xf32, #tpu.memory_space<vmem_shared>>
      %dma_wait3A_145 = tpu.memref_squeeze %dma_wait3A_144 : memref<1x10240xf32, #tpu.memory_space<vmem_shared>> -> memref<10240xf32, #tpu.memory_space<vmem_shared>>
      %dma_wait3A_146 = tpu.memref_slice %dma_wait3A_145[%mul3A_18] : memref<10240xf32, #tpu.memory_space<vmem_shared>> -> memref<640xf32, #tpu.memory_space<vmem_shared>>
      tpu.wait_dma2 semaphore(%run_scoped3A_132 : memref<!tpu.dma_semaphore, #tpu.memory_space<semaphore_mem>>) src(%dma_wait3A_146 : memref<640xf32, #tpu.memory_space<vmem_shared>>) dst(%arg12 : memref<640xf32, #tpu.memory_space<vmem>>)
      tpu.yield
    }) : () -> ()
    %scan3A_91 = arith.constant 0 : i32
    %scan3A_92 = arith.constant 0 : i32
    %scan3A_93 = arith.constant 40 : i32
    %scan3A_94 = arith.addi %scan3A_92, %scan3A_93 : i32
    %scan3A_95 = arith.constant 1 : i32
    scf.for %scan3A_132 = %scan3A_92 to %scan3A_94 step %scan3A_95  : i32 {
      %mul3A_133 = arith.constant 16 : i32
      %mul3A_134 = arith.muli %scan3A_132, %mul3A_133 : i32
      %get3A = arith.index_cast %mul3A_134 : i32 to index
      %get3A_135 = tpu.vector_load %arg11[%get3A] {strides = array<i32>} : memref<640xf32, #tpu.memory_space<vmem>>, vector<16xf32>,
      %mul3A_136 = arith.constant 16 : i32
      %mul3A_137 = arith.muli %scan3A_132, %mul3A_136 : i32
      %get3A_138 = arith.index_cast %mul3A_137 : i32 to index
      %get3A_139 = tpu.vector_load %arg12[%get3A_138] {strides = array<i32>} : memref<640xf32, #tpu.memory_space<vmem>>, vector<16xf32>,
      %add3A_140 = arith.addf %get3A_135, %get3A_139 : vector<16xf32>
      %mul3A_141 = arith.constant 16 : i32
      %mul3A_142 = arith.muli %scan3A_132, %mul3A_141 : i32
      %swap3A = arith.index_cast %mul3A_142 : i32 to index
      %swap3A_143 = tpu.vector_load %arg11[%swap3A] {strides = array<i32>} : memref<640xf32, #tpu.memory_space<vmem>>, vector<16xf32>,
      tpu.vector_store %arg11[%swap3A], %add3A_140 {strides = array<i32>} : memref<640xf32, #tpu.memory_space<vmem>>, vector<16xf32>,
    }
    %scan3A_96 = arith.constant 40 : i32
    %run_scoped3A_97 = arith.constant 12 : i32
    "tpu.region"() ({
      %run_scoped3A_132 = tpu.sem_alloc : memref<!tpu.dma_semaphore, #tpu.memory_space<semaphore_mem>>
      %dma_start3A = arith.constant 0 : i32
      %dma_start3A_133 = tpu.memref_slice %arg10[%run_scoped3A_97, %dma_start3A] : memref<16x10240xf32, #tpu.memory_space<vmem_shared>> -> memref<1x10240xf32, #tpu.memory_space<vmem_shared>>
      %dma_start3A_134 = tpu.memref_squeeze %dma_start3A_133 : memref<1x10240xf32, #tpu.memory_space<vmem_shared>> -> memref<10240xf32, #tpu.memory_space<vmem_shared>>
      %dma_start3A_135 = tpu.memref_slice %dma_start3A_134[%mul3A_18] : memref<10240xf32, #tpu.memory_space<vmem_shared>> -> memref<640xf32, #tpu.memory_space<vmem_shared>>
      %dma_start3A_136 = arith.constant 0 : i32
      %dma_start3A_137 = tpu.memref_slice %arg10[%run_scoped3A_97, %dma_start3A_136] : memref<16x10240xf32, #tpu.memory_space<vmem_shared>> -> memref<1x10240xf32, #tpu.memory_space<vmem_shared>>
      %dma_start3A_138 = tpu.memref_squeeze %dma_start3A_137 : memref<1x10240xf32, #tpu.memory_space<vmem_shared>> -> memref<10240xf32, #tpu.memory_space<vmem_shared>>
      %dma_start3A_139 = tpu.memref_slice %dma_start3A_138[%mul3A_18] : memref<10240xf32, #tpu.memory_space<vmem_shared>> -> memref<640xf32, #tpu.memory_space<vmem_shared>>
      tpu.enqueue_dma source(%dma_start3A_139 : memref<640xf32, #tpu.memory_space<vmem_shared>>) target(%arg12 : memref<640xf32, #tpu.memory_space<vmem>>) target_semaphore(%run_scoped3A_132 : memref<!tpu.dma_semaphore, #tpu.memory_space<semaphore_mem>>)
      %dma_wait3A = arith.constant 0 : i32
      %dma_wait3A_140 = tpu.memref_slice %arg10[%run_scoped3A_97, %dma_wait3A] : memref<16x10240xf32, #tpu.memory_space<vmem_shared>> -> memref<1x10240xf32, #tpu.memory_space<vmem_shared>>
      %dma_wait3A_141 = tpu.memref_squeeze %dma_wait3A_140 : memref<1x10240xf32, #tpu.memory_space<vmem_shared>> -> memref<10240xf32, #tpu.memory_space<vmem_shared>>
      %dma_wait3A_142 = tpu.memref_slice %dma_wait3A_141[%mul3A_18] : memref<10240xf32, #tpu.memory_space<vmem_shared>> -> memref<640xf32, #tpu.memory_space<vmem_shared>>
      %dma_wait3A_143 = arith.constant 0 : i32
      %dma_wait3A_144 = tpu.memref_slice %arg10[%run_scoped3A_97, %dma_wait3A_143] : memref<16x10240xf32, #tpu.memory_space<vmem_shared>> -> memref<1x10240xf32, #tpu.memory_space<vmem_shared>>
      %dma_wait3A_145 = tpu.memref_squeeze %dma_wait3A_144 : memref<1x10240xf32, #tpu.memory_space<vmem_shared>> -> memref<10240xf32, #tpu.memory_space<vmem_shared>>
      %dma_wait3A_146 = tpu.memref_slice %dma_wait3A_145[%mul3A_18] : memref<10240xf32, #tpu.memory_space<vmem_shared>> -> memref<640xf32, #tpu.memory_space<vmem_shared>>
      tpu.wait_dma2 semaphore(%run_scoped3A_132 : memref<!tpu.dma_semaphore, #tpu.memory_space<semaphore_mem>>) src(%dma_wait3A_146 : memref<640xf32, #tpu.memory_space<vmem_shared>>) dst(%arg12 : memref<640xf32, #tpu.memory_space<vmem>>)
      tpu.yield
    }) : () -> ()
    %scan3A_98 = arith.constant 0 : i32
    %scan3A_99 = arith.constant 0 : i32
    %scan3A_100 = arith.constant 40 : i32
    %scan3A_101 = arith.addi %scan3A_99, %scan3A_100 : i32
    %scan3A_102 = arith.constant 1 : i32
    scf.for %scan3A_132 = %scan3A_99 to %scan3A_101 step %scan3A_102  : i32 {
      %mul3A_133 = arith.constant 16 : i32
      %mul3A_134 = arith.muli %scan3A_132, %mul3A_133 : i32
      %get3A = arith.index_cast %mul3A_134 : i32 to index
      %get3A_135 = tpu.vector_load %arg11[%get3A] {strides = array<i32>} : memref<640xf32, #tpu.memory_space<vmem>>, vector<16xf32>,
      %mul3A_136 = arith.constant 16 : i32
      %mul3A_137 = arith.muli %scan3A_132, %mul3A_136 : i32
      %get3A_138 = arith.index_cast %mul3A_137 : i32 to index
      %get3A_139 = tpu.vector_load %arg12[%get3A_138] {strides = array<i32>} : memref<640xf32, #tpu.memory_space<vmem>>, vector<16xf32>,
      %add3A_140 = arith.addf %get3A_135, %get3A_139 : vector<16xf32>
      %mul3A_141 = arith.constant 16 : i32
      %mul3A_142 = arith.muli %scan3A_132, %mul3A_141 : i32
      %swap3A = arith.index_cast %mul3A_142 : i32 to index
      %swap3A_143 = tpu.vector_load %arg11[%swap3A] {strides = array<i32>} : memref<640xf32, #tpu.memory_space<vmem>>, vector<16xf32>,
      tpu.vector_store %arg11[%swap3A], %add3A_140 {strides = array<i32>} : memref<640xf32, #tpu.memory_space<vmem>>, vector<16xf32>,
    }
    %scan3A_103 = arith.constant 40 : i32
    %run_scoped3A_104 = arith.constant 13 : i32
    "tpu.region"() ({
      %run_scoped3A_132 = tpu.sem_alloc : memref<!tpu.dma_semaphore, #tpu.memory_space<semaphore_mem>>
      %dma_start3A = arith.constant 0 : i32
      %dma_start3A_133 = tpu.memref_slice %arg10[%run_scoped3A_104, %dma_start3A] : memref<16x10240xf32, #tpu.memory_space<vmem_shared>> -> memref<1x10240xf32, #tpu.memory_space<vmem_shared>>
      %dma_start3A_134 = tpu.memref_squeeze %dma_start3A_133 : memref<1x10240xf32, #tpu.memory_space<vmem_shared>> -> memref<10240xf32, #tpu.memory_space<vmem_shared>>
      %dma_start3A_135 = tpu.memref_slice %dma_start3A_134[%mul3A_18] : memref<10240xf32, #tpu.memory_space<vmem_shared>> -> memref<640xf32, #tpu.memory_space<vmem_shared>>
      %dma_start3A_136 = arith.constant 0 : i32
      %dma_start3A_137 = tpu.memref_slice %arg10[%run_scoped3A_104, %dma_start3A_136] : memref<16x10240xf32, #tpu.memory_space<vmem_shared>> -> memref<1x10240xf32, #tpu.memory_space<vmem_shared>>
      %dma_start3A_138 = tpu.memref_squeeze %dma_start3A_137 : memref<1x10240xf32, #tpu.memory_space<vmem_shared>> -> memref<10240xf32, #tpu.memory_space<vmem_shared>>
      %dma_start3A_139 = tpu.memref_slice %dma_start3A_138[%mul3A_18] : memref<10240xf32, #tpu.memory_space<vmem_shared>> -> memref<640xf32, #tpu.memory_space<vmem_shared>>
      tpu.enqueue_dma source(%dma_start3A_139 : memref<640xf32, #tpu.memory_space<vmem_shared>>) target(%arg12 : memref<640xf32, #tpu.memory_space<vmem>>) target_semaphore(%run_scoped3A_132 : memref<!tpu.dma_semaphore, #tpu.memory_space<semaphore_mem>>)
      %dma_wait3A = arith.constant 0 : i32
      %dma_wait3A_140 = tpu.memref_slice %arg10[%run_scoped3A_104, %dma_wait3A] : memref<16x10240xf32, #tpu.memory_space<vmem_shared>> -> memref<1x10240xf32, #tpu.memory_space<vmem_shared>>
      %dma_wait3A_141 = tpu.memref_squeeze %dma_wait3A_140 : memref<1x10240xf32, #tpu.memory_space<vmem_shared>> -> memref<10240xf32, #tpu.memory_space<vmem_shared>>
      %dma_wait3A_142 = tpu.memref_slice %dma_wait3A_141[%mul3A_18] : memref<10240xf32, #tpu.memory_space<vmem_shared>> -> memref<640xf32, #tpu.memory_space<vmem_shared>>
      %dma_wait3A_143 = arith.constant 0 : i32
      %dma_wait3A_144 = tpu.memref_slice %arg10[%run_scoped3A_104, %dma_wait3A_143] : memref<16x10240xf32, #tpu.memory_space<vmem_shared>> -> memref<1x10240xf32, #tpu.memory_space<vmem_shared>>
      %dma_wait3A_145 = tpu.memref_squeeze %dma_wait3A_144 : memref<1x10240xf32, #tpu.memory_space<vmem_shared>> -> memref<10240xf32, #tpu.memory_space<vmem_shared>>
      %dma_wait3A_146 = tpu.memref_slice %dma_wait3A_145[%mul3A_18] : memref<10240xf32, #tpu.memory_space<vmem_shared>> -> memref<640xf32, #tpu.memory_space<vmem_shared>>
      tpu.wait_dma2 semaphore(%run_scoped3A_132 : memref<!tpu.dma_semaphore, #tpu.memory_space<semaphore_mem>>) src(%dma_wait3A_146 : memref<640xf32, #tpu.memory_space<vmem_shared>>) dst(%arg12 : memref<640xf32, #tpu.memory_space<vmem>>)
      tpu.yield
    }) : () -> ()
    %scan3A_105 = arith.constant 0 : i32
    %scan3A_106 = arith.constant 0 : i32
    %scan3A_107 = arith.constant 40 : i32
    %scan3A_108 = arith.addi %scan3A_106, %scan3A_107 : i32
    %scan3A_109 = arith.constant 1 : i32
    scf.for %scan3A_132 = %scan3A_106 to %scan3A_108 step %scan3A_109  : i32 {
      %mul3A_133 = arith.constant 16 : i32
      %mul3A_134 = arith.muli %scan3A_132, %mul3A_133 : i32
      %get3A = arith.index_cast %mul3A_134 : i32 to index
      %get3A_135 = tpu.vector_load %arg11[%get3A] {strides = array<i32>} : memref<640xf32, #tpu.memory_space<vmem>>, vector<16xf32>,
      %mul3A_136 = arith.constant 16 : i32
      %mul3A_137 = arith.muli %scan3A_132, %mul3A_136 : i32
      %get3A_138 = arith.index_cast %mul3A_137 : i32 to index
      %get3A_139 = tpu.vector_load %arg12[%get3A_138] {strides = array<i32>} : memref<640xf32, #tpu.memory_space<vmem>>, vector<16xf32>,
      %add3A_140 = arith.addf %get3A_135, %get3A_139 : vector<16xf32>
      %mul3A_141 = arith.constant 16 : i32
      %mul3A_142 = arith.muli %scan3A_132, %mul3A_141 : i32
      %swap3A = arith.index_cast %mul3A_142 : i32 to index
      %swap3A_143 = tpu.vector_load %arg11[%swap3A] {strides = array<i32>} : memref<640xf32, #tpu.memory_space<vmem>>, vector<16xf32>,
      tpu.vector_store %arg11[%swap3A], %add3A_140 {strides = array<i32>} : memref<640xf32, #tpu.memory_space<vmem>>, vector<16xf32>,
    }
    %scan3A_110 = arith.constant 40 : i32
    %run_scoped3A_111 = arith.constant 14 : i32
    "tpu.region"() ({
      %run_scoped3A_132 = tpu.sem_alloc : memref<!tpu.dma_semaphore, #tpu.memory_space<semaphore_mem>>
      %dma_start3A = arith.constant 0 : i32
      %dma_start3A_133 = tpu.memref_slice %arg10[%run_scoped3A_111, %dma_start3A] : memref<16x10240xf32, #tpu.memory_space<vmem_shared>> -> memref<1x10240xf32, #tpu.memory_space<vmem_shared>>
      %dma_start3A_134 = tpu.memref_squeeze %dma_start3A_133 : memref<1x10240xf32, #tpu.memory_space<vmem_shared>> -> memref<10240xf32, #tpu.memory_space<vmem_shared>>
      %dma_start3A_135 = tpu.memref_slice %dma_start3A_134[%mul3A_18] : memref<10240xf32, #tpu.memory_space<vmem_shared>> -> memref<640xf32, #tpu.memory_space<vmem_shared>>
      %dma_start3A_136 = arith.constant 0 : i32
      %dma_start3A_137 = tpu.memref_slice %arg10[%run_scoped3A_111, %dma_start3A_136] : memref<16x10240xf32, #tpu.memory_space<vmem_shared>> -> memref<1x10240xf32, #tpu.memory_space<vmem_shared>>
      %dma_start3A_138 = tpu.memref_squeeze %dma_start3A_137 : memref<1x10240xf32, #tpu.memory_space<vmem_shared>> -> memref<10240xf32, #tpu.memory_space<vmem_shared>>
      %dma_start3A_139 = tpu.memref_slice %dma_start3A_138[%mul3A_18] : memref<10240xf32, #tpu.memory_space<vmem_shared>> -> memref<640xf32, #tpu.memory_space<vmem_shared>>
      tpu.enqueue_dma source(%dma_start3A_139 : memref<640xf32, #tpu.memory_space<vmem_shared>>) target(%arg12 : memref<640xf32, #tpu.memory_space<vmem>>) target_semaphore(%run_scoped3A_132 : memref<!tpu.dma_semaphore, #tpu.memory_space<semaphore_mem>>)
      %dma_wait3A = arith.constant 0 : i32
      %dma_wait3A_140 = tpu.memref_slice %arg10[%run_scoped3A_111, %dma_wait3A] : memref<16x10240xf32, #tpu.memory_space<vmem_shared>> -> memref<1x10240xf32, #tpu.memory_space<vmem_shared>>
      %dma_wait3A_141 = tpu.memref_squeeze %dma_wait3A_140 : memref<1x10240xf32, #tpu.memory_space<vmem_shared>> -> memref<10240xf32, #tpu.memory_space<vmem_shared>>
      %dma_wait3A_142 = tpu.memref_slice %dma_wait3A_141[%mul3A_18] : memref<10240xf32, #tpu.memory_space<vmem_shared>> -> memref<640xf32, #tpu.memory_space<vmem_shared>>
      %dma_wait3A_143 = arith.constant 0 : i32
      %dma_wait3A_144 = tpu.memref_slice %arg10[%run_scoped3A_111, %dma_wait3A_143] : memref<16x10240xf32, #tpu.memory_space<vmem_shared>> -> memref<1x10240xf32, #tpu.memory_space<vmem_shared>>
      %dma_wait3A_145 = tpu.memref_squeeze %dma_wait3A_144 : memref<1x10240xf32, #tpu.memory_space<vmem_shared>> -> memref<10240xf32, #tpu.memory_space<vmem_shared>>
      %dma_wait3A_146 = tpu.memref_slice %dma_wait3A_145[%mul3A_18] : memref<10240xf32, #tpu.memory_space<vmem_shared>> -> memref<640xf32, #tpu.memory_space<vmem_shared>>
      tpu.wait_dma2 semaphore(%run_scoped3A_132 : memref<!tpu.dma_semaphore, #tpu.memory_space<semaphore_mem>>) src(%dma_wait3A_146 : memref<640xf32, #tpu.memory_space<vmem_shared>>) dst(%arg12 : memref<640xf32, #tpu.memory_space<vmem>>)
      tpu.yield
    }) : () -> ()
    %scan3A_112 = arith.constant 0 : i32
    %scan3A_113 = arith.constant 0 : i32
    %scan3A_114 = arith.constant 40 : i32
    %scan3A_115 = arith.addi %scan3A_113, %scan3A_114 : i32
    %scan3A_116 = arith.constant 1 : i32
    scf.for %scan3A_132 = %scan3A_113 to %scan3A_115 step %scan3A_116  : i32 {
      %mul3A_133 = arith.constant 16 : i32
      %mul3A_134 = arith.muli %scan3A_132, %mul3A_133 : i32
      %get3A = arith.index_cast %mul3A_134 : i32 to index
      %get3A_135 = tpu.vector_load %arg11[%get3A] {strides = array<i32>} : memref<640xf32, #tpu.memory_space<vmem>>, vector<16xf32>,
      %mul3A_136 = arith.constant 16 : i32
      %mul3A_137 = arith.muli %scan3A_132, %mul3A_136 : i32
      %get3A_138 = arith.index_cast %mul3A_137 : i32 to index
      %get3A_139 = tpu.vector_load %arg12[%get3A_138] {strides = array<i32>} : memref<640xf32, #tpu.memory_space<vmem>>, vector<16xf32>,
      %add3A_140 = arith.addf %get3A_135, %get3A_139 : vector<16xf32>
      %mul3A_141 = arith.constant 16 : i32
      %mul3A_142 = arith.muli %scan3A_132, %mul3A_141 : i32
      %swap3A = arith.index_cast %mul3A_142 : i32 to index
      %swap3A_143 = tpu.vector_load %arg11[%swap3A] {strides = array<i32>} : memref<640xf32, #tpu.memory_space<vmem>>, vector<16xf32>,
      tpu.vector_store %arg11[%swap3A], %add3A_140 {strides = array<i32>} : memref<640xf32, #tpu.memory_space<vmem>>, vector<16xf32>,
    }
    %scan3A_117 = arith.constant 40 : i32
    %run_scoped3A_118 = arith.constant 15 : i32
    "tpu.region"() ({
      %run_scoped3A_132 = tpu.sem_alloc : memref<!tpu.dma_semaphore, #tpu.memory_space<semaphore_mem>>
      %dma_start3A = arith.constant 0 : i32
      %dma_start3A_133 = tpu.memref_slice %arg10[%run_scoped3A_118, %dma_start3A] : memref<16x10240xf32, #tpu.memory_space<vmem_shared>> -> memref<1x10240xf32, #tpu.memory_space<vmem_shared>>
      %dma_start3A_134 = tpu.memref_squeeze %dma_start3A_133 : memref<1x10240xf32, #tpu.memory_space<vmem_shared>> -> memref<10240xf32, #tpu.memory_space<vmem_shared>>
      %dma_start3A_135 = tpu.memref_slice %dma_start3A_134[%mul3A_18] : memref<10240xf32, #tpu.memory_space<vmem_shared>> -> memref<640xf32, #tpu.memory_space<vmem_shared>>
      %dma_start3A_136 = arith.constant 0 : i32
      %dma_start3A_137 = tpu.memref_slice %arg10[%run_scoped3A_118, %dma_start3A_136] : memref<16x10240xf32, #tpu.memory_space<vmem_shared>> -> memref<1x10240xf32, #tpu.memory_space<vmem_shared>>
      %dma_start3A_138 = tpu.memref_squeeze %dma_start3A_137 : memref<1x10240xf32, #tpu.memory_space<vmem_shared>> -> memref<10240xf32, #tpu.memory_space<vmem_shared>>
      %dma_start3A_139 = tpu.memref_slice %dma_start3A_138[%mul3A_18] : memref<10240xf32, #tpu.memory_space<vmem_shared>> -> memref<640xf32, #tpu.memory_space<vmem_shared>>
      tpu.enqueue_dma source(%dma_start3A_139 : memref<640xf32, #tpu.memory_space<vmem_shared>>) target(%arg12 : memref<640xf32, #tpu.memory_space<vmem>>) target_semaphore(%run_scoped3A_132 : memref<!tpu.dma_semaphore, #tpu.memory_space<semaphore_mem>>)
      %dma_wait3A = arith.constant 0 : i32
      %dma_wait3A_140 = tpu.memref_slice %arg10[%run_scoped3A_118, %dma_wait3A] : memref<16x10240xf32, #tpu.memory_space<vmem_shared>> -> memref<1x10240xf32, #tpu.memory_space<vmem_shared>>
      %dma_wait3A_141 = tpu.memref_squeeze %dma_wait3A_140 : memref<1x10240xf32, #tpu.memory_space<vmem_shared>> -> memref<10240xf32, #tpu.memory_space<vmem_shared>>
      %dma_wait3A_142 = tpu.memref_slice %dma_wait3A_141[%mul3A_18] : memref<10240xf32, #tpu.memory_space<vmem_shared>> -> memref<640xf32, #tpu.memory_space<vmem_shared>>
      %dma_wait3A_143 = arith.constant 0 : i32
      %dma_wait3A_144 = tpu.memref_slice %arg10[%run_scoped3A_118, %dma_wait3A_143] : memref<16x10240xf32, #tpu.memory_space<vmem_shared>> -> memref<1x10240xf32, #tpu.memory_space<vmem_shared>>
      %dma_wait3A_145 = tpu.memref_squeeze %dma_wait3A_144 : memref<1x10240xf32, #tpu.memory_space<vmem_shared>> -> memref<10240xf32, #tpu.memory_space<vmem_shared>>
      %dma_wait3A_146 = tpu.memref_slice %dma_wait3A_145[%mul3A_18] : memref<10240xf32, #tpu.memory_space<vmem_shared>> -> memref<640xf32, #tpu.memory_space<vmem_shared>>
      tpu.wait_dma2 semaphore(%run_scoped3A_132 : memref<!tpu.dma_semaphore, #tpu.memory_space<semaphore_mem>>) src(%dma_wait3A_146 : memref<640xf32, #tpu.memory_space<vmem_shared>>) dst(%arg12 : memref<640xf32, #tpu.memory_space<vmem>>)
      tpu.yield
    }) : () -> ()
    %scan3A_119 = arith.constant 0 : i32
    %scan3A_120 = arith.constant 0 : i32
    %scan3A_121 = arith.constant 40 : i32
    %scan3A_122 = arith.addi %scan3A_120, %scan3A_121 : i32
    %scan3A_123 = arith.constant 1 : i32
    scf.for %scan3A_132 = %scan3A_120 to %scan3A_122 step %scan3A_123  : i32 {
      %mul3A_133 = arith.constant 16 : i32
      %mul3A_134 = arith.muli %scan3A_132, %mul3A_133 : i32
      %get3A = arith.index_cast %mul3A_134 : i32 to index
      %get3A_135 = tpu.vector_load %arg11[%get3A] {strides = array<i32>} : memref<640xf32, #tpu.memory_space<vmem>>, vector<16xf32>,
      %mul3A_136 = arith.constant 16 : i32
      %mul3A_137 = arith.muli %scan3A_132, %mul3A_136 : i32
      %get3A_138 = arith.index_cast %mul3A_137 : i32 to index
      %get3A_139 = tpu.vector_load %arg12[%get3A_138] {strides = array<i32>} : memref<640xf32, #tpu.memory_space<vmem>>, vector<16xf32>,
      %add3A_140 = arith.addf %get3A_135, %get3A_139 : vector<16xf32>
      %mul3A_141 = arith.constant 16 : i32
      %mul3A_142 = arith.muli %scan3A_132, %mul3A_141 : i32
      %swap3A = arith.index_cast %mul3A_142 : i32 to index
      %swap3A_143 = tpu.vector_load %arg11[%swap3A] {strides = array<i32>} : memref<640xf32, #tpu.memory_space<vmem>>, vector<16xf32>,
      tpu.vector_store %arg11[%swap3A], %add3A_140 {strides = array<i32>} : memref<640xf32, #tpu.memory_space<vmem>>, vector<16xf32>,
    }
    %scan3A_124 = arith.constant 40 : i32
    %eq3A = arith.constant 0 : i32
    %eq3A_125 = arith.cmpi eq, %arg0, %eq3A : i32
    %convert_element_type3A = arith.extui %eq3A_125 : i1 to i32
    %cond3A = arith.constant 0 : i32
    %cond3A_126 = arith.cmpi ne, %convert_element_type3A, %cond3A : i32
    scf.if %cond3A_126 {
      "tpu.region"() ({
        %run_scoped3A_132 = tpu.sem_alloc : memref<!tpu.dma_semaphore, #tpu.memory_space<semaphore_mem>>
        %dma_start3A = tpu.memref_slice %arg4[%mul3A_18] : memref<10240xf32, #tpu.memory_space<hbm>> -> memref<640xf32, #tpu.memory_space<hbm>>
        %dma_start3A_133 = tpu.memref_slice %arg4[%mul3A_18] : memref<10240xf32, #tpu.memory_space<hbm>> -> memref<640xf32, #tpu.memory_space<hbm>>
        tpu.enqueue_dma source(%arg11 : memref<640xf32, #tpu.memory_space<vmem>>) target(%dma_start3A_133 : memref<640xf32, #tpu.memory_space<hbm>>) target_semaphore(%run_scoped3A_132 : memref<!tpu.dma_semaphore, #tpu.memory_space<semaphore_mem>>)
        %dma_wait3A = tpu.memref_slice %arg4[%mul3A_18] : memref<10240xf32, #tpu.memory_space<hbm>> -> memref<640xf32, #tpu.memory_space<hbm>>
        %dma_wait3A_134 = tpu.memref_slice %arg4[%mul3A_18] : memref<10240xf32, #tpu.memory_space<hbm>> -> memref<640xf32, #tpu.memory_space<hbm>>
        tpu.wait_dma2 semaphore(%run_scoped3A_132 : memref<!tpu.dma_semaphore, #tpu.memory_space<semaphore_mem>>) src(%arg11 : memref<640xf32, #tpu.memory_space<vmem>>) dst(%dma_wait3A_134 : memref<640xf32, #tpu.memory_space<hbm>>)
        tpu.yield
      }) : () -> ()
    } else {
    }
    %eq3A_127 = arith.constant 1 : i32
    %eq3A_128 = arith.cmpi eq, %arg0, %eq3A_127 : i32
    %convert_element_type3A_129 = arith.extui %eq3A_128 : i1 to i32
    %cond3A_130 = arith.constant 0 : i32
    %cond3A_131 = arith.cmpi ne, %convert_element_type3A_129, %cond3A_130 : i32
    scf.if %cond3A_131 {
      "tpu.region"() ({
        %run_scoped3A_132 = tpu.sem_alloc : memref<!tpu.dma_semaphore, #tpu.memory_space<semaphore_mem>>
        %dma_start3A = tpu.memref_slice %arg5[%mul3A_18] : memref<10240xf32, #tpu.memory_space<hbm>> -> memref<640xf32, #tpu.memory_space<hbm>>
        %dma_start3A_133 = tpu.memref_slice %arg5[%mul3A_18] : memref<10240xf32, #tpu.memory_space<hbm>> -> memref<640xf32, #tpu.memory_space<hbm>>
        tpu.enqueue_dma source(%arg11 : memref<640xf32, #tpu.memory_space<vmem>>) target(%dma_start3A_133 : memref<640xf32, #tpu.memory_space<hbm>>) target_semaphore(%run_scoped3A_132 : memref<!tpu.dma_semaphore, #tpu.memory_space<semaphore_mem>>)
        %dma_wait3A = tpu.memref_slice %arg5[%mul3A_18] : memref<10240xf32, #tpu.memory_space<hbm>> -> memref<640xf32, #tpu.memory_space<hbm>>
        %dma_wait3A_134 = tpu.memref_slice %arg5[%mul3A_18] : memref<10240xf32, #tpu.memory_space<hbm>> -> memref<640xf32, #tpu.memory_space<hbm>>
        tpu.wait_dma2 semaphore(%run_scoped3A_132 : memref<!tpu.dma_semaphore, #tpu.memory_space<semaphore_mem>>) src(%arg11 : memref<640xf32, #tpu.memory_space<vmem>>) dst(%dma_wait3A_134 : memref<640xf32, #tpu.memory_space<hbm>>)
        tpu.yield
      }) : () -> ()
    } else {
    }
    return
  }
}

#map = affine_map<(d0, d1) -> (0, 0)>
#map1 = affine_map<(d0, d1) -> (0)>
module attributes {stable_mosaic.version = 14 : i64} {
  func.func @_deg_kernel(%arg0: i32, %arg1: i32, %arg2: memref<2x320000xi32, #tpu.memory_space<hbm>>, %arg3: memref<10240xf32, #tpu.memory_space<hbm>>, %arg4: memref<10240xf32, #tpu.memory_space<hbm>>, %arg5: memref<10000xi32, #tpu.memory_space<vmem>>, %arg6: memref<10240xf32, #tpu.memory_space<vmem>>, %arg7: memref<16x10240xf32, #tpu.memory_space<vmem_shared>>, %arg8: memref<640xf32, #tpu.memory_space<vmem>>, %arg9: memref<640xf32, #tpu.memory_space<vmem>>, %arg10: memref<!tpu.dma_semaphore, #tpu.memory_space<semaphore_mem>>) attributes {dimension_semantics = [#tpu.dimension_semantics<core_parallel>, #tpu.dimension_semantics<subcore_parallel>], iteration_bounds = array<i64: 2, 16>, scalar_prefetch = 0 : i64, scratch_operands = 6 : i64, tpu.core_type = #tpu.core_type<sc_vector_subcore>, window_params = [{transform_indices = #map}, {transform_indices = #map1}, {transform_indices = #map1}]} {
    %mul3A = arith.constant 2 : i32
    %mul3A_0 = arith.muli %arg1, %mul3A : i32
    %add3A = arith.addi %mul3A_0, %arg0 : i32
    %mul3A_1 = arith.constant 10000 : i32
    %mul3A_2 = arith.muli %add3A, %mul3A_1 : i32
    %run_scoped3A = arith.constant 1 : i32
    "tpu.region"() ({
      %run_scoped3A_130 = tpu.sem_alloc : memref<!tpu.dma_semaphore, #tpu.memory_space<semaphore_mem>>
      %dma_start3A = arith.constant 0 : i32
      %dma_start3A_131 = tpu.memref_slice %arg2[%run_scoped3A, %dma_start3A] : memref<2x320000xi32, #tpu.memory_space<hbm>> -> memref<1x320000xi32, #tpu.memory_space<hbm>>
      %dma_start3A_132 = tpu.memref_squeeze %dma_start3A_131 : memref<1x320000xi32, #tpu.memory_space<hbm>> -> memref<320000xi32, #tpu.memory_space<hbm>>
      %dma_start3A_133 = tpu.memref_slice %dma_start3A_132[%mul3A_2] : memref<320000xi32, #tpu.memory_space<hbm>> -> memref<10000xi32, #tpu.memory_space<hbm>>
      %dma_start3A_134 = arith.constant 0 : i32
      %dma_start3A_135 = tpu.memref_slice %arg2[%run_scoped3A, %dma_start3A_134] : memref<2x320000xi32, #tpu.memory_space<hbm>> -> memref<1x320000xi32, #tpu.memory_space<hbm>>
      %dma_start3A_136 = tpu.memref_squeeze %dma_start3A_135 : memref<1x320000xi32, #tpu.memory_space<hbm>> -> memref<320000xi32, #tpu.memory_space<hbm>>
      %dma_start3A_137 = tpu.memref_slice %dma_start3A_136[%mul3A_2] : memref<320000xi32, #tpu.memory_space<hbm>> -> memref<10000xi32, #tpu.memory_space<hbm>>
      tpu.enqueue_dma source(%dma_start3A_137 : memref<10000xi32, #tpu.memory_space<hbm>>) target(%arg5 : memref<10000xi32, #tpu.memory_space<vmem>>) target_semaphore(%run_scoped3A_130 : memref<!tpu.dma_semaphore, #tpu.memory_space<semaphore_mem>>)
      %dma_wait3A = arith.constant 0 : i32
      %dma_wait3A_138 = tpu.memref_slice %arg2[%run_scoped3A, %dma_wait3A] : memref<2x320000xi32, #tpu.memory_space<hbm>> -> memref<1x320000xi32, #tpu.memory_space<hbm>>
      %dma_wait3A_139 = tpu.memref_squeeze %dma_wait3A_138 : memref<1x320000xi32, #tpu.memory_space<hbm>> -> memref<320000xi32, #tpu.memory_space<hbm>>
      %dma_wait3A_140 = tpu.memref_slice %dma_wait3A_139[%mul3A_2] : memref<320000xi32, #tpu.memory_space<hbm>> -> memref<10000xi32, #tpu.memory_space<hbm>>
      %dma_wait3A_141 = arith.constant 0 : i32
      %dma_wait3A_142 = tpu.memref_slice %arg2[%run_scoped3A, %dma_wait3A_141] : memref<2x320000xi32, #tpu.memory_space<hbm>> -> memref<1x320000xi32, #tpu.memory_space<hbm>>
      %dma_wait3A_143 = tpu.memref_squeeze %dma_wait3A_142 : memref<1x320000xi32, #tpu.memory_space<hbm>> -> memref<320000xi32, #tpu.memory_space<hbm>>
      %dma_wait3A_144 = tpu.memref_slice %dma_wait3A_143[%mul3A_2] : memref<320000xi32, #tpu.memory_space<hbm>> -> memref<10000xi32, #tpu.memory_space<hbm>>
      tpu.wait_dma2 semaphore(%run_scoped3A_130 : memref<!tpu.dma_semaphore, #tpu.memory_space<semaphore_mem>>) src(%dma_wait3A_144 : memref<10000xi32, #tpu.memory_space<hbm>>) dst(%arg5 : memref<10000xi32, #tpu.memory_space<vmem>>)
      tpu.yield
    }) : () -> ()
    %scan3A = arith.constant 0 : i32
    %scan3A_3 = arith.constant 0 : i32
    %scan3A_4 = arith.constant 640 : i32
    %scan3A_5 = arith.addi %scan3A_3, %scan3A_4 : i32
    %scan3A_6 = arith.constant 1 : i32
    scf.for %scan3A_130 = %scan3A_3 to %scan3A_5 step %scan3A_6  : i32 {
      %broadcast_in_dim3A_131 = arith.constant 0.000000e+00 : f32
      %broadcast_in_dim3A_132 = vector.broadcast %broadcast_in_dim3A_131 : f32 to vector<16xf32>
      %mul3A_133 = arith.constant 16 : i32
      %mul3A_134 = arith.muli %scan3A_130, %mul3A_133 : i32
      %swap3A = arith.index_cast %mul3A_134 : i32 to index
      %swap3A_135 = tpu.vector_load %arg6[%swap3A] {strides = array<i32>} : memref<10240xf32, #tpu.memory_space<vmem>>, vector<16xf32>,
      tpu.vector_store %arg6[%swap3A], %broadcast_in_dim3A_132 {strides = array<i32>} : memref<10240xf32, #tpu.memory_space<vmem>>, vector<16xf32>,
    }
    %scan3A_7 = arith.constant 640 : i32
    %broadcast_in_dim3A = arith.constant 1.000000e+00 : f32
    %broadcast_in_dim3A_8 = vector.broadcast %broadcast_in_dim3A : f32 to vector<16xf32>
    %scan3A_9 = arith.constant 0 : i32
    %scan3A_10 = arith.constant 0 : i32
    %scan3A_11 = arith.constant 125 : i32
    %scan3A_12 = arith.addi %scan3A_10, %scan3A_11 : i32
    %scan3A_13 = arith.constant 1 : i32
    scf.for %scan3A_130 = %scan3A_10 to %scan3A_12 step %scan3A_13  : i32 {
      %mul3A_131 = arith.constant 5 : i32
      %mul3A_132 = arith.muli %scan3A_130, %mul3A_131 : i32
      %add3A_133 = arith.constant 0 : i32
      %add3A_134 = arith.addi %mul3A_132, %add3A_133 : i32
      %mul3A_135 = arith.constant 16 : i32
      %mul3A_136 = arith.muli %add3A_134, %mul3A_135 : i32
      %get3A = arith.index_cast %mul3A_136 : i32 to index
      %get3A_137 = tpu.vector_load %arg5[%get3A] {strides = array<i32>} : memref<10000xi32, #tpu.memory_space<vmem>>, vector<16xi32>,
      tpu.vector_store_idx %arg6[%get3A_137], %broadcast_in_dim3A_8 {add = true} : memref<10240xf32, #tpu.memory_space<vmem>>[vector<16xi32>], vector<16xf32>,
      %mul3A_138 = arith.constant 5 : i32
      %mul3A_139 = arith.muli %scan3A_130, %mul3A_138 : i32
      %add3A_140 = arith.constant 1 : i32
      %add3A_141 = arith.addi %mul3A_139, %add3A_140 : i32
      %mul3A_142 = arith.constant 16 : i32
      %mul3A_143 = arith.muli %add3A_141, %mul3A_142 : i32
      %get3A_144 = arith.index_cast %mul3A_143 : i32 to index
      %get3A_145 = tpu.vector_load %arg5[%get3A_144] {strides = array<i32>} : memref<10000xi32, #tpu.memory_space<vmem>>, vector<16xi32>,
      tpu.vector_store_idx %arg6[%get3A_145], %broadcast_in_dim3A_8 {add = true} : memref<10240xf32, #tpu.memory_space<vmem>>[vector<16xi32>], vector<16xf32>,
      %mul3A_146 = arith.constant 5 : i32
      %mul3A_147 = arith.muli %scan3A_130, %mul3A_146 : i32
      %add3A_148 = arith.constant 2 : i32
      %add3A_149 = arith.addi %mul3A_147, %add3A_148 : i32
      %mul3A_150 = arith.constant 16 : i32
      %mul3A_151 = arith.muli %add3A_149, %mul3A_150 : i32
      %get3A_152 = arith.index_cast %mul3A_151 : i32 to index
      %get3A_153 = tpu.vector_load %arg5[%get3A_152] {strides = array<i32>} : memref<10000xi32, #tpu.memory_space<vmem>>, vector<16xi32>,
      tpu.vector_store_idx %arg6[%get3A_153], %broadcast_in_dim3A_8 {add = true} : memref<10240xf32, #tpu.memory_space<vmem>>[vector<16xi32>], vector<16xf32>,
      %mul3A_154 = arith.constant 5 : i32
      %mul3A_155 = arith.muli %scan3A_130, %mul3A_154 : i32
      %add3A_156 = arith.constant 3 : i32
      %add3A_157 = arith.addi %mul3A_155, %add3A_156 : i32
      %mul3A_158 = arith.constant 16 : i32
      %mul3A_159 = arith.muli %add3A_157, %mul3A_158 : i32
      %get3A_160 = arith.index_cast %mul3A_159 : i32 to index
      %get3A_161 = tpu.vector_load %arg5[%get3A_160] {strides = array<i32>} : memref<10000xi32, #tpu.memory_space<vmem>>, vector<16xi32>,
      tpu.vector_store_idx %arg6[%get3A_161], %broadcast_in_dim3A_8 {add = true} : memref<10240xf32, #tpu.memory_space<vmem>>[vector<16xi32>], vector<16xf32>,
      %mul3A_162 = arith.constant 5 : i32
      %mul3A_163 = arith.muli %scan3A_130, %mul3A_162 : i32
      %add3A_164 = arith.constant 4 : i32
      %add3A_165 = arith.addi %mul3A_163, %add3A_164 : i32
      %mul3A_166 = arith.constant 16 : i32
      %mul3A_167 = arith.muli %add3A_165, %mul3A_166 : i32
      %get3A_168 = arith.index_cast %mul3A_167 : i32 to index
      %get3A_169 = tpu.vector_load %arg5[%get3A_168] {strides = array<i32>} : memref<10000xi32, #tpu.memory_space<vmem>>, vector<16xi32>,
      tpu.vector_store_idx %arg6[%get3A_169], %broadcast_in_dim3A_8 {add = true} : memref<10240xf32, #tpu.memory_space<vmem>>[vector<16xi32>], vector<16xf32>,
    }
    %scan3A_14 = arith.constant 125 : i32
    "tpu.region"() ({
      %run_scoped3A_130 = tpu.sem_alloc : memref<!tpu.dma_semaphore, #tpu.memory_space<semaphore_mem>>
      %dma_start3A = arith.constant 0 : i32
      %dma_start3A_131 = tpu.memref_slice %arg7[%arg1, %dma_start3A] : memref<16x10240xf32, #tpu.memory_space<vmem_shared>> -> memref<1x10240xf32, #tpu.memory_space<vmem_shared>>
      %dma_start3A_132 = tpu.memref_squeeze %dma_start3A_131 : memref<1x10240xf32, #tpu.memory_space<vmem_shared>> -> memref<10240xf32, #tpu.memory_space<vmem_shared>>
      %dma_start3A_133 = arith.constant 0 : i32
      %dma_start3A_134 = tpu.memref_slice %arg7[%arg1, %dma_start3A_133] : memref<16x10240xf32, #tpu.memory_space<vmem_shared>> -> memref<1x10240xf32, #tpu.memory_space<vmem_shared>>
      %dma_start3A_135 = tpu.memref_squeeze %dma_start3A_134 : memref<1x10240xf32, #tpu.memory_space<vmem_shared>> -> memref<10240xf32, #tpu.memory_space<vmem_shared>>
      tpu.enqueue_dma source(%arg6 : memref<10240xf32, #tpu.memory_space<vmem>>) target(%dma_start3A_135 : memref<10240xf32, #tpu.memory_space<vmem_shared>>) target_semaphore(%run_scoped3A_130 : memref<!tpu.dma_semaphore, #tpu.memory_space<semaphore_mem>>)
      %dma_wait3A = arith.constant 0 : i32
      %dma_wait3A_136 = tpu.memref_slice %arg7[%arg1, %dma_wait3A] : memref<16x10240xf32, #tpu.memory_space<vmem_shared>> -> memref<1x10240xf32, #tpu.memory_space<vmem_shared>>
      %dma_wait3A_137 = tpu.memref_squeeze %dma_wait3A_136 : memref<1x10240xf32, #tpu.memory_space<vmem_shared>> -> memref<10240xf32, #tpu.memory_space<vmem_shared>>
      %dma_wait3A_138 = arith.constant 0 : i32
      %dma_wait3A_139 = tpu.memref_slice %arg7[%arg1, %dma_wait3A_138] : memref<16x10240xf32, #tpu.memory_space<vmem_shared>> -> memref<1x10240xf32, #tpu.memory_space<vmem_shared>>
      %dma_wait3A_140 = tpu.memref_squeeze %dma_wait3A_139 : memref<1x10240xf32, #tpu.memory_space<vmem_shared>> -> memref<10240xf32, #tpu.memory_space<vmem_shared>>
      tpu.wait_dma2 semaphore(%run_scoped3A_130 : memref<!tpu.dma_semaphore, #tpu.memory_space<semaphore_mem>>) src(%arg6 : memref<10240xf32, #tpu.memory_space<vmem>>) dst(%dma_wait3A_140 : memref<10240xf32, #tpu.memory_space<vmem_shared>>)
      tpu.yield
    }) : () -> ()
    %barrier3A = arith.constant 0 : index
    tpu.barrier barrier_id(%barrier3A)
    %mul3A_15 = arith.constant 640 : i32
    %mul3A_16 = arith.muli %arg1, %mul3A_15 : i32
    %run_scoped3A_17 = arith.constant 0 : i32
    "tpu.region"() ({
      %run_scoped3A_130 = tpu.sem_alloc : memref<!tpu.dma_semaphore, #tpu.memory_space<semaphore_mem>>
      %dma_start3A = arith.constant 0 : i32
      %dma_start3A_131 = tpu.memref_slice %arg7[%run_scoped3A_17, %dma_start3A] : memref<16x10240xf32, #tpu.memory_space<vmem_shared>> -> memref<1x10240xf32, #tpu.memory_space<vmem_shared>>
      %dma_start3A_132 = tpu.memref_squeeze %dma_start3A_131 : memref<1x10240xf32, #tpu.memory_space<vmem_shared>> -> memref<10240xf32, #tpu.memory_space<vmem_shared>>
      %dma_start3A_133 = tpu.memref_slice %dma_start3A_132[%mul3A_16] : memref<10240xf32, #tpu.memory_space<vmem_shared>> -> memref<640xf32, #tpu.memory_space<vmem_shared>>
      %dma_start3A_134 = arith.constant 0 : i32
      %dma_start3A_135 = tpu.memref_slice %arg7[%run_scoped3A_17, %dma_start3A_134] : memref<16x10240xf32, #tpu.memory_space<vmem_shared>> -> memref<1x10240xf32, #tpu.memory_space<vmem_shared>>
      %dma_start3A_136 = tpu.memref_squeeze %dma_start3A_135 : memref<1x10240xf32, #tpu.memory_space<vmem_shared>> -> memref<10240xf32, #tpu.memory_space<vmem_shared>>
      %dma_start3A_137 = tpu.memref_slice %dma_start3A_136[%mul3A_16] : memref<10240xf32, #tpu.memory_space<vmem_shared>> -> memref<640xf32, #tpu.memory_space<vmem_shared>>
      tpu.enqueue_dma source(%dma_start3A_137 : memref<640xf32, #tpu.memory_space<vmem_shared>>) target(%arg8 : memref<640xf32, #tpu.memory_space<vmem>>) target_semaphore(%run_scoped3A_130 : memref<!tpu.dma_semaphore, #tpu.memory_space<semaphore_mem>>)
      %dma_wait3A = arith.constant 0 : i32
      %dma_wait3A_138 = tpu.memref_slice %arg7[%run_scoped3A_17, %dma_wait3A] : memref<16x10240xf32, #tpu.memory_space<vmem_shared>> -> memref<1x10240xf32, #tpu.memory_space<vmem_shared>>
      %dma_wait3A_139 = tpu.memref_squeeze %dma_wait3A_138 : memref<1x10240xf32, #tpu.memory_space<vmem_shared>> -> memref<10240xf32, #tpu.memory_space<vmem_shared>>
      %dma_wait3A_140 = tpu.memref_slice %dma_wait3A_139[%mul3A_16] : memref<10240xf32, #tpu.memory_space<vmem_shared>> -> memref<640xf32, #tpu.memory_space<vmem_shared>>
      %dma_wait3A_141 = arith.constant 0 : i32
      %dma_wait3A_142 = tpu.memref_slice %arg7[%run_scoped3A_17, %dma_wait3A_141] : memref<16x10240xf32, #tpu.memory_space<vmem_shared>> -> memref<1x10240xf32, #tpu.memory_space<vmem_shared>>
      %dma_wait3A_143 = tpu.memref_squeeze %dma_wait3A_142 : memref<1x10240xf32, #tpu.memory_space<vmem_shared>> -> memref<10240xf32, #tpu.memory_space<vmem_shared>>
      %dma_wait3A_144 = tpu.memref_slice %dma_wait3A_143[%mul3A_16] : memref<10240xf32, #tpu.memory_space<vmem_shared>> -> memref<640xf32, #tpu.memory_space<vmem_shared>>
      tpu.wait_dma2 semaphore(%run_scoped3A_130 : memref<!tpu.dma_semaphore, #tpu.memory_space<semaphore_mem>>) src(%dma_wait3A_144 : memref<640xf32, #tpu.memory_space<vmem_shared>>) dst(%arg8 : memref<640xf32, #tpu.memory_space<vmem>>)
      tpu.yield
    }) : () -> ()
    %run_scoped3A_18 = arith.constant 1 : i32
    "tpu.region"() ({
      %run_scoped3A_130 = tpu.sem_alloc : memref<!tpu.dma_semaphore, #tpu.memory_space<semaphore_mem>>
      %dma_start3A = arith.constant 0 : i32
      %dma_start3A_131 = tpu.memref_slice %arg7[%run_scoped3A_18, %dma_start3A] : memref<16x10240xf32, #tpu.memory_space<vmem_shared>> -> memref<1x10240xf32, #tpu.memory_space<vmem_shared>>
      %dma_start3A_132 = tpu.memref_squeeze %dma_start3A_131 : memref<1x10240xf32, #tpu.memory_space<vmem_shared>> -> memref<10240xf32, #tpu.memory_space<vmem_shared>>
      %dma_start3A_133 = tpu.memref_slice %dma_start3A_132[%mul3A_16] : memref<10240xf32, #tpu.memory_space<vmem_shared>> -> memref<640xf32, #tpu.memory_space<vmem_shared>>
      %dma_start3A_134 = arith.constant 0 : i32
      %dma_start3A_135 = tpu.memref_slice %arg7[%run_scoped3A_18, %dma_start3A_134] : memref<16x10240xf32, #tpu.memory_space<vmem_shared>> -> memref<1x10240xf32, #tpu.memory_space<vmem_shared>>
      %dma_start3A_136 = tpu.memref_squeeze %dma_start3A_135 : memref<1x10240xf32, #tpu.memory_space<vmem_shared>> -> memref<10240xf32, #tpu.memory_space<vmem_shared>>
      %dma_start3A_137 = tpu.memref_slice %dma_start3A_136[%mul3A_16] : memref<10240xf32, #tpu.memory_space<vmem_shared>> -> memref<640xf32, #tpu.memory_space<vmem_shared>>
      tpu.enqueue_dma source(%dma_start3A_137 : memref<640xf32, #tpu.memory_space<vmem_shared>>) target(%arg9 : memref<640xf32, #tpu.memory_space<vmem>>) target_semaphore(%run_scoped3A_130 : memref<!tpu.dma_semaphore, #tpu.memory_space<semaphore_mem>>)
      %dma_wait3A = arith.constant 0 : i32
      %dma_wait3A_138 = tpu.memref_slice %arg7[%run_scoped3A_18, %dma_wait3A] : memref<16x10240xf32, #tpu.memory_space<vmem_shared>> -> memref<1x10240xf32, #tpu.memory_space<vmem_shared>>
      %dma_wait3A_139 = tpu.memref_squeeze %dma_wait3A_138 : memref<1x10240xf32, #tpu.memory_space<vmem_shared>> -> memref<10240xf32, #tpu.memory_space<vmem_shared>>
      %dma_wait3A_140 = tpu.memref_slice %dma_wait3A_139[%mul3A_16] : memref<10240xf32, #tpu.memory_space<vmem_shared>> -> memref<640xf32, #tpu.memory_space<vmem_shared>>
      %dma_wait3A_141 = arith.constant 0 : i32
      %dma_wait3A_142 = tpu.memref_slice %arg7[%run_scoped3A_18, %dma_wait3A_141] : memref<16x10240xf32, #tpu.memory_space<vmem_shared>> -> memref<1x10240xf32, #tpu.memory_space<vmem_shared>>
      %dma_wait3A_143 = tpu.memref_squeeze %dma_wait3A_142 : memref<1x10240xf32, #tpu.memory_space<vmem_shared>> -> memref<10240xf32, #tpu.memory_space<vmem_shared>>
      %dma_wait3A_144 = tpu.memref_slice %dma_wait3A_143[%mul3A_16] : memref<10240xf32, #tpu.memory_space<vmem_shared>> -> memref<640xf32, #tpu.memory_space<vmem_shared>>
      tpu.wait_dma2 semaphore(%run_scoped3A_130 : memref<!tpu.dma_semaphore, #tpu.memory_space<semaphore_mem>>) src(%dma_wait3A_144 : memref<640xf32, #tpu.memory_space<vmem_shared>>) dst(%arg9 : memref<640xf32, #tpu.memory_space<vmem>>)
      tpu.yield
    }) : () -> ()
    %scan3A_19 = arith.constant 0 : i32
    %scan3A_20 = arith.constant 0 : i32
    %scan3A_21 = arith.constant 40 : i32
    %scan3A_22 = arith.addi %scan3A_20, %scan3A_21 : i32
    %scan3A_23 = arith.constant 1 : i32
    scf.for %scan3A_130 = %scan3A_20 to %scan3A_22 step %scan3A_23  : i32 {
      %mul3A_131 = arith.constant 16 : i32
      %mul3A_132 = arith.muli %scan3A_130, %mul3A_131 : i32
      %get3A = arith.index_cast %mul3A_132 : i32 to index
      %get3A_133 = tpu.vector_load %arg8[%get3A] {strides = array<i32>} : memref<640xf32, #tpu.memory_space<vmem>>, vector<16xf32>,
      %mul3A_134 = arith.constant 16 : i32
      %mul3A_135 = arith.muli %scan3A_130, %mul3A_134 : i32
      %get3A_136 = arith.index_cast %mul3A_135 : i32 to index
      %get3A_137 = tpu.vector_load %arg9[%get3A_136] {strides = array<i32>} : memref<640xf32, #tpu.memory_space<vmem>>, vector<16xf32>,
      %add3A_138 = arith.addf %get3A_133, %get3A_137 : vector<16xf32>
      %mul3A_139 = arith.constant 16 : i32
      %mul3A_140 = arith.muli %scan3A_130, %mul3A_139 : i32
      %swap3A = arith.index_cast %mul3A_140 : i32 to index
      %swap3A_141 = tpu.vector_load %arg8[%swap3A] {strides = array<i32>} : memref<640xf32, #tpu.memory_space<vmem>>, vector<16xf32>,
      tpu.vector_store %arg8[%swap3A], %add3A_138 {strides = array<i32>} : memref<640xf32, #tpu.memory_space<vmem>>, vector<16xf32>,
    }
    %scan3A_24 = arith.constant 40 : i32
    %run_scoped3A_25 = arith.constant 2 : i32
    "tpu.region"() ({
      %run_scoped3A_130 = tpu.sem_alloc : memref<!tpu.dma_semaphore, #tpu.memory_space<semaphore_mem>>
      %dma_start3A = arith.constant 0 : i32
      %dma_start3A_131 = tpu.memref_slice %arg7[%run_scoped3A_25, %dma_start3A] : memref<16x10240xf32, #tpu.memory_space<vmem_shared>> -> memref<1x10240xf32, #tpu.memory_space<vmem_shared>>
      %dma_start3A_132 = tpu.memref_squeeze %dma_start3A_131 : memref<1x10240xf32, #tpu.memory_space<vmem_shared>> -> memref<10240xf32, #tpu.memory_space<vmem_shared>>
      %dma_start3A_133 = tpu.memref_slice %dma_start3A_132[%mul3A_16] : memref<10240xf32, #tpu.memory_space<vmem_shared>> -> memref<640xf32, #tpu.memory_space<vmem_shared>>
      %dma_start3A_134 = arith.constant 0 : i32
      %dma_start3A_135 = tpu.memref_slice %arg7[%run_scoped3A_25, %dma_start3A_134] : memref<16x10240xf32, #tpu.memory_space<vmem_shared>> -> memref<1x10240xf32, #tpu.memory_space<vmem_shared>>
      %dma_start3A_136 = tpu.memref_squeeze %dma_start3A_135 : memref<1x10240xf32, #tpu.memory_space<vmem_shared>> -> memref<10240xf32, #tpu.memory_space<vmem_shared>>
      %dma_start3A_137 = tpu.memref_slice %dma_start3A_136[%mul3A_16] : memref<10240xf32, #tpu.memory_space<vmem_shared>> -> memref<640xf32, #tpu.memory_space<vmem_shared>>
      tpu.enqueue_dma source(%dma_start3A_137 : memref<640xf32, #tpu.memory_space<vmem_shared>>) target(%arg9 : memref<640xf32, #tpu.memory_space<vmem>>) target_semaphore(%run_scoped3A_130 : memref<!tpu.dma_semaphore, #tpu.memory_space<semaphore_mem>>)
      %dma_wait3A = arith.constant 0 : i32
      %dma_wait3A_138 = tpu.memref_slice %arg7[%run_scoped3A_25, %dma_wait3A] : memref<16x10240xf32, #tpu.memory_space<vmem_shared>> -> memref<1x10240xf32, #tpu.memory_space<vmem_shared>>
      %dma_wait3A_139 = tpu.memref_squeeze %dma_wait3A_138 : memref<1x10240xf32, #tpu.memory_space<vmem_shared>> -> memref<10240xf32, #tpu.memory_space<vmem_shared>>
      %dma_wait3A_140 = tpu.memref_slice %dma_wait3A_139[%mul3A_16] : memref<10240xf32, #tpu.memory_space<vmem_shared>> -> memref<640xf32, #tpu.memory_space<vmem_shared>>
      %dma_wait3A_141 = arith.constant 0 : i32
      %dma_wait3A_142 = tpu.memref_slice %arg7[%run_scoped3A_25, %dma_wait3A_141] : memref<16x10240xf32, #tpu.memory_space<vmem_shared>> -> memref<1x10240xf32, #tpu.memory_space<vmem_shared>>
      %dma_wait3A_143 = tpu.memref_squeeze %dma_wait3A_142 : memref<1x10240xf32, #tpu.memory_space<vmem_shared>> -> memref<10240xf32, #tpu.memory_space<vmem_shared>>
      %dma_wait3A_144 = tpu.memref_slice %dma_wait3A_143[%mul3A_16] : memref<10240xf32, #tpu.memory_space<vmem_shared>> -> memref<640xf32, #tpu.memory_space<vmem_shared>>
      tpu.wait_dma2 semaphore(%run_scoped3A_130 : memref<!tpu.dma_semaphore, #tpu.memory_space<semaphore_mem>>) src(%dma_wait3A_144 : memref<640xf32, #tpu.memory_space<vmem_shared>>) dst(%arg9 : memref<640xf32, #tpu.memory_space<vmem>>)
      tpu.yield
    }) : () -> ()
    %scan3A_26 = arith.constant 0 : i32
    %scan3A_27 = arith.constant 0 : i32
    %scan3A_28 = arith.constant 40 : i32
    %scan3A_29 = arith.addi %scan3A_27, %scan3A_28 : i32
    %scan3A_30 = arith.constant 1 : i32
    scf.for %scan3A_130 = %scan3A_27 to %scan3A_29 step %scan3A_30  : i32 {
      %mul3A_131 = arith.constant 16 : i32
      %mul3A_132 = arith.muli %scan3A_130, %mul3A_131 : i32
      %get3A = arith.index_cast %mul3A_132 : i32 to index
      %get3A_133 = tpu.vector_load %arg8[%get3A] {strides = array<i32>} : memref<640xf32, #tpu.memory_space<vmem>>, vector<16xf32>,
      %mul3A_134 = arith.constant 16 : i32
      %mul3A_135 = arith.muli %scan3A_130, %mul3A_134 : i32
      %get3A_136 = arith.index_cast %mul3A_135 : i32 to index
      %get3A_137 = tpu.vector_load %arg9[%get3A_136] {strides = array<i32>} : memref<640xf32, #tpu.memory_space<vmem>>, vector<16xf32>,
      %add3A_138 = arith.addf %get3A_133, %get3A_137 : vector<16xf32>
      %mul3A_139 = arith.constant 16 : i32
      %mul3A_140 = arith.muli %scan3A_130, %mul3A_139 : i32
      %swap3A = arith.index_cast %mul3A_140 : i32 to index
      %swap3A_141 = tpu.vector_load %arg8[%swap3A] {strides = array<i32>} : memref<640xf32, #tpu.memory_space<vmem>>, vector<16xf32>,
      tpu.vector_store %arg8[%swap3A], %add3A_138 {strides = array<i32>} : memref<640xf32, #tpu.memory_space<vmem>>, vector<16xf32>,
    }
    %scan3A_31 = arith.constant 40 : i32
    %run_scoped3A_32 = arith.constant 3 : i32
    "tpu.region"() ({
      %run_scoped3A_130 = tpu.sem_alloc : memref<!tpu.dma_semaphore, #tpu.memory_space<semaphore_mem>>
      %dma_start3A = arith.constant 0 : i32
      %dma_start3A_131 = tpu.memref_slice %arg7[%run_scoped3A_32, %dma_start3A] : memref<16x10240xf32, #tpu.memory_space<vmem_shared>> -> memref<1x10240xf32, #tpu.memory_space<vmem_shared>>
      %dma_start3A_132 = tpu.memref_squeeze %dma_start3A_131 : memref<1x10240xf32, #tpu.memory_space<vmem_shared>> -> memref<10240xf32, #tpu.memory_space<vmem_shared>>
      %dma_start3A_133 = tpu.memref_slice %dma_start3A_132[%mul3A_16] : memref<10240xf32, #tpu.memory_space<vmem_shared>> -> memref<640xf32, #tpu.memory_space<vmem_shared>>
      %dma_start3A_134 = arith.constant 0 : i32
      %dma_start3A_135 = tpu.memref_slice %arg7[%run_scoped3A_32, %dma_start3A_134] : memref<16x10240xf32, #tpu.memory_space<vmem_shared>> -> memref<1x10240xf32, #tpu.memory_space<vmem_shared>>
      %dma_start3A_136 = tpu.memref_squeeze %dma_start3A_135 : memref<1x10240xf32, #tpu.memory_space<vmem_shared>> -> memref<10240xf32, #tpu.memory_space<vmem_shared>>
      %dma_start3A_137 = tpu.memref_slice %dma_start3A_136[%mul3A_16] : memref<10240xf32, #tpu.memory_space<vmem_shared>> -> memref<640xf32, #tpu.memory_space<vmem_shared>>
      tpu.enqueue_dma source(%dma_start3A_137 : memref<640xf32, #tpu.memory_space<vmem_shared>>) target(%arg9 : memref<640xf32, #tpu.memory_space<vmem>>) target_semaphore(%run_scoped3A_130 : memref<!tpu.dma_semaphore, #tpu.memory_space<semaphore_mem>>)
      %dma_wait3A = arith.constant 0 : i32
      %dma_wait3A_138 = tpu.memref_slice %arg7[%run_scoped3A_32, %dma_wait3A] : memref<16x10240xf32, #tpu.memory_space<vmem_shared>> -> memref<1x10240xf32, #tpu.memory_space<vmem_shared>>
      %dma_wait3A_139 = tpu.memref_squeeze %dma_wait3A_138 : memref<1x10240xf32, #tpu.memory_space<vmem_shared>> -> memref<10240xf32, #tpu.memory_space<vmem_shared>>
      %dma_wait3A_140 = tpu.memref_slice %dma_wait3A_139[%mul3A_16] : memref<10240xf32, #tpu.memory_space<vmem_shared>> -> memref<640xf32, #tpu.memory_space<vmem_shared>>
      %dma_wait3A_141 = arith.constant 0 : i32
      %dma_wait3A_142 = tpu.memref_slice %arg7[%run_scoped3A_32, %dma_wait3A_141] : memref<16x10240xf32, #tpu.memory_space<vmem_shared>> -> memref<1x10240xf32, #tpu.memory_space<vmem_shared>>
      %dma_wait3A_143 = tpu.memref_squeeze %dma_wait3A_142 : memref<1x10240xf32, #tpu.memory_space<vmem_shared>> -> memref<10240xf32, #tpu.memory_space<vmem_shared>>
      %dma_wait3A_144 = tpu.memref_slice %dma_wait3A_143[%mul3A_16] : memref<10240xf32, #tpu.memory_space<vmem_shared>> -> memref<640xf32, #tpu.memory_space<vmem_shared>>
      tpu.wait_dma2 semaphore(%run_scoped3A_130 : memref<!tpu.dma_semaphore, #tpu.memory_space<semaphore_mem>>) src(%dma_wait3A_144 : memref<640xf32, #tpu.memory_space<vmem_shared>>) dst(%arg9 : memref<640xf32, #tpu.memory_space<vmem>>)
      tpu.yield
    }) : () -> ()
    %scan3A_33 = arith.constant 0 : i32
    %scan3A_34 = arith.constant 0 : i32
    %scan3A_35 = arith.constant 40 : i32
    %scan3A_36 = arith.addi %scan3A_34, %scan3A_35 : i32
    %scan3A_37 = arith.constant 1 : i32
    scf.for %scan3A_130 = %scan3A_34 to %scan3A_36 step %scan3A_37  : i32 {
      %mul3A_131 = arith.constant 16 : i32
      %mul3A_132 = arith.muli %scan3A_130, %mul3A_131 : i32
      %get3A = arith.index_cast %mul3A_132 : i32 to index
      %get3A_133 = tpu.vector_load %arg8[%get3A] {strides = array<i32>} : memref<640xf32, #tpu.memory_space<vmem>>, vector<16xf32>,
      %mul3A_134 = arith.constant 16 : i32
      %mul3A_135 = arith.muli %scan3A_130, %mul3A_134 : i32
      %get3A_136 = arith.index_cast %mul3A_135 : i32 to index
      %get3A_137 = tpu.vector_load %arg9[%get3A_136] {strides = array<i32>} : memref<640xf32, #tpu.memory_space<vmem>>, vector<16xf32>,
      %add3A_138 = arith.addf %get3A_133, %get3A_137 : vector<16xf32>
      %mul3A_139 = arith.constant 16 : i32
      %mul3A_140 = arith.muli %scan3A_130, %mul3A_139 : i32
      %swap3A = arith.index_cast %mul3A_140 : i32 to index
      %swap3A_141 = tpu.vector_load %arg8[%swap3A] {strides = array<i32>} : memref<640xf32, #tpu.memory_space<vmem>>, vector<16xf32>,
      tpu.vector_store %arg8[%swap3A], %add3A_138 {strides = array<i32>} : memref<640xf32, #tpu.memory_space<vmem>>, vector<16xf32>,
    }
    %scan3A_38 = arith.constant 40 : i32
    %run_scoped3A_39 = arith.constant 4 : i32
    "tpu.region"() ({
      %run_scoped3A_130 = tpu.sem_alloc : memref<!tpu.dma_semaphore, #tpu.memory_space<semaphore_mem>>
      %dma_start3A = arith.constant 0 : i32
      %dma_start3A_131 = tpu.memref_slice %arg7[%run_scoped3A_39, %dma_start3A] : memref<16x10240xf32, #tpu.memory_space<vmem_shared>> -> memref<1x10240xf32, #tpu.memory_space<vmem_shared>>
      %dma_start3A_132 = tpu.memref_squeeze %dma_start3A_131 : memref<1x10240xf32, #tpu.memory_space<vmem_shared>> -> memref<10240xf32, #tpu.memory_space<vmem_shared>>
      %dma_start3A_133 = tpu.memref_slice %dma_start3A_132[%mul3A_16] : memref<10240xf32, #tpu.memory_space<vmem_shared>> -> memref<640xf32, #tpu.memory_space<vmem_shared>>
      %dma_start3A_134 = arith.constant 0 : i32
      %dma_start3A_135 = tpu.memref_slice %arg7[%run_scoped3A_39, %dma_start3A_134] : memref<16x10240xf32, #tpu.memory_space<vmem_shared>> -> memref<1x10240xf32, #tpu.memory_space<vmem_shared>>
      %dma_start3A_136 = tpu.memref_squeeze %dma_start3A_135 : memref<1x10240xf32, #tpu.memory_space<vmem_shared>> -> memref<10240xf32, #tpu.memory_space<vmem_shared>>
      %dma_start3A_137 = tpu.memref_slice %dma_start3A_136[%mul3A_16] : memref<10240xf32, #tpu.memory_space<vmem_shared>> -> memref<640xf32, #tpu.memory_space<vmem_shared>>
      tpu.enqueue_dma source(%dma_start3A_137 : memref<640xf32, #tpu.memory_space<vmem_shared>>) target(%arg9 : memref<640xf32, #tpu.memory_space<vmem>>) target_semaphore(%run_scoped3A_130 : memref<!tpu.dma_semaphore, #tpu.memory_space<semaphore_mem>>)
      %dma_wait3A = arith.constant 0 : i32
      %dma_wait3A_138 = tpu.memref_slice %arg7[%run_scoped3A_39, %dma_wait3A] : memref<16x10240xf32, #tpu.memory_space<vmem_shared>> -> memref<1x10240xf32, #tpu.memory_space<vmem_shared>>
      %dma_wait3A_139 = tpu.memref_squeeze %dma_wait3A_138 : memref<1x10240xf32, #tpu.memory_space<vmem_shared>> -> memref<10240xf32, #tpu.memory_space<vmem_shared>>
      %dma_wait3A_140 = tpu.memref_slice %dma_wait3A_139[%mul3A_16] : memref<10240xf32, #tpu.memory_space<vmem_shared>> -> memref<640xf32, #tpu.memory_space<vmem_shared>>
      %dma_wait3A_141 = arith.constant 0 : i32
      %dma_wait3A_142 = tpu.memref_slice %arg7[%run_scoped3A_39, %dma_wait3A_141] : memref<16x10240xf32, #tpu.memory_space<vmem_shared>> -> memref<1x10240xf32, #tpu.memory_space<vmem_shared>>
      %dma_wait3A_143 = tpu.memref_squeeze %dma_wait3A_142 : memref<1x10240xf32, #tpu.memory_space<vmem_shared>> -> memref<10240xf32, #tpu.memory_space<vmem_shared>>
      %dma_wait3A_144 = tpu.memref_slice %dma_wait3A_143[%mul3A_16] : memref<10240xf32, #tpu.memory_space<vmem_shared>> -> memref<640xf32, #tpu.memory_space<vmem_shared>>
      tpu.wait_dma2 semaphore(%run_scoped3A_130 : memref<!tpu.dma_semaphore, #tpu.memory_space<semaphore_mem>>) src(%dma_wait3A_144 : memref<640xf32, #tpu.memory_space<vmem_shared>>) dst(%arg9 : memref<640xf32, #tpu.memory_space<vmem>>)
      tpu.yield
    }) : () -> ()
    %scan3A_40 = arith.constant 0 : i32
    %scan3A_41 = arith.constant 0 : i32
    %scan3A_42 = arith.constant 40 : i32
    %scan3A_43 = arith.addi %scan3A_41, %scan3A_42 : i32
    %scan3A_44 = arith.constant 1 : i32
    scf.for %scan3A_130 = %scan3A_41 to %scan3A_43 step %scan3A_44  : i32 {
      %mul3A_131 = arith.constant 16 : i32
      %mul3A_132 = arith.muli %scan3A_130, %mul3A_131 : i32
      %get3A = arith.index_cast %mul3A_132 : i32 to index
      %get3A_133 = tpu.vector_load %arg8[%get3A] {strides = array<i32>} : memref<640xf32, #tpu.memory_space<vmem>>, vector<16xf32>,
      %mul3A_134 = arith.constant 16 : i32
      %mul3A_135 = arith.muli %scan3A_130, %mul3A_134 : i32
      %get3A_136 = arith.index_cast %mul3A_135 : i32 to index
      %get3A_137 = tpu.vector_load %arg9[%get3A_136] {strides = array<i32>} : memref<640xf32, #tpu.memory_space<vmem>>, vector<16xf32>,
      %add3A_138 = arith.addf %get3A_133, %get3A_137 : vector<16xf32>
      %mul3A_139 = arith.constant 16 : i32
      %mul3A_140 = arith.muli %scan3A_130, %mul3A_139 : i32
      %swap3A = arith.index_cast %mul3A_140 : i32 to index
      %swap3A_141 = tpu.vector_load %arg8[%swap3A] {strides = array<i32>} : memref<640xf32, #tpu.memory_space<vmem>>, vector<16xf32>,
      tpu.vector_store %arg8[%swap3A], %add3A_138 {strides = array<i32>} : memref<640xf32, #tpu.memory_space<vmem>>, vector<16xf32>,
    }
    %scan3A_45 = arith.constant 40 : i32
    %run_scoped3A_46 = arith.constant 5 : i32
    "tpu.region"() ({
      %run_scoped3A_130 = tpu.sem_alloc : memref<!tpu.dma_semaphore, #tpu.memory_space<semaphore_mem>>
      %dma_start3A = arith.constant 0 : i32
      %dma_start3A_131 = tpu.memref_slice %arg7[%run_scoped3A_46, %dma_start3A] : memref<16x10240xf32, #tpu.memory_space<vmem_shared>> -> memref<1x10240xf32, #tpu.memory_space<vmem_shared>>
      %dma_start3A_132 = tpu.memref_squeeze %dma_start3A_131 : memref<1x10240xf32, #tpu.memory_space<vmem_shared>> -> memref<10240xf32, #tpu.memory_space<vmem_shared>>
      %dma_start3A_133 = tpu.memref_slice %dma_start3A_132[%mul3A_16] : memref<10240xf32, #tpu.memory_space<vmem_shared>> -> memref<640xf32, #tpu.memory_space<vmem_shared>>
      %dma_start3A_134 = arith.constant 0 : i32
      %dma_start3A_135 = tpu.memref_slice %arg7[%run_scoped3A_46, %dma_start3A_134] : memref<16x10240xf32, #tpu.memory_space<vmem_shared>> -> memref<1x10240xf32, #tpu.memory_space<vmem_shared>>
      %dma_start3A_136 = tpu.memref_squeeze %dma_start3A_135 : memref<1x10240xf32, #tpu.memory_space<vmem_shared>> -> memref<10240xf32, #tpu.memory_space<vmem_shared>>
      %dma_start3A_137 = tpu.memref_slice %dma_start3A_136[%mul3A_16] : memref<10240xf32, #tpu.memory_space<vmem_shared>> -> memref<640xf32, #tpu.memory_space<vmem_shared>>
      tpu.enqueue_dma source(%dma_start3A_137 : memref<640xf32, #tpu.memory_space<vmem_shared>>) target(%arg9 : memref<640xf32, #tpu.memory_space<vmem>>) target_semaphore(%run_scoped3A_130 : memref<!tpu.dma_semaphore, #tpu.memory_space<semaphore_mem>>)
      %dma_wait3A = arith.constant 0 : i32
      %dma_wait3A_138 = tpu.memref_slice %arg7[%run_scoped3A_46, %dma_wait3A] : memref<16x10240xf32, #tpu.memory_space<vmem_shared>> -> memref<1x10240xf32, #tpu.memory_space<vmem_shared>>
      %dma_wait3A_139 = tpu.memref_squeeze %dma_wait3A_138 : memref<1x10240xf32, #tpu.memory_space<vmem_shared>> -> memref<10240xf32, #tpu.memory_space<vmem_shared>>
      %dma_wait3A_140 = tpu.memref_slice %dma_wait3A_139[%mul3A_16] : memref<10240xf32, #tpu.memory_space<vmem_shared>> -> memref<640xf32, #tpu.memory_space<vmem_shared>>
      %dma_wait3A_141 = arith.constant 0 : i32
      %dma_wait3A_142 = tpu.memref_slice %arg7[%run_scoped3A_46, %dma_wait3A_141] : memref<16x10240xf32, #tpu.memory_space<vmem_shared>> -> memref<1x10240xf32, #tpu.memory_space<vmem_shared>>
      %dma_wait3A_143 = tpu.memref_squeeze %dma_wait3A_142 : memref<1x10240xf32, #tpu.memory_space<vmem_shared>> -> memref<10240xf32, #tpu.memory_space<vmem_shared>>
      %dma_wait3A_144 = tpu.memref_slice %dma_wait3A_143[%mul3A_16] : memref<10240xf32, #tpu.memory_space<vmem_shared>> -> memref<640xf32, #tpu.memory_space<vmem_shared>>
      tpu.wait_dma2 semaphore(%run_scoped3A_130 : memref<!tpu.dma_semaphore, #tpu.memory_space<semaphore_mem>>) src(%dma_wait3A_144 : memref<640xf32, #tpu.memory_space<vmem_shared>>) dst(%arg9 : memref<640xf32, #tpu.memory_space<vmem>>)
      tpu.yield
    }) : () -> ()
    %scan3A_47 = arith.constant 0 : i32
    %scan3A_48 = arith.constant 0 : i32
    %scan3A_49 = arith.constant 40 : i32
    %scan3A_50 = arith.addi %scan3A_48, %scan3A_49 : i32
    %scan3A_51 = arith.constant 1 : i32
    scf.for %scan3A_130 = %scan3A_48 to %scan3A_50 step %scan3A_51  : i32 {
      %mul3A_131 = arith.constant 16 : i32
      %mul3A_132 = arith.muli %scan3A_130, %mul3A_131 : i32
      %get3A = arith.index_cast %mul3A_132 : i32 to index
      %get3A_133 = tpu.vector_load %arg8[%get3A] {strides = array<i32>} : memref<640xf32, #tpu.memory_space<vmem>>, vector<16xf32>,
      %mul3A_134 = arith.constant 16 : i32
      %mul3A_135 = arith.muli %scan3A_130, %mul3A_134 : i32
      %get3A_136 = arith.index_cast %mul3A_135 : i32 to index
      %get3A_137 = tpu.vector_load %arg9[%get3A_136] {strides = array<i32>} : memref<640xf32, #tpu.memory_space<vmem>>, vector<16xf32>,
      %add3A_138 = arith.addf %get3A_133, %get3A_137 : vector<16xf32>
      %mul3A_139 = arith.constant 16 : i32
      %mul3A_140 = arith.muli %scan3A_130, %mul3A_139 : i32
      %swap3A = arith.index_cast %mul3A_140 : i32 to index
      %swap3A_141 = tpu.vector_load %arg8[%swap3A] {strides = array<i32>} : memref<640xf32, #tpu.memory_space<vmem>>, vector<16xf32>,
      tpu.vector_store %arg8[%swap3A], %add3A_138 {strides = array<i32>} : memref<640xf32, #tpu.memory_space<vmem>>, vector<16xf32>,
    }
    %scan3A_52 = arith.constant 40 : i32
    %run_scoped3A_53 = arith.constant 6 : i32
    "tpu.region"() ({
      %run_scoped3A_130 = tpu.sem_alloc : memref<!tpu.dma_semaphore, #tpu.memory_space<semaphore_mem>>
      %dma_start3A = arith.constant 0 : i32
      %dma_start3A_131 = tpu.memref_slice %arg7[%run_scoped3A_53, %dma_start3A] : memref<16x10240xf32, #tpu.memory_space<vmem_shared>> -> memref<1x10240xf32, #tpu.memory_space<vmem_shared>>
      %dma_start3A_132 = tpu.memref_squeeze %dma_start3A_131 : memref<1x10240xf32, #tpu.memory_space<vmem_shared>> -> memref<10240xf32, #tpu.memory_space<vmem_shared>>
      %dma_start3A_133 = tpu.memref_slice %dma_start3A_132[%mul3A_16] : memref<10240xf32, #tpu.memory_space<vmem_shared>> -> memref<640xf32, #tpu.memory_space<vmem_shared>>
      %dma_start3A_134 = arith.constant 0 : i32
      %dma_start3A_135 = tpu.memref_slice %arg7[%run_scoped3A_53, %dma_start3A_134] : memref<16x10240xf32, #tpu.memory_space<vmem_shared>> -> memref<1x10240xf32, #tpu.memory_space<vmem_shared>>
      %dma_start3A_136 = tpu.memref_squeeze %dma_start3A_135 : memref<1x10240xf32, #tpu.memory_space<vmem_shared>> -> memref<10240xf32, #tpu.memory_space<vmem_shared>>
      %dma_start3A_137 = tpu.memref_slice %dma_start3A_136[%mul3A_16] : memref<10240xf32, #tpu.memory_space<vmem_shared>> -> memref<640xf32, #tpu.memory_space<vmem_shared>>
      tpu.enqueue_dma source(%dma_start3A_137 : memref<640xf32, #tpu.memory_space<vmem_shared>>) target(%arg9 : memref<640xf32, #tpu.memory_space<vmem>>) target_semaphore(%run_scoped3A_130 : memref<!tpu.dma_semaphore, #tpu.memory_space<semaphore_mem>>)
      %dma_wait3A = arith.constant 0 : i32
      %dma_wait3A_138 = tpu.memref_slice %arg7[%run_scoped3A_53, %dma_wait3A] : memref<16x10240xf32, #tpu.memory_space<vmem_shared>> -> memref<1x10240xf32, #tpu.memory_space<vmem_shared>>
      %dma_wait3A_139 = tpu.memref_squeeze %dma_wait3A_138 : memref<1x10240xf32, #tpu.memory_space<vmem_shared>> -> memref<10240xf32, #tpu.memory_space<vmem_shared>>
      %dma_wait3A_140 = tpu.memref_slice %dma_wait3A_139[%mul3A_16] : memref<10240xf32, #tpu.memory_space<vmem_shared>> -> memref<640xf32, #tpu.memory_space<vmem_shared>>
      %dma_wait3A_141 = arith.constant 0 : i32
      %dma_wait3A_142 = tpu.memref_slice %arg7[%run_scoped3A_53, %dma_wait3A_141] : memref<16x10240xf32, #tpu.memory_space<vmem_shared>> -> memref<1x10240xf32, #tpu.memory_space<vmem_shared>>
      %dma_wait3A_143 = tpu.memref_squeeze %dma_wait3A_142 : memref<1x10240xf32, #tpu.memory_space<vmem_shared>> -> memref<10240xf32, #tpu.memory_space<vmem_shared>>
      %dma_wait3A_144 = tpu.memref_slice %dma_wait3A_143[%mul3A_16] : memref<10240xf32, #tpu.memory_space<vmem_shared>> -> memref<640xf32, #tpu.memory_space<vmem_shared>>
      tpu.wait_dma2 semaphore(%run_scoped3A_130 : memref<!tpu.dma_semaphore, #tpu.memory_space<semaphore_mem>>) src(%dma_wait3A_144 : memref<640xf32, #tpu.memory_space<vmem_shared>>) dst(%arg9 : memref<640xf32, #tpu.memory_space<vmem>>)
      tpu.yield
    }) : () -> ()
    %scan3A_54 = arith.constant 0 : i32
    %scan3A_55 = arith.constant 0 : i32
    %scan3A_56 = arith.constant 40 : i32
    %scan3A_57 = arith.addi %scan3A_55, %scan3A_56 : i32
    %scan3A_58 = arith.constant 1 : i32
    scf.for %scan3A_130 = %scan3A_55 to %scan3A_57 step %scan3A_58  : i32 {
      %mul3A_131 = arith.constant 16 : i32
      %mul3A_132 = arith.muli %scan3A_130, %mul3A_131 : i32
      %get3A = arith.index_cast %mul3A_132 : i32 to index
      %get3A_133 = tpu.vector_load %arg8[%get3A] {strides = array<i32>} : memref<640xf32, #tpu.memory_space<vmem>>, vector<16xf32>,
      %mul3A_134 = arith.constant 16 : i32
      %mul3A_135 = arith.muli %scan3A_130, %mul3A_134 : i32
      %get3A_136 = arith.index_cast %mul3A_135 : i32 to index
      %get3A_137 = tpu.vector_load %arg9[%get3A_136] {strides = array<i32>} : memref<640xf32, #tpu.memory_space<vmem>>, vector<16xf32>,
      %add3A_138 = arith.addf %get3A_133, %get3A_137 : vector<16xf32>
      %mul3A_139 = arith.constant 16 : i32
      %mul3A_140 = arith.muli %scan3A_130, %mul3A_139 : i32
      %swap3A = arith.index_cast %mul3A_140 : i32 to index
      %swap3A_141 = tpu.vector_load %arg8[%swap3A] {strides = array<i32>} : memref<640xf32, #tpu.memory_space<vmem>>, vector<16xf32>,
      tpu.vector_store %arg8[%swap3A], %add3A_138 {strides = array<i32>} : memref<640xf32, #tpu.memory_space<vmem>>, vector<16xf32>,
    }
    %scan3A_59 = arith.constant 40 : i32
    %run_scoped3A_60 = arith.constant 7 : i32
    "tpu.region"() ({
      %run_scoped3A_130 = tpu.sem_alloc : memref<!tpu.dma_semaphore, #tpu.memory_space<semaphore_mem>>
      %dma_start3A = arith.constant 0 : i32
      %dma_start3A_131 = tpu.memref_slice %arg7[%run_scoped3A_60, %dma_start3A] : memref<16x10240xf32, #tpu.memory_space<vmem_shared>> -> memref<1x10240xf32, #tpu.memory_space<vmem_shared>>
      %dma_start3A_132 = tpu.memref_squeeze %dma_start3A_131 : memref<1x10240xf32, #tpu.memory_space<vmem_shared>> -> memref<10240xf32, #tpu.memory_space<vmem_shared>>
      %dma_start3A_133 = tpu.memref_slice %dma_start3A_132[%mul3A_16] : memref<10240xf32, #tpu.memory_space<vmem_shared>> -> memref<640xf32, #tpu.memory_space<vmem_shared>>
      %dma_start3A_134 = arith.constant 0 : i32
      %dma_start3A_135 = tpu.memref_slice %arg7[%run_scoped3A_60, %dma_start3A_134] : memref<16x10240xf32, #tpu.memory_space<vmem_shared>> -> memref<1x10240xf32, #tpu.memory_space<vmem_shared>>
      %dma_start3A_136 = tpu.memref_squeeze %dma_start3A_135 : memref<1x10240xf32, #tpu.memory_space<vmem_shared>> -> memref<10240xf32, #tpu.memory_space<vmem_shared>>
      %dma_start3A_137 = tpu.memref_slice %dma_start3A_136[%mul3A_16] : memref<10240xf32, #tpu.memory_space<vmem_shared>> -> memref<640xf32, #tpu.memory_space<vmem_shared>>
      tpu.enqueue_dma source(%dma_start3A_137 : memref<640xf32, #tpu.memory_space<vmem_shared>>) target(%arg9 : memref<640xf32, #tpu.memory_space<vmem>>) target_semaphore(%run_scoped3A_130 : memref<!tpu.dma_semaphore, #tpu.memory_space<semaphore_mem>>)
      %dma_wait3A = arith.constant 0 : i32
      %dma_wait3A_138 = tpu.memref_slice %arg7[%run_scoped3A_60, %dma_wait3A] : memref<16x10240xf32, #tpu.memory_space<vmem_shared>> -> memref<1x10240xf32, #tpu.memory_space<vmem_shared>>
      %dma_wait3A_139 = tpu.memref_squeeze %dma_wait3A_138 : memref<1x10240xf32, #tpu.memory_space<vmem_shared>> -> memref<10240xf32, #tpu.memory_space<vmem_shared>>
      %dma_wait3A_140 = tpu.memref_slice %dma_wait3A_139[%mul3A_16] : memref<10240xf32, #tpu.memory_space<vmem_shared>> -> memref<640xf32, #tpu.memory_space<vmem_shared>>
      %dma_wait3A_141 = arith.constant 0 : i32
      %dma_wait3A_142 = tpu.memref_slice %arg7[%run_scoped3A_60, %dma_wait3A_141] : memref<16x10240xf32, #tpu.memory_space<vmem_shared>> -> memref<1x10240xf32, #tpu.memory_space<vmem_shared>>
      %dma_wait3A_143 = tpu.memref_squeeze %dma_wait3A_142 : memref<1x10240xf32, #tpu.memory_space<vmem_shared>> -> memref<10240xf32, #tpu.memory_space<vmem_shared>>
      %dma_wait3A_144 = tpu.memref_slice %dma_wait3A_143[%mul3A_16] : memref<10240xf32, #tpu.memory_space<vmem_shared>> -> memref<640xf32, #tpu.memory_space<vmem_shared>>
      tpu.wait_dma2 semaphore(%run_scoped3A_130 : memref<!tpu.dma_semaphore, #tpu.memory_space<semaphore_mem>>) src(%dma_wait3A_144 : memref<640xf32, #tpu.memory_space<vmem_shared>>) dst(%arg9 : memref<640xf32, #tpu.memory_space<vmem>>)
      tpu.yield
    }) : () -> ()
    %scan3A_61 = arith.constant 0 : i32
    %scan3A_62 = arith.constant 0 : i32
    %scan3A_63 = arith.constant 40 : i32
    %scan3A_64 = arith.addi %scan3A_62, %scan3A_63 : i32
    %scan3A_65 = arith.constant 1 : i32
    scf.for %scan3A_130 = %scan3A_62 to %scan3A_64 step %scan3A_65  : i32 {
      %mul3A_131 = arith.constant 16 : i32
      %mul3A_132 = arith.muli %scan3A_130, %mul3A_131 : i32
      %get3A = arith.index_cast %mul3A_132 : i32 to index
      %get3A_133 = tpu.vector_load %arg8[%get3A] {strides = array<i32>} : memref<640xf32, #tpu.memory_space<vmem>>, vector<16xf32>,
      %mul3A_134 = arith.constant 16 : i32
      %mul3A_135 = arith.muli %scan3A_130, %mul3A_134 : i32
      %get3A_136 = arith.index_cast %mul3A_135 : i32 to index
      %get3A_137 = tpu.vector_load %arg9[%get3A_136] {strides = array<i32>} : memref<640xf32, #tpu.memory_space<vmem>>, vector<16xf32>,
      %add3A_138 = arith.addf %get3A_133, %get3A_137 : vector<16xf32>
      %mul3A_139 = arith.constant 16 : i32
      %mul3A_140 = arith.muli %scan3A_130, %mul3A_139 : i32
      %swap3A = arith.index_cast %mul3A_140 : i32 to index
      %swap3A_141 = tpu.vector_load %arg8[%swap3A] {strides = array<i32>} : memref<640xf32, #tpu.memory_space<vmem>>, vector<16xf32>,
      tpu.vector_store %arg8[%swap3A], %add3A_138 {strides = array<i32>} : memref<640xf32, #tpu.memory_space<vmem>>, vector<16xf32>,
    }
    %scan3A_66 = arith.constant 40 : i32
    %run_scoped3A_67 = arith.constant 8 : i32
    "tpu.region"() ({
      %run_scoped3A_130 = tpu.sem_alloc : memref<!tpu.dma_semaphore, #tpu.memory_space<semaphore_mem>>
      %dma_start3A = arith.constant 0 : i32
      %dma_start3A_131 = tpu.memref_slice %arg7[%run_scoped3A_67, %dma_start3A] : memref<16x10240xf32, #tpu.memory_space<vmem_shared>> -> memref<1x10240xf32, #tpu.memory_space<vmem_shared>>
      %dma_start3A_132 = tpu.memref_squeeze %dma_start3A_131 : memref<1x10240xf32, #tpu.memory_space<vmem_shared>> -> memref<10240xf32, #tpu.memory_space<vmem_shared>>
      %dma_start3A_133 = tpu.memref_slice %dma_start3A_132[%mul3A_16] : memref<10240xf32, #tpu.memory_space<vmem_shared>> -> memref<640xf32, #tpu.memory_space<vmem_shared>>
      %dma_start3A_134 = arith.constant 0 : i32
      %dma_start3A_135 = tpu.memref_slice %arg7[%run_scoped3A_67, %dma_start3A_134] : memref<16x10240xf32, #tpu.memory_space<vmem_shared>> -> memref<1x10240xf32, #tpu.memory_space<vmem_shared>>
      %dma_start3A_136 = tpu.memref_squeeze %dma_start3A_135 : memref<1x10240xf32, #tpu.memory_space<vmem_shared>> -> memref<10240xf32, #tpu.memory_space<vmem_shared>>
      %dma_start3A_137 = tpu.memref_slice %dma_start3A_136[%mul3A_16] : memref<10240xf32, #tpu.memory_space<vmem_shared>> -> memref<640xf32, #tpu.memory_space<vmem_shared>>
      tpu.enqueue_dma source(%dma_start3A_137 : memref<640xf32, #tpu.memory_space<vmem_shared>>) target(%arg9 : memref<640xf32, #tpu.memory_space<vmem>>) target_semaphore(%run_scoped3A_130 : memref<!tpu.dma_semaphore, #tpu.memory_space<semaphore_mem>>)
      %dma_wait3A = arith.constant 0 : i32
      %dma_wait3A_138 = tpu.memref_slice %arg7[%run_scoped3A_67, %dma_wait3A] : memref<16x10240xf32, #tpu.memory_space<vmem_shared>> -> memref<1x10240xf32, #tpu.memory_space<vmem_shared>>
      %dma_wait3A_139 = tpu.memref_squeeze %dma_wait3A_138 : memref<1x10240xf32, #tpu.memory_space<vmem_shared>> -> memref<10240xf32, #tpu.memory_space<vmem_shared>>
      %dma_wait3A_140 = tpu.memref_slice %dma_wait3A_139[%mul3A_16] : memref<10240xf32, #tpu.memory_space<vmem_shared>> -> memref<640xf32, #tpu.memory_space<vmem_shared>>
      %dma_wait3A_141 = arith.constant 0 : i32
      %dma_wait3A_142 = tpu.memref_slice %arg7[%run_scoped3A_67, %dma_wait3A_141] : memref<16x10240xf32, #tpu.memory_space<vmem_shared>> -> memref<1x10240xf32, #tpu.memory_space<vmem_shared>>
      %dma_wait3A_143 = tpu.memref_squeeze %dma_wait3A_142 : memref<1x10240xf32, #tpu.memory_space<vmem_shared>> -> memref<10240xf32, #tpu.memory_space<vmem_shared>>
      %dma_wait3A_144 = tpu.memref_slice %dma_wait3A_143[%mul3A_16] : memref<10240xf32, #tpu.memory_space<vmem_shared>> -> memref<640xf32, #tpu.memory_space<vmem_shared>>
      tpu.wait_dma2 semaphore(%run_scoped3A_130 : memref<!tpu.dma_semaphore, #tpu.memory_space<semaphore_mem>>) src(%dma_wait3A_144 : memref<640xf32, #tpu.memory_space<vmem_shared>>) dst(%arg9 : memref<640xf32, #tpu.memory_space<vmem>>)
      tpu.yield
    }) : () -> ()
    %scan3A_68 = arith.constant 0 : i32
    %scan3A_69 = arith.constant 0 : i32
    %scan3A_70 = arith.constant 40 : i32
    %scan3A_71 = arith.addi %scan3A_69, %scan3A_70 : i32
    %scan3A_72 = arith.constant 1 : i32
    scf.for %scan3A_130 = %scan3A_69 to %scan3A_71 step %scan3A_72  : i32 {
      %mul3A_131 = arith.constant 16 : i32
      %mul3A_132 = arith.muli %scan3A_130, %mul3A_131 : i32
      %get3A = arith.index_cast %mul3A_132 : i32 to index
      %get3A_133 = tpu.vector_load %arg8[%get3A] {strides = array<i32>} : memref<640xf32, #tpu.memory_space<vmem>>, vector<16xf32>,
      %mul3A_134 = arith.constant 16 : i32
      %mul3A_135 = arith.muli %scan3A_130, %mul3A_134 : i32
      %get3A_136 = arith.index_cast %mul3A_135 : i32 to index
      %get3A_137 = tpu.vector_load %arg9[%get3A_136] {strides = array<i32>} : memref<640xf32, #tpu.memory_space<vmem>>, vector<16xf32>,
      %add3A_138 = arith.addf %get3A_133, %get3A_137 : vector<16xf32>
      %mul3A_139 = arith.constant 16 : i32
      %mul3A_140 = arith.muli %scan3A_130, %mul3A_139 : i32
      %swap3A = arith.index_cast %mul3A_140 : i32 to index
      %swap3A_141 = tpu.vector_load %arg8[%swap3A] {strides = array<i32>} : memref<640xf32, #tpu.memory_space<vmem>>, vector<16xf32>,
      tpu.vector_store %arg8[%swap3A], %add3A_138 {strides = array<i32>} : memref<640xf32, #tpu.memory_space<vmem>>, vector<16xf32>,
    }
    %scan3A_73 = arith.constant 40 : i32
    %run_scoped3A_74 = arith.constant 9 : i32
    "tpu.region"() ({
      %run_scoped3A_130 = tpu.sem_alloc : memref<!tpu.dma_semaphore, #tpu.memory_space<semaphore_mem>>
      %dma_start3A = arith.constant 0 : i32
      %dma_start3A_131 = tpu.memref_slice %arg7[%run_scoped3A_74, %dma_start3A] : memref<16x10240xf32, #tpu.memory_space<vmem_shared>> -> memref<1x10240xf32, #tpu.memory_space<vmem_shared>>
      %dma_start3A_132 = tpu.memref_squeeze %dma_start3A_131 : memref<1x10240xf32, #tpu.memory_space<vmem_shared>> -> memref<10240xf32, #tpu.memory_space<vmem_shared>>
      %dma_start3A_133 = tpu.memref_slice %dma_start3A_132[%mul3A_16] : memref<10240xf32, #tpu.memory_space<vmem_shared>> -> memref<640xf32, #tpu.memory_space<vmem_shared>>
      %dma_start3A_134 = arith.constant 0 : i32
      %dma_start3A_135 = tpu.memref_slice %arg7[%run_scoped3A_74, %dma_start3A_134] : memref<16x10240xf32, #tpu.memory_space<vmem_shared>> -> memref<1x10240xf32, #tpu.memory_space<vmem_shared>>
      %dma_start3A_136 = tpu.memref_squeeze %dma_start3A_135 : memref<1x10240xf32, #tpu.memory_space<vmem_shared>> -> memref<10240xf32, #tpu.memory_space<vmem_shared>>
      %dma_start3A_137 = tpu.memref_slice %dma_start3A_136[%mul3A_16] : memref<10240xf32, #tpu.memory_space<vmem_shared>> -> memref<640xf32, #tpu.memory_space<vmem_shared>>
      tpu.enqueue_dma source(%dma_start3A_137 : memref<640xf32, #tpu.memory_space<vmem_shared>>) target(%arg9 : memref<640xf32, #tpu.memory_space<vmem>>) target_semaphore(%run_scoped3A_130 : memref<!tpu.dma_semaphore, #tpu.memory_space<semaphore_mem>>)
      %dma_wait3A = arith.constant 0 : i32
      %dma_wait3A_138 = tpu.memref_slice %arg7[%run_scoped3A_74, %dma_wait3A] : memref<16x10240xf32, #tpu.memory_space<vmem_shared>> -> memref<1x10240xf32, #tpu.memory_space<vmem_shared>>
      %dma_wait3A_139 = tpu.memref_squeeze %dma_wait3A_138 : memref<1x10240xf32, #tpu.memory_space<vmem_shared>> -> memref<10240xf32, #tpu.memory_space<vmem_shared>>
      %dma_wait3A_140 = tpu.memref_slice %dma_wait3A_139[%mul3A_16] : memref<10240xf32, #tpu.memory_space<vmem_shared>> -> memref<640xf32, #tpu.memory_space<vmem_shared>>
      %dma_wait3A_141 = arith.constant 0 : i32
      %dma_wait3A_142 = tpu.memref_slice %arg7[%run_scoped3A_74, %dma_wait3A_141] : memref<16x10240xf32, #tpu.memory_space<vmem_shared>> -> memref<1x10240xf32, #tpu.memory_space<vmem_shared>>
      %dma_wait3A_143 = tpu.memref_squeeze %dma_wait3A_142 : memref<1x10240xf32, #tpu.memory_space<vmem_shared>> -> memref<10240xf32, #tpu.memory_space<vmem_shared>>
      %dma_wait3A_144 = tpu.memref_slice %dma_wait3A_143[%mul3A_16] : memref<10240xf32, #tpu.memory_space<vmem_shared>> -> memref<640xf32, #tpu.memory_space<vmem_shared>>
      tpu.wait_dma2 semaphore(%run_scoped3A_130 : memref<!tpu.dma_semaphore, #tpu.memory_space<semaphore_mem>>) src(%dma_wait3A_144 : memref<640xf32, #tpu.memory_space<vmem_shared>>) dst(%arg9 : memref<640xf32, #tpu.memory_space<vmem>>)
      tpu.yield
    }) : () -> ()
    %scan3A_75 = arith.constant 0 : i32
    %scan3A_76 = arith.constant 0 : i32
    %scan3A_77 = arith.constant 40 : i32
    %scan3A_78 = arith.addi %scan3A_76, %scan3A_77 : i32
    %scan3A_79 = arith.constant 1 : i32
    scf.for %scan3A_130 = %scan3A_76 to %scan3A_78 step %scan3A_79  : i32 {
      %mul3A_131 = arith.constant 16 : i32
      %mul3A_132 = arith.muli %scan3A_130, %mul3A_131 : i32
      %get3A = arith.index_cast %mul3A_132 : i32 to index
      %get3A_133 = tpu.vector_load %arg8[%get3A] {strides = array<i32>} : memref<640xf32, #tpu.memory_space<vmem>>, vector<16xf32>,
      %mul3A_134 = arith.constant 16 : i32
      %mul3A_135 = arith.muli %scan3A_130, %mul3A_134 : i32
      %get3A_136 = arith.index_cast %mul3A_135 : i32 to index
      %get3A_137 = tpu.vector_load %arg9[%get3A_136] {strides = array<i32>} : memref<640xf32, #tpu.memory_space<vmem>>, vector<16xf32>,
      %add3A_138 = arith.addf %get3A_133, %get3A_137 : vector<16xf32>
      %mul3A_139 = arith.constant 16 : i32
      %mul3A_140 = arith.muli %scan3A_130, %mul3A_139 : i32
      %swap3A = arith.index_cast %mul3A_140 : i32 to index
      %swap3A_141 = tpu.vector_load %arg8[%swap3A] {strides = array<i32>} : memref<640xf32, #tpu.memory_space<vmem>>, vector<16xf32>,
      tpu.vector_store %arg8[%swap3A], %add3A_138 {strides = array<i32>} : memref<640xf32, #tpu.memory_space<vmem>>, vector<16xf32>,
    }
    %scan3A_80 = arith.constant 40 : i32
    %run_scoped3A_81 = arith.constant 10 : i32
    "tpu.region"() ({
      %run_scoped3A_130 = tpu.sem_alloc : memref<!tpu.dma_semaphore, #tpu.memory_space<semaphore_mem>>
      %dma_start3A = arith.constant 0 : i32
      %dma_start3A_131 = tpu.memref_slice %arg7[%run_scoped3A_81, %dma_start3A] : memref<16x10240xf32, #tpu.memory_space<vmem_shared>> -> memref<1x10240xf32, #tpu.memory_space<vmem_shared>>
      %dma_start3A_132 = tpu.memref_squeeze %dma_start3A_131 : memref<1x10240xf32, #tpu.memory_space<vmem_shared>> -> memref<10240xf32, #tpu.memory_space<vmem_shared>>
      %dma_start3A_133 = tpu.memref_slice %dma_start3A_132[%mul3A_16] : memref<10240xf32, #tpu.memory_space<vmem_shared>> -> memref<640xf32, #tpu.memory_space<vmem_shared>>
      %dma_start3A_134 = arith.constant 0 : i32
      %dma_start3A_135 = tpu.memref_slice %arg7[%run_scoped3A_81, %dma_start3A_134] : memref<16x10240xf32, #tpu.memory_space<vmem_shared>> -> memref<1x10240xf32, #tpu.memory_space<vmem_shared>>
      %dma_start3A_136 = tpu.memref_squeeze %dma_start3A_135 : memref<1x10240xf32, #tpu.memory_space<vmem_shared>> -> memref<10240xf32, #tpu.memory_space<vmem_shared>>
      %dma_start3A_137 = tpu.memref_slice %dma_start3A_136[%mul3A_16] : memref<10240xf32, #tpu.memory_space<vmem_shared>> -> memref<640xf32, #tpu.memory_space<vmem_shared>>
      tpu.enqueue_dma source(%dma_start3A_137 : memref<640xf32, #tpu.memory_space<vmem_shared>>) target(%arg9 : memref<640xf32, #tpu.memory_space<vmem>>) target_semaphore(%run_scoped3A_130 : memref<!tpu.dma_semaphore, #tpu.memory_space<semaphore_mem>>)
      %dma_wait3A = arith.constant 0 : i32
      %dma_wait3A_138 = tpu.memref_slice %arg7[%run_scoped3A_81, %dma_wait3A] : memref<16x10240xf32, #tpu.memory_space<vmem_shared>> -> memref<1x10240xf32, #tpu.memory_space<vmem_shared>>
      %dma_wait3A_139 = tpu.memref_squeeze %dma_wait3A_138 : memref<1x10240xf32, #tpu.memory_space<vmem_shared>> -> memref<10240xf32, #tpu.memory_space<vmem_shared>>
      %dma_wait3A_140 = tpu.memref_slice %dma_wait3A_139[%mul3A_16] : memref<10240xf32, #tpu.memory_space<vmem_shared>> -> memref<640xf32, #tpu.memory_space<vmem_shared>>
      %dma_wait3A_141 = arith.constant 0 : i32
      %dma_wait3A_142 = tpu.memref_slice %arg7[%run_scoped3A_81, %dma_wait3A_141] : memref<16x10240xf32, #tpu.memory_space<vmem_shared>> -> memref<1x10240xf32, #tpu.memory_space<vmem_shared>>
      %dma_wait3A_143 = tpu.memref_squeeze %dma_wait3A_142 : memref<1x10240xf32, #tpu.memory_space<vmem_shared>> -> memref<10240xf32, #tpu.memory_space<vmem_shared>>
      %dma_wait3A_144 = tpu.memref_slice %dma_wait3A_143[%mul3A_16] : memref<10240xf32, #tpu.memory_space<vmem_shared>> -> memref<640xf32, #tpu.memory_space<vmem_shared>>
      tpu.wait_dma2 semaphore(%run_scoped3A_130 : memref<!tpu.dma_semaphore, #tpu.memory_space<semaphore_mem>>) src(%dma_wait3A_144 : memref<640xf32, #tpu.memory_space<vmem_shared>>) dst(%arg9 : memref<640xf32, #tpu.memory_space<vmem>>)
      tpu.yield
    }) : () -> ()
    %scan3A_82 = arith.constant 0 : i32
    %scan3A_83 = arith.constant 0 : i32
    %scan3A_84 = arith.constant 40 : i32
    %scan3A_85 = arith.addi %scan3A_83, %scan3A_84 : i32
    %scan3A_86 = arith.constant 1 : i32
    scf.for %scan3A_130 = %scan3A_83 to %scan3A_85 step %scan3A_86  : i32 {
      %mul3A_131 = arith.constant 16 : i32
      %mul3A_132 = arith.muli %scan3A_130, %mul3A_131 : i32
      %get3A = arith.index_cast %mul3A_132 : i32 to index
      %get3A_133 = tpu.vector_load %arg8[%get3A] {strides = array<i32>} : memref<640xf32, #tpu.memory_space<vmem>>, vector<16xf32>,
      %mul3A_134 = arith.constant 16 : i32
      %mul3A_135 = arith.muli %scan3A_130, %mul3A_134 : i32
      %get3A_136 = arith.index_cast %mul3A_135 : i32 to index
      %get3A_137 = tpu.vector_load %arg9[%get3A_136] {strides = array<i32>} : memref<640xf32, #tpu.memory_space<vmem>>, vector<16xf32>,
      %add3A_138 = arith.addf %get3A_133, %get3A_137 : vector<16xf32>
      %mul3A_139 = arith.constant 16 : i32
      %mul3A_140 = arith.muli %scan3A_130, %mul3A_139 : i32
      %swap3A = arith.index_cast %mul3A_140 : i32 to index
      %swap3A_141 = tpu.vector_load %arg8[%swap3A] {strides = array<i32>} : memref<640xf32, #tpu.memory_space<vmem>>, vector<16xf32>,
      tpu.vector_store %arg8[%swap3A], %add3A_138 {strides = array<i32>} : memref<640xf32, #tpu.memory_space<vmem>>, vector<16xf32>,
    }
    %scan3A_87 = arith.constant 40 : i32
    %run_scoped3A_88 = arith.constant 11 : i32
    "tpu.region"() ({
      %run_scoped3A_130 = tpu.sem_alloc : memref<!tpu.dma_semaphore, #tpu.memory_space<semaphore_mem>>
      %dma_start3A = arith.constant 0 : i32
      %dma_start3A_131 = tpu.memref_slice %arg7[%run_scoped3A_88, %dma_start3A] : memref<16x10240xf32, #tpu.memory_space<vmem_shared>> -> memref<1x10240xf32, #tpu.memory_space<vmem_shared>>
      %dma_start3A_132 = tpu.memref_squeeze %dma_start3A_131 : memref<1x10240xf32, #tpu.memory_space<vmem_shared>> -> memref<10240xf32, #tpu.memory_space<vmem_shared>>
      %dma_start3A_133 = tpu.memref_slice %dma_start3A_132[%mul3A_16] : memref<10240xf32, #tpu.memory_space<vmem_shared>> -> memref<640xf32, #tpu.memory_space<vmem_shared>>
      %dma_start3A_134 = arith.constant 0 : i32
      %dma_start3A_135 = tpu.memref_slice %arg7[%run_scoped3A_88, %dma_start3A_134] : memref<16x10240xf32, #tpu.memory_space<vmem_shared>> -> memref<1x10240xf32, #tpu.memory_space<vmem_shared>>
      %dma_start3A_136 = tpu.memref_squeeze %dma_start3A_135 : memref<1x10240xf32, #tpu.memory_space<vmem_shared>> -> memref<10240xf32, #tpu.memory_space<vmem_shared>>
      %dma_start3A_137 = tpu.memref_slice %dma_start3A_136[%mul3A_16] : memref<10240xf32, #tpu.memory_space<vmem_shared>> -> memref<640xf32, #tpu.memory_space<vmem_shared>>
      tpu.enqueue_dma source(%dma_start3A_137 : memref<640xf32, #tpu.memory_space<vmem_shared>>) target(%arg9 : memref<640xf32, #tpu.memory_space<vmem>>) target_semaphore(%run_scoped3A_130 : memref<!tpu.dma_semaphore, #tpu.memory_space<semaphore_mem>>)
      %dma_wait3A = arith.constant 0 : i32
      %dma_wait3A_138 = tpu.memref_slice %arg7[%run_scoped3A_88, %dma_wait3A] : memref<16x10240xf32, #tpu.memory_space<vmem_shared>> -> memref<1x10240xf32, #tpu.memory_space<vmem_shared>>
      %dma_wait3A_139 = tpu.memref_squeeze %dma_wait3A_138 : memref<1x10240xf32, #tpu.memory_space<vmem_shared>> -> memref<10240xf32, #tpu.memory_space<vmem_shared>>
      %dma_wait3A_140 = tpu.memref_slice %dma_wait3A_139[%mul3A_16] : memref<10240xf32, #tpu.memory_space<vmem_shared>> -> memref<640xf32, #tpu.memory_space<vmem_shared>>
      %dma_wait3A_141 = arith.constant 0 : i32
      %dma_wait3A_142 = tpu.memref_slice %arg7[%run_scoped3A_88, %dma_wait3A_141] : memref<16x10240xf32, #tpu.memory_space<vmem_shared>> -> memref<1x10240xf32, #tpu.memory_space<vmem_shared>>
      %dma_wait3A_143 = tpu.memref_squeeze %dma_wait3A_142 : memref<1x10240xf32, #tpu.memory_space<vmem_shared>> -> memref<10240xf32, #tpu.memory_space<vmem_shared>>
      %dma_wait3A_144 = tpu.memref_slice %dma_wait3A_143[%mul3A_16] : memref<10240xf32, #tpu.memory_space<vmem_shared>> -> memref<640xf32, #tpu.memory_space<vmem_shared>>
      tpu.wait_dma2 semaphore(%run_scoped3A_130 : memref<!tpu.dma_semaphore, #tpu.memory_space<semaphore_mem>>) src(%dma_wait3A_144 : memref<640xf32, #tpu.memory_space<vmem_shared>>) dst(%arg9 : memref<640xf32, #tpu.memory_space<vmem>>)
      tpu.yield
    }) : () -> ()
    %scan3A_89 = arith.constant 0 : i32
    %scan3A_90 = arith.constant 0 : i32
    %scan3A_91 = arith.constant 40 : i32
    %scan3A_92 = arith.addi %scan3A_90, %scan3A_91 : i32
    %scan3A_93 = arith.constant 1 : i32
    scf.for %scan3A_130 = %scan3A_90 to %scan3A_92 step %scan3A_93  : i32 {
      %mul3A_131 = arith.constant 16 : i32
      %mul3A_132 = arith.muli %scan3A_130, %mul3A_131 : i32
      %get3A = arith.index_cast %mul3A_132 : i32 to index
      %get3A_133 = tpu.vector_load %arg8[%get3A] {strides = array<i32>} : memref<640xf32, #tpu.memory_space<vmem>>, vector<16xf32>,
      %mul3A_134 = arith.constant 16 : i32
      %mul3A_135 = arith.muli %scan3A_130, %mul3A_134 : i32
      %get3A_136 = arith.index_cast %mul3A_135 : i32 to index
      %get3A_137 = tpu.vector_load %arg9[%get3A_136] {strides = array<i32>} : memref<640xf32, #tpu.memory_space<vmem>>, vector<16xf32>,
      %add3A_138 = arith.addf %get3A_133, %get3A_137 : vector<16xf32>
      %mul3A_139 = arith.constant 16 : i32
      %mul3A_140 = arith.muli %scan3A_130, %mul3A_139 : i32
      %swap3A = arith.index_cast %mul3A_140 : i32 to index
      %swap3A_141 = tpu.vector_load %arg8[%swap3A] {strides = array<i32>} : memref<640xf32, #tpu.memory_space<vmem>>, vector<16xf32>,
      tpu.vector_store %arg8[%swap3A], %add3A_138 {strides = array<i32>} : memref<640xf32, #tpu.memory_space<vmem>>, vector<16xf32>,
    }
    %scan3A_94 = arith.constant 40 : i32
    %run_scoped3A_95 = arith.constant 12 : i32
    "tpu.region"() ({
      %run_scoped3A_130 = tpu.sem_alloc : memref<!tpu.dma_semaphore, #tpu.memory_space<semaphore_mem>>
      %dma_start3A = arith.constant 0 : i32
      %dma_start3A_131 = tpu.memref_slice %arg7[%run_scoped3A_95, %dma_start3A] : memref<16x10240xf32, #tpu.memory_space<vmem_shared>> -> memref<1x10240xf32, #tpu.memory_space<vmem_shared>>
      %dma_start3A_132 = tpu.memref_squeeze %dma_start3A_131 : memref<1x10240xf32, #tpu.memory_space<vmem_shared>> -> memref<10240xf32, #tpu.memory_space<vmem_shared>>
      %dma_start3A_133 = tpu.memref_slice %dma_start3A_132[%mul3A_16] : memref<10240xf32, #tpu.memory_space<vmem_shared>> -> memref<640xf32, #tpu.memory_space<vmem_shared>>
      %dma_start3A_134 = arith.constant 0 : i32
      %dma_start3A_135 = tpu.memref_slice %arg7[%run_scoped3A_95, %dma_start3A_134] : memref<16x10240xf32, #tpu.memory_space<vmem_shared>> -> memref<1x10240xf32, #tpu.memory_space<vmem_shared>>
      %dma_start3A_136 = tpu.memref_squeeze %dma_start3A_135 : memref<1x10240xf32, #tpu.memory_space<vmem_shared>> -> memref<10240xf32, #tpu.memory_space<vmem_shared>>
      %dma_start3A_137 = tpu.memref_slice %dma_start3A_136[%mul3A_16] : memref<10240xf32, #tpu.memory_space<vmem_shared>> -> memref<640xf32, #tpu.memory_space<vmem_shared>>
      tpu.enqueue_dma source(%dma_start3A_137 : memref<640xf32, #tpu.memory_space<vmem_shared>>) target(%arg9 : memref<640xf32, #tpu.memory_space<vmem>>) target_semaphore(%run_scoped3A_130 : memref<!tpu.dma_semaphore, #tpu.memory_space<semaphore_mem>>)
      %dma_wait3A = arith.constant 0 : i32
      %dma_wait3A_138 = tpu.memref_slice %arg7[%run_scoped3A_95, %dma_wait3A] : memref<16x10240xf32, #tpu.memory_space<vmem_shared>> -> memref<1x10240xf32, #tpu.memory_space<vmem_shared>>
      %dma_wait3A_139 = tpu.memref_squeeze %dma_wait3A_138 : memref<1x10240xf32, #tpu.memory_space<vmem_shared>> -> memref<10240xf32, #tpu.memory_space<vmem_shared>>
      %dma_wait3A_140 = tpu.memref_slice %dma_wait3A_139[%mul3A_16] : memref<10240xf32, #tpu.memory_space<vmem_shared>> -> memref<640xf32, #tpu.memory_space<vmem_shared>>
      %dma_wait3A_141 = arith.constant 0 : i32
      %dma_wait3A_142 = tpu.memref_slice %arg7[%run_scoped3A_95, %dma_wait3A_141] : memref<16x10240xf32, #tpu.memory_space<vmem_shared>> -> memref<1x10240xf32, #tpu.memory_space<vmem_shared>>
      %dma_wait3A_143 = tpu.memref_squeeze %dma_wait3A_142 : memref<1x10240xf32, #tpu.memory_space<vmem_shared>> -> memref<10240xf32, #tpu.memory_space<vmem_shared>>
      %dma_wait3A_144 = tpu.memref_slice %dma_wait3A_143[%mul3A_16] : memref<10240xf32, #tpu.memory_space<vmem_shared>> -> memref<640xf32, #tpu.memory_space<vmem_shared>>
      tpu.wait_dma2 semaphore(%run_scoped3A_130 : memref<!tpu.dma_semaphore, #tpu.memory_space<semaphore_mem>>) src(%dma_wait3A_144 : memref<640xf32, #tpu.memory_space<vmem_shared>>) dst(%arg9 : memref<640xf32, #tpu.memory_space<vmem>>)
      tpu.yield
    }) : () -> ()
    %scan3A_96 = arith.constant 0 : i32
    %scan3A_97 = arith.constant 0 : i32
    %scan3A_98 = arith.constant 40 : i32
    %scan3A_99 = arith.addi %scan3A_97, %scan3A_98 : i32
    %scan3A_100 = arith.constant 1 : i32
    scf.for %scan3A_130 = %scan3A_97 to %scan3A_99 step %scan3A_100  : i32 {
      %mul3A_131 = arith.constant 16 : i32
      %mul3A_132 = arith.muli %scan3A_130, %mul3A_131 : i32
      %get3A = arith.index_cast %mul3A_132 : i32 to index
      %get3A_133 = tpu.vector_load %arg8[%get3A] {strides = array<i32>} : memref<640xf32, #tpu.memory_space<vmem>>, vector<16xf32>,
      %mul3A_134 = arith.constant 16 : i32
      %mul3A_135 = arith.muli %scan3A_130, %mul3A_134 : i32
      %get3A_136 = arith.index_cast %mul3A_135 : i32 to index
      %get3A_137 = tpu.vector_load %arg9[%get3A_136] {strides = array<i32>} : memref<640xf32, #tpu.memory_space<vmem>>, vector<16xf32>,
      %add3A_138 = arith.addf %get3A_133, %get3A_137 : vector<16xf32>
      %mul3A_139 = arith.constant 16 : i32
      %mul3A_140 = arith.muli %scan3A_130, %mul3A_139 : i32
      %swap3A = arith.index_cast %mul3A_140 : i32 to index
      %swap3A_141 = tpu.vector_load %arg8[%swap3A] {strides = array<i32>} : memref<640xf32, #tpu.memory_space<vmem>>, vector<16xf32>,
      tpu.vector_store %arg8[%swap3A], %add3A_138 {strides = array<i32>} : memref<640xf32, #tpu.memory_space<vmem>>, vector<16xf32>,
    }
    %scan3A_101 = arith.constant 40 : i32
    %run_scoped3A_102 = arith.constant 13 : i32
    "tpu.region"() ({
      %run_scoped3A_130 = tpu.sem_alloc : memref<!tpu.dma_semaphore, #tpu.memory_space<semaphore_mem>>
      %dma_start3A = arith.constant 0 : i32
      %dma_start3A_131 = tpu.memref_slice %arg7[%run_scoped3A_102, %dma_start3A] : memref<16x10240xf32, #tpu.memory_space<vmem_shared>> -> memref<1x10240xf32, #tpu.memory_space<vmem_shared>>
      %dma_start3A_132 = tpu.memref_squeeze %dma_start3A_131 : memref<1x10240xf32, #tpu.memory_space<vmem_shared>> -> memref<10240xf32, #tpu.memory_space<vmem_shared>>
      %dma_start3A_133 = tpu.memref_slice %dma_start3A_132[%mul3A_16] : memref<10240xf32, #tpu.memory_space<vmem_shared>> -> memref<640xf32, #tpu.memory_space<vmem_shared>>
      %dma_start3A_134 = arith.constant 0 : i32
      %dma_start3A_135 = tpu.memref_slice %arg7[%run_scoped3A_102, %dma_start3A_134] : memref<16x10240xf32, #tpu.memory_space<vmem_shared>> -> memref<1x10240xf32, #tpu.memory_space<vmem_shared>>
      %dma_start3A_136 = tpu.memref_squeeze %dma_start3A_135 : memref<1x10240xf32, #tpu.memory_space<vmem_shared>> -> memref<10240xf32, #tpu.memory_space<vmem_shared>>
      %dma_start3A_137 = tpu.memref_slice %dma_start3A_136[%mul3A_16] : memref<10240xf32, #tpu.memory_space<vmem_shared>> -> memref<640xf32, #tpu.memory_space<vmem_shared>>
      tpu.enqueue_dma source(%dma_start3A_137 : memref<640xf32, #tpu.memory_space<vmem_shared>>) target(%arg9 : memref<640xf32, #tpu.memory_space<vmem>>) target_semaphore(%run_scoped3A_130 : memref<!tpu.dma_semaphore, #tpu.memory_space<semaphore_mem>>)
      %dma_wait3A = arith.constant 0 : i32
      %dma_wait3A_138 = tpu.memref_slice %arg7[%run_scoped3A_102, %dma_wait3A] : memref<16x10240xf32, #tpu.memory_space<vmem_shared>> -> memref<1x10240xf32, #tpu.memory_space<vmem_shared>>
      %dma_wait3A_139 = tpu.memref_squeeze %dma_wait3A_138 : memref<1x10240xf32, #tpu.memory_space<vmem_shared>> -> memref<10240xf32, #tpu.memory_space<vmem_shared>>
      %dma_wait3A_140 = tpu.memref_slice %dma_wait3A_139[%mul3A_16] : memref<10240xf32, #tpu.memory_space<vmem_shared>> -> memref<640xf32, #tpu.memory_space<vmem_shared>>
      %dma_wait3A_141 = arith.constant 0 : i32
      %dma_wait3A_142 = tpu.memref_slice %arg7[%run_scoped3A_102, %dma_wait3A_141] : memref<16x10240xf32, #tpu.memory_space<vmem_shared>> -> memref<1x10240xf32, #tpu.memory_space<vmem_shared>>
      %dma_wait3A_143 = tpu.memref_squeeze %dma_wait3A_142 : memref<1x10240xf32, #tpu.memory_space<vmem_shared>> -> memref<10240xf32, #tpu.memory_space<vmem_shared>>
      %dma_wait3A_144 = tpu.memref_slice %dma_wait3A_143[%mul3A_16] : memref<10240xf32, #tpu.memory_space<vmem_shared>> -> memref<640xf32, #tpu.memory_space<vmem_shared>>
      tpu.wait_dma2 semaphore(%run_scoped3A_130 : memref<!tpu.dma_semaphore, #tpu.memory_space<semaphore_mem>>) src(%dma_wait3A_144 : memref<640xf32, #tpu.memory_space<vmem_shared>>) dst(%arg9 : memref<640xf32, #tpu.memory_space<vmem>>)
      tpu.yield
    }) : () -> ()
    %scan3A_103 = arith.constant 0 : i32
    %scan3A_104 = arith.constant 0 : i32
    %scan3A_105 = arith.constant 40 : i32
    %scan3A_106 = arith.addi %scan3A_104, %scan3A_105 : i32
    %scan3A_107 = arith.constant 1 : i32
    scf.for %scan3A_130 = %scan3A_104 to %scan3A_106 step %scan3A_107  : i32 {
      %mul3A_131 = arith.constant 16 : i32
      %mul3A_132 = arith.muli %scan3A_130, %mul3A_131 : i32
      %get3A = arith.index_cast %mul3A_132 : i32 to index
      %get3A_133 = tpu.vector_load %arg8[%get3A] {strides = array<i32>} : memref<640xf32, #tpu.memory_space<vmem>>, vector<16xf32>,
      %mul3A_134 = arith.constant 16 : i32
      %mul3A_135 = arith.muli %scan3A_130, %mul3A_134 : i32
      %get3A_136 = arith.index_cast %mul3A_135 : i32 to index
      %get3A_137 = tpu.vector_load %arg9[%get3A_136] {strides = array<i32>} : memref<640xf32, #tpu.memory_space<vmem>>, vector<16xf32>,
      %add3A_138 = arith.addf %get3A_133, %get3A_137 : vector<16xf32>
      %mul3A_139 = arith.constant 16 : i32
      %mul3A_140 = arith.muli %scan3A_130, %mul3A_139 : i32
      %swap3A = arith.index_cast %mul3A_140 : i32 to index
      %swap3A_141 = tpu.vector_load %arg8[%swap3A] {strides = array<i32>} : memref<640xf32, #tpu.memory_space<vmem>>, vector<16xf32>,
      tpu.vector_store %arg8[%swap3A], %add3A_138 {strides = array<i32>} : memref<640xf32, #tpu.memory_space<vmem>>, vector<16xf32>,
    }
    %scan3A_108 = arith.constant 40 : i32
    %run_scoped3A_109 = arith.constant 14 : i32
    "tpu.region"() ({
      %run_scoped3A_130 = tpu.sem_alloc : memref<!tpu.dma_semaphore, #tpu.memory_space<semaphore_mem>>
      %dma_start3A = arith.constant 0 : i32
      %dma_start3A_131 = tpu.memref_slice %arg7[%run_scoped3A_109, %dma_start3A] : memref<16x10240xf32, #tpu.memory_space<vmem_shared>> -> memref<1x10240xf32, #tpu.memory_space<vmem_shared>>
      %dma_start3A_132 = tpu.memref_squeeze %dma_start3A_131 : memref<1x10240xf32, #tpu.memory_space<vmem_shared>> -> memref<10240xf32, #tpu.memory_space<vmem_shared>>
      %dma_start3A_133 = tpu.memref_slice %dma_start3A_132[%mul3A_16] : memref<10240xf32, #tpu.memory_space<vmem_shared>> -> memref<640xf32, #tpu.memory_space<vmem_shared>>
      %dma_start3A_134 = arith.constant 0 : i32
      %dma_start3A_135 = tpu.memref_slice %arg7[%run_scoped3A_109, %dma_start3A_134] : memref<16x10240xf32, #tpu.memory_space<vmem_shared>> -> memref<1x10240xf32, #tpu.memory_space<vmem_shared>>
      %dma_start3A_136 = tpu.memref_squeeze %dma_start3A_135 : memref<1x10240xf32, #tpu.memory_space<vmem_shared>> -> memref<10240xf32, #tpu.memory_space<vmem_shared>>
      %dma_start3A_137 = tpu.memref_slice %dma_start3A_136[%mul3A_16] : memref<10240xf32, #tpu.memory_space<vmem_shared>> -> memref<640xf32, #tpu.memory_space<vmem_shared>>
      tpu.enqueue_dma source(%dma_start3A_137 : memref<640xf32, #tpu.memory_space<vmem_shared>>) target(%arg9 : memref<640xf32, #tpu.memory_space<vmem>>) target_semaphore(%run_scoped3A_130 : memref<!tpu.dma_semaphore, #tpu.memory_space<semaphore_mem>>)
      %dma_wait3A = arith.constant 0 : i32
      %dma_wait3A_138 = tpu.memref_slice %arg7[%run_scoped3A_109, %dma_wait3A] : memref<16x10240xf32, #tpu.memory_space<vmem_shared>> -> memref<1x10240xf32, #tpu.memory_space<vmem_shared>>
      %dma_wait3A_139 = tpu.memref_squeeze %dma_wait3A_138 : memref<1x10240xf32, #tpu.memory_space<vmem_shared>> -> memref<10240xf32, #tpu.memory_space<vmem_shared>>
      %dma_wait3A_140 = tpu.memref_slice %dma_wait3A_139[%mul3A_16] : memref<10240xf32, #tpu.memory_space<vmem_shared>> -> memref<640xf32, #tpu.memory_space<vmem_shared>>
      %dma_wait3A_141 = arith.constant 0 : i32
      %dma_wait3A_142 = tpu.memref_slice %arg7[%run_scoped3A_109, %dma_wait3A_141] : memref<16x10240xf32, #tpu.memory_space<vmem_shared>> -> memref<1x10240xf32, #tpu.memory_space<vmem_shared>>
      %dma_wait3A_143 = tpu.memref_squeeze %dma_wait3A_142 : memref<1x10240xf32, #tpu.memory_space<vmem_shared>> -> memref<10240xf32, #tpu.memory_space<vmem_shared>>
      %dma_wait3A_144 = tpu.memref_slice %dma_wait3A_143[%mul3A_16] : memref<10240xf32, #tpu.memory_space<vmem_shared>> -> memref<640xf32, #tpu.memory_space<vmem_shared>>
      tpu.wait_dma2 semaphore(%run_scoped3A_130 : memref<!tpu.dma_semaphore, #tpu.memory_space<semaphore_mem>>) src(%dma_wait3A_144 : memref<640xf32, #tpu.memory_space<vmem_shared>>) dst(%arg9 : memref<640xf32, #tpu.memory_space<vmem>>)
      tpu.yield
    }) : () -> ()
    %scan3A_110 = arith.constant 0 : i32
    %scan3A_111 = arith.constant 0 : i32
    %scan3A_112 = arith.constant 40 : i32
    %scan3A_113 = arith.addi %scan3A_111, %scan3A_112 : i32
    %scan3A_114 = arith.constant 1 : i32
    scf.for %scan3A_130 = %scan3A_111 to %scan3A_113 step %scan3A_114  : i32 {
      %mul3A_131 = arith.constant 16 : i32
      %mul3A_132 = arith.muli %scan3A_130, %mul3A_131 : i32
      %get3A = arith.index_cast %mul3A_132 : i32 to index
      %get3A_133 = tpu.vector_load %arg8[%get3A] {strides = array<i32>} : memref<640xf32, #tpu.memory_space<vmem>>, vector<16xf32>,
      %mul3A_134 = arith.constant 16 : i32
      %mul3A_135 = arith.muli %scan3A_130, %mul3A_134 : i32
      %get3A_136 = arith.index_cast %mul3A_135 : i32 to index
      %get3A_137 = tpu.vector_load %arg9[%get3A_136] {strides = array<i32>} : memref<640xf32, #tpu.memory_space<vmem>>, vector<16xf32>,
      %add3A_138 = arith.addf %get3A_133, %get3A_137 : vector<16xf32>
      %mul3A_139 = arith.constant 16 : i32
      %mul3A_140 = arith.muli %scan3A_130, %mul3A_139 : i32
      %swap3A = arith.index_cast %mul3A_140 : i32 to index
      %swap3A_141 = tpu.vector_load %arg8[%swap3A] {strides = array<i32>} : memref<640xf32, #tpu.memory_space<vmem>>, vector<16xf32>,
      tpu.vector_store %arg8[%swap3A], %add3A_138 {strides = array<i32>} : memref<640xf32, #tpu.memory_space<vmem>>, vector<16xf32>,
    }
    %scan3A_115 = arith.constant 40 : i32
    %run_scoped3A_116 = arith.constant 15 : i32
    "tpu.region"() ({
      %run_scoped3A_130 = tpu.sem_alloc : memref<!tpu.dma_semaphore, #tpu.memory_space<semaphore_mem>>
      %dma_start3A = arith.constant 0 : i32
      %dma_start3A_131 = tpu.memref_slice %arg7[%run_scoped3A_116, %dma_start3A] : memref<16x10240xf32, #tpu.memory_space<vmem_shared>> -> memref<1x10240xf32, #tpu.memory_space<vmem_shared>>
      %dma_start3A_132 = tpu.memref_squeeze %dma_start3A_131 : memref<1x10240xf32, #tpu.memory_space<vmem_shared>> -> memref<10240xf32, #tpu.memory_space<vmem_shared>>
      %dma_start3A_133 = tpu.memref_slice %dma_start3A_132[%mul3A_16] : memref<10240xf32, #tpu.memory_space<vmem_shared>> -> memref<640xf32, #tpu.memory_space<vmem_shared>>
      %dma_start3A_134 = arith.constant 0 : i32
      %dma_start3A_135 = tpu.memref_slice %arg7[%run_scoped3A_116, %dma_start3A_134] : memref<16x10240xf32, #tpu.memory_space<vmem_shared>> -> memref<1x10240xf32, #tpu.memory_space<vmem_shared>>
      %dma_start3A_136 = tpu.memref_squeeze %dma_start3A_135 : memref<1x10240xf32, #tpu.memory_space<vmem_shared>> -> memref<10240xf32, #tpu.memory_space<vmem_shared>>
      %dma_start3A_137 = tpu.memref_slice %dma_start3A_136[%mul3A_16] : memref<10240xf32, #tpu.memory_space<vmem_shared>> -> memref<640xf32, #tpu.memory_space<vmem_shared>>
      tpu.enqueue_dma source(%dma_start3A_137 : memref<640xf32, #tpu.memory_space<vmem_shared>>) target(%arg9 : memref<640xf32, #tpu.memory_space<vmem>>) target_semaphore(%run_scoped3A_130 : memref<!tpu.dma_semaphore, #tpu.memory_space<semaphore_mem>>)
      %dma_wait3A = arith.constant 0 : i32
      %dma_wait3A_138 = tpu.memref_slice %arg7[%run_scoped3A_116, %dma_wait3A] : memref<16x10240xf32, #tpu.memory_space<vmem_shared>> -> memref<1x10240xf32, #tpu.memory_space<vmem_shared>>
      %dma_wait3A_139 = tpu.memref_squeeze %dma_wait3A_138 : memref<1x10240xf32, #tpu.memory_space<vmem_shared>> -> memref<10240xf32, #tpu.memory_space<vmem_shared>>
      %dma_wait3A_140 = tpu.memref_slice %dma_wait3A_139[%mul3A_16] : memref<10240xf32, #tpu.memory_space<vmem_shared>> -> memref<640xf32, #tpu.memory_space<vmem_shared>>
      %dma_wait3A_141 = arith.constant 0 : i32
      %dma_wait3A_142 = tpu.memref_slice %arg7[%run_scoped3A_116, %dma_wait3A_141] : memref<16x10240xf32, #tpu.memory_space<vmem_shared>> -> memref<1x10240xf32, #tpu.memory_space<vmem_shared>>
      %dma_wait3A_143 = tpu.memref_squeeze %dma_wait3A_142 : memref<1x10240xf32, #tpu.memory_space<vmem_shared>> -> memref<10240xf32, #tpu.memory_space<vmem_shared>>
      %dma_wait3A_144 = tpu.memref_slice %dma_wait3A_143[%mul3A_16] : memref<10240xf32, #tpu.memory_space<vmem_shared>> -> memref<640xf32, #tpu.memory_space<vmem_shared>>
      tpu.wait_dma2 semaphore(%run_scoped3A_130 : memref<!tpu.dma_semaphore, #tpu.memory_space<semaphore_mem>>) src(%dma_wait3A_144 : memref<640xf32, #tpu.memory_space<vmem_shared>>) dst(%arg9 : memref<640xf32, #tpu.memory_space<vmem>>)
      tpu.yield
    }) : () -> ()
    %scan3A_117 = arith.constant 0 : i32
    %scan3A_118 = arith.constant 0 : i32
    %scan3A_119 = arith.constant 40 : i32
    %scan3A_120 = arith.addi %scan3A_118, %scan3A_119 : i32
    %scan3A_121 = arith.constant 1 : i32
    scf.for %scan3A_130 = %scan3A_118 to %scan3A_120 step %scan3A_121  : i32 {
      %mul3A_131 = arith.constant 16 : i32
      %mul3A_132 = arith.muli %scan3A_130, %mul3A_131 : i32
      %get3A = arith.index_cast %mul3A_132 : i32 to index
      %get3A_133 = tpu.vector_load %arg8[%get3A] {strides = array<i32>} : memref<640xf32, #tpu.memory_space<vmem>>, vector<16xf32>,
      %mul3A_134 = arith.constant 16 : i32
      %mul3A_135 = arith.muli %scan3A_130, %mul3A_134 : i32
      %get3A_136 = arith.index_cast %mul3A_135 : i32 to index
      %get3A_137 = tpu.vector_load %arg9[%get3A_136] {strides = array<i32>} : memref<640xf32, #tpu.memory_space<vmem>>, vector<16xf32>,
      %add3A_138 = arith.addf %get3A_133, %get3A_137 : vector<16xf32>
      %mul3A_139 = arith.constant 16 : i32
      %mul3A_140 = arith.muli %scan3A_130, %mul3A_139 : i32
      %swap3A = arith.index_cast %mul3A_140 : i32 to index
      %swap3A_141 = tpu.vector_load %arg8[%swap3A] {strides = array<i32>} : memref<640xf32, #tpu.memory_space<vmem>>, vector<16xf32>,
      tpu.vector_store %arg8[%swap3A], %add3A_138 {strides = array<i32>} : memref<640xf32, #tpu.memory_space<vmem>>, vector<16xf32>,
    }
    %scan3A_122 = arith.constant 40 : i32
    %eq3A = arith.constant 0 : i32
    %eq3A_123 = arith.cmpi eq, %arg0, %eq3A : i32
    %convert_element_type3A = arith.extui %eq3A_123 : i1 to i32
    %cond3A = arith.constant 0 : i32
    %cond3A_124 = arith.cmpi ne, %convert_element_type3A, %cond3A : i32
    scf.if %cond3A_124 {
      "tpu.region"() ({
        %run_scoped3A_130 = tpu.sem_alloc : memref<!tpu.dma_semaphore, #tpu.memory_space<semaphore_mem>>
        %dma_start3A = tpu.memref_slice %arg3[%mul3A_16] : memref<10240xf32, #tpu.memory_space<hbm>> -> memref<640xf32, #tpu.memory_space<hbm>>
        %dma_start3A_131 = tpu.memref_slice %arg3[%mul3A_16] : memref<10240xf32, #tpu.memory_space<hbm>> -> memref<640xf32, #tpu.memory_space<hbm>>
        tpu.enqueue_dma source(%arg8 : memref<640xf32, #tpu.memory_space<vmem>>) target(%dma_start3A_131 : memref<640xf32, #tpu.memory_space<hbm>>) target_semaphore(%run_scoped3A_130 : memref<!tpu.dma_semaphore, #tpu.memory_space<semaphore_mem>>)
        %dma_wait3A = tpu.memref_slice %arg3[%mul3A_16] : memref<10240xf32, #tpu.memory_space<hbm>> -> memref<640xf32, #tpu.memory_space<hbm>>
        %dma_wait3A_132 = tpu.memref_slice %arg3[%mul3A_16] : memref<10240xf32, #tpu.memory_space<hbm>> -> memref<640xf32, #tpu.memory_space<hbm>>
        tpu.wait_dma2 semaphore(%run_scoped3A_130 : memref<!tpu.dma_semaphore, #tpu.memory_space<semaphore_mem>>) src(%arg8 : memref<640xf32, #tpu.memory_space<vmem>>) dst(%dma_wait3A_132 : memref<640xf32, #tpu.memory_space<hbm>>)
        tpu.yield
      }) : () -> ()
    } else {
    }
    %eq3A_125 = arith.constant 1 : i32
    %eq3A_126 = arith.cmpi eq, %arg0, %eq3A_125 : i32
    %convert_element_type3A_127 = arith.extui %eq3A_126 : i1 to i32
    %cond3A_128 = arith.constant 0 : i32
    %cond3A_129 = arith.cmpi ne, %convert_element_type3A_127, %cond3A_128 : i32
    scf.if %cond3A_129 {
      "tpu.region"() ({
        %run_scoped3A_130 = tpu.sem_alloc : memref<!tpu.dma_semaphore, #tpu.memory_space<semaphore_mem>>
        %dma_start3A = tpu.memref_slice %arg4[%mul3A_16] : memref<10240xf32, #tpu.memory_space<hbm>> -> memref<640xf32, #tpu.memory_space<hbm>>
        %dma_start3A_131 = tpu.memref_slice %arg4[%mul3A_16] : memref<10240xf32, #tpu.memory_space<hbm>> -> memref<640xf32, #tpu.memory_space<hbm>>
        tpu.enqueue_dma source(%arg8 : memref<640xf32, #tpu.memory_space<vmem>>) target(%dma_start3A_131 : memref<640xf32, #tpu.memory_space<hbm>>) target_semaphore(%run_scoped3A_130 : memref<!tpu.dma_semaphore, #tpu.memory_space<semaphore_mem>>)
        %dma_wait3A = tpu.memref_slice %arg4[%mul3A_16] : memref<10240xf32, #tpu.memory_space<hbm>> -> memref<640xf32, #tpu.memory_space<hbm>>
        %dma_wait3A_132 = tpu.memref_slice %arg4[%mul3A_16] : memref<10240xf32, #tpu.memory_space<hbm>> -> memref<640xf32, #tpu.memory_space<hbm>>
        tpu.wait_dma2 semaphore(%run_scoped3A_130 : memref<!tpu.dma_semaphore, #tpu.memory_space<semaphore_mem>>) src(%arg8 : memref<640xf32, #tpu.memory_space<vmem>>) dst(%dma_wait3A_132 : memref<640xf32, #tpu.memory_space<hbm>>)
        tpu.yield
      }) : () -> ()
    } else {
    }
    return
  }
}

#map = affine_map<(d0, d1) -> (0, 0)>
#map1 = affine_map<(d0, d1) -> (0, 0, 0, 0)>
#map2 = affine_map<(d0, d1) -> (0, 0, 0)>
module attributes {stable_mosaic.version = 14 : i64} {
  func.func @_agg1_kernel(%arg0: i32, %arg1: i32, %arg2: memref<10240x16xf32, #tpu.memory_space<hbm>>, %arg3: memref<2x32x80x128xi32, #tpu.memory_space<hbm>>, %arg4: memref<2x10240x16xf32, #tpu.memory_space<hbm>>, %arg5: memref<80x128xi32, #tpu.memory_space<vmem>>, %arg6: memref<80x128xi32, #tpu.memory_space<vmem>>, %arg7: memref<3x8x128x16xf32, #tpu.memory_space<vmem>>, %arg8: memref<640x16xf32, #tpu.memory_space<vmem>>, %arg9: memref<10240x16xf32, #tpu.memory_space<vmem_shared>>, %arg10: memref<!tpu.dma_semaphore, #tpu.memory_space<semaphore_mem>>, %arg11: memref<!tpu.dma_semaphore, #tpu.memory_space<semaphore_mem>>) attributes {dimension_semantics = [#tpu.dimension_semantics<core_parallel>, #tpu.dimension_semantics<subcore_parallel>], iteration_bounds = array<i64: 2, 16>, scalar_prefetch = 0 : i64, scratch_operands = 7 : i64, tpu.core_type = #tpu.core_type<sc_vector_subcore>, window_params = [{transform_indices = #map}, {transform_indices = #map1}, {transform_indices = #map2}]} {
    %mul3A = arith.constant 2 : i32
    %mul3A_0 = arith.muli %arg1, %mul3A : i32
    %add3A = arith.addi %mul3A_0, %arg0 : i32
    %run_scoped3A = arith.constant 0 : i32
    "tpu.region"() ({
      %run_scoped3A_328 = tpu.sem_alloc : memref<!tpu.dma_semaphore, #tpu.memory_space<semaphore_mem>>
      %dma_start3A_329 = arith.constant 0 : i32
      %dma_start3A_330 = arith.constant 0 : i32
      %dma_start3A_331 = arith.constant 0 : i32
      %dma_start3A_332 = tpu.memref_slice %arg3[%run_scoped3A, %dma_start3A_329, %dma_start3A_330, %dma_start3A_331] : memref<2x32x80x128xi32, #tpu.memory_space<hbm>> -> memref<1x32x80x128xi32, #tpu.memory_space<hbm>>
      %dma_start3A_333 = tpu.memref_squeeze %dma_start3A_332 : memref<1x32x80x128xi32, #tpu.memory_space<hbm>> -> memref<32x80x128xi32, #tpu.memory_space<hbm>>
      %dma_start3A_334 = arith.constant 0 : i32
      %dma_start3A_335 = arith.constant 0 : i32
      %dma_start3A_336 = tpu.memref_slice %dma_start3A_333[%add3A, %dma_start3A_334, %dma_start3A_335] : memref<32x80x128xi32, #tpu.memory_space<hbm>> -> memref<1x80x128xi32, #tpu.memory_space<hbm>>
      %dma_start3A_337 = tpu.memref_squeeze %dma_start3A_336 : memref<1x80x128xi32, #tpu.memory_space<hbm>> -> memref<80x128xi32, #tpu.memory_space<hbm>>
      %dma_start3A_338 = arith.constant 0 : i32
      %dma_start3A_339 = arith.constant 0 : i32
      %dma_start3A_340 = arith.constant 0 : i32
      %dma_start3A_341 = tpu.memref_slice %arg3[%run_scoped3A, %dma_start3A_338, %dma_start3A_339, %dma_start3A_340] : memref<2x32x80x128xi32, #tpu.memory_space<hbm>> -> memref<1x32x80x128xi32, #tpu.memory_space<hbm>>
      %dma_start3A_342 = tpu.memref_squeeze %dma_start3A_341 : memref<1x32x80x128xi32, #tpu.memory_space<hbm>> -> memref<32x80x128xi32, #tpu.memory_space<hbm>>
      %dma_start3A_343 = arith.constant 0 : i32
      %dma_start3A_344 = arith.constant 0 : i32
      %dma_start3A_345 = tpu.memref_slice %dma_start3A_342[%add3A, %dma_start3A_343, %dma_start3A_344] : memref<32x80x128xi32, #tpu.memory_space<hbm>> -> memref<1x80x128xi32, #tpu.memory_space<hbm>>
      %dma_start3A_346 = tpu.memref_squeeze %dma_start3A_345 : memref<1x80x128xi32, #tpu.memory_space<hbm>> -> memref<80x128xi32, #tpu.memory_space<hbm>>
      tpu.enqueue_dma source(%dma_start3A_346 : memref<80x128xi32, #tpu.memory_space<hbm>>) target(%arg5 : memref<80x128xi32, #tpu.memory_space<vmem>>) target_semaphore(%run_scoped3A_328 : memref<!tpu.dma_semaphore, #tpu.memory_space<semaphore_mem>>)
      %dma_wait3A_347 = arith.constant 0 : i32
      %dma_wait3A_348 = arith.constant 0 : i32
      %dma_wait3A_349 = arith.constant 0 : i32
      %dma_wait3A_350 = tpu.memref_slice %arg3[%run_scoped3A, %dma_wait3A_347, %dma_wait3A_348, %dma_wait3A_349] : memref<2x32x80x128xi32, #tpu.memory_space<hbm>> -> memref<1x32x80x128xi32, #tpu.memory_space<hbm>>
      %dma_wait3A_351 = tpu.memref_squeeze %dma_wait3A_350 : memref<1x32x80x128xi32, #tpu.memory_space<hbm>> -> memref<32x80x128xi32, #tpu.memory_space<hbm>>
      %dma_wait3A_352 = arith.constant 0 : i32
      %dma_wait3A_353 = arith.constant 0 : i32
      %dma_wait3A_354 = tpu.memref_slice %dma_wait3A_351[%add3A, %dma_wait3A_352, %dma_wait3A_353] : memref<32x80x128xi32, #tpu.memory_space<hbm>> -> memref<1x80x128xi32, #tpu.memory_space<hbm>>
      %dma_wait3A_355 = tpu.memref_squeeze %dma_wait3A_354 : memref<1x80x128xi32, #tpu.memory_space<hbm>> -> memref<80x128xi32, #tpu.memory_space<hbm>>
      %dma_wait3A_356 = arith.constant 0 : i32
      %dma_wait3A_357 = arith.constant 0 : i32
      %dma_wait3A_358 = arith.constant 0 : i32
      %dma_wait3A_359 = tpu.memref_slice %arg3[%run_scoped3A, %dma_wait3A_356, %dma_wait3A_357, %dma_wait3A_358] : memref<2x32x80x128xi32, #tpu.memory_space<hbm>> -> memref<1x32x80x128xi32, #tpu.memory_space<hbm>>
      %dma_wait3A_360 = tpu.memref_squeeze %dma_wait3A_359 : memref<1x32x80x128xi32, #tpu.memory_space<hbm>> -> memref<32x80x128xi32, #tpu.memory_space<hbm>>
      %dma_wait3A_361 = arith.constant 0 : i32
      %dma_wait3A_362 = arith.constant 0 : i32
      %dma_wait3A_363 = tpu.memref_slice %dma_wait3A_360[%add3A, %dma_wait3A_361, %dma_wait3A_362] : memref<32x80x128xi32, #tpu.memory_space<hbm>> -> memref<1x80x128xi32, #tpu.memory_space<hbm>>
      %dma_wait3A_364 = tpu.memref_squeeze %dma_wait3A_363 : memref<1x80x128xi32, #tpu.memory_space<hbm>> -> memref<80x128xi32, #tpu.memory_space<hbm>>
      tpu.wait_dma2 semaphore(%run_scoped3A_328 : memref<!tpu.dma_semaphore, #tpu.memory_space<semaphore_mem>>) src(%dma_wait3A_364 : memref<80x128xi32, #tpu.memory_space<hbm>>) dst(%arg5 : memref<80x128xi32, #tpu.memory_space<vmem>>)
      tpu.yield
    }) : () -> ()
    %run_scoped3A_1 = arith.constant 1 : i32
    "tpu.region"() ({
      %run_scoped3A_328 = tpu.sem_alloc : memref<!tpu.dma_semaphore, #tpu.memory_space<semaphore_mem>>
      %dma_start3A_329 = arith.constant 0 : i32
      %dma_start3A_330 = arith.constant 0 : i32
      %dma_start3A_331 = arith.constant 0 : i32
      %dma_start3A_332 = tpu.memref_slice %arg3[%run_scoped3A_1, %dma_start3A_329, %dma_start3A_330, %dma_start3A_331] : memref<2x32x80x128xi32, #tpu.memory_space<hbm>> -> memref<1x32x80x128xi32, #tpu.memory_space<hbm>>
      %dma_start3A_333 = tpu.memref_squeeze %dma_start3A_332 : memref<1x32x80x128xi32, #tpu.memory_space<hbm>> -> memref<32x80x128xi32, #tpu.memory_space<hbm>>
      %dma_start3A_334 = arith.constant 0 : i32
      %dma_start3A_335 = arith.constant 0 : i32
      %dma_start3A_336 = tpu.memref_slice %dma_start3A_333[%add3A, %dma_start3A_334, %dma_start3A_335] : memref<32x80x128xi32, #tpu.memory_space<hbm>> -> memref<1x80x128xi32, #tpu.memory_space<hbm>>
      %dma_start3A_337 = tpu.memref_squeeze %dma_start3A_336 : memref<1x80x128xi32, #tpu.memory_space<hbm>> -> memref<80x128xi32, #tpu.memory_space<hbm>>
      %dma_start3A_338 = arith.constant 0 : i32
      %dma_start3A_339 = arith.constant 0 : i32
      %dma_start3A_340 = arith.constant 0 : i32
      %dma_start3A_341 = tpu.memref_slice %arg3[%run_scoped3A_1, %dma_start3A_338, %dma_start3A_339, %dma_start3A_340] : memref<2x32x80x128xi32, #tpu.memory_space<hbm>> -> memref<1x32x80x128xi32, #tpu.memory_space<hbm>>
      %dma_start3A_342 = tpu.memref_squeeze %dma_start3A_341 : memref<1x32x80x128xi32, #tpu.memory_space<hbm>> -> memref<32x80x128xi32, #tpu.memory_space<hbm>>
      %dma_start3A_343 = arith.constant 0 : i32
      %dma_start3A_344 = arith.constant 0 : i32
      %dma_start3A_345 = tpu.memref_slice %dma_start3A_342[%add3A, %dma_start3A_343, %dma_start3A_344] : memref<32x80x128xi32, #tpu.memory_space<hbm>> -> memref<1x80x128xi32, #tpu.memory_space<hbm>>
      %dma_start3A_346 = tpu.memref_squeeze %dma_start3A_345 : memref<1x80x128xi32, #tpu.memory_space<hbm>> -> memref<80x128xi32, #tpu.memory_space<hbm>>
      tpu.enqueue_dma source(%dma_start3A_346 : memref<80x128xi32, #tpu.memory_space<hbm>>) target(%arg6 : memref<80x128xi32, #tpu.memory_space<vmem>>) target_semaphore(%run_scoped3A_328 : memref<!tpu.dma_semaphore, #tpu.memory_space<semaphore_mem>>)
      %dma_wait3A_347 = arith.constant 0 : i32
      %dma_wait3A_348 = arith.constant 0 : i32
      %dma_wait3A_349 = arith.constant 0 : i32
      %dma_wait3A_350 = tpu.memref_slice %arg3[%run_scoped3A_1, %dma_wait3A_347, %dma_wait3A_348, %dma_wait3A_349] : memref<2x32x80x128xi32, #tpu.memory_space<hbm>> -> memref<1x32x80x128xi32, #tpu.memory_space<hbm>>
      %dma_wait3A_351 = tpu.memref_squeeze %dma_wait3A_350 : memref<1x32x80x128xi32, #tpu.memory_space<hbm>> -> memref<32x80x128xi32, #tpu.memory_space<hbm>>
      %dma_wait3A_352 = arith.constant 0 : i32
      %dma_wait3A_353 = arith.constant 0 : i32
      %dma_wait3A_354 = tpu.memref_slice %dma_wait3A_351[%add3A, %dma_wait3A_352, %dma_wait3A_353] : memref<32x80x128xi32, #tpu.memory_space<hbm>> -> memref<1x80x128xi32, #tpu.memory_space<hbm>>
      %dma_wait3A_355 = tpu.memref_squeeze %dma_wait3A_354 : memref<1x80x128xi32, #tpu.memory_space<hbm>> -> memref<80x128xi32, #tpu.memory_space<hbm>>
      %dma_wait3A_356 = arith.constant 0 : i32
      %dma_wait3A_357 = arith.constant 0 : i32
      %dma_wait3A_358 = arith.constant 0 : i32
      %dma_wait3A_359 = tpu.memref_slice %arg3[%run_scoped3A_1, %dma_wait3A_356, %dma_wait3A_357, %dma_wait3A_358] : memref<2x32x80x128xi32, #tpu.memory_space<hbm>> -> memref<1x32x80x128xi32, #tpu.memory_space<hbm>>
      %dma_wait3A_360 = tpu.memref_squeeze %dma_wait3A_359 : memref<1x32x80x128xi32, #tpu.memory_space<hbm>> -> memref<32x80x128xi32, #tpu.memory_space<hbm>>
      %dma_wait3A_361 = arith.constant 0 : i32
      %dma_wait3A_362 = arith.constant 0 : i32
      %dma_wait3A_363 = tpu.memref_slice %dma_wait3A_360[%add3A, %dma_wait3A_361, %dma_wait3A_362] : memref<32x80x128xi32, #tpu.memory_space<hbm>> -> memref<1x80x128xi32, #tpu.memory_space<hbm>>
      %dma_wait3A_364 = tpu.memref_squeeze %dma_wait3A_363 : memref<1x80x128xi32, #tpu.memory_space<hbm>> -> memref<80x128xi32, #tpu.memory_space<hbm>>
      tpu.wait_dma2 semaphore(%run_scoped3A_328 : memref<!tpu.dma_semaphore, #tpu.memory_space<semaphore_mem>>) src(%dma_wait3A_364 : memref<80x128xi32, #tpu.memory_space<hbm>>) dst(%arg6 : memref<80x128xi32, #tpu.memory_space<vmem>>)
      tpu.yield
    }) : () -> ()
    %scan3A = arith.constant 0 : i32
    %scan3A_2 = arith.constant 0 : i32
    %scan3A_3 = arith.constant 640 : i32
    %scan3A_4 = arith.addi %scan3A_2, %scan3A_3 : i32
    %scan3A_5 = arith.constant 1 : i32
    scf.for %scan3A_328 = %scan3A_2 to %scan3A_4 step %scan3A_5  : i32 {
      %broadcast_in_dim3A = arith.constant 0.000000e+00 : f32
      %broadcast_in_dim3A_329 = vector.broadcast %broadcast_in_dim3A : f32 to vector<16xf32>
      %swap3A = arith.index_cast %scan3A_328 : i32 to index
      %swap3A_330 = arith.constant 0 : index
      %swap3A_331 = tpu.vector_load %arg8[%swap3A, %swap3A_330] {strides = array<i32>} : memref<640x16xf32, #tpu.memory_space<vmem>>, vector<16xf32>,
      tpu.vector_store %arg8[%swap3A, %swap3A_330], %broadcast_in_dim3A_329 {strides = array<i32>} : memref<640x16xf32, #tpu.memory_space<vmem>>, vector<16xf32>,
    }
    %scan3A_6 = arith.constant 640 : i32
    %mul3A_7 = arith.constant 640 : i32
    %mul3A_8 = arith.muli %arg1, %mul3A_7 : i32
    "tpu.region"() ({
      %run_scoped3A_328 = tpu.sem_alloc : memref<!tpu.dma_semaphore, #tpu.memory_space<semaphore_mem>>
      %dma_start3A_329 = arith.constant 0 : i32
      %dma_start3A_330 = tpu.memref_slice %arg9[%mul3A_8, %dma_start3A_329] : memref<10240x16xf32, #tpu.memory_space<vmem_shared>> -> memref<640x16xf32, #tpu.memory_space<vmem_shared>>
      %dma_start3A_331 = arith.constant 0 : i32
      %dma_start3A_332 = tpu.memref_slice %arg9[%mul3A_8, %dma_start3A_331] : memref<10240x16xf32, #tpu.memory_space<vmem_shared>> -> memref<640x16xf32, #tpu.memory_space<vmem_shared>>
      tpu.enqueue_dma source(%arg8 : memref<640x16xf32, #tpu.memory_space<vmem>>) target(%dma_start3A_332 : memref<640x16xf32, #tpu.memory_space<vmem_shared>>) target_semaphore(%run_scoped3A_328 : memref<!tpu.dma_semaphore, #tpu.memory_space<semaphore_mem>>)
      %dma_wait3A_333 = arith.constant 0 : i32
      %dma_wait3A_334 = tpu.memref_slice %arg9[%mul3A_8, %dma_wait3A_333] : memref<10240x16xf32, #tpu.memory_space<vmem_shared>> -> memref<640x16xf32, #tpu.memory_space<vmem_shared>>
      %dma_wait3A_335 = arith.constant 0 : i32
      %dma_wait3A_336 = tpu.memref_slice %arg9[%mul3A_8, %dma_wait3A_335] : memref<10240x16xf32, #tpu.memory_space<vmem_shared>> -> memref<640x16xf32, #tpu.memory_space<vmem_shared>>
      tpu.wait_dma2 semaphore(%run_scoped3A_328 : memref<!tpu.dma_semaphore, #tpu.memory_space<semaphore_mem>>) src(%arg8 : memref<640x16xf32, #tpu.memory_space<vmem>>) dst(%dma_wait3A_336 : memref<640x16xf32, #tpu.memory_space<vmem_shared>>)
      tpu.yield
    }) : () -> ()
    %barrier3A = arith.constant 0 : index
    tpu.barrier barrier_id(%barrier3A)
    %dma_start3A = arith.constant 0 : i32
    %dma_start3A_9 = arith.constant 0 : i32
    %dma_start3A_10 = arith.constant 0 : i32
    %dma_start3A_11 = arith.constant 0 : i32
    %dma_start3A_12 = arith.constant 0 : i32
    %dma_start3A_13 = tpu.memref_slice %arg7[%dma_start3A_9, %dma_start3A_10, %dma_start3A_11, %dma_start3A_12] : memref<3x8x128x16xf32, #tpu.memory_space<vmem>> -> memref<1x1x128x16xf32, #tpu.memory_space<vmem>>
    %dma_start3A_14 = tpu.memref_squeeze %dma_start3A_13 : memref<1x1x128x16xf32, #tpu.memory_space<vmem>> -> memref<128x16xf32, #tpu.memory_space<vmem>>
    %dma_start3A_15 = arith.constant 0 : i32
    %dma_start3A_16 = tpu.memref_slice %arg5[%dma_start3A, %dma_start3A_15] : memref<80x128xi32, #tpu.memory_space<vmem>> -> memref<1x128xi32, #tpu.memory_space<vmem>>
    %dma_start3A_17 = tpu.memref_squeeze %dma_start3A_16 : memref<1x128xi32, #tpu.memory_space<vmem>> -> memref<128xi32, #tpu.memory_space<vmem>>
    %dma_start3A_18 = arith.constant 0 : i32
    %dma_start3A_19 = arith.constant 0 : i32
    %dma_start3A_20 = tpu.memref_slice %arg2[%dma_start3A_18, %dma_start3A_19] : memref<10240x16xf32, #tpu.memory_space<hbm>> -> memref<10240x16xf32, #tpu.memory_space<hbm>>
    tpu.enqueue_indirect_dma source(%dma_start3A_20 : memref<10240x16xf32, #tpu.memory_space<hbm>>) target(%dma_start3A_14 : memref<128x16xf32, #tpu.memory_space<vmem>>) offsets(%dma_start3A_17 : memref<128xi32, #tpu.memory_space<vmem>>) semaphore(%arg10 : memref<!tpu.dma_semaphore, #tpu.memory_space<semaphore_mem>>)
    %dma_start3A_21 = arith.constant 1 : i32
    %dma_start3A_22 = arith.constant 0 : i32
    %dma_start3A_23 = arith.constant 1 : i32
    %dma_start3A_24 = arith.constant 0 : i32
    %dma_start3A_25 = arith.constant 0 : i32
    %dma_start3A_26 = tpu.memref_slice %arg7[%dma_start3A_22, %dma_start3A_23, %dma_start3A_24, %dma_start3A_25] : memref<3x8x128x16xf32, #tpu.memory_space<vmem>> -> memref<1x1x128x16xf32, #tpu.memory_space<vmem>>
    %dma_start3A_27 = tpu.memref_squeeze %dma_start3A_26 : memref<1x1x128x16xf32, #tpu.memory_space<vmem>> -> memref<128x16xf32, #tpu.memory_space<vmem>>
    %dma_start3A_28 = arith.constant 0 : i32
    %dma_start3A_29 = tpu.memref_slice %arg5[%dma_start3A_21, %dma_start3A_28] : memref<80x128xi32, #tpu.memory_space<vmem>> -> memref<1x128xi32, #tpu.memory_space<vmem>>
    %dma_start3A_30 = tpu.memref_squeeze %dma_start3A_29 : memref<1x128xi32, #tpu.memory_space<vmem>> -> memref<128xi32, #tpu.memory_space<vmem>>
    %dma_start3A_31 = arith.constant 0 : i32
    %dma_start3A_32 = arith.constant 0 : i32
    %dma_start3A_33 = tpu.memref_slice %arg2[%dma_start3A_31, %dma_start3A_32] : memref<10240x16xf32, #tpu.memory_space<hbm>> -> memref<10240x16xf32, #tpu.memory_space<hbm>>
    tpu.enqueue_indirect_dma source(%dma_start3A_33 : memref<10240x16xf32, #tpu.memory_space<hbm>>) target(%dma_start3A_27 : memref<128x16xf32, #tpu.memory_space<vmem>>) offsets(%dma_start3A_30 : memref<128xi32, #tpu.memory_space<vmem>>) semaphore(%arg10 : memref<!tpu.dma_semaphore, #tpu.memory_space<semaphore_mem>>)
    %dma_start3A_34 = arith.constant 2 : i32
    %dma_start3A_35 = arith.constant 0 : i32
    %dma_start3A_36 = arith.constant 2 : i32
    %dma_start3A_37 = arith.constant 0 : i32
    %dma_start3A_38 = arith.constant 0 : i32
    %dma_start3A_39 = tpu.memref_slice %arg7[%dma_start3A_35, %dma_start3A_36, %dma_start3A_37, %dma_start3A_38] : memref<3x8x128x16xf32, #tpu.memory_space<vmem>> -> memref<1x1x128x16xf32, #tpu.memory_space<vmem>>
    %dma_start3A_40 = tpu.memref_squeeze %dma_start3A_39 : memref<1x1x128x16xf32, #tpu.memory_space<vmem>> -> memref<128x16xf32, #tpu.memory_space<vmem>>
    %dma_start3A_41 = arith.constant 0 : i32
    %dma_start3A_42 = tpu.memref_slice %arg5[%dma_start3A_34, %dma_start3A_41] : memref<80x128xi32, #tpu.memory_space<vmem>> -> memref<1x128xi32, #tpu.memory_space<vmem>>
    %dma_start3A_43 = tpu.memref_squeeze %dma_start3A_42 : memref<1x128xi32, #tpu.memory_space<vmem>> -> memref<128xi32, #tpu.memory_space<vmem>>
    %dma_start3A_44 = arith.constant 0 : i32
    %dma_start3A_45 = arith.constant 0 : i32
    %dma_start3A_46 = tpu.memref_slice %arg2[%dma_start3A_44, %dma_start3A_45] : memref<10240x16xf32, #tpu.memory_space<hbm>> -> memref<10240x16xf32, #tpu.memory_space<hbm>>
    tpu.enqueue_indirect_dma source(%dma_start3A_46 : memref<10240x16xf32, #tpu.memory_space<hbm>>) target(%dma_start3A_40 : memref<128x16xf32, #tpu.memory_space<vmem>>) offsets(%dma_start3A_43 : memref<128xi32, #tpu.memory_space<vmem>>) semaphore(%arg10 : memref<!tpu.dma_semaphore, #tpu.memory_space<semaphore_mem>>)
    %dma_start3A_47 = arith.constant 3 : i32
    %dma_start3A_48 = arith.constant 0 : i32
    %dma_start3A_49 = arith.constant 3 : i32
    %dma_start3A_50 = arith.constant 0 : i32
    %dma_start3A_51 = arith.constant 0 : i32
    %dma_start3A_52 = tpu.memref_slice %arg7[%dma_start3A_48, %dma_start3A_49, %dma_start3A_50, %dma_start3A_51] : memref<3x8x128x16xf32, #tpu.memory_space<vmem>> -> memref<1x1x128x16xf32, #tpu.memory_space<vmem>>
    %dma_start3A_53 = tpu.memref_squeeze %dma_start3A_52 : memref<1x1x128x16xf32, #tpu.memory_space<vmem>> -> memref<128x16xf32, #tpu.memory_space<vmem>>
    %dma_start3A_54 = arith.constant 0 : i32
    %dma_start3A_55 = tpu.memref_slice %arg5[%dma_start3A_47, %dma_start3A_54] : memref<80x128xi32, #tpu.memory_space<vmem>> -> memref<1x128xi32, #tpu.memory_space<vmem>>
    %dma_start3A_56 = tpu.memref_squeeze %dma_start3A_55 : memref<1x128xi32, #tpu.memory_space<vmem>> -> memref<128xi32, #tpu.memory_space<vmem>>
    %dma_start3A_57 = arith.constant 0 : i32
    %dma_start3A_58 = arith.constant 0 : i32
    %dma_start3A_59 = tpu.memref_slice %arg2[%dma_start3A_57, %dma_start3A_58] : memref<10240x16xf32, #tpu.memory_space<hbm>> -> memref<10240x16xf32, #tpu.memory_space<hbm>>
    tpu.enqueue_indirect_dma source(%dma_start3A_59 : memref<10240x16xf32, #tpu.memory_space<hbm>>) target(%dma_start3A_53 : memref<128x16xf32, #tpu.memory_space<vmem>>) offsets(%dma_start3A_56 : memref<128xi32, #tpu.memory_space<vmem>>) semaphore(%arg10 : memref<!tpu.dma_semaphore, #tpu.memory_space<semaphore_mem>>)
    %dma_start3A_60 = arith.constant 4 : i32
    %dma_start3A_61 = arith.constant 0 : i32
    %dma_start3A_62 = arith.constant 4 : i32
    %dma_start3A_63 = arith.constant 0 : i32
    %dma_start3A_64 = arith.constant 0 : i32
    %dma_start3A_65 = tpu.memref_slice %arg7[%dma_start3A_61, %dma_start3A_62, %dma_start3A_63, %dma_start3A_64] : memref<3x8x128x16xf32, #tpu.memory_space<vmem>> -> memref<1x1x128x16xf32, #tpu.memory_space<vmem>>
    %dma_start3A_66 = tpu.memref_squeeze %dma_start3A_65 : memref<1x1x128x16xf32, #tpu.memory_space<vmem>> -> memref<128x16xf32, #tpu.memory_space<vmem>>
    %dma_start3A_67 = arith.constant 0 : i32
    %dma_start3A_68 = tpu.memref_slice %arg5[%dma_start3A_60, %dma_start3A_67] : memref<80x128xi32, #tpu.memory_space<vmem>> -> memref<1x128xi32, #tpu.memory_space<vmem>>
    %dma_start3A_69 = tpu.memref_squeeze %dma_start3A_68 : memref<1x128xi32, #tpu.memory_space<vmem>> -> memref<128xi32, #tpu.memory_space<vmem>>
    %dma_start3A_70 = arith.constant 0 : i32
    %dma_start3A_71 = arith.constant 0 : i32
    %dma_start3A_72 = tpu.memref_slice %arg2[%dma_start3A_70, %dma_start3A_71] : memref<10240x16xf32, #tpu.memory_space<hbm>> -> memref<10240x16xf32, #tpu.memory_space<hbm>>
    tpu.enqueue_indirect_dma source(%dma_start3A_72 : memref<10240x16xf32, #tpu.memory_space<hbm>>) target(%dma_start3A_66 : memref<128x16xf32, #tpu.memory_space<vmem>>) offsets(%dma_start3A_69 : memref<128xi32, #tpu.memory_space<vmem>>) semaphore(%arg10 : memref<!tpu.dma_semaphore, #tpu.memory_space<semaphore_mem>>)
    %dma_start3A_73 = arith.constant 5 : i32
    %dma_start3A_74 = arith.constant 0 : i32
    %dma_start3A_75 = arith.constant 5 : i32
    %dma_start3A_76 = arith.constant 0 : i32
    %dma_start3A_77 = arith.constant 0 : i32
    %dma_start3A_78 = tpu.memref_slice %arg7[%dma_start3A_74, %dma_start3A_75, %dma_start3A_76, %dma_start3A_77] : memref<3x8x128x16xf32, #tpu.memory_space<vmem>> -> memref<1x1x128x16xf32, #tpu.memory_space<vmem>>
    %dma_start3A_79 = tpu.memref_squeeze %dma_start3A_78 : memref<1x1x128x16xf32, #tpu.memory_space<vmem>> -> memref<128x16xf32, #tpu.memory_space<vmem>>
    %dma_start3A_80 = arith.constant 0 : i32
    %dma_start3A_81 = tpu.memref_slice %arg5[%dma_start3A_73, %dma_start3A_80] : memref<80x128xi32, #tpu.memory_space<vmem>> -> memref<1x128xi32, #tpu.memory_space<vmem>>
    %dma_start3A_82 = tpu.memref_squeeze %dma_start3A_81 : memref<1x128xi32, #tpu.memory_space<vmem>> -> memref<128xi32, #tpu.memory_space<vmem>>
    %dma_start3A_83 = arith.constant 0 : i32
    %dma_start3A_84 = arith.constant 0 : i32
    %dma_start3A_85 = tpu.memref_slice %arg2[%dma_start3A_83, %dma_start3A_84] : memref<10240x16xf32, #tpu.memory_space<hbm>> -> memref<10240x16xf32, #tpu.memory_space<hbm>>
    tpu.enqueue_indirect_dma source(%dma_start3A_85 : memref<10240x16xf32, #tpu.memory_space<hbm>>) target(%dma_start3A_79 : memref<128x16xf32, #tpu.memory_space<vmem>>) offsets(%dma_start3A_82 : memref<128xi32, #tpu.memory_space<vmem>>) semaphore(%arg10 : memref<!tpu.dma_semaphore, #tpu.memory_space<semaphore_mem>>)
    %dma_start3A_86 = arith.constant 6 : i32
    %dma_start3A_87 = arith.constant 0 : i32
    %dma_start3A_88 = arith.constant 6 : i32
    %dma_start3A_89 = arith.constant 0 : i32
    %dma_start3A_90 = arith.constant 0 : i32
    %dma_start3A_91 = tpu.memref_slice %arg7[%dma_start3A_87, %dma_start3A_88, %dma_start3A_89, %dma_start3A_90] : memref<3x8x128x16xf32, #tpu.memory_space<vmem>> -> memref<1x1x128x16xf32, #tpu.memory_space<vmem>>
    %dma_start3A_92 = tpu.memref_squeeze %dma_start3A_91 : memref<1x1x128x16xf32, #tpu.memory_space<vmem>> -> memref<128x16xf32, #tpu.memory_space<vmem>>
    %dma_start3A_93 = arith.constant 0 : i32
    %dma_start3A_94 = tpu.memref_slice %arg5[%dma_start3A_86, %dma_start3A_93] : memref<80x128xi32, #tpu.memory_space<vmem>> -> memref<1x128xi32, #tpu.memory_space<vmem>>
    %dma_start3A_95 = tpu.memref_squeeze %dma_start3A_94 : memref<1x128xi32, #tpu.memory_space<vmem>> -> memref<128xi32, #tpu.memory_space<vmem>>
    %dma_start3A_96 = arith.constant 0 : i32
    %dma_start3A_97 = arith.constant 0 : i32
    %dma_start3A_98 = tpu.memref_slice %arg2[%dma_start3A_96, %dma_start3A_97] : memref<10240x16xf32, #tpu.memory_space<hbm>> -> memref<10240x16xf32, #tpu.memory_space<hbm>>
    tpu.enqueue_indirect_dma source(%dma_start3A_98 : memref<10240x16xf32, #tpu.memory_space<hbm>>) target(%dma_start3A_92 : memref<128x16xf32, #tpu.memory_space<vmem>>) offsets(%dma_start3A_95 : memref<128xi32, #tpu.memory_space<vmem>>) semaphore(%arg10 : memref<!tpu.dma_semaphore, #tpu.memory_space<semaphore_mem>>)
    %dma_start3A_99 = arith.constant 7 : i32
    %dma_start3A_100 = arith.constant 0 : i32
    %dma_start3A_101 = arith.constant 7 : i32
    %dma_start3A_102 = arith.constant 0 : i32
    %dma_start3A_103 = arith.constant 0 : i32
    %dma_start3A_104 = tpu.memref_slice %arg7[%dma_start3A_100, %dma_start3A_101, %dma_start3A_102, %dma_start3A_103] : memref<3x8x128x16xf32, #tpu.memory_space<vmem>> -> memref<1x1x128x16xf32, #tpu.memory_space<vmem>>
    %dma_start3A_105 = tpu.memref_squeeze %dma_start3A_104 : memref<1x1x128x16xf32, #tpu.memory_space<vmem>> -> memref<128x16xf32, #tpu.memory_space<vmem>>
    %dma_start3A_106 = arith.constant 0 : i32
    %dma_start3A_107 = tpu.memref_slice %arg5[%dma_start3A_99, %dma_start3A_106] : memref<80x128xi32, #tpu.memory_space<vmem>> -> memref<1x128xi32, #tpu.memory_space<vmem>>
    %dma_start3A_108 = tpu.memref_squeeze %dma_start3A_107 : memref<1x128xi32, #tpu.memory_space<vmem>> -> memref<128xi32, #tpu.memory_space<vmem>>
    %dma_start3A_109 = arith.constant 0 : i32
    %dma_start3A_110 = arith.constant 0 : i32
    %dma_start3A_111 = tpu.memref_slice %arg2[%dma_start3A_109, %dma_start3A_110] : memref<10240x16xf32, #tpu.memory_space<hbm>> -> memref<10240x16xf32, #tpu.memory_space<hbm>>
    tpu.enqueue_indirect_dma source(%dma_start3A_111 : memref<10240x16xf32, #tpu.memory_space<hbm>>) target(%dma_start3A_105 : memref<128x16xf32, #tpu.memory_space<vmem>>) offsets(%dma_start3A_108 : memref<128xi32, #tpu.memory_space<vmem>>) semaphore(%arg10 : memref<!tpu.dma_semaphore, #tpu.memory_space<semaphore_mem>>)
    %scan3A_112 = arith.constant 0 : i32
    %scan3A_113 = arith.constant 0 : i32
    %scan3A_114 = arith.constant 10 : i32
    %scan3A_115 = arith.addi %scan3A_113, %scan3A_114 : i32
    %scan3A_116 = arith.constant 1 : i32
    scf.for %scan3A_328 = %scan3A_113 to %scan3A_115 step %scan3A_116  : i32 {
      %rem3A = arith.constant 3 : i32
      %rem3A_329 = arith.remsi %scan3A_328, %rem3A : i32
      %add3A_330 = arith.constant 1 : i32
      %add3A_331 = arith.addi %scan3A_328, %add3A_330 : i32
      %rem3A_332 = arith.constant 3 : i32
      %rem3A_333 = arith.remsi %add3A_331, %rem3A_332 : i32
      %ge3A = arith.constant 2 : i32
      %ge3A_334 = arith.cmpi sge, %scan3A_328, %ge3A : i32
      %convert_element_type3A = arith.extui %ge3A_334 : i1 to i32
      %cond3A = arith.constant 0 : i32
      %cond3A_335 = arith.cmpi ne, %convert_element_type3A, %cond3A : i32
      scf.if %cond3A_335 {
        %sub3A = arith.constant 2 : i32
        %sub3A_582 = arith.subi %scan3A_328, %sub3A : i32
        %mul3A_583 = arith.constant 8 : i32
        %mul3A_584 = arith.muli %sub3A_582, %mul3A_583 : i32
        %add3A_585 = arith.constant 0 : i32
        %add3A_586 = arith.addi %mul3A_584, %add3A_585 : i32
        %dma_wait3A_587 = arith.constant 0 : i32
        %dma_wait3A_588 = arith.constant 0 : i32
        %dma_wait3A_589 = arith.constant 0 : i32
        %dma_wait3A_590 = tpu.memref_slice %arg7[%rem3A_333, %dma_wait3A_587, %dma_wait3A_588, %dma_wait3A_589] : memref<3x8x128x16xf32, #tpu.memory_space<vmem>> -> memref<1x1x128x16xf32, #tpu.memory_space<vmem>>
        %dma_wait3A_591 = tpu.memref_squeeze %dma_wait3A_590 : memref<1x1x128x16xf32, #tpu.memory_space<vmem>> -> memref<128x16xf32, #tpu.memory_space<vmem>>
        %dma_wait3A_592 = arith.constant 0 : i32
        %dma_wait3A_593 = tpu.memref_slice %arg6[%add3A_586, %dma_wait3A_592] : memref<80x128xi32, #tpu.memory_space<vmem>> -> memref<1x128xi32, #tpu.memory_space<vmem>>
        %dma_wait3A_594 = tpu.memref_squeeze %dma_wait3A_593 : memref<1x128xi32, #tpu.memory_space<vmem>> -> memref<128xi32, #tpu.memory_space<vmem>>
        %dma_wait3A_595 = arith.constant 0 : i32
        %dma_wait3A_596 = arith.constant 0 : i32
        %dma_wait3A_597 = tpu.memref_slice %arg9[%dma_wait3A_595, %dma_wait3A_596] : memref<10240x16xf32, #tpu.memory_space<vmem_shared>> -> memref<10240x16xf32, #tpu.memory_space<vmem_shared>>
        tpu.wait_indirect_dma semaphore(%arg11 : memref<!tpu.dma_semaphore, #tpu.memory_space<semaphore_mem>>) src(%dma_wait3A_591 : memref<128x16xf32, #tpu.memory_space<vmem>>) dst(%dma_wait3A_597 : memref<10240x16xf32, #tpu.memory_space<vmem_shared>>)
        %sub3A_598 = arith.constant 2 : i32
        %sub3A_599 = arith.subi %scan3A_328, %sub3A_598 : i32
        %mul3A_600 = arith.constant 8 : i32
        %mul3A_601 = arith.muli %sub3A_599, %mul3A_600 : i32
        %add3A_602 = arith.constant 1 : i32
        %add3A_603 = arith.addi %mul3A_601, %add3A_602 : i32
        %dma_wait3A_604 = arith.constant 1 : i32
        %dma_wait3A_605 = arith.constant 0 : i32
        %dma_wait3A_606 = arith.constant 0 : i32
        %dma_wait3A_607 = tpu.memref_slice %arg7[%rem3A_333, %dma_wait3A_604, %dma_wait3A_605, %dma_wait3A_606] : memref<3x8x128x16xf32, #tpu.memory_space<vmem>> -> memref<1x1x128x16xf32, #tpu.memory_space<vmem>>
        %dma_wait3A_608 = tpu.memref_squeeze %dma_wait3A_607 : memref<1x1x128x16xf32, #tpu.memory_space<vmem>> -> memref<128x16xf32, #tpu.memory_space<vmem>>
        %dma_wait3A_609 = arith.constant 0 : i32
        %dma_wait3A_610 = tpu.memref_slice %arg6[%add3A_603, %dma_wait3A_609] : memref<80x128xi32, #tpu.memory_space<vmem>> -> memref<1x128xi32, #tpu.memory_space<vmem>>
        %dma_wait3A_611 = tpu.memref_squeeze %dma_wait3A_610 : memref<1x128xi32, #tpu.memory_space<vmem>> -> memref<128xi32, #tpu.memory_space<vmem>>
        %dma_wait3A_612 = arith.constant 0 : i32
        %dma_wait3A_613 = arith.constant 0 : i32
        %dma_wait3A_614 = tpu.memref_slice %arg9[%dma_wait3A_612, %dma_wait3A_613] : memref<10240x16xf32, #tpu.memory_space<vmem_shared>> -> memref<10240x16xf32, #tpu.memory_space<vmem_shared>>
        tpu.wait_indirect_dma semaphore(%arg11 : memref<!tpu.dma_semaphore, #tpu.memory_space<semaphore_mem>>) src(%dma_wait3A_608 : memref<128x16xf32, #tpu.memory_space<vmem>>) dst(%dma_wait3A_614 : memref<10240x16xf32, #tpu.memory_space<vmem_shared>>)
        %sub3A_615 = arith.constant 2 : i32
        %sub3A_616 = arith.subi %scan3A_328, %sub3A_615 : i32
        %mul3A_617 = arith.constant 8 : i32
        %mul3A_618 = arith.muli %sub3A_616, %mul3A_617 : i32
        %add3A_619 = arith.constant 2 : i32
        %add3A_620 = arith.addi %mul3A_618, %add3A_619 : i32
        %dma_wait3A_621 = arith.constant 2 : i32
        %dma_wait3A_622 = arith.constant 0 : i32
        %dma_wait3A_623 = arith.constant 0 : i32
        %dma_wait3A_624 = tpu.memref_slice %arg7[%rem3A_333, %dma_wait3A_621, %dma_wait3A_622, %dma_wait3A_623] : memref<3x8x128x16xf32, #tpu.memory_space<vmem>> -> memref<1x1x128x16xf32, #tpu.memory_space<vmem>>
        %dma_wait3A_625 = tpu.memref_squeeze %dma_wait3A_624 : memref<1x1x128x16xf32, #tpu.memory_space<vmem>> -> memref<128x16xf32, #tpu.memory_space<vmem>>
        %dma_wait3A_626 = arith.constant 0 : i32
        %dma_wait3A_627 = tpu.memref_slice %arg6[%add3A_620, %dma_wait3A_626] : memref<80x128xi32, #tpu.memory_space<vmem>> -> memref<1x128xi32, #tpu.memory_space<vmem>>
        %dma_wait3A_628 = tpu.memref_squeeze %dma_wait3A_627 : memref<1x128xi32, #tpu.memory_space<vmem>> -> memref<128xi32, #tpu.memory_space<vmem>>
        %dma_wait3A_629 = arith.constant 0 : i32
        %dma_wait3A_630 = arith.constant 0 : i32
        %dma_wait3A_631 = tpu.memref_slice %arg9[%dma_wait3A_629, %dma_wait3A_630] : memref<10240x16xf32, #tpu.memory_space<vmem_shared>> -> memref<10240x16xf32, #tpu.memory_space<vmem_shared>>
        tpu.wait_indirect_dma semaphore(%arg11 : memref<!tpu.dma_semaphore, #tpu.memory_space<semaphore_mem>>) src(%dma_wait3A_625 : memref<128x16xf32, #tpu.memory_space<vmem>>) dst(%dma_wait3A_631 : memref<10240x16xf32, #tpu.memory_space<vmem_shared>>)
        %sub3A_632 = arith.constant 2 : i32
        %sub3A_633 = arith.subi %scan3A_328, %sub3A_632 : i32
        %mul3A_634 = arith.constant 8 : i32
        %mul3A_635 = arith.muli %sub3A_633, %mul3A_634 : i32
        %add3A_636 = arith.constant 3 : i32
        %add3A_637 = arith.addi %mul3A_635, %add3A_636 : i32
        %dma_wait3A_638 = arith.constant 3 : i32
        %dma_wait3A_639 = arith.constant 0 : i32
        %dma_wait3A_640 = arith.constant 0 : i32
        %dma_wait3A_641 = tpu.memref_slice %arg7[%rem3A_333, %dma_wait3A_638, %dma_wait3A_639, %dma_wait3A_640] : memref<3x8x128x16xf32, #tpu.memory_space<vmem>> -> memref<1x1x128x16xf32, #tpu.memory_space<vmem>>
        %dma_wait3A_642 = tpu.memref_squeeze %dma_wait3A_641 : memref<1x1x128x16xf32, #tpu.memory_space<vmem>> -> memref<128x16xf32, #tpu.memory_space<vmem>>
        %dma_wait3A_643 = arith.constant 0 : i32
        %dma_wait3A_644 = tpu.memref_slice %arg6[%add3A_637, %dma_wait3A_643] : memref<80x128xi32, #tpu.memory_space<vmem>> -> memref<1x128xi32, #tpu.memory_space<vmem>>
        %dma_wait3A_645 = tpu.memref_squeeze %dma_wait3A_644 : memref<1x128xi32, #tpu.memory_space<vmem>> -> memref<128xi32, #tpu.memory_space<vmem>>
        %dma_wait3A_646 = arith.constant 0 : i32
        %dma_wait3A_647 = arith.constant 0 : i32
        %dma_wait3A_648 = tpu.memref_slice %arg9[%dma_wait3A_646, %dma_wait3A_647] : memref<10240x16xf32, #tpu.memory_space<vmem_shared>> -> memref<10240x16xf32, #tpu.memory_space<vmem_shared>>
        tpu.wait_indirect_dma semaphore(%arg11 : memref<!tpu.dma_semaphore, #tpu.memory_space<semaphore_mem>>) src(%dma_wait3A_642 : memref<128x16xf32, #tpu.memory_space<vmem>>) dst(%dma_wait3A_648 : memref<10240x16xf32, #tpu.memory_space<vmem_shared>>)
        %sub3A_649 = arith.constant 2 : i32
        %sub3A_650 = arith.subi %scan3A_328, %sub3A_649 : i32
        %mul3A_651 = arith.constant 8 : i32
        %mul3A_652 = arith.muli %sub3A_650, %mul3A_651 : i32
        %add3A_653 = arith.constant 4 : i32
        %add3A_654 = arith.addi %mul3A_652, %add3A_653 : i32
        %dma_wait3A_655 = arith.constant 4 : i32
        %dma_wait3A_656 = arith.constant 0 : i32
        %dma_wait3A_657 = arith.constant 0 : i32
        %dma_wait3A_658 = tpu.memref_slice %arg7[%rem3A_333, %dma_wait3A_655, %dma_wait3A_656, %dma_wait3A_657] : memref<3x8x128x16xf32, #tpu.memory_space<vmem>> -> memref<1x1x128x16xf32, #tpu.memory_space<vmem>>
        %dma_wait3A_659 = tpu.memref_squeeze %dma_wait3A_658 : memref<1x1x128x16xf32, #tpu.memory_space<vmem>> -> memref<128x16xf32, #tpu.memory_space<vmem>>
        %dma_wait3A_660 = arith.constant 0 : i32
        %dma_wait3A_661 = tpu.memref_slice %arg6[%add3A_654, %dma_wait3A_660] : memref<80x128xi32, #tpu.memory_space<vmem>> -> memref<1x128xi32, #tpu.memory_space<vmem>>
        %dma_wait3A_662 = tpu.memref_squeeze %dma_wait3A_661 : memref<1x128xi32, #tpu.memory_space<vmem>> -> memref<128xi32, #tpu.memory_space<vmem>>
        %dma_wait3A_663 = arith.constant 0 : i32
        %dma_wait3A_664 = arith.constant 0 : i32
        %dma_wait3A_665 = tpu.memref_slice %arg9[%dma_wait3A_663, %dma_wait3A_664] : memref<10240x16xf32, #tpu.memory_space<vmem_shared>> -> memref<10240x16xf32, #tpu.memory_space<vmem_shared>>
        tpu.wait_indirect_dma semaphore(%arg11 : memref<!tpu.dma_semaphore, #tpu.memory_space<semaphore_mem>>) src(%dma_wait3A_659 : memref<128x16xf32, #tpu.memory_space<vmem>>) dst(%dma_wait3A_665 : memref<10240x16xf32, #tpu.memory_space<vmem_shared>>)
        %sub3A_666 = arith.constant 2 : i32
        %sub3A_667 = arith.subi %scan3A_328, %sub3A_666 : i32
        %mul3A_668 = arith.constant 8 : i32
        %mul3A_669 = arith.muli %sub3A_667, %mul3A_668 : i32
        %add3A_670 = arith.constant 5 : i32
        %add3A_671 = arith.addi %mul3A_669, %add3A_670 : i32
        %dma_wait3A_672 = arith.constant 5 : i32
        %dma_wait3A_673 = arith.constant 0 : i32
        %dma_wait3A_674 = arith.constant 0 : i32
        %dma_wait3A_675 = tpu.memref_slice %arg7[%rem3A_333, %dma_wait3A_672, %dma_wait3A_673, %dma_wait3A_674] : memref<3x8x128x16xf32, #tpu.memory_space<vmem>> -> memref<1x1x128x16xf32, #tpu.memory_space<vmem>>
        %dma_wait3A_676 = tpu.memref_squeeze %dma_wait3A_675 : memref<1x1x128x16xf32, #tpu.memory_space<vmem>> -> memref<128x16xf32, #tpu.memory_space<vmem>>
        %dma_wait3A_677 = arith.constant 0 : i32
        %dma_wait3A_678 = tpu.memref_slice %arg6[%add3A_671, %dma_wait3A_677] : memref<80x128xi32, #tpu.memory_space<vmem>> -> memref<1x128xi32, #tpu.memory_space<vmem>>
        %dma_wait3A_679 = tpu.memref_squeeze %dma_wait3A_678 : memref<1x128xi32, #tpu.memory_space<vmem>> -> memref<128xi32, #tpu.memory_space<vmem>>
        %dma_wait3A_680 = arith.constant 0 : i32
        %dma_wait3A_681 = arith.constant 0 : i32
        %dma_wait3A_682 = tpu.memref_slice %arg9[%dma_wait3A_680, %dma_wait3A_681] : memref<10240x16xf32, #tpu.memory_space<vmem_shared>> -> memref<10240x16xf32, #tpu.memory_space<vmem_shared>>
        tpu.wait_indirect_dma semaphore(%arg11 : memref<!tpu.dma_semaphore, #tpu.memory_space<semaphore_mem>>) src(%dma_wait3A_676 : memref<128x16xf32, #tpu.memory_space<vmem>>) dst(%dma_wait3A_682 : memref<10240x16xf32, #tpu.memory_space<vmem_shared>>)
        %sub3A_683 = arith.constant 2 : i32
        %sub3A_684 = arith.subi %scan3A_328, %sub3A_683 : i32
        %mul3A_685 = arith.constant 8 : i32
        %mul3A_686 = arith.muli %sub3A_684, %mul3A_685 : i32
        %add3A_687 = arith.constant 6 : i32
        %add3A_688 = arith.addi %mul3A_686, %add3A_687 : i32
        %dma_wait3A_689 = arith.constant 6 : i32
        %dma_wait3A_690 = arith.constant 0 : i32
        %dma_wait3A_691 = arith.constant 0 : i32
        %dma_wait3A_692 = tpu.memref_slice %arg7[%rem3A_333, %dma_wait3A_689, %dma_wait3A_690, %dma_wait3A_691] : memref<3x8x128x16xf32, #tpu.memory_space<vmem>> -> memref<1x1x128x16xf32, #tpu.memory_space<vmem>>
        %dma_wait3A_693 = tpu.memref_squeeze %dma_wait3A_692 : memref<1x1x128x16xf32, #tpu.memory_space<vmem>> -> memref<128x16xf32, #tpu.memory_space<vmem>>
        %dma_wait3A_694 = arith.constant 0 : i32
        %dma_wait3A_695 = tpu.memref_slice %arg6[%add3A_688, %dma_wait3A_694] : memref<80x128xi32, #tpu.memory_space<vmem>> -> memref<1x128xi32, #tpu.memory_space<vmem>>
        %dma_wait3A_696 = tpu.memref_squeeze %dma_wait3A_695 : memref<1x128xi32, #tpu.memory_space<vmem>> -> memref<128xi32, #tpu.memory_space<vmem>>
        %dma_wait3A_697 = arith.constant 0 : i32
        %dma_wait3A_698 = arith.constant 0 : i32
        %dma_wait3A_699 = tpu.memref_slice %arg9[%dma_wait3A_697, %dma_wait3A_698] : memref<10240x16xf32, #tpu.memory_space<vmem_shared>> -> memref<10240x16xf32, #tpu.memory_space<vmem_shared>>
        tpu.wait_indirect_dma semaphore(%arg11 : memref<!tpu.dma_semaphore, #tpu.memory_space<semaphore_mem>>) src(%dma_wait3A_693 : memref<128x16xf32, #tpu.memory_space<vmem>>) dst(%dma_wait3A_699 : memref<10240x16xf32, #tpu.memory_space<vmem_shared>>)
        %sub3A_700 = arith.constant 2 : i32
        %sub3A_701 = arith.subi %scan3A_328, %sub3A_700 : i32
        %mul3A_702 = arith.constant 8 : i32
        %mul3A_703 = arith.muli %sub3A_701, %mul3A_702 : i32
        %add3A_704 = arith.constant 7 : i32
        %add3A_705 = arith.addi %mul3A_703, %add3A_704 : i32
        %dma_wait3A_706 = arith.constant 7 : i32
        %dma_wait3A_707 = arith.constant 0 : i32
        %dma_wait3A_708 = arith.constant 0 : i32
        %dma_wait3A_709 = tpu.memref_slice %arg7[%rem3A_333, %dma_wait3A_706, %dma_wait3A_707, %dma_wait3A_708] : memref<3x8x128x16xf32, #tpu.memory_space<vmem>> -> memref<1x1x128x16xf32, #tpu.memory_space<vmem>>
        %dma_wait3A_710 = tpu.memref_squeeze %dma_wait3A_709 : memref<1x1x128x16xf32, #tpu.memory_space<vmem>> -> memref<128x16xf32, #tpu.memory_space<vmem>>
        %dma_wait3A_711 = arith.constant 0 : i32
        %dma_wait3A_712 = tpu.memref_slice %arg6[%add3A_705, %dma_wait3A_711] : memref<80x128xi32, #tpu.memory_space<vmem>> -> memref<1x128xi32, #tpu.memory_space<vmem>>
        %dma_wait3A_713 = tpu.memref_squeeze %dma_wait3A_712 : memref<1x128xi32, #tpu.memory_space<vmem>> -> memref<128xi32, #tpu.memory_space<vmem>>
        %dma_wait3A_714 = arith.constant 0 : i32
        %dma_wait3A_715 = arith.constant 0 : i32
        %dma_wait3A_716 = tpu.memref_slice %arg9[%dma_wait3A_714, %dma_wait3A_715] : memref<10240x16xf32, #tpu.memory_space<vmem_shared>> -> memref<10240x16xf32, #tpu.memory_space<vmem_shared>>
        tpu.wait_indirect_dma semaphore(%arg11 : memref<!tpu.dma_semaphore, #tpu.memory_space<semaphore_mem>>) src(%dma_wait3A_710 : memref<128x16xf32, #tpu.memory_space<vmem>>) dst(%dma_wait3A_716 : memref<10240x16xf32, #tpu.memory_space<vmem_shared>>)
      } else {
      }
      %add3A_336 = arith.constant 1 : i32
      %add3A_337 = arith.addi %scan3A_328, %add3A_336 : i32
      %lt3A = arith.constant 10 : i32
      %lt3A_338 = arith.cmpi slt, %add3A_337, %lt3A : i32
      %convert_element_type3A_339 = arith.extui %lt3A_338 : i1 to i32
      %cond3A_340 = arith.constant 0 : i32
      %cond3A_341 = arith.cmpi ne, %convert_element_type3A_339, %cond3A_340 : i32
      scf.if %cond3A_341 {
        %add3A_582 = arith.constant 1 : i32
        %add3A_583 = arith.addi %scan3A_328, %add3A_582 : i32
        %mul3A_584 = arith.constant 8 : i32
        %mul3A_585 = arith.muli %add3A_583, %mul3A_584 : i32
        %add3A_586 = arith.constant 0 : i32
        %add3A_587 = arith.addi %mul3A_585, %add3A_586 : i32
        %dma_start3A_588 = arith.constant 0 : i32
        %dma_start3A_589 = arith.constant 0 : i32
        %dma_start3A_590 = arith.constant 0 : i32
        %dma_start3A_591 = tpu.memref_slice %arg7[%rem3A_333, %dma_start3A_588, %dma_start3A_589, %dma_start3A_590] : memref<3x8x128x16xf32, #tpu.memory_space<vmem>> -> memref<1x1x128x16xf32, #tpu.memory_space<vmem>>
        %dma_start3A_592 = tpu.memref_squeeze %dma_start3A_591 : memref<1x1x128x16xf32, #tpu.memory_space<vmem>> -> memref<128x16xf32, #tpu.memory_space<vmem>>
        %dma_start3A_593 = arith.constant 0 : i32
        %dma_start3A_594 = tpu.memref_slice %arg5[%add3A_587, %dma_start3A_593] : memref<80x128xi32, #tpu.memory_space<vmem>> -> memref<1x128xi32, #tpu.memory_space<vmem>>
        %dma_start3A_595 = tpu.memref_squeeze %dma_start3A_594 : memref<1x128xi32, #tpu.memory_space<vmem>> -> memref<128xi32, #tpu.memory_space<vmem>>
        %dma_start3A_596 = arith.constant 0 : i32
        %dma_start3A_597 = arith.constant 0 : i32
        %dma_start3A_598 = tpu.memref_slice %arg2[%dma_start3A_596, %dma_start3A_597] : memref<10240x16xf32, #tpu.memory_space<hbm>> -> memref<10240x16xf32, #tpu.memory_space<hbm>>
        tpu.enqueue_indirect_dma source(%dma_start3A_598 : memref<10240x16xf32, #tpu.memory_space<hbm>>) target(%dma_start3A_592 : memref<128x16xf32, #tpu.memory_space<vmem>>) offsets(%dma_start3A_595 : memref<128xi32, #tpu.memory_space<vmem>>) semaphore(%arg10 : memref<!tpu.dma_semaphore, #tpu.memory_space<semaphore_mem>>)
        %add3A_599 = arith.constant 1 : i32
        %add3A_600 = arith.addi %scan3A_328, %add3A_599 : i32
        %mul3A_601 = arith.constant 8 : i32
        %mul3A_602 = arith.muli %add3A_600, %mul3A_601 : i32
        %add3A_603 = arith.constant 1 : i32
        %add3A_604 = arith.addi %mul3A_602, %add3A_603 : i32
        %dma_start3A_605 = arith.constant 1 : i32
        %dma_start3A_606 = arith.constant 0 : i32
        %dma_start3A_607 = arith.constant 0 : i32
        %dma_start3A_608 = tpu.memref_slice %arg7[%rem3A_333, %dma_start3A_605, %dma_start3A_606, %dma_start3A_607] : memref<3x8x128x16xf32, #tpu.memory_space<vmem>> -> memref<1x1x128x16xf32, #tpu.memory_space<vmem>>
        %dma_start3A_609 = tpu.memref_squeeze %dma_start3A_608 : memref<1x1x128x16xf32, #tpu.memory_space<vmem>> -> memref<128x16xf32, #tpu.memory_space<vmem>>
        %dma_start3A_610 = arith.constant 0 : i32
        %dma_start3A_611 = tpu.memref_slice %arg5[%add3A_604, %dma_start3A_610] : memref<80x128xi32, #tpu.memory_space<vmem>> -> memref<1x128xi32, #tpu.memory_space<vmem>>
        %dma_start3A_612 = tpu.memref_squeeze %dma_start3A_611 : memref<1x128xi32, #tpu.memory_space<vmem>> -> memref<128xi32, #tpu.memory_space<vmem>>
        %dma_start3A_613 = arith.constant 0 : i32
        %dma_start3A_614 = arith.constant 0 : i32
        %dma_start3A_615 = tpu.memref_slice %arg2[%dma_start3A_613, %dma_start3A_614] : memref<10240x16xf32, #tpu.memory_space<hbm>> -> memref<10240x16xf32, #tpu.memory_space<hbm>>
        tpu.enqueue_indirect_dma source(%dma_start3A_615 : memref<10240x16xf32, #tpu.memory_space<hbm>>) target(%dma_start3A_609 : memref<128x16xf32, #tpu.memory_space<vmem>>) offsets(%dma_start3A_612 : memref<128xi32, #tpu.memory_space<vmem>>) semaphore(%arg10 : memref<!tpu.dma_semaphore, #tpu.memory_space<semaphore_mem>>)
        %add3A_616 = arith.constant 1 : i32
        %add3A_617 = arith.addi %scan3A_328, %add3A_616 : i32
        %mul3A_618 = arith.constant 8 : i32
        %mul3A_619 = arith.muli %add3A_617, %mul3A_618 : i32
        %add3A_620 = arith.constant 2 : i32
        %add3A_621 = arith.addi %mul3A_619, %add3A_620 : i32
        %dma_start3A_622 = arith.constant 2 : i32
        %dma_start3A_623 = arith.constant 0 : i32
        %dma_start3A_624 = arith.constant 0 : i32
        %dma_start3A_625 = tpu.memref_slice %arg7[%rem3A_333, %dma_start3A_622, %dma_start3A_623, %dma_start3A_624] : memref<3x8x128x16xf32, #tpu.memory_space<vmem>> -> memref<1x1x128x16xf32, #tpu.memory_space<vmem>>
        %dma_start3A_626 = tpu.memref_squeeze %dma_start3A_625 : memref<1x1x128x16xf32, #tpu.memory_space<vmem>> -> memref<128x16xf32, #tpu.memory_space<vmem>>
        %dma_start3A_627 = arith.constant 0 : i32
        %dma_start3A_628 = tpu.memref_slice %arg5[%add3A_621, %dma_start3A_627] : memref<80x128xi32, #tpu.memory_space<vmem>> -> memref<1x128xi32, #tpu.memory_space<vmem>>
        %dma_start3A_629 = tpu.memref_squeeze %dma_start3A_628 : memref<1x128xi32, #tpu.memory_space<vmem>> -> memref<128xi32, #tpu.memory_space<vmem>>
        %dma_start3A_630 = arith.constant 0 : i32
        %dma_start3A_631 = arith.constant 0 : i32
        %dma_start3A_632 = tpu.memref_slice %arg2[%dma_start3A_630, %dma_start3A_631] : memref<10240x16xf32, #tpu.memory_space<hbm>> -> memref<10240x16xf32, #tpu.memory_space<hbm>>
        tpu.enqueue_indirect_dma source(%dma_start3A_632 : memref<10240x16xf32, #tpu.memory_space<hbm>>) target(%dma_start3A_626 : memref<128x16xf32, #tpu.memory_space<vmem>>) offsets(%dma_start3A_629 : memref<128xi32, #tpu.memory_space<vmem>>) semaphore(%arg10 : memref<!tpu.dma_semaphore, #tpu.memory_space<semaphore_mem>>)
        %add3A_633 = arith.constant 1 : i32
        %add3A_634 = arith.addi %scan3A_328, %add3A_633 : i32
        %mul3A_635 = arith.constant 8 : i32
        %mul3A_636 = arith.muli %add3A_634, %mul3A_635 : i32
        %add3A_637 = arith.constant 3 : i32
        %add3A_638 = arith.addi %mul3A_636, %add3A_637 : i32
        %dma_start3A_639 = arith.constant 3 : i32
        %dma_start3A_640 = arith.constant 0 : i32
        %dma_start3A_641 = arith.constant 0 : i32
        %dma_start3A_642 = tpu.memref_slice %arg7[%rem3A_333, %dma_start3A_639, %dma_start3A_640, %dma_start3A_641] : memref<3x8x128x16xf32, #tpu.memory_space<vmem>> -> memref<1x1x128x16xf32, #tpu.memory_space<vmem>>
        %dma_start3A_643 = tpu.memref_squeeze %dma_start3A_642 : memref<1x1x128x16xf32, #tpu.memory_space<vmem>> -> memref<128x16xf32, #tpu.memory_space<vmem>>
        %dma_start3A_644 = arith.constant 0 : i32
        %dma_start3A_645 = tpu.memref_slice %arg5[%add3A_638, %dma_start3A_644] : memref<80x128xi32, #tpu.memory_space<vmem>> -> memref<1x128xi32, #tpu.memory_space<vmem>>
        %dma_start3A_646 = tpu.memref_squeeze %dma_start3A_645 : memref<1x128xi32, #tpu.memory_space<vmem>> -> memref<128xi32, #tpu.memory_space<vmem>>
        %dma_start3A_647 = arith.constant 0 : i32
        %dma_start3A_648 = arith.constant 0 : i32
        %dma_start3A_649 = tpu.memref_slice %arg2[%dma_start3A_647, %dma_start3A_648] : memref<10240x16xf32, #tpu.memory_space<hbm>> -> memref<10240x16xf32, #tpu.memory_space<hbm>>
        tpu.enqueue_indirect_dma source(%dma_start3A_649 : memref<10240x16xf32, #tpu.memory_space<hbm>>) target(%dma_start3A_643 : memref<128x16xf32, #tpu.memory_space<vmem>>) offsets(%dma_start3A_646 : memref<128xi32, #tpu.memory_space<vmem>>) semaphore(%arg10 : memref<!tpu.dma_semaphore, #tpu.memory_space<semaphore_mem>>)
        %add3A_650 = arith.constant 1 : i32
        %add3A_651 = arith.addi %scan3A_328, %add3A_650 : i32
        %mul3A_652 = arith.constant 8 : i32
        %mul3A_653 = arith.muli %add3A_651, %mul3A_652 : i32
        %add3A_654 = arith.constant 4 : i32
        %add3A_655 = arith.addi %mul3A_653, %add3A_654 : i32
        %dma_start3A_656 = arith.constant 4 : i32
        %dma_start3A_657 = arith.constant 0 : i32
        %dma_start3A_658 = arith.constant 0 : i32
        %dma_start3A_659 = tpu.memref_slice %arg7[%rem3A_333, %dma_start3A_656, %dma_start3A_657, %dma_start3A_658] : memref<3x8x128x16xf32, #tpu.memory_space<vmem>> -> memref<1x1x128x16xf32, #tpu.memory_space<vmem>>
        %dma_start3A_660 = tpu.memref_squeeze %dma_start3A_659 : memref<1x1x128x16xf32, #tpu.memory_space<vmem>> -> memref<128x16xf32, #tpu.memory_space<vmem>>
        %dma_start3A_661 = arith.constant 0 : i32
        %dma_start3A_662 = tpu.memref_slice %arg5[%add3A_655, %dma_start3A_661] : memref<80x128xi32, #tpu.memory_space<vmem>> -> memref<1x128xi32, #tpu.memory_space<vmem>>
        %dma_start3A_663 = tpu.memref_squeeze %dma_start3A_662 : memref<1x128xi32, #tpu.memory_space<vmem>> -> memref<128xi32, #tpu.memory_space<vmem>>
        %dma_start3A_664 = arith.constant 0 : i32
        %dma_start3A_665 = arith.constant 0 : i32
        %dma_start3A_666 = tpu.memref_slice %arg2[%dma_start3A_664, %dma_start3A_665] : memref<10240x16xf32, #tpu.memory_space<hbm>> -> memref<10240x16xf32, #tpu.memory_space<hbm>>
        tpu.enqueue_indirect_dma source(%dma_start3A_666 : memref<10240x16xf32, #tpu.memory_space<hbm>>) target(%dma_start3A_660 : memref<128x16xf32, #tpu.memory_space<vmem>>) offsets(%dma_start3A_663 : memref<128xi32, #tpu.memory_space<vmem>>) semaphore(%arg10 : memref<!tpu.dma_semaphore, #tpu.memory_space<semaphore_mem>>)
        %add3A_667 = arith.constant 1 : i32
        %add3A_668 = arith.addi %scan3A_328, %add3A_667 : i32
        %mul3A_669 = arith.constant 8 : i32
        %mul3A_670 = arith.muli %add3A_668, %mul3A_669 : i32
        %add3A_671 = arith.constant 5 : i32
        %add3A_672 = arith.addi %mul3A_670, %add3A_671 : i32
        %dma_start3A_673 = arith.constant 5 : i32
        %dma_start3A_674 = arith.constant 0 : i32
        %dma_start3A_675 = arith.constant 0 : i32
        %dma_start3A_676 = tpu.memref_slice %arg7[%rem3A_333, %dma_start3A_673, %dma_start3A_674, %dma_start3A_675] : memref<3x8x128x16xf32, #tpu.memory_space<vmem>> -> memref<1x1x128x16xf32, #tpu.memory_space<vmem>>
        %dma_start3A_677 = tpu.memref_squeeze %dma_start3A_676 : memref<1x1x128x16xf32, #tpu.memory_space<vmem>> -> memref<128x16xf32, #tpu.memory_space<vmem>>
        %dma_start3A_678 = arith.constant 0 : i32
        %dma_start3A_679 = tpu.memref_slice %arg5[%add3A_672, %dma_start3A_678] : memref<80x128xi32, #tpu.memory_space<vmem>> -> memref<1x128xi32, #tpu.memory_space<vmem>>
        %dma_start3A_680 = tpu.memref_squeeze %dma_start3A_679 : memref<1x128xi32, #tpu.memory_space<vmem>> -> memref<128xi32, #tpu.memory_space<vmem>>
        %dma_start3A_681 = arith.constant 0 : i32
        %dma_start3A_682 = arith.constant 0 : i32
        %dma_start3A_683 = tpu.memref_slice %arg2[%dma_start3A_681, %dma_start3A_682] : memref<10240x16xf32, #tpu.memory_space<hbm>> -> memref<10240x16xf32, #tpu.memory_space<hbm>>
        tpu.enqueue_indirect_dma source(%dma_start3A_683 : memref<10240x16xf32, #tpu.memory_space<hbm>>) target(%dma_start3A_677 : memref<128x16xf32, #tpu.memory_space<vmem>>) offsets(%dma_start3A_680 : memref<128xi32, #tpu.memory_space<vmem>>) semaphore(%arg10 : memref<!tpu.dma_semaphore, #tpu.memory_space<semaphore_mem>>)
        %add3A_684 = arith.constant 1 : i32
        %add3A_685 = arith.addi %scan3A_328, %add3A_684 : i32
        %mul3A_686 = arith.constant 8 : i32
        %mul3A_687 = arith.muli %add3A_685, %mul3A_686 : i32
        %add3A_688 = arith.constant 6 : i32
        %add3A_689 = arith.addi %mul3A_687, %add3A_688 : i32
        %dma_start3A_690 = arith.constant 6 : i32
        %dma_start3A_691 = arith.constant 0 : i32
        %dma_start3A_692 = arith.constant 0 : i32
        %dma_start3A_693 = tpu.memref_slice %arg7[%rem3A_333, %dma_start3A_690, %dma_start3A_691, %dma_start3A_692] : memref<3x8x128x16xf32, #tpu.memory_space<vmem>> -> memref<1x1x128x16xf32, #tpu.memory_space<vmem>>
        %dma_start3A_694 = tpu.memref_squeeze %dma_start3A_693 : memref<1x1x128x16xf32, #tpu.memory_space<vmem>> -> memref<128x16xf32, #tpu.memory_space<vmem>>
        %dma_start3A_695 = arith.constant 0 : i32
        %dma_start3A_696 = tpu.memref_slice %arg5[%add3A_689, %dma_start3A_695] : memref<80x128xi32, #tpu.memory_space<vmem>> -> memref<1x128xi32, #tpu.memory_space<vmem>>
        %dma_start3A_697 = tpu.memref_squeeze %dma_start3A_696 : memref<1x128xi32, #tpu.memory_space<vmem>> -> memref<128xi32, #tpu.memory_space<vmem>>
        %dma_start3A_698 = arith.constant 0 : i32
        %dma_start3A_699 = arith.constant 0 : i32
        %dma_start3A_700 = tpu.memref_slice %arg2[%dma_start3A_698, %dma_start3A_699] : memref<10240x16xf32, #tpu.memory_space<hbm>> -> memref<10240x16xf32, #tpu.memory_space<hbm>>
        tpu.enqueue_indirect_dma source(%dma_start3A_700 : memref<10240x16xf32, #tpu.memory_space<hbm>>) target(%dma_start3A_694 : memref<128x16xf32, #tpu.memory_space<vmem>>) offsets(%dma_start3A_697 : memref<128xi32, #tpu.memory_space<vmem>>) semaphore(%arg10 : memref<!tpu.dma_semaphore, #tpu.memory_space<semaphore_mem>>)
        %add3A_701 = arith.constant 1 : i32
        %add3A_702 = arith.addi %scan3A_328, %add3A_701 : i32
        %mul3A_703 = arith.constant 8 : i32
        %mul3A_704 = arith.muli %add3A_702, %mul3A_703 : i32
        %add3A_705 = arith.constant 7 : i32
        %add3A_706 = arith.addi %mul3A_704, %add3A_705 : i32
        %dma_start3A_707 = arith.constant 7 : i32
        %dma_start3A_708 = arith.constant 0 : i32
        %dma_start3A_709 = arith.constant 0 : i32
        %dma_start3A_710 = tpu.memref_slice %arg7[%rem3A_333, %dma_start3A_707, %dma_start3A_708, %dma_start3A_709] : memref<3x8x128x16xf32, #tpu.memory_space<vmem>> -> memref<1x1x128x16xf32, #tpu.memory_space<vmem>>
        %dma_start3A_711 = tpu.memref_squeeze %dma_start3A_710 : memref<1x1x128x16xf32, #tpu.memory_space<vmem>> -> memref<128x16xf32, #tpu.memory_space<vmem>>
        %dma_start3A_712 = arith.constant 0 : i32
        %dma_start3A_713 = tpu.memref_slice %arg5[%add3A_706, %dma_start3A_712] : memref<80x128xi32, #tpu.memory_space<vmem>> -> memref<1x128xi32, #tpu.memory_space<vmem>>
        %dma_start3A_714 = tpu.memref_squeeze %dma_start3A_713 : memref<1x128xi32, #tpu.memory_space<vmem>> -> memref<128xi32, #tpu.memory_space<vmem>>
        %dma_start3A_715 = arith.constant 0 : i32
        %dma_start3A_716 = arith.constant 0 : i32
        %dma_start3A_717 = tpu.memref_slice %arg2[%dma_start3A_715, %dma_start3A_716] : memref<10240x16xf32, #tpu.memory_space<hbm>> -> memref<10240x16xf32, #tpu.memory_space<hbm>>
        tpu.enqueue_indirect_dma source(%dma_start3A_717 : memref<10240x16xf32, #tpu.memory_space<hbm>>) target(%dma_start3A_711 : memref<128x16xf32, #tpu.memory_space<vmem>>) offsets(%dma_start3A_714 : memref<128xi32, #tpu.memory_space<vmem>>) semaphore(%arg10 : memref<!tpu.dma_semaphore, #tpu.memory_space<semaphore_mem>>)
      } else {
      }
      %mul3A_342 = arith.constant 8 : i32
      %mul3A_343 = arith.muli %scan3A_328, %mul3A_342 : i32
      %add3A_344 = arith.constant 0 : i32
      %add3A_345 = arith.addi %mul3A_343, %add3A_344 : i32
      %dma_wait3A_346 = arith.constant 0 : i32
      %dma_wait3A_347 = arith.constant 0 : i32
      %dma_wait3A_348 = arith.constant 0 : i32
      %dma_wait3A_349 = tpu.memref_slice %arg7[%rem3A_329, %dma_wait3A_346, %dma_wait3A_347, %dma_wait3A_348] : memref<3x8x128x16xf32, #tpu.memory_space<vmem>> -> memref<1x1x128x16xf32, #tpu.memory_space<vmem>>
      %dma_wait3A_350 = tpu.memref_squeeze %dma_wait3A_349 : memref<1x1x128x16xf32, #tpu.memory_space<vmem>> -> memref<128x16xf32, #tpu.memory_space<vmem>>
      %dma_wait3A_351 = arith.constant 0 : i32
      %dma_wait3A_352 = tpu.memref_slice %arg5[%add3A_345, %dma_wait3A_351] : memref<80x128xi32, #tpu.memory_space<vmem>> -> memref<1x128xi32, #tpu.memory_space<vmem>>
      %dma_wait3A_353 = tpu.memref_squeeze %dma_wait3A_352 : memref<1x128xi32, #tpu.memory_space<vmem>> -> memref<128xi32, #tpu.memory_space<vmem>>
      %dma_wait3A_354 = arith.constant 0 : i32
      %dma_wait3A_355 = arith.constant 0 : i32
      %dma_wait3A_356 = tpu.memref_slice %arg2[%dma_wait3A_354, %dma_wait3A_355] : memref<10240x16xf32, #tpu.memory_space<hbm>> -> memref<10240x16xf32, #tpu.memory_space<hbm>>
      tpu.wait_indirect_dma semaphore(%arg10 : memref<!tpu.dma_semaphore, #tpu.memory_space<semaphore_mem>>) src(%dma_wait3A_356 : memref<10240x16xf32, #tpu.memory_space<hbm>>) dst(%dma_wait3A_350 : memref<128x16xf32, #tpu.memory_space<vmem>>)
      %mul3A_357 = arith.constant 8 : i32
      %mul3A_358 = arith.muli %scan3A_328, %mul3A_357 : i32
      %add3A_359 = arith.constant 1 : i32
      %add3A_360 = arith.addi %mul3A_358, %add3A_359 : i32
      %dma_wait3A_361 = arith.constant 1 : i32
      %dma_wait3A_362 = arith.constant 0 : i32
      %dma_wait3A_363 = arith.constant 0 : i32
      %dma_wait3A_364 = tpu.memref_slice %arg7[%rem3A_329, %dma_wait3A_361, %dma_wait3A_362, %dma_wait3A_363] : memref<3x8x128x16xf32, #tpu.memory_space<vmem>> -> memref<1x1x128x16xf32, #tpu.memory_space<vmem>>
      %dma_wait3A_365 = tpu.memref_squeeze %dma_wait3A_364 : memref<1x1x128x16xf32, #tpu.memory_space<vmem>> -> memref<128x16xf32, #tpu.memory_space<vmem>>
      %dma_wait3A_366 = arith.constant 0 : i32
      %dma_wait3A_367 = tpu.memref_slice %arg5[%add3A_360, %dma_wait3A_366] : memref<80x128xi32, #tpu.memory_space<vmem>> -> memref<1x128xi32, #tpu.memory_space<vmem>>
      %dma_wait3A_368 = tpu.memref_squeeze %dma_wait3A_367 : memref<1x128xi32, #tpu.memory_space<vmem>> -> memref<128xi32, #tpu.memory_space<vmem>>
      %dma_wait3A_369 = arith.constant 0 : i32
      %dma_wait3A_370 = arith.constant 0 : i32
      %dma_wait3A_371 = tpu.memref_slice %arg2[%dma_wait3A_369, %dma_wait3A_370] : memref<10240x16xf32, #tpu.memory_space<hbm>> -> memref<10240x16xf32, #tpu.memory_space<hbm>>
      tpu.wait_indirect_dma semaphore(%arg10 : memref<!tpu.dma_semaphore, #tpu.memory_space<semaphore_mem>>) src(%dma_wait3A_371 : memref<10240x16xf32, #tpu.memory_space<hbm>>) dst(%dma_wait3A_365 : memref<128x16xf32, #tpu.memory_space<vmem>>)
      %mul3A_372 = arith.constant 8 : i32
      %mul3A_373 = arith.muli %scan3A_328, %mul3A_372 : i32
      %add3A_374 = arith.constant 2 : i32
      %add3A_375 = arith.addi %mul3A_373, %add3A_374 : i32
      %dma_wait3A_376 = arith.constant 2 : i32
      %dma_wait3A_377 = arith.constant 0 : i32
      %dma_wait3A_378 = arith.constant 0 : i32
      %dma_wait3A_379 = tpu.memref_slice %arg7[%rem3A_329, %dma_wait3A_376, %dma_wait3A_377, %dma_wait3A_378] : memref<3x8x128x16xf32, #tpu.memory_space<vmem>> -> memref<1x1x128x16xf32, #tpu.memory_space<vmem>>
      %dma_wait3A_380 = tpu.memref_squeeze %dma_wait3A_379 : memref<1x1x128x16xf32, #tpu.memory_space<vmem>> -> memref<128x16xf32, #tpu.memory_space<vmem>>
      %dma_wait3A_381 = arith.constant 0 : i32
      %dma_wait3A_382 = tpu.memref_slice %arg5[%add3A_375, %dma_wait3A_381] : memref<80x128xi32, #tpu.memory_space<vmem>> -> memref<1x128xi32, #tpu.memory_space<vmem>>
      %dma_wait3A_383 = tpu.memref_squeeze %dma_wait3A_382 : memref<1x128xi32, #tpu.memory_space<vmem>> -> memref<128xi32, #tpu.memory_space<vmem>>
      %dma_wait3A_384 = arith.constant 0 : i32
      %dma_wait3A_385 = arith.constant 0 : i32
      %dma_wait3A_386 = tpu.memref_slice %arg2[%dma_wait3A_384, %dma_wait3A_385] : memref<10240x16xf32, #tpu.memory_space<hbm>> -> memref<10240x16xf32, #tpu.memory_space<hbm>>
      tpu.wait_indirect_dma semaphore(%arg10 : memref<!tpu.dma_semaphore, #tpu.memory_space<semaphore_mem>>) src(%dma_wait3A_386 : memref<10240x16xf32, #tpu.memory_space<hbm>>) dst(%dma_wait3A_380 : memref<128x16xf32, #tpu.memory_space<vmem>>)
      %mul3A_387 = arith.constant 8 : i32
      %mul3A_388 = arith.muli %scan3A_328, %mul3A_387 : i32
      %add3A_389 = arith.constant 3 : i32
      %add3A_390 = arith.addi %mul3A_388, %add3A_389 : i32
      %dma_wait3A_391 = arith.constant 3 : i32
      %dma_wait3A_392 = arith.constant 0 : i32
      %dma_wait3A_393 = arith.constant 0 : i32
      %dma_wait3A_394 = tpu.memref_slice %arg7[%rem3A_329, %dma_wait3A_391, %dma_wait3A_392, %dma_wait3A_393] : memref<3x8x128x16xf32, #tpu.memory_space<vmem>> -> memref<1x1x128x16xf32, #tpu.memory_space<vmem>>
      %dma_wait3A_395 = tpu.memref_squeeze %dma_wait3A_394 : memref<1x1x128x16xf32, #tpu.memory_space<vmem>> -> memref<128x16xf32, #tpu.memory_space<vmem>>
      %dma_wait3A_396 = arith.constant 0 : i32
      %dma_wait3A_397 = tpu.memref_slice %arg5[%add3A_390, %dma_wait3A_396] : memref<80x128xi32, #tpu.memory_space<vmem>> -> memref<1x128xi32, #tpu.memory_space<vmem>>
      %dma_wait3A_398 = tpu.memref_squeeze %dma_wait3A_397 : memref<1x128xi32, #tpu.memory_space<vmem>> -> memref<128xi32, #tpu.memory_space<vmem>>
      %dma_wait3A_399 = arith.constant 0 : i32
      %dma_wait3A_400 = arith.constant 0 : i32
      %dma_wait3A_401 = tpu.memref_slice %arg2[%dma_wait3A_399, %dma_wait3A_400] : memref<10240x16xf32, #tpu.memory_space<hbm>> -> memref<10240x16xf32, #tpu.memory_space<hbm>>
      tpu.wait_indirect_dma semaphore(%arg10 : memref<!tpu.dma_semaphore, #tpu.memory_space<semaphore_mem>>) src(%dma_wait3A_401 : memref<10240x16xf32, #tpu.memory_space<hbm>>) dst(%dma_wait3A_395 : memref<128x16xf32, #tpu.memory_space<vmem>>)
      %mul3A_402 = arith.constant 8 : i32
      %mul3A_403 = arith.muli %scan3A_328, %mul3A_402 : i32
      %add3A_404 = arith.constant 4 : i32
      %add3A_405 = arith.addi %mul3A_403, %add3A_404 : i32
      %dma_wait3A_406 = arith.constant 4 : i32
      %dma_wait3A_407 = arith.constant 0 : i32
      %dma_wait3A_408 = arith.constant 0 : i32
      %dma_wait3A_409 = tpu.memref_slice %arg7[%rem3A_329, %dma_wait3A_406, %dma_wait3A_407, %dma_wait3A_408] : memref<3x8x128x16xf32, #tpu.memory_space<vmem>> -> memref<1x1x128x16xf32, #tpu.memory_space<vmem>>
      %dma_wait3A_410 = tpu.memref_squeeze %dma_wait3A_409 : memref<1x1x128x16xf32, #tpu.memory_space<vmem>> -> memref<128x16xf32, #tpu.memory_space<vmem>>
      %dma_wait3A_411 = arith.constant 0 : i32
      %dma_wait3A_412 = tpu.memref_slice %arg5[%add3A_405, %dma_wait3A_411] : memref<80x128xi32, #tpu.memory_space<vmem>> -> memref<1x128xi32, #tpu.memory_space<vmem>>
      %dma_wait3A_413 = tpu.memref_squeeze %dma_wait3A_412 : memref<1x128xi32, #tpu.memory_space<vmem>> -> memref<128xi32, #tpu.memory_space<vmem>>
      %dma_wait3A_414 = arith.constant 0 : i32
      %dma_wait3A_415 = arith.constant 0 : i32
      %dma_wait3A_416 = tpu.memref_slice %arg2[%dma_wait3A_414, %dma_wait3A_415] : memref<10240x16xf32, #tpu.memory_space<hbm>> -> memref<10240x16xf32, #tpu.memory_space<hbm>>
      tpu.wait_indirect_dma semaphore(%arg10 : memref<!tpu.dma_semaphore, #tpu.memory_space<semaphore_mem>>) src(%dma_wait3A_416 : memref<10240x16xf32, #tpu.memory_space<hbm>>) dst(%dma_wait3A_410 : memref<128x16xf32, #tpu.memory_space<vmem>>)
      %mul3A_417 = arith.constant 8 : i32
      %mul3A_418 = arith.muli %scan3A_328, %mul3A_417 : i32
      %add3A_419 = arith.constant 5 : i32
      %add3A_420 = arith.addi %mul3A_418, %add3A_419 : i32
      %dma_wait3A_421 = arith.constant 5 : i32
      %dma_wait3A_422 = arith.constant 0 : i32
      %dma_wait3A_423 = arith.constant 0 : i32
      %dma_wait3A_424 = tpu.memref_slice %arg7[%rem3A_329, %dma_wait3A_421, %dma_wait3A_422, %dma_wait3A_423] : memref<3x8x128x16xf32, #tpu.memory_space<vmem>> -> memref<1x1x128x16xf32, #tpu.memory_space<vmem>>
      %dma_wait3A_425 = tpu.memref_squeeze %dma_wait3A_424 : memref<1x1x128x16xf32, #tpu.memory_space<vmem>> -> memref<128x16xf32, #tpu.memory_space<vmem>>
      %dma_wait3A_426 = arith.constant 0 : i32
      %dma_wait3A_427 = tpu.memref_slice %arg5[%add3A_420, %dma_wait3A_426] : memref<80x128xi32, #tpu.memory_space<vmem>> -> memref<1x128xi32, #tpu.memory_space<vmem>>
      %dma_wait3A_428 = tpu.memref_squeeze %dma_wait3A_427 : memref<1x128xi32, #tpu.memory_space<vmem>> -> memref<128xi32, #tpu.memory_space<vmem>>
      %dma_wait3A_429 = arith.constant 0 : i32
      %dma_wait3A_430 = arith.constant 0 : i32
      %dma_wait3A_431 = tpu.memref_slice %arg2[%dma_wait3A_429, %dma_wait3A_430] : memref<10240x16xf32, #tpu.memory_space<hbm>> -> memref<10240x16xf32, #tpu.memory_space<hbm>>
      tpu.wait_indirect_dma semaphore(%arg10 : memref<!tpu.dma_semaphore, #tpu.memory_space<semaphore_mem>>) src(%dma_wait3A_431 : memref<10240x16xf32, #tpu.memory_space<hbm>>) dst(%dma_wait3A_425 : memref<128x16xf32, #tpu.memory_space<vmem>>)
      %mul3A_432 = arith.constant 8 : i32
      %mul3A_433 = arith.muli %scan3A_328, %mul3A_432 : i32
      %add3A_434 = arith.constant 6 : i32
      %add3A_435 = arith.addi %mul3A_433, %add3A_434 : i32
      %dma_wait3A_436 = arith.constant 6 : i32
      %dma_wait3A_437 = arith.constant 0 : i32
      %dma_wait3A_438 = arith.constant 0 : i32
      %dma_wait3A_439 = tpu.memref_slice %arg7[%rem3A_329, %dma_wait3A_436, %dma_wait3A_437, %dma_wait3A_438] : memref<3x8x128x16xf32, #tpu.memory_space<vmem>> -> memref<1x1x128x16xf32, #tpu.memory_space<vmem>>
      %dma_wait3A_440 = tpu.memref_squeeze %dma_wait3A_439 : memref<1x1x128x16xf32, #tpu.memory_space<vmem>> -> memref<128x16xf32, #tpu.memory_space<vmem>>
      %dma_wait3A_441 = arith.constant 0 : i32
      %dma_wait3A_442 = tpu.memref_slice %arg5[%add3A_435, %dma_wait3A_441] : memref<80x128xi32, #tpu.memory_space<vmem>> -> memref<1x128xi32, #tpu.memory_space<vmem>>
      %dma_wait3A_443 = tpu.memref_squeeze %dma_wait3A_442 : memref<1x128xi32, #tpu.memory_space<vmem>> -> memref<128xi32, #tpu.memory_space<vmem>>
      %dma_wait3A_444 = arith.constant 0 : i32
      %dma_wait3A_445 = arith.constant 0 : i32
      %dma_wait3A_446 = tpu.memref_slice %arg2[%dma_wait3A_444, %dma_wait3A_445] : memref<10240x16xf32, #tpu.memory_space<hbm>> -> memref<10240x16xf32, #tpu.memory_space<hbm>>
      tpu.wait_indirect_dma semaphore(%arg10 : memref<!tpu.dma_semaphore, #tpu.memory_space<semaphore_mem>>) src(%dma_wait3A_446 : memref<10240x16xf32, #tpu.memory_space<hbm>>) dst(%dma_wait3A_440 : memref<128x16xf32, #tpu.memory_space<vmem>>)
      %mul3A_447 = arith.constant 8 : i32
      %mul3A_448 = arith.muli %scan3A_328, %mul3A_447 : i32
      %add3A_449 = arith.constant 7 : i32
      %add3A_450 = arith.addi %mul3A_448, %add3A_449 : i32
      %dma_wait3A_451 = arith.constant 7 : i32
      %dma_wait3A_452 = arith.constant 0 : i32
      %dma_wait3A_453 = arith.constant 0 : i32
      %dma_wait3A_454 = tpu.memref_slice %arg7[%rem3A_329, %dma_wait3A_451, %dma_wait3A_452, %dma_wait3A_453] : memref<3x8x128x16xf32, #tpu.memory_space<vmem>> -> memref<1x1x128x16xf32, #tpu.memory_space<vmem>>
      %dma_wait3A_455 = tpu.memref_squeeze %dma_wait3A_454 : memref<1x1x128x16xf32, #tpu.memory_space<vmem>> -> memref<128x16xf32, #tpu.memory_space<vmem>>
      %dma_wait3A_456 = arith.constant 0 : i32
      %dma_wait3A_457 = tpu.memref_slice %arg5[%add3A_450, %dma_wait3A_456] : memref<80x128xi32, #tpu.memory_space<vmem>> -> memref<1x128xi32, #tpu.memory_space<vmem>>
      %dma_wait3A_458 = tpu.memref_squeeze %dma_wait3A_457 : memref<1x128xi32, #tpu.memory_space<vmem>> -> memref<128xi32, #tpu.memory_space<vmem>>
      %dma_wait3A_459 = arith.constant 0 : i32
      %dma_wait3A_460 = arith.constant 0 : i32
      %dma_wait3A_461 = tpu.memref_slice %arg2[%dma_wait3A_459, %dma_wait3A_460] : memref<10240x16xf32, #tpu.memory_space<hbm>> -> memref<10240x16xf32, #tpu.memory_space<hbm>>
      tpu.wait_indirect_dma semaphore(%arg10 : memref<!tpu.dma_semaphore, #tpu.memory_space<semaphore_mem>>) src(%dma_wait3A_461 : memref<10240x16xf32, #tpu.memory_space<hbm>>) dst(%dma_wait3A_455 : memref<128x16xf32, #tpu.memory_space<vmem>>)
      %mul3A_462 = arith.constant 8 : i32
      %mul3A_463 = arith.muli %scan3A_328, %mul3A_462 : i32
      %add3A_464 = arith.constant 0 : i32
      %add3A_465 = arith.addi %mul3A_463, %add3A_464 : i32
      %dma_start3A_466 = arith.constant 0 : i32
      %dma_start3A_467 = arith.constant 0 : i32
      %dma_start3A_468 = arith.constant 0 : i32
      %dma_start3A_469 = tpu.memref_slice %arg7[%rem3A_329, %dma_start3A_466, %dma_start3A_467, %dma_start3A_468] : memref<3x8x128x16xf32, #tpu.memory_space<vmem>> -> memref<1x1x128x16xf32, #tpu.memory_space<vmem>>
      %dma_start3A_470 = tpu.memref_squeeze %dma_start3A_469 : memref<1x1x128x16xf32, #tpu.memory_space<vmem>> -> memref<128x16xf32, #tpu.memory_space<vmem>>
      %dma_start3A_471 = arith.constant 0 : i32
      %dma_start3A_472 = tpu.memref_slice %arg6[%add3A_465, %dma_start3A_471] : memref<80x128xi32, #tpu.memory_space<vmem>> -> memref<1x128xi32, #tpu.memory_space<vmem>>
      %dma_start3A_473 = tpu.memref_squeeze %dma_start3A_472 : memref<1x128xi32, #tpu.memory_space<vmem>> -> memref<128xi32, #tpu.memory_space<vmem>>
      %dma_start3A_474 = arith.constant 0 : i32
      %dma_start3A_475 = arith.constant 0 : i32
      %dma_start3A_476 = tpu.memref_slice %arg9[%dma_start3A_474, %dma_start3A_475] : memref<10240x16xf32, #tpu.memory_space<vmem_shared>> -> memref<10240x16xf32, #tpu.memory_space<vmem_shared>>
      tpu.enqueue_indirect_dma source(%dma_start3A_470 : memref<128x16xf32, #tpu.memory_space<vmem>>) target(%dma_start3A_476 : memref<10240x16xf32, #tpu.memory_space<vmem_shared>>) offsets(%dma_start3A_473 : memref<128xi32, #tpu.memory_space<vmem>>) semaphore(%arg11 : memref<!tpu.dma_semaphore, #tpu.memory_space<semaphore_mem>>) {add = true}
      %mul3A_477 = arith.constant 8 : i32
      %mul3A_478 = arith.muli %scan3A_328, %mul3A_477 : i32
      %add3A_479 = arith.constant 1 : i32
      %add3A_480 = arith.addi %mul3A_478, %add3A_479 : i32
      %dma_start3A_481 = arith.constant 1 : i32
      %dma_start3A_482 = arith.constant 0 : i32
      %dma_start3A_483 = arith.constant 0 : i32
      %dma_start3A_484 = tpu.memref_slice %arg7[%rem3A_329, %dma_start3A_481, %dma_start3A_482, %dma_start3A_483] : memref<3x8x128x16xf32, #tpu.memory_space<vmem>> -> memref<1x1x128x16xf32, #tpu.memory_space<vmem>>
      %dma_start3A_485 = tpu.memref_squeeze %dma_start3A_484 : memref<1x1x128x16xf32, #tpu.memory_space<vmem>> -> memref<128x16xf32, #tpu.memory_space<vmem>>
      %dma_start3A_486 = arith.constant 0 : i32
      %dma_start3A_487 = tpu.memref_slice %arg6[%add3A_480, %dma_start3A_486] : memref<80x128xi32, #tpu.memory_space<vmem>> -> memref<1x128xi32, #tpu.memory_space<vmem>>
      %dma_start3A_488 = tpu.memref_squeeze %dma_start3A_487 : memref<1x128xi32, #tpu.memory_space<vmem>> -> memref<128xi32, #tpu.memory_space<vmem>>
      %dma_start3A_489 = arith.constant 0 : i32
      %dma_start3A_490 = arith.constant 0 : i32
      %dma_start3A_491 = tpu.memref_slice %arg9[%dma_start3A_489, %dma_start3A_490] : memref<10240x16xf32, #tpu.memory_space<vmem_shared>> -> memref<10240x16xf32, #tpu.memory_space<vmem_shared>>
      tpu.enqueue_indirect_dma source(%dma_start3A_485 : memref<128x16xf32, #tpu.memory_space<vmem>>) target(%dma_start3A_491 : memref<10240x16xf32, #tpu.memory_space<vmem_shared>>) offsets(%dma_start3A_488 : memref<128xi32, #tpu.memory_space<vmem>>) semaphore(%arg11 : memref<!tpu.dma_semaphore, #tpu.memory_space<semaphore_mem>>) {add = true}
      %mul3A_492 = arith.constant 8 : i32
      %mul3A_493 = arith.muli %scan3A_328, %mul3A_492 : i32
      %add3A_494 = arith.constant 2 : i32
      %add3A_495 = arith.addi %mul3A_493, %add3A_494 : i32
      %dma_start3A_496 = arith.constant 2 : i32
      %dma_start3A_497 = arith.constant 0 : i32
      %dma_start3A_498 = arith.constant 0 : i32
      %dma_start3A_499 = tpu.memref_slice %arg7[%rem3A_329, %dma_start3A_496, %dma_start3A_497, %dma_start3A_498] : memref<3x8x128x16xf32, #tpu.memory_space<vmem>> -> memref<1x1x128x16xf32, #tpu.memory_space<vmem>>
      %dma_start3A_500 = tpu.memref_squeeze %dma_start3A_499 : memref<1x1x128x16xf32, #tpu.memory_space<vmem>> -> memref<128x16xf32, #tpu.memory_space<vmem>>
      %dma_start3A_501 = arith.constant 0 : i32
      %dma_start3A_502 = tpu.memref_slice %arg6[%add3A_495, %dma_start3A_501] : memref<80x128xi32, #tpu.memory_space<vmem>> -> memref<1x128xi32, #tpu.memory_space<vmem>>
      %dma_start3A_503 = tpu.memref_squeeze %dma_start3A_502 : memref<1x128xi32, #tpu.memory_space<vmem>> -> memref<128xi32, #tpu.memory_space<vmem>>
      %dma_start3A_504 = arith.constant 0 : i32
      %dma_start3A_505 = arith.constant 0 : i32
      %dma_start3A_506 = tpu.memref_slice %arg9[%dma_start3A_504, %dma_start3A_505] : memref<10240x16xf32, #tpu.memory_space<vmem_shared>> -> memref<10240x16xf32, #tpu.memory_space<vmem_shared>>
      tpu.enqueue_indirect_dma source(%dma_start3A_500 : memref<128x16xf32, #tpu.memory_space<vmem>>) target(%dma_start3A_506 : memref<10240x16xf32, #tpu.memory_space<vmem_shared>>) offsets(%dma_start3A_503 : memref<128xi32, #tpu.memory_space<vmem>>) semaphore(%arg11 : memref<!tpu.dma_semaphore, #tpu.memory_space<semaphore_mem>>) {add = true}
      %mul3A_507 = arith.constant 8 : i32
      %mul3A_508 = arith.muli %scan3A_328, %mul3A_507 : i32
      %add3A_509 = arith.constant 3 : i32
      %add3A_510 = arith.addi %mul3A_508, %add3A_509 : i32
      %dma_start3A_511 = arith.constant 3 : i32
      %dma_start3A_512 = arith.constant 0 : i32
      %dma_start3A_513 = arith.constant 0 : i32
      %dma_start3A_514 = tpu.memref_slice %arg7[%rem3A_329, %dma_start3A_511, %dma_start3A_512, %dma_start3A_513] : memref<3x8x128x16xf32, #tpu.memory_space<vmem>> -> memref<1x1x128x16xf32, #tpu.memory_space<vmem>>
      %dma_start3A_515 = tpu.memref_squeeze %dma_start3A_514 : memref<1x1x128x16xf32, #tpu.memory_space<vmem>> -> memref<128x16xf32, #tpu.memory_space<vmem>>
      %dma_start3A_516 = arith.constant 0 : i32
      %dma_start3A_517 = tpu.memref_slice %arg6[%add3A_510, %dma_start3A_516] : memref<80x128xi32, #tpu.memory_space<vmem>> -> memref<1x128xi32, #tpu.memory_space<vmem>>
      %dma_start3A_518 = tpu.memref_squeeze %dma_start3A_517 : memref<1x128xi32, #tpu.memory_space<vmem>> -> memref<128xi32, #tpu.memory_space<vmem>>
      %dma_start3A_519 = arith.constant 0 : i32
      %dma_start3A_520 = arith.constant 0 : i32
      %dma_start3A_521 = tpu.memref_slice %arg9[%dma_start3A_519, %dma_start3A_520] : memref<10240x16xf32, #tpu.memory_space<vmem_shared>> -> memref<10240x16xf32, #tpu.memory_space<vmem_shared>>
      tpu.enqueue_indirect_dma source(%dma_start3A_515 : memref<128x16xf32, #tpu.memory_space<vmem>>) target(%dma_start3A_521 : memref<10240x16xf32, #tpu.memory_space<vmem_shared>>) offsets(%dma_start3A_518 : memref<128xi32, #tpu.memory_space<vmem>>) semaphore(%arg11 : memref<!tpu.dma_semaphore, #tpu.memory_space<semaphore_mem>>) {add = true}
      %mul3A_522 = arith.constant 8 : i32
      %mul3A_523 = arith.muli %scan3A_328, %mul3A_522 : i32
      %add3A_524 = arith.constant 4 : i32
      %add3A_525 = arith.addi %mul3A_523, %add3A_524 : i32
      %dma_start3A_526 = arith.constant 4 : i32
      %dma_start3A_527 = arith.constant 0 : i32
      %dma_start3A_528 = arith.constant 0 : i32
      %dma_start3A_529 = tpu.memref_slice %arg7[%rem3A_329, %dma_start3A_526, %dma_start3A_527, %dma_start3A_528] : memref<3x8x128x16xf32, #tpu.memory_space<vmem>> -> memref<1x1x128x16xf32, #tpu.memory_space<vmem>>
      %dma_start3A_530 = tpu.memref_squeeze %dma_start3A_529 : memref<1x1x128x16xf32, #tpu.memory_space<vmem>> -> memref<128x16xf32, #tpu.memory_space<vmem>>
      %dma_start3A_531 = arith.constant 0 : i32
      %dma_start3A_532 = tpu.memref_slice %arg6[%add3A_525, %dma_start3A_531] : memref<80x128xi32, #tpu.memory_space<vmem>> -> memref<1x128xi32, #tpu.memory_space<vmem>>
      %dma_start3A_533 = tpu.memref_squeeze %dma_start3A_532 : memref<1x128xi32, #tpu.memory_space<vmem>> -> memref<128xi32, #tpu.memory_space<vmem>>
      %dma_start3A_534 = arith.constant 0 : i32
      %dma_start3A_535 = arith.constant 0 : i32
      %dma_start3A_536 = tpu.memref_slice %arg9[%dma_start3A_534, %dma_start3A_535] : memref<10240x16xf32, #tpu.memory_space<vmem_shared>> -> memref<10240x16xf32, #tpu.memory_space<vmem_shared>>
      tpu.enqueue_indirect_dma source(%dma_start3A_530 : memref<128x16xf32, #tpu.memory_space<vmem>>) target(%dma_start3A_536 : memref<10240x16xf32, #tpu.memory_space<vmem_shared>>) offsets(%dma_start3A_533 : memref<128xi32, #tpu.memory_space<vmem>>) semaphore(%arg11 : memref<!tpu.dma_semaphore, #tpu.memory_space<semaphore_mem>>) {add = true}
      %mul3A_537 = arith.constant 8 : i32
      %mul3A_538 = arith.muli %scan3A_328, %mul3A_537 : i32
      %add3A_539 = arith.constant 5 : i32
      %add3A_540 = arith.addi %mul3A_538, %add3A_539 : i32
      %dma_start3A_541 = arith.constant 5 : i32
      %dma_start3A_542 = arith.constant 0 : i32
      %dma_start3A_543 = arith.constant 0 : i32
      %dma_start3A_544 = tpu.memref_slice %arg7[%rem3A_329, %dma_start3A_541, %dma_start3A_542, %dma_start3A_543] : memref<3x8x128x16xf32, #tpu.memory_space<vmem>> -> memref<1x1x128x16xf32, #tpu.memory_space<vmem>>
      %dma_start3A_545 = tpu.memref_squeeze %dma_start3A_544 : memref<1x1x128x16xf32, #tpu.memory_space<vmem>> -> memref<128x16xf32, #tpu.memory_space<vmem>>
      %dma_start3A_546 = arith.constant 0 : i32
      %dma_start3A_547 = tpu.memref_slice %arg6[%add3A_540, %dma_start3A_546] : memref<80x128xi32, #tpu.memory_space<vmem>> -> memref<1x128xi32, #tpu.memory_space<vmem>>
      %dma_start3A_548 = tpu.memref_squeeze %dma_start3A_547 : memref<1x128xi32, #tpu.memory_space<vmem>> -> memref<128xi32, #tpu.memory_space<vmem>>
      %dma_start3A_549 = arith.constant 0 : i32
      %dma_start3A_550 = arith.constant 0 : i32
      %dma_start3A_551 = tpu.memref_slice %arg9[%dma_start3A_549, %dma_start3A_550] : memref<10240x16xf32, #tpu.memory_space<vmem_shared>> -> memref<10240x16xf32, #tpu.memory_space<vmem_shared>>
      tpu.enqueue_indirect_dma source(%dma_start3A_545 : memref<128x16xf32, #tpu.memory_space<vmem>>) target(%dma_start3A_551 : memref<10240x16xf32, #tpu.memory_space<vmem_shared>>) offsets(%dma_start3A_548 : memref<128xi32, #tpu.memory_space<vmem>>) semaphore(%arg11 : memref<!tpu.dma_semaphore, #tpu.memory_space<semaphore_mem>>) {add = true}
      %mul3A_552 = arith.constant 8 : i32
      %mul3A_553 = arith.muli %scan3A_328, %mul3A_552 : i32
      %add3A_554 = arith.constant 6 : i32
      %add3A_555 = arith.addi %mul3A_553, %add3A_554 : i32
      %dma_start3A_556 = arith.constant 6 : i32
      %dma_start3A_557 = arith.constant 0 : i32
      %dma_start3A_558 = arith.constant 0 : i32
      %dma_start3A_559 = tpu.memref_slice %arg7[%rem3A_329, %dma_start3A_556, %dma_start3A_557, %dma_start3A_558] : memref<3x8x128x16xf32, #tpu.memory_space<vmem>> -> memref<1x1x128x16xf32, #tpu.memory_space<vmem>>
      %dma_start3A_560 = tpu.memref_squeeze %dma_start3A_559 : memref<1x1x128x16xf32, #tpu.memory_space<vmem>> -> memref<128x16xf32, #tpu.memory_space<vmem>>
      %dma_start3A_561 = arith.constant 0 : i32
      %dma_start3A_562 = tpu.memref_slice %arg6[%add3A_555, %dma_start3A_561] : memref<80x128xi32, #tpu.memory_space<vmem>> -> memref<1x128xi32, #tpu.memory_space<vmem>>
      %dma_start3A_563 = tpu.memref_squeeze %dma_start3A_562 : memref<1x128xi32, #tpu.memory_space<vmem>> -> memref<128xi32, #tpu.memory_space<vmem>>
      %dma_start3A_564 = arith.constant 0 : i32
      %dma_start3A_565 = arith.constant 0 : i32
      %dma_start3A_566 = tpu.memref_slice %arg9[%dma_start3A_564, %dma_start3A_565] : memref<10240x16xf32, #tpu.memory_space<vmem_shared>> -> memref<10240x16xf32, #tpu.memory_space<vmem_shared>>
      tpu.enqueue_indirect_dma source(%dma_start3A_560 : memref<128x16xf32, #tpu.memory_space<vmem>>) target(%dma_start3A_566 : memref<10240x16xf32, #tpu.memory_space<vmem_shared>>) offsets(%dma_start3A_563 : memref<128xi32, #tpu.memory_space<vmem>>) semaphore(%arg11 : memref<!tpu.dma_semaphore, #tpu.memory_space<semaphore_mem>>) {add = true}
      %mul3A_567 = arith.constant 8 : i32
      %mul3A_568 = arith.muli %scan3A_328, %mul3A_567 : i32
      %add3A_569 = arith.constant 7 : i32
      %add3A_570 = arith.addi %mul3A_568, %add3A_569 : i32
      %dma_start3A_571 = arith.constant 7 : i32
      %dma_start3A_572 = arith.constant 0 : i32
      %dma_start3A_573 = arith.constant 0 : i32
      %dma_start3A_574 = tpu.memref_slice %arg7[%rem3A_329, %dma_start3A_571, %dma_start3A_572, %dma_start3A_573] : memref<3x8x128x16xf32, #tpu.memory_space<vmem>> -> memref<1x1x128x16xf32, #tpu.memory_space<vmem>>
      %dma_start3A_575 = tpu.memref_squeeze %dma_start3A_574 : memref<1x1x128x16xf32, #tpu.memory_space<vmem>> -> memref<128x16xf32, #tpu.memory_space<vmem>>
      %dma_start3A_576 = arith.constant 0 : i32
      %dma_start3A_577 = tpu.memref_slice %arg6[%add3A_570, %dma_start3A_576] : memref<80x128xi32, #tpu.memory_space<vmem>> -> memref<1x128xi32, #tpu.memory_space<vmem>>
      %dma_start3A_578 = tpu.memref_squeeze %dma_start3A_577 : memref<1x128xi32, #tpu.memory_space<vmem>> -> memref<128xi32, #tpu.memory_space<vmem>>
      %dma_start3A_579 = arith.constant 0 : i32
      %dma_start3A_580 = arith.constant 0 : i32
      %dma_start3A_581 = tpu.memref_slice %arg9[%dma_start3A_579, %dma_start3A_580] : memref<10240x16xf32, #tpu.memory_space<vmem_shared>> -> memref<10240x16xf32, #tpu.memory_space<vmem_shared>>
      tpu.enqueue_indirect_dma source(%dma_start3A_575 : memref<128x16xf32, #tpu.memory_space<vmem>>) target(%dma_start3A_581 : memref<10240x16xf32, #tpu.memory_space<vmem_shared>>) offsets(%dma_start3A_578 : memref<128xi32, #tpu.memory_space<vmem>>) semaphore(%arg11 : memref<!tpu.dma_semaphore, #tpu.memory_space<semaphore_mem>>) {add = true}
    }
    %scan3A_117 = arith.constant 10 : i32
    %dma_wait3A = arith.constant 2 : i32
    %dma_wait3A_118 = arith.constant 0 : i32
    %dma_wait3A_119 = arith.constant 64 : i32
    %dma_wait3A_120 = arith.constant 0 : i32
    %dma_wait3A_121 = arith.constant 0 : i32
    %dma_wait3A_122 = tpu.memref_slice %arg7[%dma_wait3A, %dma_wait3A_118, %dma_wait3A_120, %dma_wait3A_121] : memref<3x8x128x16xf32, #tpu.memory_space<vmem>> -> memref<1x1x128x16xf32, #tpu.memory_space<vmem>>
    %dma_wait3A_123 = tpu.memref_squeeze %dma_wait3A_122 : memref<1x1x128x16xf32, #tpu.memory_space<vmem>> -> memref<128x16xf32, #tpu.memory_space<vmem>>
    %dma_wait3A_124 = arith.constant 0 : i32
    %dma_wait3A_125 = tpu.memref_slice %arg6[%dma_wait3A_119, %dma_wait3A_124] : memref<80x128xi32, #tpu.memory_space<vmem>> -> memref<1x128xi32, #tpu.memory_space<vmem>>
    %dma_wait3A_126 = tpu.memref_squeeze %dma_wait3A_125 : memref<1x128xi32, #tpu.memory_space<vmem>> -> memref<128xi32, #tpu.memory_space<vmem>>
    %dma_wait3A_127 = arith.constant 0 : i32
    %dma_wait3A_128 = arith.constant 0 : i32
    %dma_wait3A_129 = tpu.memref_slice %arg9[%dma_wait3A_127, %dma_wait3A_128] : memref<10240x16xf32, #tpu.memory_space<vmem_shared>> -> memref<10240x16xf32, #tpu.memory_space<vmem_shared>>
    tpu.wait_indirect_dma semaphore(%arg11 : memref<!tpu.dma_semaphore, #tpu.memory_space<semaphore_mem>>) src(%dma_wait3A_123 : memref<128x16xf32, #tpu.memory_space<vmem>>) dst(%dma_wait3A_129 : memref<10240x16xf32, #tpu.memory_space<vmem_shared>>)
    %dma_wait3A_130 = arith.constant 2 : i32
    %dma_wait3A_131 = arith.constant 1 : i32
    %dma_wait3A_132 = arith.constant 65 : i32
    %dma_wait3A_133 = arith.constant 0 : i32
    %dma_wait3A_134 = arith.constant 0 : i32
    %dma_wait3A_135 = tpu.memref_slice %arg7[%dma_wait3A_130, %dma_wait3A_131, %dma_wait3A_133, %dma_wait3A_134] : memref<3x8x128x16xf32, #tpu.memory_space<vmem>> -> memref<1x1x128x16xf32, #tpu.memory_space<vmem>>
    %dma_wait3A_136 = tpu.memref_squeeze %dma_wait3A_135 : memref<1x1x128x16xf32, #tpu.memory_space<vmem>> -> memref<128x16xf32, #tpu.memory_space<vmem>>
    %dma_wait3A_137 = arith.constant 0 : i32
    %dma_wait3A_138 = tpu.memref_slice %arg6[%dma_wait3A_132, %dma_wait3A_137] : memref<80x128xi32, #tpu.memory_space<vmem>> -> memref<1x128xi32, #tpu.memory_space<vmem>>
    %dma_wait3A_139 = tpu.memref_squeeze %dma_wait3A_138 : memref<1x128xi32, #tpu.memory_space<vmem>> -> memref<128xi32, #tpu.memory_space<vmem>>
    %dma_wait3A_140 = arith.constant 0 : i32
    %dma_wait3A_141 = arith.constant 0 : i32
    %dma_wait3A_142 = tpu.memref_slice %arg9[%dma_wait3A_140, %dma_wait3A_141] : memref<10240x16xf32, #tpu.memory_space<vmem_shared>> -> memref<10240x16xf32, #tpu.memory_space<vmem_shared>>
    tpu.wait_indirect_dma semaphore(%arg11 : memref<!tpu.dma_semaphore, #tpu.memory_space<semaphore_mem>>) src(%dma_wait3A_136 : memref<128x16xf32, #tpu.memory_space<vmem>>) dst(%dma_wait3A_142 : memref<10240x16xf32, #tpu.memory_space<vmem_shared>>)
    %dma_wait3A_143 = arith.constant 2 : i32
    %dma_wait3A_144 = arith.constant 2 : i32
    %dma_wait3A_145 = arith.constant 66 : i32
    %dma_wait3A_146 = arith.constant 0 : i32
    %dma_wait3A_147 = arith.constant 0 : i32
    %dma_wait3A_148 = tpu.memref_slice %arg7[%dma_wait3A_143, %dma_wait3A_144, %dma_wait3A_146, %dma_wait3A_147] : memref<3x8x128x16xf32, #tpu.memory_space<vmem>> -> memref<1x1x128x16xf32, #tpu.memory_space<vmem>>
    %dma_wait3A_149 = tpu.memref_squeeze %dma_wait3A_148 : memref<1x1x128x16xf32, #tpu.memory_space<vmem>> -> memref<128x16xf32, #tpu.memory_space<vmem>>
    %dma_wait3A_150 = arith.constant 0 : i32
    %dma_wait3A_151 = tpu.memref_slice %arg6[%dma_wait3A_145, %dma_wait3A_150] : memref<80x128xi32, #tpu.memory_space<vmem>> -> memref<1x128xi32, #tpu.memory_space<vmem>>
    %dma_wait3A_152 = tpu.memref_squeeze %dma_wait3A_151 : memref<1x128xi32, #tpu.memory_space<vmem>> -> memref<128xi32, #tpu.memory_space<vmem>>
    %dma_wait3A_153 = arith.constant 0 : i32
    %dma_wait3A_154 = arith.constant 0 : i32
    %dma_wait3A_155 = tpu.memref_slice %arg9[%dma_wait3A_153, %dma_wait3A_154] : memref<10240x16xf32, #tpu.memory_space<vmem_shared>> -> memref<10240x16xf32, #tpu.memory_space<vmem_shared>>
    tpu.wait_indirect_dma semaphore(%arg11 : memref<!tpu.dma_semaphore, #tpu.memory_space<semaphore_mem>>) src(%dma_wait3A_149 : memref<128x16xf32, #tpu.memory_space<vmem>>) dst(%dma_wait3A_155 : memref<10240x16xf32, #tpu.memory_space<vmem_shared>>)
    %dma_wait3A_156 = arith.constant 2 : i32
    %dma_wait3A_157 = arith.constant 3 : i32
    %dma_wait3A_158 = arith.constant 67 : i32
    %dma_wait3A_159 = arith.constant 0 : i32
    %dma_wait3A_160 = arith.constant 0 : i32
    %dma_wait3A_161 = tpu.memref_slice %arg7[%dma_wait3A_156, %dma_wait3A_157, %dma_wait3A_159, %dma_wait3A_160] : memref<3x8x128x16xf32, #tpu.memory_space<vmem>> -> memref<1x1x128x16xf32, #tpu.memory_space<vmem>>
    %dma_wait3A_162 = tpu.memref_squeeze %dma_wait3A_161 : memref<1x1x128x16xf32, #tpu.memory_space<vmem>> -> memref<128x16xf32, #tpu.memory_space<vmem>>
    %dma_wait3A_163 = arith.constant 0 : i32
    %dma_wait3A_164 = tpu.memref_slice %arg6[%dma_wait3A_158, %dma_wait3A_163] : memref<80x128xi32, #tpu.memory_space<vmem>> -> memref<1x128xi32, #tpu.memory_space<vmem>>
    %dma_wait3A_165 = tpu.memref_squeeze %dma_wait3A_164 : memref<1x128xi32, #tpu.memory_space<vmem>> -> memref<128xi32, #tpu.memory_space<vmem>>
    %dma_wait3A_166 = arith.constant 0 : i32
    %dma_wait3A_167 = arith.constant 0 : i32
    %dma_wait3A_168 = tpu.memref_slice %arg9[%dma_wait3A_166, %dma_wait3A_167] : memref<10240x16xf32, #tpu.memory_space<vmem_shared>> -> memref<10240x16xf32, #tpu.memory_space<vmem_shared>>
    tpu.wait_indirect_dma semaphore(%arg11 : memref<!tpu.dma_semaphore, #tpu.memory_space<semaphore_mem>>) src(%dma_wait3A_162 : memref<128x16xf32, #tpu.memory_space<vmem>>) dst(%dma_wait3A_168 : memref<10240x16xf32, #tpu.memory_space<vmem_shared>>)
    %dma_wait3A_169 = arith.constant 2 : i32
    %dma_wait3A_170 = arith.constant 4 : i32
    %dma_wait3A_171 = arith.constant 68 : i32
    %dma_wait3A_172 = arith.constant 0 : i32
    %dma_wait3A_173 = arith.constant 0 : i32
    %dma_wait3A_174 = tpu.memref_slice %arg7[%dma_wait3A_169, %dma_wait3A_170, %dma_wait3A_172, %dma_wait3A_173] : memref<3x8x128x16xf32, #tpu.memory_space<vmem>> -> memref<1x1x128x16xf32, #tpu.memory_space<vmem>>
    %dma_wait3A_175 = tpu.memref_squeeze %dma_wait3A_174 : memref<1x1x128x16xf32, #tpu.memory_space<vmem>> -> memref<128x16xf32, #tpu.memory_space<vmem>>
    %dma_wait3A_176 = arith.constant 0 : i32
    %dma_wait3A_177 = tpu.memref_slice %arg6[%dma_wait3A_171, %dma_wait3A_176] : memref<80x128xi32, #tpu.memory_space<vmem>> -> memref<1x128xi32, #tpu.memory_space<vmem>>
    %dma_wait3A_178 = tpu.memref_squeeze %dma_wait3A_177 : memref<1x128xi32, #tpu.memory_space<vmem>> -> memref<128xi32, #tpu.memory_space<vmem>>
    %dma_wait3A_179 = arith.constant 0 : i32
    %dma_wait3A_180 = arith.constant 0 : i32
    %dma_wait3A_181 = tpu.memref_slice %arg9[%dma_wait3A_179, %dma_wait3A_180] : memref<10240x16xf32, #tpu.memory_space<vmem_shared>> -> memref<10240x16xf32, #tpu.memory_space<vmem_shared>>
    tpu.wait_indirect_dma semaphore(%arg11 : memref<!tpu.dma_semaphore, #tpu.memory_space<semaphore_mem>>) src(%dma_wait3A_175 : memref<128x16xf32, #tpu.memory_space<vmem>>) dst(%dma_wait3A_181 : memref<10240x16xf32, #tpu.memory_space<vmem_shared>>)
    %dma_wait3A_182 = arith.constant 2 : i32
    %dma_wait3A_183 = arith.constant 5 : i32
    %dma_wait3A_184 = arith.constant 69 : i32
    %dma_wait3A_185 = arith.constant 0 : i32
    %dma_wait3A_186 = arith.constant 0 : i32
    %dma_wait3A_187 = tpu.memref_slice %arg7[%dma_wait3A_182, %dma_wait3A_183, %dma_wait3A_185, %dma_wait3A_186] : memref<3x8x128x16xf32, #tpu.memory_space<vmem>> -> memref<1x1x128x16xf32, #tpu.memory_space<vmem>>
    %dma_wait3A_188 = tpu.memref_squeeze %dma_wait3A_187 : memref<1x1x128x16xf32, #tpu.memory_space<vmem>> -> memref<128x16xf32, #tpu.memory_space<vmem>>
    %dma_wait3A_189 = arith.constant 0 : i32
    %dma_wait3A_190 = tpu.memref_slice %arg6[%dma_wait3A_184, %dma_wait3A_189] : memref<80x128xi32, #tpu.memory_space<vmem>> -> memref<1x128xi32, #tpu.memory_space<vmem>>
    %dma_wait3A_191 = tpu.memref_squeeze %dma_wait3A_190 : memref<1x128xi32, #tpu.memory_space<vmem>> -> memref<128xi32, #tpu.memory_space<vmem>>
    %dma_wait3A_192 = arith.constant 0 : i32
    %dma_wait3A_193 = arith.constant 0 : i32
    %dma_wait3A_194 = tpu.memref_slice %arg9[%dma_wait3A_192, %dma_wait3A_193] : memref<10240x16xf32, #tpu.memory_space<vmem_shared>> -> memref<10240x16xf32, #tpu.memory_space<vmem_shared>>
    tpu.wait_indirect_dma semaphore(%arg11 : memref<!tpu.dma_semaphore, #tpu.memory_space<semaphore_mem>>) src(%dma_wait3A_188 : memref<128x16xf32, #tpu.memory_space<vmem>>) dst(%dma_wait3A_194 : memref<10240x16xf32, #tpu.memory_space<vmem_shared>>)
    %dma_wait3A_195 = arith.constant 2 : i32
    %dma_wait3A_196 = arith.constant 6 : i32
    %dma_wait3A_197 = arith.constant 70 : i32
    %dma_wait3A_198 = arith.constant 0 : i32
    %dma_wait3A_199 = arith.constant 0 : i32
    %dma_wait3A_200 = tpu.memref_slice %arg7[%dma_wait3A_195, %dma_wait3A_196, %dma_wait3A_198, %dma_wait3A_199] : memref<3x8x128x16xf32, #tpu.memory_space<vmem>> -> memref<1x1x128x16xf32, #tpu.memory_space<vmem>>
    %dma_wait3A_201 = tpu.memref_squeeze %dma_wait3A_200 : memref<1x1x128x16xf32, #tpu.memory_space<vmem>> -> memref<128x16xf32, #tpu.memory_space<vmem>>
    %dma_wait3A_202 = arith.constant 0 : i32
    %dma_wait3A_203 = tpu.memref_slice %arg6[%dma_wait3A_197, %dma_wait3A_202] : memref<80x128xi32, #tpu.memory_space<vmem>> -> memref<1x128xi32, #tpu.memory_space<vmem>>
    %dma_wait3A_204 = tpu.memref_squeeze %dma_wait3A_203 : memref<1x128xi32, #tpu.memory_space<vmem>> -> memref<128xi32, #tpu.memory_space<vmem>>
    %dma_wait3A_205 = arith.constant 0 : i32
    %dma_wait3A_206 = arith.constant 0 : i32
    %dma_wait3A_207 = tpu.memref_slice %arg9[%dma_wait3A_205, %dma_wait3A_206] : memref<10240x16xf32, #tpu.memory_space<vmem_shared>> -> memref<10240x16xf32, #tpu.memory_space<vmem_shared>>
    tpu.wait_indirect_dma semaphore(%arg11 : memref<!tpu.dma_semaphore, #tpu.memory_space<semaphore_mem>>) src(%dma_wait3A_201 : memref<128x16xf32, #tpu.memory_space<vmem>>) dst(%dma_wait3A_207 : memref<10240x16xf32, #tpu.memory_space<vmem_shared>>)
    %dma_wait3A_208 = arith.constant 2 : i32
    %dma_wait3A_209 = arith.constant 7 : i32
    %dma_wait3A_210 = arith.constant 71 : i32
    %dma_wait3A_211 = arith.constant 0 : i32
    %dma_wait3A_212 = arith.constant 0 : i32
    %dma_wait3A_213 = tpu.memref_slice %arg7[%dma_wait3A_208, %dma_wait3A_209, %dma_wait3A_211, %dma_wait3A_212] : memref<3x8x128x16xf32, #tpu.memory_space<vmem>> -> memref<1x1x128x16xf32, #tpu.memory_space<vmem>>
    %dma_wait3A_214 = tpu.memref_squeeze %dma_wait3A_213 : memref<1x1x128x16xf32, #tpu.memory_space<vmem>> -> memref<128x16xf32, #tpu.memory_space<vmem>>
    %dma_wait3A_215 = arith.constant 0 : i32
    %dma_wait3A_216 = tpu.memref_slice %arg6[%dma_wait3A_210, %dma_wait3A_215] : memref<80x128xi32, #tpu.memory_space<vmem>> -> memref<1x128xi32, #tpu.memory_space<vmem>>
    %dma_wait3A_217 = tpu.memref_squeeze %dma_wait3A_216 : memref<1x128xi32, #tpu.memory_space<vmem>> -> memref<128xi32, #tpu.memory_space<vmem>>
    %dma_wait3A_218 = arith.constant 0 : i32
    %dma_wait3A_219 = arith.constant 0 : i32
    %dma_wait3A_220 = tpu.memref_slice %arg9[%dma_wait3A_218, %dma_wait3A_219] : memref<10240x16xf32, #tpu.memory_space<vmem_shared>> -> memref<10240x16xf32, #tpu.memory_space<vmem_shared>>
    tpu.wait_indirect_dma semaphore(%arg11 : memref<!tpu.dma_semaphore, #tpu.memory_space<semaphore_mem>>) src(%dma_wait3A_214 : memref<128x16xf32, #tpu.memory_space<vmem>>) dst(%dma_wait3A_220 : memref<10240x16xf32, #tpu.memory_space<vmem_shared>>)
    %dma_wait3A_221 = arith.constant 0 : i32
    %dma_wait3A_222 = arith.constant 0 : i32
    %dma_wait3A_223 = arith.constant 72 : i32
    %dma_wait3A_224 = arith.constant 0 : i32
    %dma_wait3A_225 = arith.constant 0 : i32
    %dma_wait3A_226 = tpu.memref_slice %arg7[%dma_wait3A_221, %dma_wait3A_222, %dma_wait3A_224, %dma_wait3A_225] : memref<3x8x128x16xf32, #tpu.memory_space<vmem>> -> memref<1x1x128x16xf32, #tpu.memory_space<vmem>>
    %dma_wait3A_227 = tpu.memref_squeeze %dma_wait3A_226 : memref<1x1x128x16xf32, #tpu.memory_space<vmem>> -> memref<128x16xf32, #tpu.memory_space<vmem>>
    %dma_wait3A_228 = arith.constant 0 : i32
    %dma_wait3A_229 = tpu.memref_slice %arg6[%dma_wait3A_223, %dma_wait3A_228] : memref<80x128xi32, #tpu.memory_space<vmem>> -> memref<1x128xi32, #tpu.memory_space<vmem>>
    %dma_wait3A_230 = tpu.memref_squeeze %dma_wait3A_229 : memref<1x128xi32, #tpu.memory_space<vmem>> -> memref<128xi32, #tpu.memory_space<vmem>>
    %dma_wait3A_231 = arith.constant 0 : i32
    %dma_wait3A_232 = arith.constant 0 : i32
    %dma_wait3A_233 = tpu.memref_slice %arg9[%dma_wait3A_231, %dma_wait3A_232] : memref<10240x16xf32, #tpu.memory_space<vmem_shared>> -> memref<10240x16xf32, #tpu.memory_space<vmem_shared>>
    tpu.wait_indirect_dma semaphore(%arg11 : memref<!tpu.dma_semaphore, #tpu.memory_space<semaphore_mem>>) src(%dma_wait3A_227 : memref<128x16xf32, #tpu.memory_space<vmem>>) dst(%dma_wait3A_233 : memref<10240x16xf32, #tpu.memory_space<vmem_shared>>)
    %dma_wait3A_234 = arith.constant 0 : i32
    %dma_wait3A_235 = arith.constant 1 : i32
    %dma_wait3A_236 = arith.constant 73 : i32
    %dma_wait3A_237 = arith.constant 0 : i32
    %dma_wait3A_238 = arith.constant 0 : i32
    %dma_wait3A_239 = tpu.memref_slice %arg7[%dma_wait3A_234, %dma_wait3A_235, %dma_wait3A_237, %dma_wait3A_238] : memref<3x8x128x16xf32, #tpu.memory_space<vmem>> -> memref<1x1x128x16xf32, #tpu.memory_space<vmem>>
    %dma_wait3A_240 = tpu.memref_squeeze %dma_wait3A_239 : memref<1x1x128x16xf32, #tpu.memory_space<vmem>> -> memref<128x16xf32, #tpu.memory_space<vmem>>
    %dma_wait3A_241 = arith.constant 0 : i32
    %dma_wait3A_242 = tpu.memref_slice %arg6[%dma_wait3A_236, %dma_wait3A_241] : memref<80x128xi32, #tpu.memory_space<vmem>> -> memref<1x128xi32, #tpu.memory_space<vmem>>
    %dma_wait3A_243 = tpu.memref_squeeze %dma_wait3A_242 : memref<1x128xi32, #tpu.memory_space<vmem>> -> memref<128xi32, #tpu.memory_space<vmem>>
    %dma_wait3A_244 = arith.constant 0 : i32
    %dma_wait3A_245 = arith.constant 0 : i32
    %dma_wait3A_246 = tpu.memref_slice %arg9[%dma_wait3A_244, %dma_wait3A_245] : memref<10240x16xf32, #tpu.memory_space<vmem_shared>> -> memref<10240x16xf32, #tpu.memory_space<vmem_shared>>
    tpu.wait_indirect_dma semaphore(%arg11 : memref<!tpu.dma_semaphore, #tpu.memory_space<semaphore_mem>>) src(%dma_wait3A_240 : memref<128x16xf32, #tpu.memory_space<vmem>>) dst(%dma_wait3A_246 : memref<10240x16xf32, #tpu.memory_space<vmem_shared>>)
    %dma_wait3A_247 = arith.constant 0 : i32
    %dma_wait3A_248 = arith.constant 2 : i32
    %dma_wait3A_249 = arith.constant 74 : i32
    %dma_wait3A_250 = arith.constant 0 : i32
    %dma_wait3A_251 = arith.constant 0 : i32
    %dma_wait3A_252 = tpu.memref_slice %arg7[%dma_wait3A_247, %dma_wait3A_248, %dma_wait3A_250, %dma_wait3A_251] : memref<3x8x128x16xf32, #tpu.memory_space<vmem>> -> memref<1x1x128x16xf32, #tpu.memory_space<vmem>>
    %dma_wait3A_253 = tpu.memref_squeeze %dma_wait3A_252 : memref<1x1x128x16xf32, #tpu.memory_space<vmem>> -> memref<128x16xf32, #tpu.memory_space<vmem>>
    %dma_wait3A_254 = arith.constant 0 : i32
    %dma_wait3A_255 = tpu.memref_slice %arg6[%dma_wait3A_249, %dma_wait3A_254] : memref<80x128xi32, #tpu.memory_space<vmem>> -> memref<1x128xi32, #tpu.memory_space<vmem>>
    %dma_wait3A_256 = tpu.memref_squeeze %dma_wait3A_255 : memref<1x128xi32, #tpu.memory_space<vmem>> -> memref<128xi32, #tpu.memory_space<vmem>>
    %dma_wait3A_257 = arith.constant 0 : i32
    %dma_wait3A_258 = arith.constant 0 : i32
    %dma_wait3A_259 = tpu.memref_slice %arg9[%dma_wait3A_257, %dma_wait3A_258] : memref<10240x16xf32, #tpu.memory_space<vmem_shared>> -> memref<10240x16xf32, #tpu.memory_space<vmem_shared>>
    tpu.wait_indirect_dma semaphore(%arg11 : memref<!tpu.dma_semaphore, #tpu.memory_space<semaphore_mem>>) src(%dma_wait3A_253 : memref<128x16xf32, #tpu.memory_space<vmem>>) dst(%dma_wait3A_259 : memref<10240x16xf32, #tpu.memory_space<vmem_shared>>)
    %dma_wait3A_260 = arith.constant 0 : i32
    %dma_wait3A_261 = arith.constant 3 : i32
    %dma_wait3A_262 = arith.constant 75 : i32
    %dma_wait3A_263 = arith.constant 0 : i32
    %dma_wait3A_264 = arith.constant 0 : i32
    %dma_wait3A_265 = tpu.memref_slice %arg7[%dma_wait3A_260, %dma_wait3A_261, %dma_wait3A_263, %dma_wait3A_264] : memref<3x8x128x16xf32, #tpu.memory_space<vmem>> -> memref<1x1x128x16xf32, #tpu.memory_space<vmem>>
    %dma_wait3A_266 = tpu.memref_squeeze %dma_wait3A_265 : memref<1x1x128x16xf32, #tpu.memory_space<vmem>> -> memref<128x16xf32, #tpu.memory_space<vmem>>
    %dma_wait3A_267 = arith.constant 0 : i32
    %dma_wait3A_268 = tpu.memref_slice %arg6[%dma_wait3A_262, %dma_wait3A_267] : memref<80x128xi32, #tpu.memory_space<vmem>> -> memref<1x128xi32, #tpu.memory_space<vmem>>
    %dma_wait3A_269 = tpu.memref_squeeze %dma_wait3A_268 : memref<1x128xi32, #tpu.memory_space<vmem>> -> memref<128xi32, #tpu.memory_space<vmem>>
    %dma_wait3A_270 = arith.constant 0 : i32
    %dma_wait3A_271 = arith.constant 0 : i32
    %dma_wait3A_272 = tpu.memref_slice %arg9[%dma_wait3A_270, %dma_wait3A_271] : memref<10240x16xf32, #tpu.memory_space<vmem_shared>> -> memref<10240x16xf32, #tpu.memory_space<vmem_shared>>
    tpu.wait_indirect_dma semaphore(%arg11 : memref<!tpu.dma_semaphore, #tpu.memory_space<semaphore_mem>>) src(%dma_wait3A_266 : memref<128x16xf32, #tpu.memory_space<vmem>>) dst(%dma_wait3A_272 : memref<10240x16xf32, #tpu.memory_space<vmem_shared>>)
    %dma_wait3A_273 = arith.constant 0 : i32
    %dma_wait3A_274 = arith.constant 4 : i32
    %dma_wait3A_275 = arith.constant 76 : i32
    %dma_wait3A_276 = arith.constant 0 : i32
    %dma_wait3A_277 = arith.constant 0 : i32
    %dma_wait3A_278 = tpu.memref_slice %arg7[%dma_wait3A_273, %dma_wait3A_274, %dma_wait3A_276, %dma_wait3A_277] : memref<3x8x128x16xf32, #tpu.memory_space<vmem>> -> memref<1x1x128x16xf32, #tpu.memory_space<vmem>>
    %dma_wait3A_279 = tpu.memref_squeeze %dma_wait3A_278 : memref<1x1x128x16xf32, #tpu.memory_space<vmem>> -> memref<128x16xf32, #tpu.memory_space<vmem>>
    %dma_wait3A_280 = arith.constant 0 : i32
    %dma_wait3A_281 = tpu.memref_slice %arg6[%dma_wait3A_275, %dma_wait3A_280] : memref<80x128xi32, #tpu.memory_space<vmem>> -> memref<1x128xi32, #tpu.memory_space<vmem>>
    %dma_wait3A_282 = tpu.memref_squeeze %dma_wait3A_281 : memref<1x128xi32, #tpu.memory_space<vmem>> -> memref<128xi32, #tpu.memory_space<vmem>>
    %dma_wait3A_283 = arith.constant 0 : i32
    %dma_wait3A_284 = arith.constant 0 : i32
    %dma_wait3A_285 = tpu.memref_slice %arg9[%dma_wait3A_283, %dma_wait3A_284] : memref<10240x16xf32, #tpu.memory_space<vmem_shared>> -> memref<10240x16xf32, #tpu.memory_space<vmem_shared>>
    tpu.wait_indirect_dma semaphore(%arg11 : memref<!tpu.dma_semaphore, #tpu.memory_space<semaphore_mem>>) src(%dma_wait3A_279 : memref<128x16xf32, #tpu.memory_space<vmem>>) dst(%dma_wait3A_285 : memref<10240x16xf32, #tpu.memory_space<vmem_shared>>)
    %dma_wait3A_286 = arith.constant 0 : i32
    %dma_wait3A_287 = arith.constant 5 : i32
    %dma_wait3A_288 = arith.constant 77 : i32
    %dma_wait3A_289 = arith.constant 0 : i32
    %dma_wait3A_290 = arith.constant 0 : i32
    %dma_wait3A_291 = tpu.memref_slice %arg7[%dma_wait3A_286, %dma_wait3A_287, %dma_wait3A_289, %dma_wait3A_290] : memref<3x8x128x16xf32, #tpu.memory_space<vmem>> -> memref<1x1x128x16xf32, #tpu.memory_space<vmem>>
    %dma_wait3A_292 = tpu.memref_squeeze %dma_wait3A_291 : memref<1x1x128x16xf32, #tpu.memory_space<vmem>> -> memref<128x16xf32, #tpu.memory_space<vmem>>
    %dma_wait3A_293 = arith.constant 0 : i32
    %dma_wait3A_294 = tpu.memref_slice %arg6[%dma_wait3A_288, %dma_wait3A_293] : memref<80x128xi32, #tpu.memory_space<vmem>> -> memref<1x128xi32, #tpu.memory_space<vmem>>
    %dma_wait3A_295 = tpu.memref_squeeze %dma_wait3A_294 : memref<1x128xi32, #tpu.memory_space<vmem>> -> memref<128xi32, #tpu.memory_space<vmem>>
    %dma_wait3A_296 = arith.constant 0 : i32
    %dma_wait3A_297 = arith.constant 0 : i32
    %dma_wait3A_298 = tpu.memref_slice %arg9[%dma_wait3A_296, %dma_wait3A_297] : memref<10240x16xf32, #tpu.memory_space<vmem_shared>> -> memref<10240x16xf32, #tpu.memory_space<vmem_shared>>
    tpu.wait_indirect_dma semaphore(%arg11 : memref<!tpu.dma_semaphore, #tpu.memory_space<semaphore_mem>>) src(%dma_wait3A_292 : memref<128x16xf32, #tpu.memory_space<vmem>>) dst(%dma_wait3A_298 : memref<10240x16xf32, #tpu.memory_space<vmem_shared>>)
    %dma_wait3A_299 = arith.constant 0 : i32
    %dma_wait3A_300 = arith.constant 6 : i32
    %dma_wait3A_301 = arith.constant 78 : i32
    %dma_wait3A_302 = arith.constant 0 : i32
    %dma_wait3A_303 = arith.constant 0 : i32
    %dma_wait3A_304 = tpu.memref_slice %arg7[%dma_wait3A_299, %dma_wait3A_300, %dma_wait3A_302, %dma_wait3A_303] : memref<3x8x128x16xf32, #tpu.memory_space<vmem>> -> memref<1x1x128x16xf32, #tpu.memory_space<vmem>>
    %dma_wait3A_305 = tpu.memref_squeeze %dma_wait3A_304 : memref<1x1x128x16xf32, #tpu.memory_space<vmem>> -> memref<128x16xf32, #tpu.memory_space<vmem>>
    %dma_wait3A_306 = arith.constant 0 : i32
    %dma_wait3A_307 = tpu.memref_slice %arg6[%dma_wait3A_301, %dma_wait3A_306] : memref<80x128xi32, #tpu.memory_space<vmem>> -> memref<1x128xi32, #tpu.memory_space<vmem>>
    %dma_wait3A_308 = tpu.memref_squeeze %dma_wait3A_307 : memref<1x128xi32, #tpu.memory_space<vmem>> -> memref<128xi32, #tpu.memory_space<vmem>>
    %dma_wait3A_309 = arith.constant 0 : i32
    %dma_wait3A_310 = arith.constant 0 : i32
    %dma_wait3A_311 = tpu.memref_slice %arg9[%dma_wait3A_309, %dma_wait3A_310] : memref<10240x16xf32, #tpu.memory_space<vmem_shared>> -> memref<10240x16xf32, #tpu.memory_space<vmem_shared>>
    tpu.wait_indirect_dma semaphore(%arg11 : memref<!tpu.dma_semaphore, #tpu.memory_space<semaphore_mem>>) src(%dma_wait3A_305 : memref<128x16xf32, #tpu.memory_space<vmem>>) dst(%dma_wait3A_311 : memref<10240x16xf32, #tpu.memory_space<vmem_shared>>)
    %dma_wait3A_312 = arith.constant 0 : i32
    %dma_wait3A_313 = arith.constant 7 : i32
    %dma_wait3A_314 = arith.constant 79 : i32
    %dma_wait3A_315 = arith.constant 0 : i32
    %dma_wait3A_316 = arith.constant 0 : i32
    %dma_wait3A_317 = tpu.memref_slice %arg7[%dma_wait3A_312, %dma_wait3A_313, %dma_wait3A_315, %dma_wait3A_316] : memref<3x8x128x16xf32, #tpu.memory_space<vmem>> -> memref<1x1x128x16xf32, #tpu.memory_space<vmem>>
    %dma_wait3A_318 = tpu.memref_squeeze %dma_wait3A_317 : memref<1x1x128x16xf32, #tpu.memory_space<vmem>> -> memref<128x16xf32, #tpu.memory_space<vmem>>
    %dma_wait3A_319 = arith.constant 0 : i32
    %dma_wait3A_320 = tpu.memref_slice %arg6[%dma_wait3A_314, %dma_wait3A_319] : memref<80x128xi32, #tpu.memory_space<vmem>> -> memref<1x128xi32, #tpu.memory_space<vmem>>
    %dma_wait3A_321 = tpu.memref_squeeze %dma_wait3A_320 : memref<1x128xi32, #tpu.memory_space<vmem>> -> memref<128xi32, #tpu.memory_space<vmem>>
    %dma_wait3A_322 = arith.constant 0 : i32
    %dma_wait3A_323 = arith.constant 0 : i32
    %dma_wait3A_324 = tpu.memref_slice %arg9[%dma_wait3A_322, %dma_wait3A_323] : memref<10240x16xf32, #tpu.memory_space<vmem_shared>> -> memref<10240x16xf32, #tpu.memory_space<vmem_shared>>
    tpu.wait_indirect_dma semaphore(%arg11 : memref<!tpu.dma_semaphore, #tpu.memory_space<semaphore_mem>>) src(%dma_wait3A_318 : memref<128x16xf32, #tpu.memory_space<vmem>>) dst(%dma_wait3A_324 : memref<10240x16xf32, #tpu.memory_space<vmem_shared>>)
    %barrier3A_325 = arith.constant 0 : index
    tpu.barrier barrier_id(%barrier3A_325)
    %mul3A_326 = arith.constant 640 : i32
    %mul3A_327 = arith.muli %arg1, %mul3A_326 : i32
    "tpu.region"() ({
      %run_scoped3A_328 = tpu.sem_alloc : memref<!tpu.dma_semaphore, #tpu.memory_space<semaphore_mem>>
      %dma_start3A_329 = arith.constant 0 : i32
      %dma_start3A_330 = arith.constant 0 : i32
      %dma_start3A_331 = tpu.memref_slice %arg4[%arg0, %dma_start3A_329, %dma_start3A_330] : memref<2x10240x16xf32, #tpu.memory_space<hbm>> -> memref<1x10240x16xf32, #tpu.memory_space<hbm>>
      %dma_start3A_332 = tpu.memref_squeeze %dma_start3A_331 : memref<1x10240x16xf32, #tpu.memory_space<hbm>> -> memref<10240x16xf32, #tpu.memory_space<hbm>>
      %dma_start3A_333 = arith.constant 0 : i32
      %dma_start3A_334 = tpu.memref_slice %dma_start3A_332[%mul3A_327, %dma_start3A_333] : memref<10240x16xf32, #tpu.memory_space<hbm>> -> memref<640x16xf32, #tpu.memory_space<hbm>>
      %dma_start3A_335 = arith.constant 0 : i32
      %dma_start3A_336 = tpu.memref_slice %arg9[%mul3A_327, %dma_start3A_335] : memref<10240x16xf32, #tpu.memory_space<vmem_shared>> -> memref<640x16xf32, #tpu.memory_space<vmem_shared>>
      tpu.enqueue_dma source(%dma_start3A_336 : memref<640x16xf32, #tpu.memory_space<vmem_shared>>) target(%dma_start3A_334 : memref<640x16xf32, #tpu.memory_space<hbm>>) target_semaphore(%run_scoped3A_328 : memref<!tpu.dma_semaphore, #tpu.memory_space<semaphore_mem>>)
      %dma_wait3A_337 = arith.constant 0 : i32
      %dma_wait3A_338 = arith.constant 0 : i32
      %dma_wait3A_339 = tpu.memref_slice %arg4[%arg0, %dma_wait3A_337, %dma_wait3A_338] : memref<2x10240x16xf32, #tpu.memory_space<hbm>> -> memref<1x10240x16xf32, #tpu.memory_space<hbm>>
      %dma_wait3A_340 = tpu.memref_squeeze %dma_wait3A_339 : memref<1x10240x16xf32, #tpu.memory_space<hbm>> -> memref<10240x16xf32, #tpu.memory_space<hbm>>
      %dma_wait3A_341 = arith.constant 0 : i32
      %dma_wait3A_342 = tpu.memref_slice %dma_wait3A_340[%mul3A_327, %dma_wait3A_341] : memref<10240x16xf32, #tpu.memory_space<hbm>> -> memref<640x16xf32, #tpu.memory_space<hbm>>
      %dma_wait3A_343 = arith.constant 0 : i32
      %dma_wait3A_344 = tpu.memref_slice %arg9[%mul3A_327, %dma_wait3A_343] : memref<10240x16xf32, #tpu.memory_space<vmem_shared>> -> memref<640x16xf32, #tpu.memory_space<vmem_shared>>
      tpu.wait_dma2 semaphore(%run_scoped3A_328 : memref<!tpu.dma_semaphore, #tpu.memory_space<semaphore_mem>>) src(%dma_wait3A_344 : memref<640x16xf32, #tpu.memory_space<vmem_shared>>) dst(%dma_wait3A_342 : memref<640x16xf32, #tpu.memory_space<hbm>>)
      tpu.yield
    }) : () -> ()
    return
  }
}

module attributes {stable_mosaic.version = 14 : i64} {
  func.func @_tc1_body(%arg0: i32, %arg1: memref<2048x128xf32, #tpu.memory_space<vmem>>, %arg2: memref<128x16xf32, #tpu.memory_space<vmem>>, %arg3: memref<10240xf32, #tpu.memory_space<vmem>>, %arg4: memref<10240xf32, #tpu.memory_space<vmem>>, %arg5: memref<2048x16xf32, #tpu.memory_space<vmem>>, %arg6: memref<2048x1xf32, #tpu.memory_space<vmem>>) attributes {dimension_semantics = [#tpu.dimension_semantics<arbitrary>], iteration_bounds = array<i64: 5>, scalar_prefetch = 0 : i64, scratch_operands = 0 : i64, tpu.core_type = #tpu.core_type<tc>, window_params = [{transform_indices = @transform_0, window_bounds = array<i64: 2048, 128>}, {pipeline_mode = #tpu.pipeline_mode<synchronous>, transform_indices = @transform_1, window_bounds = array<i64: 128, 16>}, {pipeline_mode = #tpu.pipeline_mode<synchronous>, transform_indices = @transform_2, window_bounds = array<i64: 10240>}, {pipeline_mode = #tpu.pipeline_mode<synchronous>, transform_indices = @transform_3, window_bounds = array<i64: 10240>}, {transform_indices = @transform_4, window_bounds = array<i64: 2048, 16>}, {transform_indices = @transform_5, window_bounds = array<i64: 2048, 1>}]} {
    %mul3A = arith.constant 2048 : i32
    %mul3A_0 = arith.muli %arg0, %mul3A : i32
    %get3A = arith.index_cast %mul3A_0 : i32 to index
    %get3A_1 = vector.load %arg3[%get3A] : memref<10240xf32, #tpu.memory_space<vmem>>, vector<2048xf32>
    %add3A = arith.constant 1.000000e+00 : f32
    %add3A_2 = vector.broadcast %add3A : f32 to vector<2048xf32>
    %add3A_3 = arith.addf %add3A_2, %get3A_1 : vector<2048xf32>
    %mul3A_4 = arith.constant 2048 : i32
    %mul3A_5 = arith.muli %arg0, %mul3A_4 : i32
    %get3A_6 = arith.index_cast %mul3A_5 : i32 to index
    %get3A_7 = vector.load %arg4[%get3A_6] : memref<10240xf32, #tpu.memory_space<vmem>>, vector<2048xf32>
    %add3A_8 = arith.addf %add3A_3, %get3A_7 : vector<2048xf32>
    %rsqrt3A = math.rsqrt %add3A_8 : vector<2048xf32>
    %broadcast_in_dim3A = vector.shape_cast %rsqrt3A : vector<2048xf32> to vector<2048x1xf32>
    %get3A_9 = arith.constant 0 : index
    %get3A_10 = arith.constant 0 : index
    %get3A_11 = vector.load %arg1[%get3A_9, %get3A_10] : memref<2048x128xf32, #tpu.memory_space<vmem>>, vector<2048x128xf32>
    %get3A_12 = arith.constant 0 : index
    %get3A_13 = arith.constant 0 : index
    %get3A_14 = vector.load %arg2[%get3A_12, %get3A_13] : memref<128x16xf32, #tpu.memory_space<vmem>>, vector<128x16xf32>
    %dot_general3A = arith.constant dense<0.000000e+00> : vector<2048x16xf32>
    %dot_general3A_15 = tpu.matmul %get3A_11, %get3A_14, %dot_general3A {dimension_numbers = #tpu.dot_dimension_numbers<[1], [0], [0], [1], [0, 0, 1, 1], [], []>, transpose_lhs_hint = false} : vector<2048x128xf32>, vector<128x16xf32>, vector<2048x16xf32> -> vector<2048x16xf32>
    %mul3A_16 = vector.broadcast %broadcast_in_dim3A : vector<2048x1xf32> to vector<2048x16xf32>
    %mul3A_17 = arith.mulf %dot_general3A_15, %mul3A_16 : vector<2048x16xf32>
    %swap3A = arith.constant 0 : index
    %swap3A_18 = arith.constant 0 : index
    %swap3A_19 = vector.load %arg5[%swap3A, %swap3A_18] : memref<2048x16xf32, #tpu.memory_space<vmem>>, vector<2048x16xf32>
    tpu.vector_store %arg5[%swap3A, %swap3A_18], %mul3A_17 {strides = array<i32>} : memref<2048x16xf32, #tpu.memory_space<vmem>>, vector<2048x16xf32>,
    %swap3A_20 = arith.constant 0 : index
    %swap3A_21 = arith.constant 0 : index
    %swap3A_22 = vector.load %arg6[%swap3A_20, %swap3A_21] : memref<2048x1xf32, #tpu.memory_space<vmem>>, vector<2048x1xf32>
    tpu.vector_store %arg6[%swap3A_20, %swap3A_21], %broadcast_in_dim3A {strides = array<i32>} : memref<2048x1xf32, #tpu.memory_space<vmem>>, vector<2048x1xf32>,
    return
  }
  func.func @transform_0(%arg0: i32) -> (i32, i32) {
    %c0_i32 = arith.constant 0 : i32
    %c0_i32_0 = arith.constant 0 : i32
    return %arg0, %c0_i32 : i32, i32
  }
  func.func @transform_1(%arg0: i32) -> (i32, i32) {
    %c0_i32 = arith.constant 0 : i32
    %c0_i32_0 = arith.constant 0 : i32
    %c0_i32_1 = arith.constant 0 : i32
    return %c0_i32, %c0_i32_0 : i32, i32
  }
  func.func @transform_2(%arg0: i32) -> i32 {
    %c0_i32 = arith.constant 0 : i32
    %c0_i32_0 = arith.constant 0 : i32
    return %c0_i32 : i32
  }
  func.func @transform_3(%arg0: i32) -> i32 {
    %c0_i32 = arith.constant 0 : i32
    %c0_i32_0 = arith.constant 0 : i32
    return %c0_i32 : i32
  }
  func.func @transform_4(%arg0: i32) -> (i32, i32) {
    %c0_i32 = arith.constant 0 : i32
    %c0_i32_0 = arith.constant 0 : i32
    return %arg0, %c0_i32 : i32, i32
  }
  func.func @transform_5(%arg0: i32) -> (i32, i32) {
    %c0_i32 = arith.constant 0 : i32
    %c0_i32_0 = arith.constant 0 : i32
    return %arg0, %c0_i32 : i32, i32
  }
}

module attributes {stable_mosaic.version = 14 : i64} {
  func.func @_tc2_body(%arg0: i32, %arg1: memref<2x2048x16xf32, #tpu.memory_space<vmem>>, %arg2: memref<2048x16xf32, #tpu.memory_space<vmem>>, %arg3: memref<2048x1xf32, #tpu.memory_space<vmem>>, %arg4: memref<16x1xf32, #tpu.memory_space<vmem>>, %arg5: memref<1x16xf32, #tpu.memory_space<vmem>>, %arg6: memref<2048x1xf32, #tpu.memory_space<vmem>>, %arg7: memref<2048xf32, #tpu.memory_space<vmem>>) attributes {dimension_semantics = [#tpu.dimension_semantics<arbitrary>], iteration_bounds = array<i64: 5>, scalar_prefetch = 0 : i64, scratch_operands = 0 : i64, tpu.core_type = #tpu.core_type<tc>, window_params = [{transform_indices = @transform_0, window_bounds = array<i64: 2, 2048, 16>}, {transform_indices = @transform_1, window_bounds = array<i64: 2048, 16>}, {transform_indices = @transform_2, window_bounds = array<i64: 2048, 1>}, {pipeline_mode = #tpu.pipeline_mode<synchronous>, transform_indices = @transform_3, window_bounds = array<i64: 16, 1>}, {pipeline_mode = #tpu.pipeline_mode<synchronous>, transform_indices = @transform_4, window_bounds = array<i64: 1, 16>}, {transform_indices = @transform_5, window_bounds = array<i64: 2048, 1>}, {transform_indices = @transform_6, window_bounds = array<i64: 2048>}]} {
    %get3A = arith.constant 0 : index
    %get3A_0 = arith.constant 0 : index
    %get3A_1 = arith.constant 0 : index
    %get3A_2 = vector.load %arg1[%get3A, %get3A_0, %get3A_1] : memref<2x2048x16xf32, #tpu.memory_space<vmem>>, vector<1x2048x16xf32>
    %get3A_3 = vector.shape_cast %get3A_2 : vector<1x2048x16xf32> to vector<2048x16xf32>
    %get3A_4 = arith.constant 1 : index
    %get3A_5 = arith.constant 0 : index
    %get3A_6 = arith.constant 0 : index
    %get3A_7 = vector.load %arg1[%get3A_4, %get3A_5, %get3A_6] : memref<2x2048x16xf32, #tpu.memory_space<vmem>>, vector<1x2048x16xf32>
    %get3A_8 = vector.shape_cast %get3A_7 : vector<1x2048x16xf32> to vector<2048x16xf32>
    %add3A = arith.addf %get3A_3, %get3A_8 : vector<2048x16xf32>
    %get3A_9 = arith.constant 0 : index
    %get3A_10 = arith.constant 0 : index
    %get3A_11 = vector.load %arg2[%get3A_9, %get3A_10] : memref<2048x16xf32, #tpu.memory_space<vmem>>, vector<2048x16xf32>
    %add3A_12 = arith.addf %add3A, %get3A_11 : vector<2048x16xf32>
    %get3A_13 = arith.constant 0 : index
    %get3A_14 = arith.constant 0 : index
    %get3A_15 = vector.load %arg3[%get3A_13, %get3A_14] : memref<2048x1xf32, #tpu.memory_space<vmem>>, vector<2048x1xf32>
    %mul3A = vector.broadcast %get3A_15 : vector<2048x1xf32> to vector<2048x16xf32>
    %mul3A_16 = arith.mulf %add3A_12, %mul3A : vector<2048x16xf32>
    %get3A_17 = arith.constant 0 : index
    %get3A_18 = arith.constant 0 : index
    %get3A_19 = vector.load %arg5[%get3A_17, %get3A_18] : memref<1x16xf32, #tpu.memory_space<vmem>>, vector<1x16xf32>
    %add3A_20 = vector.broadcast %get3A_19 : vector<1x16xf32> to vector<2048x16xf32>
    %add3A_21 = arith.addf %mul3A_16, %add3A_20 : vector<2048x16xf32>
    %max3A = arith.constant 0.000000e+00 : f32
    %max3A_22 = vector.broadcast %max3A : f32 to vector<2048x16xf32>
    %max3A_23 = arith.maximumf %add3A_21, %max3A_22 : vector<2048x16xf32>
    %get3A_24 = arith.constant 0 : index
    %get3A_25 = arith.constant 0 : index
    %get3A_26 = vector.load %arg4[%get3A_24, %get3A_25] : memref<16x1xf32, #tpu.memory_space<vmem>>, vector<16x1xf32>
    %dot_general3A = arith.constant dense<0.000000e+00> : vector<2048x1xf32>
    %dot_general3A_27 = tpu.matmul %max3A_23, %get3A_26, %dot_general3A {dimension_numbers = #tpu.dot_dimension_numbers<[1], [0], [0], [1], [0, 0, 1, 1], [], []>, transpose_lhs_hint = false} : vector<2048x16xf32>, vector<16x1xf32>, vector<2048x1xf32> -> vector<2048x1xf32>
    %mul3A_28 = arith.mulf %dot_general3A_27, %get3A_15 : vector<2048x1xf32>
    %swap3A = arith.constant 0 : index
    %swap3A_29 = arith.constant 0 : index
    %swap3A_30 = vector.load %arg6[%swap3A, %swap3A_29] : memref<2048x1xf32, #tpu.memory_space<vmem>>, vector<2048x1xf32>
    tpu.vector_store %arg6[%swap3A, %swap3A_29], %mul3A_28 {strides = array<i32>} : memref<2048x1xf32, #tpu.memory_space<vmem>>, vector<2048x1xf32>,
    %squeeze3A = vector.shape_cast %mul3A_28 : vector<2048x1xf32> to vector<2048xf32>
    %swap3A_31 = arith.constant 0 : index
    %swap3A_32 = vector.load %arg7[%swap3A_31] : memref<2048xf32, #tpu.memory_space<vmem>>, vector<2048xf32>
    tpu.vector_store %arg7[%swap3A_31], %squeeze3A {strides = array<i32>} : memref<2048xf32, #tpu.memory_space<vmem>>, vector<2048xf32>,
    return
  }
  func.func @transform_0(%arg0: i32) -> (i32, i32, i32) {
    %c0_i32 = arith.constant 0 : i32
    %c0_i32_0 = arith.constant 0 : i32
    %c0_i32_1 = arith.constant 0 : i32
    return %c0_i32, %arg0, %c0_i32_0 : i32, i32, i32
  }
  func.func @transform_1(%arg0: i32) -> (i32, i32) {
    %c0_i32 = arith.constant 0 : i32
    %c0_i32_0 = arith.constant 0 : i32
    return %arg0, %c0_i32 : i32, i32
  }
  func.func @transform_2(%arg0: i32) -> (i32, i32) {
    %c0_i32 = arith.constant 0 : i32
    %c0_i32_0 = arith.constant 0 : i32
    return %arg0, %c0_i32 : i32, i32
  }
  func.func @transform_3(%arg0: i32) -> (i32, i32) {
    %c0_i32 = arith.constant 0 : i32
    %c0_i32_0 = arith.constant 0 : i32
    %c0_i32_1 = arith.constant 0 : i32
    return %c0_i32, %c0_i32_0 : i32, i32
  }
  func.func @transform_4(%arg0: i32) -> (i32, i32) {
    %c0_i32 = arith.constant 0 : i32
    %c0_i32_0 = arith.constant 0 : i32
    %c0_i32_1 = arith.constant 0 : i32
    return %c0_i32, %c0_i32_0 : i32, i32
  }
  func.func @transform_5(%arg0: i32) -> (i32, i32) {
    %c0_i32 = arith.constant 0 : i32
    %c0_i32_0 = arith.constant 0 : i32
    return %arg0, %c0_i32 : i32, i32
  }
  func.func @transform_6(%arg0: i32) -> i32 {
    %c0_i32 = arith.constant 0 : i32
    return %arg0 : i32
  }
}

module attributes {stable_mosaic.version = 14 : i64} {
  func.func @_tc3_body(%arg0: i32, %arg1: memref<10240xf32, #tpu.memory_space<vmem>>, %arg2: memref<10240xf32, #tpu.memory_space<vmem>>, %arg3: memref<2048x1xf32, #tpu.memory_space<vmem>>, %arg4: memref<2048x1xf32, #tpu.memory_space<vmem>>, %arg5: memref<1x1xf32, #tpu.memory_space<vmem>>, %arg6: memref<2048x1xf32, #tpu.memory_space<vmem>>) attributes {dimension_semantics = [#tpu.dimension_semantics<arbitrary>], iteration_bounds = array<i64: 5>, scalar_prefetch = 0 : i64, scratch_operands = 0 : i64, tpu.core_type = #tpu.core_type<tc>, window_params = [{pipeline_mode = #tpu.pipeline_mode<synchronous>, transform_indices = @transform_0, window_bounds = array<i64: 10240>}, {pipeline_mode = #tpu.pipeline_mode<synchronous>, transform_indices = @transform_1, window_bounds = array<i64: 10240>}, {transform_indices = @transform_2, window_bounds = array<i64: 2048, 1>}, {transform_indices = @transform_3, window_bounds = array<i64: 2048, 1>}, {pipeline_mode = #tpu.pipeline_mode<synchronous>, transform_indices = @transform_4, window_bounds = array<i64: 1, 1>}, {transform_indices = @transform_5, window_bounds = array<i64: 2048, 1>}]} {
    %mul3A = arith.constant 2048 : i32
    %mul3A_0 = arith.muli %arg0, %mul3A : i32
    %get3A = arith.index_cast %mul3A_0 : i32 to index
    %get3A_1 = vector.load %arg1[%get3A] : memref<10240xf32, #tpu.memory_space<vmem>>, vector<2048xf32>
    %mul3A_2 = arith.constant 2048 : i32
    %mul3A_3 = arith.muli %arg0, %mul3A_2 : i32
    %get3A_4 = arith.index_cast %mul3A_3 : i32 to index
    %get3A_5 = vector.load %arg2[%get3A_4] : memref<10240xf32, #tpu.memory_space<vmem>>, vector<2048xf32>
    %add3A = arith.addf %get3A_1, %get3A_5 : vector<2048xf32>
    %broadcast_in_dim3A = vector.shape_cast %add3A : vector<2048xf32> to vector<2048x1xf32>
    %get3A_6 = arith.constant 0 : index
    %get3A_7 = arith.constant 0 : index
    %get3A_8 = vector.load %arg4[%get3A_6, %get3A_7] : memref<2048x1xf32, #tpu.memory_space<vmem>>, vector<2048x1xf32>
    %get3A_9 = arith.constant 0 : index
    %get3A_10 = arith.constant 0 : index
    %get3A_11 = vector.load %arg3[%get3A_9, %get3A_10] : memref<2048x1xf32, #tpu.memory_space<vmem>>, vector<2048x1xf32>
    %add3A_12 = arith.addf %broadcast_in_dim3A, %get3A_11 : vector<2048x1xf32>
    %mul3A_13 = arith.mulf %get3A_8, %add3A_12 : vector<2048x1xf32>
    %get3A_14 = arith.constant 0 : index
    %get3A_15 = arith.constant 0 : index
    %get3A_16 = vector.load %arg5[%get3A_14, %get3A_15] : memref<1x1xf32, #tpu.memory_space<vmem>>, vector<1x1xf32>
    %add3A_17 = vector.broadcast %get3A_16 : vector<1x1xf32> to vector<2048x1xf32>
    %add3A_18 = arith.addf %mul3A_13, %add3A_17 : vector<2048x1xf32>
    %swap3A = arith.constant 0 : index
    %swap3A_19 = arith.constant 0 : index
    %swap3A_20 = vector.load %arg6[%swap3A, %swap3A_19] : memref<2048x1xf32, #tpu.memory_space<vmem>>, vector<2048x1xf32>
    tpu.vector_store %arg6[%swap3A, %swap3A_19], %add3A_18 {strides = array<i32>} : memref<2048x1xf32, #tpu.memory_space<vmem>>, vector<2048x1xf32>,
    return
  }
  func.func @transform_0(%arg0: i32) -> i32 {
    %c0_i32 = arith.constant 0 : i32
    %c0_i32_0 = arith.constant 0 : i32
    return %c0_i32 : i32
  }
  func.func @transform_1(%arg0: i32) -> i32 {
    %c0_i32 = arith.constant 0 : i32
    %c0_i32_0 = arith.constant 0 : i32
    return %c0_i32 : i32
  }
  func.func @transform_2(%arg0: i32) -> (i32, i32) {
    %c0_i32 = arith.constant 0 : i32
    %c0_i32_0 = arith.constant 0 : i32
    return %arg0, %c0_i32 : i32, i32
  }
  func.func @transform_3(%arg0: i32) -> (i32, i32) {
    %c0_i32 = arith.constant 0 : i32
    %c0_i32_0 = arith.constant 0 : i32
    return %arg0, %c0_i32 : i32, i32
  }
  func.func @transform_4(%arg0: i32) -> (i32, i32) {
    %c0_i32 = arith.constant 0 : i32
    %c0_i32_0 = arith.constant 0 : i32
    %c0_i32_1 = arith.constant 0 : i32
    return %c0_i32, %c0_i32_0 : i32, i32
  }
  func.func @transform_5(%arg0: i32) -> (i32, i32) {
    %c0_i32 = arith.constant 0 : i32
    %c0_i32_0 = arith.constant 0 : i32
    return %arg0, %c0_i32 : i32, i32
  }
}

</mosaic_0001>

<sc_bundles>
// kernel: kernel.11.cloned.1.call-start
scs
__scs_entry_jumppad:
0x0: {  	(pc) =	sbr.rel $0x88, $3  }
0x1: {  	(tag) =	ssettag $0x0;
	lr =	simm.s32 $0x1  }
0x2: {  	[smem:$0x3F9B] =	sst lr;
	_ =	strace $0xD0000000  }
0x3: {  	_ = 	snop  }
0x4: {  	_ = 	snop  }
0x5: {  	_ = 	snop  }
0x6: {  	_ = 	snop  }
0x7: {  	_ = 	snop  }
__scs_overlays_trampoline_lowered:
0x8: {  	[smem:$0x3FAA] =	sst s0  }
0x9: {  	[smem:$0x3FAB] =	sst s1  }
0xa: {  	[smem:$0x3FAC] =	sst s2  }
0xb: {  	[smem:$0x3FAD] =	sst s3  }
0xc: {  	[smem:$0x3FAE] =	sst s4  }
0xd: {  	[smem:$0x3FAF] =	sst s5  }
0xe: {  	[smem:$0x3FB0] =	sst s6  }
0xf: {  	[smem:$0x3FB1] =	sst s7  }
0x10: {  	[smem:$0x3FB2] =	sst s8  }
0x11: {  	[smem:$0x3FB3] =	sst s9;
	s0 =	simm.s32 @!p0 $0x0  }
0x12: {  	s1 =	sld [smem:$0x3F99];
	s0 =	simm.s32 @p0 $0x1  }
0x13: {  	[smem:$0x3FB4] =	sst s0;
	s0 =	simm.s32 @!p1 $0x0  }
0x14: {  	s2 =	sld [smem:$0x3F98];
	s0 =	simm.s32 @p1 $0x1  }
0x15: {  	[smem:$0x3FB5] =	sst s0;
	s0 =	simm.s32 @!p2 $0x0  }
0x16: {  	s3 =	sld [smem:$0x3FDB];
	s0 =	simm.s32 @p2 $0x1  }
0x17: {  	s4 =	simm.s32 $0x1BF5;
	[smem:$0x3FB7] =	sst s0  }
0x18: {  	s0 =	sld [smem:$0x3F9A];
	_ =	swait.ge [sflag:s4], $0x0  }
0x19: {  	s7 =	sld [smem:$0x3F9B]  }
0x1a: {  	s8 =	sadd.s32 $0xFFFFE003, lr  }
0x1b: {  	s9 =	sadd.s32 $0xFFFFFEF7, lr;
	s5 =	simm.s32 $0xFFFFFFFF;
	p2 =	slt.u32 s8, $0xFFFFF086  }
0x1c: {  	p1 =	slt.u32 s9, $0xF7A;
	s5 =	simm.s32 @!p2 $0x0  }
0x1d: {  	s5 =	simm.s32 @p1 $0x1;
	p0 =	seq.s32 s7, s2  }
0x1e: {  	s7 =	smul.u32 @!p0 $0xF7A, s2;
	p2 =	seq.s32 @!p0 s5, $0x0  }
0x1f: {  	s9 =	smul.u32 $0xF7A, s1;
	s8 =	simm.s32 @!p0 $0x1BF5;
	p2 =	por !p2, p0  }
0x20: {  	[sflag:s8] =	ssyncset.s32 @!p0 $0xFFFFF086;
	s6 =	sadd.s32 @!p0 s3, s7;
	s7 =	simm.s32 @!p0 $0x108  }
0x21: {  	s3 =	sadd.s32 s3, s9;
	s6 =	sadd.s32 @!p0 $0x88, s6;
	s7 =	simm.s32 @p2 $0x1082  }
0x22: {  	[simem:s7], [sflag:s8] =	dma.local @!p0 [hbm:s6], $0xF7A  }
0x23: {  	s9 =	sor.u32 $0xD0000000, s2;
	s6 =	simm.s32 $0x108;
	_ =	swait.ge @!p0 [sflag:s8], $0x0  }
0x24: {  	s3 =	sadd.s32 $0x88, s3;
	s6 =	simm.s32 @!p1 $0x1082;
	[sflag:s4] =	ssyncset.s32 $0xFFFFF086  }
0x25: {  	[simem:s6], [sflag:s4] =	dma.local [hbm:s3], $0xF7A  }
0x26: {  	[smem:$0x3F9B] =	sst s1;
	(tag) =	ssettag s2;
	_ =	strace s9  }
0x27: {  	s1 =	sld [smem:$0x3FAB]  }
0x28: {  	s2 =	sld [smem:$0x3FAC]  }
0x29: {  	s4 =	sld [smem:$0x3FAE]  }
0x2a: {  	p0 =	seq.s32 s5, $0x0;
	s5 =	sld [smem:$0x3FAF]  }
0x2b: {  	s6 =	sld [smem:$0x3FB0]  }
0x2c: {  	s7 =	sld [smem:$0x3FB1]  }
0x2d: {  	s3 =	simm.s32 $0x108;
	s8 =	sld [smem:$0x3FB2]  }
0x2e: {  	s3 =	simm.s32 @!p0 $0x1082;
	s9 =	sld [smem:$0x3FB3]  }
0x2f: {  	lr =	sadd.s32 s0, s3;
	s0 =	sld [smem:$0x3FAA]  }
0x30: {  	s3 =	sld [smem:$0x3FAD]  }
0x31: {  	[smem:$0x3FB6] =	sst s10  }
0x32: {  	s10 =	sld [smem:$0x3FB4];
	_ =	sdelay $0x3  }
0x33: {  	p0 =	seq.s32 s10, $0x1;
	s10 =	sld [smem:$0x3FB6];
	_ =	sdelay $0x3  }
0x34: {  	[smem:$0x3FB6] =	sst s10  }
0x35: {  	s10 =	sld [smem:$0x3FB5];
	_ =	sdelay $0x3  }
0x36: {  	p1 =	seq.s32 s10, $0x1;
	s10 =	sld [smem:$0x3FB6];
	_ =	sdelay $0x3  }
0x37: {  	[smem:$0x3FB6] =	sst s10  }
0x38: {  	s10 =	sld [smem:$0x3FB7]  }
0x39: {  	_ = 	snop;
	(pc) =	sbr.ind lr, $3  }
0x3a: {  	_ = 	snop  }
0x3b: {  	_ = 	snop  }
0x3c: {  	p2 =	seq.s32 s10, $0x1;
	s10 =	sld [smem:$0x3FB6]  }
0x3d: {  	_ =	shalt  }
0x3e: {  	_ =	shalt  }
0x3f: {  	_ =	shalt  }
0x40: {  	_ =	shalt  }
0x41: {  	_ =	shalt  }
0x42: {  	_ =	shalt  }
0x43: {  	_ =	shalt  }
0x44: {  	_ =	shalt  }
0x45: {  	_ =	shalt  }
0x46: {  	_ =	shalt  }
0x47: {  	_ =	shalt  }
0x48: {  	_ =	shalt  }
0x49: {  	_ =	shalt  }
0x4a: {  	_ =	shalt  }
0x4b: {  	_ =	shalt  }
0x4c: {  	_ =	shalt  }
0x4d: {  	_ =	shalt  }
0x4e: {  	_ =	shalt  }
0x4f: {  	_ =	shalt  }
0x50: {  	_ =	shalt  }
0x51: {  	_ =	shalt  }
0x52: {  	_ =	shalt  }
0x53: {  	_ =	shalt  }
0x54: {  	_ =	shalt  }
0x55: {  	_ =	shalt  }
0x56: {  	_ =	shalt  }
0x57: {  	_ =	shalt  }
0x58: {  	_ =	shalt  }
0x59: {  	_ =	shalt  }
0x5a: {  	_ =	shalt  }
0x5b: {  	_ =	shalt  }
0x5c: {  	_ =	shalt  }
0x5d: {  	_ =	shalt  }
0x5e: {  	_ =	shalt  }
0x5f: {  	_ =	shalt  }
0x60: {  	_ =	shalt  }
0x61: {  	_ =	shalt  }
0x62: {  	_ =	shalt  }
0x63: {  	_ =	shalt  }
0x64: {  	_ =	shalt  }
0x65: {  	_ =	shalt  }
0x66: {  	_ =	shalt  }
0x67: {  	_ =	shalt  }
0x68: {  	_ =	shalt  }
0x69: {  	_ =	shalt  }
0x6a: {  	_ =	shalt  }
0x6b: {  	_ =	shalt  }
0x6c: {  	_ =	shalt  }
0x6d: {  	_ =	shalt  }
0x6e: {  	_ =	shalt  }
0x6f: {  	_ =	shalt  }
0x70: {  	_ =	shalt  }
0x71: {  	_ =	shalt  }
0x72: {  	_ =	shalt  }
0x73: {  	_ =	shalt  }
0x74: {  	_ =	shalt  }
0x75: {  	_ =	shalt  }
0x76: {  	_ =	shalt  }
0x77: {  	_ =	shalt  }
0x78: {  	_ =	shalt  }
0x79: {  	_ =	shalt  }
0x7a: {  	_ =	shalt  }
0x7b: {  	_ =	shalt  }
0x7c: {  	_ =	shalt  }
0x7d: {  	_ =	shalt  }
0x7e: {  	_ =	shalt  }
0x7f: {  	_ =	shalt  }
0x80: {  	_ =	shalt  }
0x81: {  	_ =	shalt  }
0x82: {  	_ =	shalt  }
0x83: {  	_ =	shalt  }
0x84: {  	_ =	shalt  }
0x85: {  	_ =	shalt  }
0x86: {  	_ =	shalt  }
0x87: {  	_ =	shalt  }
.Lfunc_end0:
.L_simem_size_0:
called_computation.1_lowered:
.L_overlay_start_0:
0x88: {  	s2 =	sld [smem:$0x3FD9]  }
0x89: {  	s3 =	sld [smem:$0x3FFE];
	_ =	sdelay $0x1  }
0x8a: {  	s1 =	srdreg.scid  }
0x8b: {  	s0 =	sand.u32 $0x1, s1  }
0x8c: {  	s16 =	sshll.u32 s0, $0xA;
	s2 =	sadd.s32 s3, s2  }
0x8d: {  	s2 =	sadd.s32 s2, s16  }
0x8e: {  	[smem:$0x3FC2] =	sst s2  }
0x8f: {  	_ = 	snop  }
0x90: {  	(tm) =	ssettm $0x1  }
0x91: {  	s17 =	sld [smem:$0x3FFB];
	_ =	sdelay $0x3  }
0x92: {  	_ =	strace s17  }
0x93: {  	s2 =	sld [smem:$0x3FFC];
	_ =	sdelay $0x3  }
0x94: {  	_ =	strace s2  }
0x95: {  	s2 =	sld [smem:$0x3FFD];
	_ =	sdelay $0x3  }
0x96: {  	_ =	strace s2  }
0x97: {  	_ =	strace $0x8FFFFFFF  }
0x98: {  	s18 =	sld [smem:$0x3FDB];
	_ =	sdelay $0x1  }
0x99: {  	s19 =	simm.s32 $_scs_section_size  }
0x9a: {  	s4 =	simm.s32 $_size__tile_overlayer_lowered;
	s5 =	simm.s32 $_tile_overlayer_lowered  }
0x9b: {  	s22 =	simm.s32 $0x1BFF;
	s21 =	sshll.u32 s5, $0x1;
	s2 =	sadd.s32 s19, s18  }
0x9c: {  	s6 =	simm.s32 $0x0;
	s20 =	sshll.u32 s4, $0x1;
	s4 =	sadd.s32 s21, s2  }
0x9d: {  	[timem:s6], [sflag:s22] =	dma.local [hbm:s4], s20  }
0x9e: {  	_ =	swait.ge [sflag:s22], s20  }
0x9f: {  	s3 =	ssub.s32 $0x0, s20;
	[sflag:s22] =	ssyncset.done $0x0  }
0xa0: {  	[sflag:s22] =	ssyncadd.s32 s3;
	_ =	sdelay $0x1  }
0xa1: {  	s23 =	simm.s32 $0x1B8B  }
0xa2: {  	_ =	swait.ge [sflag:s23], $0x1  }
0xa3: {  	[sflag:s23] =	ssyncset.done $0x0  }
0xa4: {  	s25 =	simm.s32 $0x1B8E;
	s24 =	sld [smem:$0x3FFE];
	[sflag:s23] =	ssyncadd.s32 $0xFFFFFFFF  }
0xa5: {  	s26 =	simm.s32 $execute0_lowered;
	[smem:$0x3FD2] =	sst s25  }
0xa6: {  	s4 =	sshll.u32 s26, $0x1;
	_ =	strace $0x80000049;
	[dreg:$0x1] =	wrdreg $0xFFFFFFFF  }
0xa7: {  	s28 =	simm.s32 $_size_execute0_lowered;
	s2 =	sadd.s32 s2, s4;
	[dreg:$0x0] =	wrdreg $0x0  }
0xa8: {  	s4 =	sshll.u32 s28, $0x1;
	[dreg:$0x2] =	wrdreg s2  }
0xa9: {  	[dreg:$0x3] =	wrdreg s4  }
0xaa: {  	[dreg:$0x4] =	wrdreg $0xC0  }
0xab: {  	_ =	task [dreg:s6], $0x5FFFF  }
0xac: {  	[dreg:$0x1] =	wrdreg $0xFFFFFFFF  }
0xad: {  	[dreg:$0x0] =	wrdreg $0x60  }
0xae: {  	[dreg:$0x2] =	wrdreg s24  }
0xaf: {  	[dreg:$0x3] =	wrdreg $0x138000  }
0xb0: {  	[dreg:$0x4] =	wrdreg $0x9  }
0xb1: {  	_ =	task.clear_ibuf [dreg:s6], $0x5FFFF;
	_ =	strace $0x90000049  }
0xb2: {  	s29 =	simm.s32 $0x9;
	_ =	strace $0x8000004B  }
0xb3: {  	_ =	swait.ge [sflag:s29], $0x1  }
0xb4: {  	[sflag:s29] =	ssyncadd.s32 $0xFFFFFFFF  }
0xb5: {  	_ =	strace $0x9000004B  }
0xb6: {  	_ =	sfence  }
0xb7: {  	s30 =	sld [smem:$0x0];
	_ =	sdelay $0x2  }
0xb8: {  	s31 =	sshll.u32 s1, $0xD;
	s1 =	sshrl.u32 s1, $0x2  }
0xb9: {  	s3 =	sand.u32 $0x4000, s31;
	s1 =	sadd.s32 s1, s30  }
0xba: {  	s0 =	sor.u32 s3, s0;
	s1 =	sshll.u32 s1, $0x11  }
0xbb: {  	s0 =	sor.u32 s1, s0  }
0xbc: {  	s0 =	sadd.s32 $0x8F2B, s0  }
0xbd: {  	[sflag:s0] =	ssyncadd.remote.s32 $0x1  }
0xbe: {  	_ =	sfence.sel $0xFFFF  }
0xbf: {  	[dreg:$0x0] =	wrdreg $0xFFFFFFFF;
	(pc) =	sbr.abs _section_cstart, $3  }
0xc0: {  	[dreg:$0x1] =	wrdreg $0xFFFFFFFF  }
0xc1: {  	_ =	task.clear_ibuf [dreg:s6], $0x2FFFF;
	_ =	strace $0x9FFFFFFF  }
0xc2: {  	(tm) =	ssettm $0x7FFFFFFF  }
0xc3: {  	_ =	shalt  }
tec
execute0_lowered:
.L_overlay_start_1:
0x0: {  	(tag) =	ssettag $0x1  }
0x1: {  	s0 =	rddreg [dreg:$0x0];
	s1 =	srdreg.scid  }
0x2: {  	s8 =	stileid.u32;
	s2 =	rddreg [dreg:$0x1]  }
0x3: {  	s3 =	simm.s32 $0x0;
	s12 =	simm.s32 $0x80;
	s16 =	simm.s32 $0x6000  }
0x4: {  	s17 =	simm.s32 $0x180;
	s18 =	simm.s32 $0x6800;
	s19 =	simm.s32 $0x200  }
0x5: {  	s20 =	simm.s32 $0x7000;
	s21 =	simm.s32 $0x280;
	s22 =	simm.s32 $0x7800  }
0x6: {  	s23 =	simm.s32 $0x300;
	s25 =	simm.s32 $0x8000;
	s28 =	simm.s32 $0x8800  }
0x7: {  	s29 =	simm.s32 $0x1;
	s30 =	simm.s32 $0x2;
	s31 =	simm.s32 $0x0  }
0x8: {  	s1 =	sand.u32 $0x1, s1;
	s4 =	sshll.u32 s8, $0x1;
	s8 =	smul.u32 $0x2800, s8  }
0x9: {  	[smem:$0x7FF] =	sst s3;
	s4 =	sor.u32 s1, s4;
	s5 =	smul.u32 $0x5000, s1  }
0xa: {  	_ =	strace $0x8000004A;
	s1 =	ssub.s32 $0x2, s1;
	s9 =	smul.u32 $0x500, s4  }
0xb: {  	s4 =	sadd.s32 $0x2BA00, s0;
	s26 =	sshrl.u32 s1, $0x1;
	s24 =	sshrl.u32 s8, $0x3  }
0xc: {  	s7 =	sadd.s32 s5, s0;
	s1 =	ssub.s32 s1, s26;
	s26 =	simm.s32 $0x380  }
0xd: {  	s6 =	sadd.s32 s9, s0;
	s0 =	sadd.s32 $0x21A00, s0;
	s10 =	sadd.s32 $0x30A00, s7  }
0xe: {  	s7 =	smax.u32 s1, $0x1;
	s5 =	sadd.s32 $0x17A00, s6;
	s6 =	sadd.s32 s8, s2  }
0xf: {  	v0 =	vimm.f32 $0.0e+00;
	s8 =	simm.s32 $0x3;
	s9 =	sadd.s32 s9, s0;
	s24 =	sadd.s32 s24, s10  }
.LBB2_1:
0x10: {  	[tilespmem:s3], [sflag:$0x3] =	stream.linear.gather [hbm4b:s5+s3], $0x2800, $0x38;
	[tilespmem:$0x16000] =	vst v63  }
0x11: {  	_ =	swait.ge [sflag:s8], $0x2800  }
0x12: {  	[sflag:s8] =	ssyncset.done $0x0  }
0x13: {  	s0 =	simm.s32 $0x2800;
	[sflag:s8] =	ssyncadd.s32 $0xFFFFD800  }
0x14: {  	[tilespmem:s0], [sflag:$0x3] =	stream.linear.gather [hbm4b:s9+s3], $0x2800, $0x38;
	[tilespmem:$0x16000] =	vst v63  }
0x15: {  	_ =	swait.ge [sflag:s8], $0x2800  }
0x16: {  	[sflag:s8] =	ssyncset.done $0x0  }
0x17: {  	s1 =	simm.s32 $0x0;
	s0 =	simm.s32 $0x40;
	[sflag:s8] =	ssyncadd.s32 $0xFFFFD800  }
.LBB2_2:
0x18: {  	p0 =	sne.s32 s0, $0x9FC0;
	[tilespmem:s1+$0x11000] =	vst v0;
	s1 =	smov.u32 s0;
	s0 =	sadd.s32 $0x40, s0  }
.Ltmp0:
0x19: {  	(pc) =	sbr.rel @p0 .LBB2_2-.Ltmp0, $2  }
0x1a: {  	_ =	sdelay $0x2  }
0x1b: {  	s1 =	sshra.s32 s1, $0x2  }
0x1c: {  	[tilespmem:s1+$0x11000] =	vst v0;
	s0 =	simm.s32 $0x11000  }
0x1d: {  	[spmem:s6] =	stream.linear.scatter [tilespmem:s0], [sflag:$0x3], $0x2800, $0x38;
	[tilespmem:$0x16000] =	vst v63  }
0x1e: {  	_ =	swait.ge [sflag:s8], $0x2800  }
0x1f: {  	[sflag:s8] =	ssyncset.done $0x0  }
0x20: {  	[sflag:s8] =	ssyncadd.s32 $0xFFFFD800  }
0x21: {  	s1 =	simm.s32 $0x0;
	s13 =	simm.s32 $0x5000;
	[bflag:$0x0] =	sbarrier.arrive $0xFFFF  }
0x22: {  	[tilespmem:s13], [sflag:$0x1] =	stream.indirect.gather [hbm4b:s4+s12], $0x10, s1, s12, $0xb8;
	[tilespmem:$0x16000] =	vst v63  }
0x23: {  	s14 =	simm.s32 $0x5800  }
0x24: {  	[tilespmem:s14], [sflag:$0x1] =	stream.indirect.gather [hbm4b:s4+s12], $0x10, s12, s12, $0xb8;
	[tilespmem:$0x16000] =	vst v63  }
0x25: {  	s15 =	simm.s32 $0x100  }
0x26: {  	[tilespmem:s16], [sflag:$0x1] =	stream.indirect.gather [hbm4b:s4+s12], $0x10, s15, s12, $0xb8;
	[tilespmem:$0x16000] =	vst v63  }
0x27: {  	_ = 	snop  }
0x28: {  	[tilespmem:s18], [sflag:$0x1] =	stream.indirect.gather [hbm4b:s4+s12], $0x10, s17, s12, $0xb8;
	[tilespmem:$0x16000] =	vst v63  }
0x29: {  	_ = 	snop  }
0x2a: {  	[tilespmem:s20], [sflag:$0x1] =	stream.indirect.gather [hbm4b:s4+s12], $0x10, s19, s12, $0xb8;
	[tilespmem:$0x16000] =	vst v63  }
0x2b: {  	_ = 	snop  }
0x2c: {  	[tilespmem:s22], [sflag:$0x1] =	stream.indirect.gather [hbm4b:s4+s12], $0x10, s21, s12, $0xb8;
	[tilespmem:$0x16000] =	vst v63  }
0x2d: {  	_ = 	snop  }
0x2e: {  	[tilespmem:s25], [sflag:$0x1] =	stream.indirect.gather [hbm4b:s4+s12], $0x10, s23, s12, $0xb8;
	[tilespmem:$0x16000] =	vst v63  }
0x2f: {  	s0 =	simm.s32 $0x0  }
0x30: {  	[tilespmem:s28], [sflag:$0x1] =	stream.indirect.gather [hbm4b:s4+s12], $0x10, s26, s12, $0xb8;
	[tilespmem:$0x16000] =	vst v63  }
.LBB2_4:
0x31: {  	p0 =	slt.u32 s0, $0x2  }
0x32: {  	s11 =	simm.s32 @!p0 $0x2  }
0x33: {  	_ =	swait.ge @!p0 [sflag:s11], $0x800  }
0x34: {  	[sflag:s11] =	ssyncset.done @!p0 $0x0  }
0x35: {  	[sflag:s11] =	ssyncadd.s32 @!p0 $0xFFFFF800  }
0x36: {  	_ =	swait.ge @!p0 [sflag:s11], $0x800  }
0x37: {  	[sflag:s11] =	ssyncset.done @!p0 $0x0  }
0x38: {  	[sflag:s11] =	ssyncadd.s32 @!p0 $0xFFFFF800  }
0x39: {  	_ =	swait.ge @!p0 [sflag:s11], $0x800  }
0x3a: {  	[sflag:s11] =	ssyncset.done @!p0 $0x0  }
0x3b: {  	[sflag:s11] =	ssyncadd.s32 @!p0 $0xFFFFF800  }
0x3c: {  	_ =	swait.ge @!p0 [sflag:s11], $0x800  }
0x3d: {  	[sflag:s11] =	ssyncset.done @!p0 $0x0  }
0x3e: {  	[sflag:s11] =	ssyncadd.s32 @!p0 $0xFFFFF800  }
0x3f: {  	_ =	swait.ge @!p0 [sflag:s11], $0x800  }
0x40: {  	[sflag:s11] =	ssyncset.done @!p0 $0x0  }
0x41: {  	[sflag:s11] =	ssyncadd.s32 @!p0 $0xFFFFF800  }
0x42: {  	_ =	swait.ge @!p0 [sflag:s11], $0x800  }
0x43: {  	[sflag:s11] =	ssyncset.done @!p0 $0x0  }
0x44: {  	[sflag:s11] =	ssyncadd.s32 @!p0 $0xFFFFF800  }
0x45: {  	_ =	swait.ge @!p0 [sflag:s11], $0x800  }
0x46: {  	[sflag:s11] =	ssyncset.done @!p0 $0x0  }
0x47: {  	[sflag:s11] =	ssyncadd.s32 @!p0 $0xFFFFF800  }
0x48: {  	s10 =	smul.u32 $0xAB, s0;
	p1 =	seq.s32 @!p0 s1, $0x9000;
	_ =	swait.ge @!p0 [sflag:s11], $0x800  }
0x49: {  	p1 =	por p0, !p1;
	[sflag:s11] =	ssyncset.done @!p0 $0x0  }
0x4a: {  	[sflag:s11] =	ssyncadd.s32 @!p0 $0xFFFFF800;
	s11 =	sadd.s32 @p1 $0xAB, s10  }
0x4b: {  	s11 =	sshrl.u32 @p1 s11, $0x9  }
0x4c: {  	s11 =	sand.u32 @p1 $0x7F, s11  }
0x4d: {  	s11 =	smul.u32 @p1 $0x3, s11;
	_ =	sdelay $0x1  }
0x4e: {  	s11 =	ssub.s32 @p1 s0, s11  }
0x4f: {  	s11 =	sadd.s32 @p1 $0x1, s11  }
0x50: {  	s11 =	sand.u32 @p1 $0xFF, s11  }
0x51: {  	s13 =	sshra.s32 @p1 s1, $0x2;
	s11 =	sshll.u32 @p1 s11, $0xE  }
0x52: {  	s15 =	sadd.s32 @p1 $0x400, s13;
	s14 =	sadd.s32 @p1 $0x5000, s11  }
0x53: {  	[tilespmem:s14], [sflag:$0x1] =	stream.indirect.gather @p1 [hbm4b:s4+s12], $0x10, s15, s12, $0xb8;
	[tilespmem:$0x16000] =	vst v63  }
0x54: {  	s14 =	sadd.s32 @p1 $0x5800, s11;
	s15 =	sadd.s32 @p1 $0x480, s13  }
0x55: {  	[tilespmem:s14], [sflag:$0x1] =	stream.indirect.gather @p1 [hbm4b:s4+s12], $0x10, s15, s12, $0xb8;
	[tilespmem:$0x16000] =	vst v63  }
0x56: {  	s14 =	sadd.s32 @p1 $0x6000, s11;
	s15 =	sadd.s32 @p1 $0x500, s13  }
0x57: {  	[tilespmem:s14], [sflag:$0x1] =	stream.indirect.gather @p1 [hbm4b:s4+s12], $0x10, s15, s12, $0xb8;
	[tilespmem:$0x16000] =	vst v63  }
0x58: {  	s14 =	sadd.s32 @p1 $0x6800, s11;
	s15 =	sadd.s32 @p1 $0x580, s13  }
0x59: {  	[tilespmem:s14], [sflag:$0x1] =	stream.indirect.gather @p1 [hbm4b:s4+s12], $0x10, s15, s12, $0xb8;
	[tilespmem:$0x16000] =	vst v63  }
0x5a: {  	s14 =	sadd.s32 @p1 $0x7000, s11;
	s15 =	sadd.s32 @p1 $0x600, s13  }
0x5b: {  	[tilespmem:s14], [sflag:$0x1] =	stream.indirect.gather @p1 [hbm4b:s4+s12], $0x10, s15, s12, $0xb8;
	[tilespmem:$0x16000] =	vst v63  }
0x5c: {  	s14 =	sadd.s32 @p1 $0x7800, s11;
	s15 =	sadd.s32 @p1 $0x680, s13  }
0x5d: {  	[tilespmem:s14], [sflag:$0x1] =	stream.indirect.gather @p1 [hbm4b:s4+s12], $0x10, s15, s12, $0xb8;
	[tilespmem:$0x16000] =	vst v63  }
0x5e: {  	s14 =	sadd.s32 @p1 $0x8000, s11;
	s15 =	sadd.s32 @p1 $0x700, s13  }
0x5f: {  	[tilespmem:s14], [sflag:$0x1] =	stream.indirect.gather @p1 [hbm4b:s4+s12], $0x10, s15, s12, $0xb8;
	[tilespmem:$0x16000] =	vst v63  }
0x60: {  	s11 =	sadd.s32 @p1 $0x8800, s11;
	s13 =	sadd.s32 @p1 $0x780, s13  }
0x61: {  	[tilespmem:s11], [sflag:$0x1] =	stream.indirect.gather @p1 [hbm4b:s4+s12], $0x10, s13, s12, $0xb8;
	[tilespmem:$0x16000] =	vst v63  }
0x62: {  	_ =	swait.ge [sflag:s29], $0x800  }
0x63: {  	[sflag:s29] =	ssyncset.done $0x0  }
0x64: {  	[sflag:s29] =	ssyncadd.s32 $0xFFFFF800  }
0x65: {  	_ =	swait.ge [sflag:s29], $0x800  }
0x66: {  	[sflag:s29] =	ssyncset.done $0x0  }
0x67: {  	[sflag:s29] =	ssyncadd.s32 $0xFFFFF800  }
0x68: {  	_ =	swait.ge [sflag:s29], $0x800  }
0x69: {  	[sflag:s29] =	ssyncset.done $0x0  }
0x6a: {  	[sflag:s29] =	ssyncadd.s32 $0xFFFFF800  }
0x6b: {  	_ =	swait.ge [sflag:s29], $0x800  }
0x6c: {  	[sflag:s29] =	ssyncset.done $0x0  }
0x6d: {  	[sflag:s29] =	ssyncadd.s32 $0xFFFFF800  }
0x6e: {  	_ =	swait.ge [sflag:s29], $0x800  }
0x6f: {  	[sflag:s29] =	ssyncset.done $0x0  }
0x70: {  	[sflag:s29] =	ssyncadd.s32 $0xFFFFF800  }
0x71: {  	_ =	swait.ge [sflag:s29], $0x800  }
0x72: {  	s10 =	sshrl.u32 s10, $0x9;
	[sflag:s29] =	ssyncset.done $0x0  }
0x73: {  	s10 =	sand.u32 $0x7F, s10;
	[sflag:s29] =	ssyncadd.s32 $0xFFFFF800  }
0x74: {  	s10 =	smul.u32 $0x3, s10;
	_ =	swait.ge [sflag:s29], $0x800  }
0x75: {  	[sflag:s29] =	ssyncset.done $0x0  }
0x76: {  	s10 =	ssub.s32 s0, s10;
	[sflag:s29] =	ssyncadd.s32 $0xFFFFF800  }
0x77: {  	s10 =	sand.u32 $0xFF, s10;
	_ =	swait.ge [sflag:s29], $0x800  }
0x78: {  	s10 =	sshll.u32 s10, $0xE;
	s11 =	sshra.s32 s1, $0x2;
	[sflag:s29] =	ssyncset.done $0x0  }
0x79: {  	s14 =	sadd.s32 $0x5000, s10;
	s15 =	sadd.s32 $0x2800, s11;
	[sflag:s29] =	ssyncadd.s32 $0xFFFFF800  }
0x7a: {  	[spmem:s2] =	stream.indirect.scatter.add.f32 [tilespmem:s14], [sflag:$0x2], $0x10, s15, s12, $0xb8;
	[tilespmem:$0x16000] =	vst v63  }
0x7b: {  	s14 =	sadd.s32 $0x5800, s10;
	s15 =	sadd.s32 $0x2880, s11  }
0x7c: {  	[spmem:s2] =	stream.indirect.scatter.add.f32 [tilespmem:s14], [sflag:$0x2], $0x10, s15, s12, $0xb8;
	[tilespmem:$0x16000] =	vst v63  }
0x7d: {  	s14 =	sadd.s32 $0x6000, s10;
	s15 =	sadd.s32 $0x2900, s11  }
0x7e: {  	[spmem:s2] =	stream.indirect.scatter.add.f32 [tilespmem:s14], [sflag:$0x2], $0x10, s15, s12, $0xb8;
	[tilespmem:$0x16000] =	vst v63  }
0x7f: {  	s14 =	sadd.s32 $0x6800, s10;
	s15 =	sadd.s32 $0x2980, s11  }
0x80: {  	[spmem:s2] =	stream.indirect.scatter.add.f32 [tilespmem:s14], [sflag:$0x2], $0x10, s15, s12, $0xb8;
	[tilespmem:$0x16000] =	vst v63  }
0x81: {  	s1 =	sadd.s32 $0x1000, s1;
	s14 =	sadd.s32 $0x7000, s10;
	s15 =	sadd.s32 $0x2A00, s11  }
0x82: {  	[spmem:s2] =	stream.indirect.scatter.add.f32 [tilespmem:s14], [sflag:$0x2], $0x10, s15, s12, $0xb8;
	[tilespmem:$0x16000] =	vst v63  }
0x83: {  	p0 =	sne.s32 s1, $0xA000;
	s14 =	sadd.s32 $0x7800, s10;
	s15 =	sadd.s32 $0x2A80, s11  }
0x84: {  	[spmem:s2] =	stream.indirect.scatter.add.f32 [tilespmem:s14], [sflag:$0x2], $0x10, s15, s12, $0xb8;
	[tilespmem:$0x16000] =	vst v63  }
.Ltmp1:
0x85: {  	_ = 	snop;
	(pc) =	sbr.rel @p0 .LBB2_4-.Ltmp1, $4  }
0x86: {  	s14 =	sadd.s32 $0x8000, s10;
	s15 =	sadd.s32 $0x2B00, s11  }
0x87: {  	[spmem:s2] =	stream.indirect.scatter.add.f32 [tilespmem:s14], [sflag:$0x2], $0x10, s15, s12, $0xb8;
	[tilespmem:$0x16000] =	vst v63  }
0x88: {  	s0 =	sadd.s32 $0x1, s0;
	s10 =	sadd.s32 $0x8800, s10;
	s11 =	sadd.s32 $0x2B80, s11  }
0x89: {  	[spmem:s2] =	stream.indirect.scatter.add.f32 [tilespmem:s10], [sflag:$0x2], $0x10, s11, s12, $0xb8;
	[tilespmem:$0x16000] =	vst v63  }
0x8a: {  	_ =	swait.ge [sflag:s30], $0x800  }
0x8b: {  	[sflag:s30] =	ssyncset.done $0x0  }
0x8c: {  	[sflag:s30] =	ssyncadd.s32 $0xFFFFF800  }
0x8d: {  	_ =	swait.ge [sflag:s30], $0x800  }
0x8e: {  	[sflag:s30] =	ssyncset.done $0x0  }
0x8f: {  	[sflag:s30] =	ssyncadd.s32 $0xFFFFF800  }
0x90: {  	_ =	swait.ge [sflag:s30], $0x800  }
0x91: {  	[sflag:s30] =	ssyncset.done $0x0  }
0x92: {  	[sflag:s30] =	ssyncadd.s32 $0xFFFFF800  }
0x93: {  	_ =	swait.ge [sflag:s30], $0x800  }
0x94: {  	[sflag:s30] =	ssyncset.done $0x0  }
0x95: {  	[sflag:s30] =	ssyncadd.s32 $0xFFFFF800  }
0x96: {  	_ =	swait.ge [sflag:s30], $0x800  }
0x97: {  	[sflag:s30] =	ssyncset.done $0x0  }
0x98: {  	[sflag:s30] =	ssyncadd.s32 $0xFFFFF800  }
0x99: {  	_ =	swait.ge [sflag:s30], $0x800  }
0x9a: {  	[sflag:s30] =	ssyncset.done $0x0  }
0x9b: {  	[sflag:s30] =	ssyncadd.s32 $0xFFFFF800  }
0x9c: {  	_ =	swait.ge [sflag:s30], $0x800  }
0x9d: {  	[sflag:s30] =	ssyncset.done $0x0  }
0x9e: {  	[sflag:s30] =	ssyncadd.s32 $0xFFFFF800  }
0x9f: {  	_ =	swait.ge [sflag:s30], $0x800  }
0xa0: {  	[sflag:s30] =	ssyncset.done $0x0  }
0xa1: {  	[sflag:s30] =	ssyncadd.s32 $0xFFFFF800  }
0xa2: {  	_ =	swait.ge [sflag:s30], $0x800  }
0xa3: {  	[sflag:s30] =	ssyncset.done $0x0  }
0xa4: {  	[sflag:s30] =	ssyncadd.s32 $0xFFFFF800  }
0xa5: {  	_ =	swait.ge [sflag:s30], $0x800  }
0xa6: {  	[sflag:s30] =	ssyncset.done $0x0  }
0xa7: {  	[sflag:s30] =	ssyncadd.s32 $0xFFFFF800  }
0xa8: {  	_ =	swait.ge [sflag:s30], $0x800  }
0xa9: {  	[sflag:s30] =	ssyncset.done $0x0  }
0xaa: {  	[sflag:s30] =	ssyncadd.s32 $0xFFFFF800  }
0xab: {  	_ =	swait.ge [sflag:s30], $0x800  }
0xac: {  	[sflag:s30] =	ssyncset.done $0x0  }
0xad: {  	[sflag:s30] =	ssyncadd.s32 $0xFFFFF800  }
0xae: {  	_ =	swait.ge [sflag:s30], $0x800  }
0xaf: {  	[sflag:s30] =	ssyncset.done $0x0  }
0xb0: {  	[sflag:s30] =	ssyncadd.s32 $0xFFFFF800  }
0xb1: {  	_ =	swait.ge [sflag:s30], $0x800  }
0xb2: {  	[sflag:s30] =	ssyncset.done $0x0  }
0xb3: {  	[sflag:s30] =	ssyncadd.s32 $0xFFFFF800  }
0xb4: {  	_ =	swait.ge [sflag:s30], $0x800  }
0xb5: {  	[sflag:s30] =	ssyncset.done $0x0  }
0xb6: {  	[sflag:s30] =	ssyncadd.s32 $0xFFFFF800  }
0xb7: {  	s0 =	stileid.u32;
	_ =	swait.ge [sflag:s30], $0x800  }
0xb8: {  	s1 =	sshrl.u32 s6, $0x3;
	s31 =	sadd.s32 $0x1, s31;
	[sflag:s30] =	ssyncset.done $0x0  }
0xb9: {  	s0 =	sshll.u32 s0, $0x6;
	p0 =	sne.s32 s31, s7;
	[sflag:s30] =	ssyncadd.s32 $0xFFFFF800  }
.Ltmp2:
0xba: {  	s0 =	sor.u32 $0x1C03, s0;
	[bflag:$0x0] =	sbarrier.arrive $0xFFFF;
	(pc) =	sbr.rel @p0 .LBB2_1-.Ltmp2, $4  }
0xbb: {  	[hbm:s24], [sflag:s0] =	dma.local [spmem:s1], $0x500  }
0xbc: {  	_ =	swait.ge [sflag:s8], $0x500  }
0xbd: {  	[sflag:s8] =	ssyncset.done $0x0  }
0xbe: {  	[sflag:s8] =	ssyncadd.s32 $0xFFFFFB00  }
0xbf: {  	_ =	sfence.sel $0x180000  }
0xc0: {  	[bflag:$0x0] =	sbarrier.arrive $0xFFFF  }
0xc1: {  	_ =	strace $0x9000004A  }
0xc2: {  	s0 =	stileid.u32;
	[bflag:$0x2] =	sbarrier.arrive $0xFFFF  }
0xc3: {  	p0 =	sne.s32 s0, $0x0;
	s0 =	rddreg [dreg:$0x2]  }
0xc4: {  	s0 =	sadd.s32 @!p0 $0x100000, s0  }
0xc5: {  	[sflag:s0] =	ssyncadd.tile.s32 @!p0 $0x1;
	_ =	shalt  }
.Lfunc_end2:
_tile_overlayer_lowered:
.L_overlay_start_2:
0xc6: {  	(tag) =	ssettag $0x2  }
0xc7: {  	s0 =	rddreg [dreg:$0x0];
	s2 =	stileid.u32  }
0xc8: {  	s1 =	rddreg [dreg:$0x1];
	p0 =	sne.s32 s2, $0x0  }
0xc9: {  	s3 =	rddreg [dreg:$0x2];
	[bflag:$0x3] =	sbarrier.arrive $0xFFFF;
	s2 =	simm.s32 @!p0 $0x1C03  }
0xca: {  	[timem:s3], [sflag:s2] =	dma.local @!p0 [hbm:s0], s1  }
0xcb: {  	s0 =	simm.s32 @!p0 $0x3  }
0xcc: {  	_ =	swait.ge @!p0 [sflag:s0], s1  }
0xcd: {  	s1 =	ssub.s32 @!p0 $0x0, s1;
	[sflag:s0] =	ssyncset.done @!p0 $0x0  }
0xce: {  	[sflag:s0] =	ssyncadd.s32 @!p0 s1  }
0xcf: {  	[bflag:$0x3] =	sbarrier.arrive $0xFFFF  }
0xd0: {  	_ =	shalt  }

// kernel: kernel.14.cloned.1.call-start
scs
__scs_entry_jumppad:
0x0: {  	(pc) =	sbr.rel $0x88, $3  }
0x1: {  	(tag) =	ssettag $0x0;
	lr =	simm.s32 $0x1  }
0x2: {  	[smem:$0x3F9B] =	sst lr;
	_ =	strace $0xD0000000  }
0x3: {  	_ = 	snop  }
0x4: {  	_ = 	snop  }
0x5: {  	_ = 	snop  }
0x6: {  	_ = 	snop  }
0x7: {  	_ = 	snop  }
__scs_overlays_trampoline_lowered:
0x8: {  	[smem:$0x3FAA] =	sst s0  }
0x9: {  	[smem:$0x3FAB] =	sst s1  }
0xa: {  	[smem:$0x3FAC] =	sst s2  }
0xb: {  	[smem:$0x3FAD] =	sst s3  }
0xc: {  	[smem:$0x3FAE] =	sst s4  }
0xd: {  	[smem:$0x3FAF] =	sst s5  }
0xe: {  	[smem:$0x3FB0] =	sst s6  }
0xf: {  	[smem:$0x3FB1] =	sst s7  }
0x10: {  	[smem:$0x3FB2] =	sst s8  }
0x11: {  	[smem:$0x3FB3] =	sst s9;
	s0 =	simm.s32 @!p0 $0x0  }
0x12: {  	s1 =	sld [smem:$0x3F99];
	s0 =	simm.s32 @p0 $0x1  }
0x13: {  	[smem:$0x3FB4] =	sst s0;
	s0 =	simm.s32 @!p1 $0x0  }
0x14: {  	s2 =	sld [smem:$0x3F98];
	s0 =	simm.s32 @p1 $0x1  }
0x15: {  	[smem:$0x3FB5] =	sst s0;
	s0 =	simm.s32 @!p2 $0x0  }
0x16: {  	s3 =	sld [smem:$0x3FDB];
	s0 =	simm.s32 @p2 $0x1  }
0x17: {  	s4 =	simm.s32 $0x1BF5;
	[smem:$0x3FB7] =	sst s0  }
0x18: {  	s0 =	sld [smem:$0x3F9A];
	_ =	swait.ge [sflag:s4], $0x0  }
0x19: {  	s7 =	sld [smem:$0x3F9B]  }
0x1a: {  	s8 =	sadd.s32 $0xFFFFE003, lr  }
0x1b: {  	s9 =	sadd.s32 $0xFFFFFEF7, lr;
	s5 =	simm.s32 $0xFFFFFFFF;
	p2 =	slt.u32 s8, $0xFFFFF086  }
0x1c: {  	p1 =	slt.u32 s9, $0xF7A;
	s5 =	simm.s32 @!p2 $0x0  }
0x1d: {  	s5 =	simm.s32 @p1 $0x1;
	p0 =	seq.s32 s7, s2  }
0x1e: {  	s7 =	smul.u32 @!p0 $0xF7A, s2;
	p2 =	seq.s32 @!p0 s5, $0x0  }
0x1f: {  	s9 =	smul.u32 $0xF7A, s1;
	s8 =	simm.s32 @!p0 $0x1BF5;
	p2 =	por !p2, p0  }
0x20: {  	[sflag:s8] =	ssyncset.s32 @!p0 $0xFFFFF086;
	s6 =	sadd.s32 @!p0 s3, s7;
	s7 =	simm.s32 @!p0 $0x108  }
0x21: {  	s3 =	sadd.s32 s3, s9;
	s6 =	sadd.s32 @!p0 $0x88, s6;
	s7 =	simm.s32 @p2 $0x1082  }
0x22: {  	[simem:s7], [sflag:s8] =	dma.local @!p0 [hbm:s6], $0xF7A  }
0x23: {  	s9 =	sor.u32 $0xD0000000, s2;
	s6 =	simm.s32 $0x108;
	_ =	swait.ge @!p0 [sflag:s8], $0x0  }
0x24: {  	s3 =	sadd.s32 $0x88, s3;
	s6 =	simm.s32 @!p1 $0x1082;
	[sflag:s4] =	ssyncset.s32 $0xFFFFF086  }
0x25: {  	[simem:s6], [sflag:s4] =	dma.local [hbm:s3], $0xF7A  }
0x26: {  	[smem:$0x3F9B] =	sst s1;
	(tag) =	ssettag s2;
	_ =	strace s9  }
0x27: {  	s1 =	sld [smem:$0x3FAB]  }
0x28: {  	s2 =	sld [smem:$0x3FAC]  }
0x29: {  	s4 =	sld [smem:$0x3FAE]  }
0x2a: {  	p0 =	seq.s32 s5, $0x0;
	s5 =	sld [smem:$0x3FAF]  }
0x2b: {  	s6 =	sld [smem:$0x3FB0]  }
0x2c: {  	s7 =	sld [smem:$0x3FB1]  }
0x2d: {  	s3 =	simm.s32 $0x108;
	s8 =	sld [smem:$0x3FB2]  }
0x2e: {  	s3 =	simm.s32 @!p0 $0x1082;
	s9 =	sld [smem:$0x3FB3]  }
0x2f: {  	lr =	sadd.s32 s0, s3;
	s0 =	sld [smem:$0x3FAA]  }
0x30: {  	s3 =	sld [smem:$0x3FAD]  }
0x31: {  	[smem:$0x3FB6] =	sst s10  }
0x32: {  	s10 =	sld [smem:$0x3FB4];
	_ =	sdelay $0x3  }
0x33: {  	p0 =	seq.s32 s10, $0x1;
	s10 =	sld [smem:$0x3FB6];
	_ =	sdelay $0x3  }
0x34: {  	[smem:$0x3FB6] =	sst s10  }
0x35: {  	s10 =	sld [smem:$0x3FB5];
	_ =	sdelay $0x3  }
0x36: {  	p1 =	seq.s32 s10, $0x1;
	s10 =	sld [smem:$0x3FB6];
	_ =	sdelay $0x3  }
0x37: {  	[smem:$0x3FB6] =	sst s10  }
0x38: {  	s10 =	sld [smem:$0x3FB7]  }
0x39: {  	_ = 	snop;
	(pc) =	sbr.ind lr, $3  }
0x3a: {  	_ = 	snop  }
0x3b: {  	_ = 	snop  }
0x3c: {  	p2 =	seq.s32 s10, $0x1;
	s10 =	sld [smem:$0x3FB6]  }
0x3d: {  	_ =	shalt  }
0x3e: {  	_ =	shalt  }
0x3f: {  	_ =	shalt  }
0x40: {  	_ =	shalt  }
0x41: {  	_ =	shalt  }
0x42: {  	_ =	shalt  }
0x43: {  	_ =	shalt  }
0x44: {  	_ =	shalt  }
0x45: {  	_ =	shalt  }
0x46: {  	_ =	shalt  }
0x47: {  	_ =	shalt  }
0x48: {  	_ =	shalt  }
0x49: {  	_ =	shalt  }
0x4a: {  	_ =	shalt  }
0x4b: {  	_ =	shalt  }
0x4c: {  	_ =	shalt  }
0x4d: {  	_ =	shalt  }
0x4e: {  	_ =	shalt  }
0x4f: {  	_ =	shalt  }
0x50: {  	_ =	shalt  }
0x51: {  	_ =	shalt  }
0x52: {  	_ =	shalt  }
0x53: {  	_ =	shalt  }
0x54: {  	_ =	shalt  }
0x55: {  	_ =	shalt  }
0x56: {  	_ =	shalt  }
0x57: {  	_ =	shalt  }
0x58: {  	_ =	shalt  }
0x59: {  	_ =	shalt  }
0x5a: {  	_ =	shalt  }
0x5b: {  	_ =	shalt  }
0x5c: {  	_ =	shalt  }
0x5d: {  	_ =	shalt  }
0x5e: {  	_ =	shalt  }
0x5f: {  	_ =	shalt  }
0x60: {  	_ =	shalt  }
0x61: {  	_ =	shalt  }
0x62: {  	_ =	shalt  }
0x63: {  	_ =	shalt  }
0x64: {  	_ =	shalt  }
0x65: {  	_ =	shalt  }
0x66: {  	_ =	shalt  }
0x67: {  	_ =	shalt  }
0x68: {  	_ =	shalt  }
0x69: {  	_ =	shalt  }
0x6a: {  	_ =	shalt  }
0x6b: {  	_ =	shalt  }
0x6c: {  	_ =	shalt  }
0x6d: {  	_ =	shalt  }
0x6e: {  	_ =	shalt  }
0x6f: {  	_ =	shalt  }
0x70: {  	_ =	shalt  }
0x71: {  	_ =	shalt  }
0x72: {  	_ =	shalt  }
0x73: {  	_ =	shalt  }
0x74: {  	_ =	shalt  }
0x75: {  	_ =	shalt  }
0x76: {  	_ =	shalt  }
0x77: {  	_ =	shalt  }
0x78: {  	_ =	shalt  }
0x79: {  	_ =	shalt  }
0x7a: {  	_ =	shalt  }
0x7b: {  	_ =	shalt  }
0x7c: {  	_ =	shalt  }
0x7d: {  	_ =	shalt  }
0x7e: {  	_ =	shalt  }
0x7f: {  	_ =	shalt  }
0x80: {  	_ =	shalt  }
0x81: {  	_ =	shalt  }
0x82: {  	_ =	shalt  }
0x83: {  	_ =	shalt  }
0x84: {  	_ =	shalt  }
0x85: {  	_ =	shalt  }
0x86: {  	_ =	shalt  }
0x87: {  	_ =	shalt  }
.Lfunc_end0:
.L_simem_size_0:
called_computation.2_lowered:
.L_overlay_start_0:
0x88: {  	s2 =	sld [smem:$0x3FD9]  }
0x89: {  	s3 =	sld [smem:$0x3FFE];
	_ =	sdelay $0x1  }
0x8a: {  	s1 =	srdreg.scid  }
0x8b: {  	s0 =	sand.u32 $0x1, s1  }
0x8c: {  	s16 =	sshll.u32 s0, $0xA;
	s2 =	sadd.s32 s3, s2  }
0x8d: {  	s2 =	sadd.s32 s2, s16  }
0x8e: {  	[smem:$0x3FC2] =	sst s2  }
0x8f: {  	_ = 	snop  }
0x90: {  	(tm) =	ssettm $0x1  }
0x91: {  	s17 =	sld [smem:$0x3FFB];
	_ =	sdelay $0x3  }
0x92: {  	_ =	strace s17  }
0x93: {  	s2 =	sld [smem:$0x3FFC];
	_ =	sdelay $0x3  }
0x94: {  	_ =	strace s2  }
0x95: {  	s2 =	sld [smem:$0x3FFD];
	_ =	sdelay $0x3  }
0x96: {  	_ =	strace s2  }
0x97: {  	_ =	strace $0x8FFFFFFF  }
0x98: {  	s18 =	sld [smem:$0x3FDB];
	_ =	sdelay $0x1  }
0x99: {  	s19 =	simm.s32 $_scs_section_size  }
0x9a: {  	s4 =	simm.s32 $_size__tile_overlayer_lowered;
	s5 =	simm.s32 $_tile_overlayer_lowered  }
0x9b: {  	s22 =	simm.s32 $0x1BFF;
	s21 =	sshll.u32 s5, $0x1;
	s2 =	sadd.s32 s19, s18  }
0x9c: {  	s6 =	simm.s32 $0x0;
	s20 =	sshll.u32 s4, $0x1;
	s4 =	sadd.s32 s21, s2  }
0x9d: {  	[timem:s6], [sflag:s22] =	dma.local [hbm:s4], s20  }
0x9e: {  	_ =	swait.ge [sflag:s22], s20  }
0x9f: {  	s3 =	ssub.s32 $0x0, s20;
	[sflag:s22] =	ssyncset.done $0x0  }
0xa0: {  	[sflag:s22] =	ssyncadd.s32 s3;
	_ =	sdelay $0x1  }
0xa1: {  	s23 =	simm.s32 $0x1B8B  }
0xa2: {  	_ =	swait.ge [sflag:s23], $0x1  }
0xa3: {  	[sflag:s23] =	ssyncset.done $0x0  }
0xa4: {  	s25 =	simm.s32 $0x1B8E;
	s24 =	sld [smem:$0x3FFE];
	[sflag:s23] =	ssyncadd.s32 $0xFFFFFFFF  }
0xa5: {  	s26 =	simm.s32 $execute0_lowered;
	[smem:$0x3FD2] =	sst s25  }
0xa6: {  	s4 =	sshll.u32 s26, $0x1;
	_ =	strace $0x8000004C;
	[dreg:$0x1] =	wrdreg $0xFFFFFFFF  }
0xa7: {  	s28 =	simm.s32 $_size_execute0_lowered;
	s2 =	sadd.s32 s2, s4;
	[dreg:$0x0] =	wrdreg $0x0  }
0xa8: {  	s4 =	sshll.u32 s28, $0x1;
	[dreg:$0x2] =	wrdreg s2  }
0xa9: {  	[dreg:$0x3] =	wrdreg s4  }
0xaa: {  	[dreg:$0x4] =	wrdreg $0xC0  }
0xab: {  	_ =	task [dreg:s6], $0x5FFFF  }
0xac: {  	[dreg:$0x1] =	wrdreg $0xFFFFFFFF  }
0xad: {  	[dreg:$0x0] =	wrdreg $0x60  }
0xae: {  	[dreg:$0x2] =	wrdreg s24  }
0xaf: {  	[dreg:$0x3] =	wrdreg $0x9E200  }
0xb0: {  	[dreg:$0x4] =	wrdreg $0x9  }
0xb1: {  	_ =	task.clear_ibuf [dreg:s6], $0x5FFFF;
	_ =	strace $0x9000004C  }
0xb2: {  	s29 =	simm.s32 $0x9;
	_ =	strace $0x8000004E  }
0xb3: {  	_ =	swait.ge [sflag:s29], $0x1  }
0xb4: {  	[sflag:s29] =	ssyncadd.s32 $0xFFFFFFFF  }
0xb5: {  	_ =	strace $0x9000004E  }
0xb6: {  	_ =	sfence  }
0xb7: {  	s30 =	sld [smem:$0x0];
	_ =	sdelay $0x2  }
0xb8: {  	s31 =	sshll.u32 s1, $0xD;
	s1 =	sshrl.u32 s1, $0x2  }
0xb9: {  	s3 =	sand.u32 $0x4000, s31;
	s1 =	sadd.s32 s1, s30  }
0xba: {  	s0 =	sor.u32 s3, s0;
	s1 =	sshll.u32 s1, $0x11  }
0xbb: {  	s0 =	sor.u32 s1, s0  }
0xbc: {  	s0 =	sadd.s32 $0x8F2B, s0  }
0xbd: {  	[sflag:s0] =	ssyncadd.remote.s32 $0x1  }
0xbe: {  	_ =	sfence.sel $0xFFFF  }
0xbf: {  	[dreg:$0x0] =	wrdreg $0xFFFFFFFF;
	(pc) =	sbr.abs _section_cstart, $3  }
0xc0: {  	[dreg:$0x1] =	wrdreg $0xFFFFFFFF  }
0xc1: {  	_ =	task.clear_ibuf [dreg:s6], $0x2FFFF;
	_ =	strace $0x9FFFFFFF  }
0xc2: {  	(tm) =	ssettm $0x7FFFFFFF  }
0xc3: {  	_ =	shalt  }
tec
execute0_lowered:
.L_overlay_start_1:
0x0: {  	(tag) =	ssettag $0x1  }
0x1: {  	s0 =	rddreg [dreg:$0x0]  }
0x2: {  	s1 =	rddreg [dreg:$0x1];
	s3 =	srdreg.scid  }
0x3: {  	s8 =	stileid.u32;
	s2 =	simm.s32 $0x0;
	s29 =	simm.s32 $0x7620  }
0x4: {  	s30 =	simm.s32 $0xC620;
	s31 =	simm.s32 $0xC8A0;
	s17 =	sand.u32 $0x1, s3  }
0x5: {  	s28 =	sshll.u32 s8, $0x1;
	[smem:$0x7FF] =	sst s2;
	s5 =	smul.u32 $0xA000, s8  }
0x6: {  	s20 =	smul.u32 $0x280, s8;
	s25 =	sadd.s32 $0xD040, s0;
	s3 =	sor.u32 s17, s28  }
0x7: {  	_ =	strace $0x8000004D;
	s4 =	ssub.s32 $0x2, s17;
	p0 =	seq.s32 s17, $0x1  }
0x8: {  	s24 =	smul.u32 $0x4E2, s3;
	s3 =	sadd.s32 $0x16E00, s0;
	s7 =	sshrl.u32 s4, $0x1  }
0x9: {  	s5 =	sshrl.u32 s5, $0x2;
	s21 =	sshrl.u32 s20, $0x3;
	s23 =	ssub.s32 s4, s7  }
0xa: {  	s5 =	sadd.s32 s5, s1;
	s6 =	sadd.s32 s24, s0;
	s23 =	smax.u32 s23, $0x1  }
0xb: {  	s24 =	sadd.s32 s24, s25;
	s4 =	sadd.s32 $0x3400, s6;
	s6 =	sadd.s32 s20, s1  }
0xc: {  	s25 =	simm.s32 $0x1;
	s1 =	simm.s32 $0x17A00;
	s7 =	sadd.s32 $0x2800, s6  }
0xd: {  	s8 =	sadd.s32 $0x5000, s6;
	s9 =	sadd.s32 $0x7800, s6;
	s10 =	sadd.s32 $0xA000, s6  }
0xe: {  	s11 =	sadd.s32 $0xC800, s6;
	s12 =	sadd.s32 $0xF000, s6;
	s13 =	sadd.s32 $0x11800, s6  }
0xf: {  	s14 =	sadd.s32 $0x14000, s6;
	s15 =	sadd.s32 $0x16800, s6;
	s16 =	sadd.s32 $0x19000, s6  }
0x10: {  	s17 =	sadd.s32 $0x1B800, s6;
	s18 =	sadd.s32 $0x1E000, s6;
	s1 =	simm.s32 @!p0 $0x17400  }
0x11: {  	s19 =	sadd.s32 $0x20800, s6;
	s20 =	sadd.s32 $0x23000, s6;
	s0 =	sadd.s32 s1, s0  }
0x12: {  	v0 =	vimm.f32 $0.0e+00;
	s22 =	sadd.s32 $0x25800, s6;
	s21 =	sadd.s32 s0, s21;
	s0 =	simm.s32 $0x0  }
.LBB2_1:
0x13: {  	[tilespmem:s2], [sflag:$0x1] =	stream.linear.gather [hbm4b:s3+s2], $0x2800, $0x38;
	[tilespmem:$0xCB20] =	vst v63  }
0x14: {  	_ =	swait.ge [sflag:s25], $0x2800  }
0x15: {  	[sflag:s25] =	ssyncset.done $0x0  }
0x16: {  	s1 =	simm.s32 $0x2800;
	[sflag:s25] =	ssyncadd.s32 $0xFFFFD800  }
0x17: {  	[tilespmem:s1], [sflag:$0x1] =	stream.linear.gather [hbm4b:s4+s2], $0x2710, $0x38;
	[tilespmem:$0xCB20] =	vst v63  }
0x18: {  	_ =	swait.ge [sflag:s25], $0x2710  }
0x19: {  	[sflag:s25] =	ssyncset.done $0x0  }
0x1a: {  	s28 =	simm.s32 $0x4F10;
	[sflag:s25] =	ssyncadd.s32 $0xFFFFD8F0  }
0x1b: {  	[tilespmem:s28], [sflag:$0x1] =	stream.linear.gather [hbm4b:s24+s2], $0x2710, $0x38;
	[tilespmem:$0xCB20] =	vst v63  }
0x1c: {  	_ =	swait.ge [sflag:s25], $0x2710  }
0x1d: {  	[sflag:s25] =	ssyncset.done $0x0  }
0x1e: {  	s1 =	simm.s32 $0x0;
	[sflag:s25] =	ssyncadd.s32 $0xFFFFD8F0  }
.LBB2_2:
0x1f: {  	p0 =	sne.s32 s1, $0x9FC0  }
.Ltmp0:
0x20: {  	_ = 	snop;
	(pc) =	sbr.rel @p0 .LBB2_2-.Ltmp0, $3  }
0x21: {  	_ =	sdelay $0x1  }
0x22: {  	s26 =	sshra.s32 s1, $0x2  }
0x23: {  	s1 =	sadd.s32 $0x40, s1;
	[tilespmem:s26+$0x7620] =	vst v0  }
0x24: {  	s1 =	simm.s32 $0x0  }
.LBB2_4:
0x25: {  	s26 =	sshra.s32 s1, $0x2  }
0x26: {  	v1 =	vld [tilespmem:s26+$0x2800];
	_ =	sdelay $0x4  }
0x27: {  	v2 =	vld [tilespmem:s26+$0x4F10];
	_ =	sdelay $0x2  }
0x28: {  	v1 =	vld.idx.msk [tilespmem:v1+s2+$0x0], $0xffff;
	_ =	sdelay $0x4  }
0x29: {  	[tilespmem:v2+s29+$0x0] =	vst.idx.add.f32.msk $0xffff, v1  }
0x2a: {  	v1 =	vld [tilespmem:s26+$0x2810];
	_ =	sdelay $0x4  }
0x2b: {  	v2 =	vld [tilespmem:s26+$0x4F20];
	_ =	sdelay $0x2  }
0x2c: {  	v1 =	vld.idx.msk [tilespmem:v1+s2+$0x0], $0xffff;
	_ =	sdelay $0x4  }
0x2d: {  	[tilespmem:v2+s29+$0x0] =	vst.idx.add.f32.msk $0xffff, v1  }
0x2e: {  	v1 =	vld [tilespmem:s26+$0x2820];
	_ =	sdelay $0x4  }
0x2f: {  	v2 =	vld [tilespmem:s26+$0x4F30];
	_ =	sdelay $0x2  }
0x30: {  	v1 =	vld.idx.msk [tilespmem:v1+s2+$0x0], $0xffff;
	_ =	sdelay $0x4  }
0x31: {  	[tilespmem:v2+s29+$0x0] =	vst.idx.add.f32.msk $0xffff, v1  }
0x32: {  	v1 =	vld [tilespmem:s26+$0x2830];
	_ =	sdelay $0x4  }
0x33: {  	v2 =	vld [tilespmem:s26+$0x4F40];
	_ =	sdelay $0x2  }
0x34: {  	v1 =	vld.idx.msk [tilespmem:v1+s2+$0x0], $0xffff;
	_ =	sdelay $0x4  }
0x35: {  	[tilespmem:v2+s29+$0x0] =	vst.idx.add.f32.msk $0xffff, v1  }
0x36: {  	v1 =	vld [tilespmem:s26+$0x2840];
	_ =	sdelay $0x4  }
0x37: {  	v2 =	vld [tilespmem:s26+$0x4F50];
	_ =	sdelay $0x2  }
0x38: {  	p0 =	sne.s32 s1, $0x9B00;
	v1 =	vld.idx.msk [tilespmem:v1+s2+$0x0], $0xffff  }
.Ltmp1:
0x39: {  	_ = 	snop;
	(pc) =	sbr.rel @p0 .LBB2_4-.Ltmp1, $2  }
0x3a: {  	_ =	sdelay $0x2  }
0x3b: {  	s1 =	sadd.s32 $0x140, s1;
	[tilespmem:v2+s29+$0x0] =	vst.idx.add.f32.msk $0xffff, v1  }
0x3c: {  	[spmem:s5] =	stream.linear.scatter [tilespmem:s29], [sflag:$0x1], $0x2800, $0x38;
	[tilespmem:$0xCB20] =	vst v63  }
0x3d: {  	_ =	swait.ge [sflag:s25], $0x2800  }
0x3e: {  	[sflag:s25] =	ssyncset.done $0x0  }
0x3f: {  	[sflag:s25] =	ssyncadd.s32 $0xFFFFD800  }
0x40: {  	[bflag:$0x0] =	sbarrier.arrive $0xFFFF  }
0x41: {  	[tilespmem:s30], [sflag:$0x1] =	stream.linear.gather [spmem:s6], $0x280, $0x38;
	[tilespmem:$0xCB20] =	vst v63  }
0x42: {  	_ =	swait.ge [sflag:s25], $0x280  }
0x43: {  	[sflag:s25] =	ssyncset.done $0x0  }
0x44: {  	[sflag:s25] =	ssyncadd.s32 $0xFFFFFD80  }
0x45: {  	[tilespmem:s31], [sflag:$0x1] =	stream.linear.gather [spmem:s7], $0x280, $0x38;
	[tilespmem:$0xCB20] =	vst v63  }
0x46: {  	_ =	swait.ge [sflag:s25], $0x280  }
0x47: {  	[sflag:s25] =	ssyncset.done $0x0  }
0x48: {  	s1 =	simm.s32 $0x0;
	[sflag:s25] =	ssyncadd.s32 $0xFFFFFD80  }
0x49: {  	s26 =	simm.s32 $0x40;
	v1 =	vld [tilespmem:s1+$0xC8A0]  }
.LBB2_6:
0x4a: {  	p0 =	sne.s32 s26, $0x9C0;
	v2 =	vld [tilespmem:s1+$0xC620];
	_ =	sdelay $0x2  }
.Ltmp2:
0x4b: {  	(pc) =	sbr.rel @p0 .LBB2_6-.Ltmp2, $4  }
0x4c: {  	_ = 	snop  }
0x4d: {  	v2 =	vadd.f32 v1, v2  }
0x4e: {  	s28 =	sshra.s32 s26, $0x2  }
0x4f: {  	s26 =	sadd.s32 $0x40, s26;
	v1 =	vld [tilespmem:s28+$0xC8A0];
	[tilespmem:s1+$0xC620] =	vst v2;
	s1 =	smov.u32 s28  }
0x50: {  	v2 =	vld [tilespmem:s1+$0xC620];
	_ =	sdelay $0x4  }
0x51: {  	v1 =	vadd.f32 v1, v2;
	_ =	sdelay $0x1  }
0x52: {  	[tilespmem:s1+$0xC620] =	vst v1  }
0x53: {  	[tilespmem:s31], [sflag:$0x1] =	stream.linear.gather [spmem:s8], $0x280, $0x38;
	[tilespmem:$0xCB20] =	vst v63  }
0x54: {  	_ =	swait.ge [sflag:s25], $0x280  }
0x55: {  	[sflag:s25] =	ssyncset.done $0x0  }
0x56: {  	s1 =	simm.s32 $0x0;
	[sflag:s25] =	ssyncadd.s32 $0xFFFFFD80  }
0x57: {  	s26 =	simm.s32 $0x40;
	v1 =	vld [tilespmem:s1+$0xC8A0]  }
.LBB2_8:
0x58: {  	p0 =	sne.s32 s26, $0x9C0;
	v2 =	vld [tilespmem:s1+$0xC620];
	_ =	sdelay $0x2  }
.Ltmp3:
0x59: {  	(pc) =	sbr.rel @p0 .LBB2_8-.Ltmp3, $4  }
0x5a: {  	_ = 	snop  }
0x5b: {  	v2 =	vadd.f32 v1, v2  }
0x5c: {  	s28 =	sshra.s32 s26, $0x2  }
0x5d: {  	s26 =	sadd.s32 $0x40, s26;
	v1 =	vld [tilespmem:s28+$0xC8A0];
	[tilespmem:s1+$0xC620] =	vst v2;
	s1 =	smov.u32 s28  }
0x5e: {  	v2 =	vld [tilespmem:s1+$0xC620];
	_ =	sdelay $0x4  }
0x5f: {  	v1 =	vadd.f32 v1, v2;
	_ =	sdelay $0x1  }
0x60: {  	[tilespmem:s1+$0xC620] =	vst v1  }
0x61: {  	[tilespmem:s31], [sflag:$0x1] =	stream.linear.gather [spmem:s9], $0x280, $0x38;
	[tilespmem:$0xCB20] =	vst v63  }
0x62: {  	_ =	swait.ge [sflag:s25], $0x280  }
0x63: {  	[sflag:s25] =	ssyncset.done $0x0  }
0x64: {  	s1 =	simm.s32 $0x0;
	[sflag:s25] =	ssyncadd.s32 $0xFFFFFD80  }
0x65: {  	s26 =	simm.s32 $0x40;
	v1 =	vld [tilespmem:s1+$0xC8A0]  }
.LBB2_10:
0x66: {  	p0 =	sne.s32 s26, $0x9C0;
	v2 =	vld [tilespmem:s1+$0xC620];
	_ =	sdelay $0x2  }
.Ltmp4:
0x67: {  	(pc) =	sbr.rel @p0 .LBB2_10-.Ltmp4, $4  }
0x68: {  	_ = 	snop  }
0x69: {  	v2 =	vadd.f32 v1, v2  }
0x6a: {  	s28 =	sshra.s32 s26, $0x2  }
0x6b: {  	s26 =	sadd.s32 $0x40, s26;
	v1 =	vld [tilespmem:s28+$0xC8A0];
	[tilespmem:s1+$0xC620] =	vst v2;
	s1 =	smov.u32 s28  }
0x6c: {  	v2 =	vld [tilespmem:s1+$0xC620];
	_ =	sdelay $0x4  }
0x6d: {  	v1 =	vadd.f32 v1, v2;
	_ =	sdelay $0x1  }
0x6e: {  	[tilespmem:s1+$0xC620] =	vst v1  }
0x6f: {  	[tilespmem:s31], [sflag:$0x1] =	stream.linear.gather [spmem:s10], $0x280, $0x38;
	[tilespmem:$0xCB20] =	vst v63  }
0x70: {  	_ =	swait.ge [sflag:s25], $0x280  }
0x71: {  	[sflag:s25] =	ssyncset.done $0x0  }
0x72: {  	s1 =	simm.s32 $0x0;
	[sflag:s25] =	ssyncadd.s32 $0xFFFFFD80  }
0x73: {  	s26 =	simm.s32 $0x40;
	v1 =	vld [tilespmem:s1+$0xC8A0]  }
.LBB2_12:
0x74: {  	p0 =	sne.s32 s26, $0x9C0;
	v2 =	vld [tilespmem:s1+$0xC620];
	_ =	sdelay $0x2  }
.Ltmp5:
0x75: {  	(pc) =	sbr.rel @p0 .LBB2_12-.Ltmp5, $4  }
0x76: {  	_ = 	snop  }
0x77: {  	v2 =	vadd.f32 v1, v2  }
0x78: {  	s28 =	sshra.s32 s26, $0x2  }
0x79: {  	s26 =	sadd.s32 $0x40, s26;
	v1 =	vld [tilespmem:s28+$0xC8A0];
	[tilespmem:s1+$0xC620] =	vst v2;
	s1 =	smov.u32 s28  }
0x7a: {  	v2 =	vld [tilespmem:s1+$0xC620];
	_ =	sdelay $0x4  }
0x7b: {  	v1 =	vadd.f32 v1, v2;
	_ =	sdelay $0x1  }
0x7c: {  	[tilespmem:s1+$0xC620] =	vst v1  }
0x7d: {  	[tilespmem:s31], [sflag:$0x1] =	stream.linear.gather [spmem:s11], $0x280, $0x38;
	[tilespmem:$0xCB20] =	vst v63  }
0x7e: {  	_ =	swait.ge [sflag:s25], $0x280  }
0x7f: {  	[sflag:s25] =	ssyncset.done $0x0  }
0x80: {  	s1 =	simm.s32 $0x0;
	[sflag:s25] =	ssyncadd.s32 $0xFFFFFD80  }
0x81: {  	s26 =	simm.s32 $0x40;
	v1 =	vld [tilespmem:s1+$0xC8A0]  }
.LBB2_14:
0x82: {  	p0 =	sne.s32 s26, $0x9C0;
	v2 =	vld [tilespmem:s1+$0xC620];
	_ =	sdelay $0x2  }
.Ltmp6:
0x83: {  	(pc) =	sbr.rel @p0 .LBB2_14-.Ltmp6, $4  }
0x84: {  	_ = 	snop  }
0x85: {  	v2 =	vadd.f32 v1, v2  }
0x86: {  	s28 =	sshra.s32 s26, $0x2  }
0x87: {  	s26 =	sadd.s32 $0x40, s26;
	v1 =	vld [tilespmem:s28+$0xC8A0];
	[tilespmem:s1+$0xC620] =	vst v2;
	s1 =	smov.u32 s28  }
0x88: {  	v2 =	vld [tilespmem:s1+$0xC620];
	_ =	sdelay $0x4  }
0x89: {  	v1 =	vadd.f32 v1, v2;
	_ =	sdelay $0x1  }
0x8a: {  	[tilespmem:s1+$0xC620] =	vst v1  }
0x8b: {  	[tilespmem:s31], [sflag:$0x1] =	stream.linear.gather [spmem:s12], $0x280, $0x38;
	[tilespmem:$0xCB20] =	vst v63  }
0x8c: {  	_ =	swait.ge [sflag:s25], $0x280  }
0x8d: {  	[sflag:s25] =	ssyncset.done $0x0  }
0x8e: {  	s1 =	simm.s32 $0x0;
	[sflag:s25] =	ssyncadd.s32 $0xFFFFFD80  }
0x8f: {  	s26 =	simm.s32 $0x40;
	v1 =	vld [tilespmem:s1+$0xC8A0]  }
.LBB2_16:
0x90: {  	p0 =	sne.s32 s26, $0x9C0;
	v2 =	vld [tilespmem:s1+$0xC620];
	_ =	sdelay $0x2  }
.Ltmp7:
0x91: {  	(pc) =	sbr.rel @p0 .LBB2_16-.Ltmp7, $4  }
0x92: {  	_ = 	snop  }
0x93: {  	v2 =	vadd.f32 v1, v2  }
0x94: {  	s28 =	sshra.s32 s26, $0x2  }
0x95: {  	s26 =	sadd.s32 $0x40, s26;
	v1 =	vld [tilespmem:s28+$0xC8A0];
	[tilespmem:s1+$0xC620] =	vst v2;
	s1 =	smov.u32 s28  }
0x96: {  	v2 =	vld [tilespmem:s1+$0xC620];
	_ =	sdelay $0x4  }
0x97: {  	v1 =	vadd.f32 v1, v2;
	_ =	sdelay $0x1  }
0x98: {  	[tilespmem:s1+$0xC620] =	vst v1  }
0x99: {  	[tilespmem:s31], [sflag:$0x1] =	stream.linear.gather [spmem:s13], $0x280, $0x38;
	[tilespmem:$0xCB20] =	vst v63  }
0x9a: {  	_ =	swait.ge [sflag:s25], $0x280  }
0x9b: {  	[sflag:s25] =	ssyncset.done $0x0  }
0x9c: {  	s1 =	simm.s32 $0x0;
	[sflag:s25] =	ssyncadd.s32 $0xFFFFFD80  }
0x9d: {  	s26 =	simm.s32 $0x40;
	v1 =	vld [tilespmem:s1+$0xC8A0]  }
.LBB2_18:
0x9e: {  	p0 =	sne.s32 s26, $0x9C0;
	v2 =	vld [tilespmem:s1+$0xC620];
	_ =	sdelay $0x2  }
.Ltmp8:
0x9f: {  	(pc) =	sbr.rel @p0 .LBB2_18-.Ltmp8, $4  }
0xa0: {  	_ = 	snop  }
0xa1: {  	v2 =	vadd.f32 v1, v2  }
0xa2: {  	s28 =	sshra.s32 s26, $0x2  }
0xa3: {  	s26 =	sadd.s32 $0x40, s26;
	v1 =	vld [tilespmem:s28+$0xC8A0];
	[tilespmem:s1+$0xC620] =	vst v2;
	s1 =	smov.u32 s28  }
0xa4: {  	v2 =	vld [tilespmem:s1+$0xC620];
	_ =	sdelay $0x4  }
0xa5: {  	v1 =	vadd.f32 v1, v2;
	_ =	sdelay $0x1  }
0xa6: {  	[tilespmem:s1+$0xC620] =	vst v1  }
0xa7: {  	[tilespmem:s31], [sflag:$0x1] =	stream.linear.gather [spmem:s14], $0x280, $0x38;
	[tilespmem:$0xCB20] =	vst v63  }
0xa8: {  	_ =	swait.ge [sflag:s25], $0x280  }
0xa9: {  	[sflag:s25] =	ssyncset.done $0x0  }
0xaa: {  	s1 =	simm.s32 $0x0;
	[sflag:s25] =	ssyncadd.s32 $0xFFFFFD80  }
0xab: {  	s26 =	simm.s32 $0x40;
	v1 =	vld [tilespmem:s1+$0xC8A0]  }
.LBB2_20:
0xac: {  	p0 =	sne.s32 s26, $0x9C0;
	v2 =	vld [tilespmem:s1+$0xC620];
	_ =	sdelay $0x2  }
.Ltmp9:
0xad: {  	(pc) =	sbr.rel @p0 .LBB2_20-.Ltmp9, $4  }
0xae: {  	_ = 	snop  }
0xaf: {  	v2 =	vadd.f32 v1, v2  }
0xb0: {  	s28 =	sshra.s32 s26, $0x2  }
0xb1: {  	s26 =	sadd.s32 $0x40, s26;
	v1 =	vld [tilespmem:s28+$0xC8A0];
	[tilespmem:s1+$0xC620] =	vst v2;
	s1 =	smov.u32 s28  }
0xb2: {  	v2 =	vld [tilespmem:s1+$0xC620];
	_ =	sdelay $0x4  }
0xb3: {  	v1 =	vadd.f32 v1, v2;
	_ =	sdelay $0x1  }
0xb4: {  	[tilespmem:s1+$0xC620] =	vst v1  }
0xb5: {  	[tilespmem:s31], [sflag:$0x1] =	stream.linear.gather [spmem:s15], $0x280, $0x38;
	[tilespmem:$0xCB20] =	vst v63  }
0xb6: {  	_ =	swait.ge [sflag:s25], $0x280  }
0xb7: {  	[sflag:s25] =	ssyncset.done $0x0  }
0xb8: {  	s1 =	simm.s32 $0x0;
	[sflag:s25] =	ssyncadd.s32 $0xFFFFFD80  }
0xb9: {  	s26 =	simm.s32 $0x40;
	v1 =	vld [tilespmem:s1+$0xC8A0]  }
.LBB2_22:
0xba: {  	p0 =	sne.s32 s26, $0x9C0;
	v2 =	vld [tilespmem:s1+$0xC620];
	_ =	sdelay $0x2  }
.Ltmp10:
0xbb: {  	(pc) =	sbr.rel @p0 .LBB2_22-.Ltmp10, $4  }
0xbc: {  	_ = 	snop  }
0xbd: {  	v2 =	vadd.f32 v1, v2  }
0xbe: {  	s28 =	sshra.s32 s26, $0x2  }
0xbf: {  	s26 =	sadd.s32 $0x40, s26;
	v1 =	vld [tilespmem:s28+$0xC8A0];
	[tilespmem:s1+$0xC620] =	vst v2;
	s1 =	smov.u32 s28  }
0xc0: {  	v2 =	vld [tilespmem:s1+$0xC620];
	_ =	sdelay $0x4  }
0xc1: {  	v1 =	vadd.f32 v1, v2;
	_ =	sdelay $0x1  }
0xc2: {  	[tilespmem:s1+$0xC620] =	vst v1  }
0xc3: {  	[tilespmem:s31], [sflag:$0x1] =	stream.linear.gather [spmem:s16], $0x280, $0x38;
	[tilespmem:$0xCB20] =	vst v63  }
0xc4: {  	_ =	swait.ge [sflag:s25], $0x280  }
0xc5: {  	[sflag:s25] =	ssyncset.done $0x0  }
0xc6: {  	s1 =	simm.s32 $0x0;
	[sflag:s25] =	ssyncadd.s32 $0xFFFFFD80  }
0xc7: {  	s26 =	simm.s32 $0x40;
	v1 =	vld [tilespmem:s1+$0xC8A0]  }
.LBB2_24:
0xc8: {  	p0 =	sne.s32 s26, $0x9C0;
	v2 =	vld [tilespmem:s1+$0xC620];
	_ =	sdelay $0x2  }
.Ltmp11:
0xc9: {  	(pc) =	sbr.rel @p0 .LBB2_24-.Ltmp11, $4  }
0xca: {  	_ = 	snop  }
0xcb: {  	v2 =	vadd.f32 v1, v2  }
0xcc: {  	s28 =	sshra.s32 s26, $0x2  }
0xcd: {  	s26 =	sadd.s32 $0x40, s26;
	v1 =	vld [tilespmem:s28+$0xC8A0];
	[tilespmem:s1+$0xC620] =	vst v2;
	s1 =	smov.u32 s28  }
0xce: {  	v2 =	vld [tilespmem:s1+$0xC620];
	_ =	sdelay $0x4  }
0xcf: {  	v1 =	vadd.f32 v1, v2;
	_ =	sdelay $0x1  }
0xd0: {  	[tilespmem:s1+$0xC620] =	vst v1  }
0xd1: {  	[tilespmem:s31], [sflag:$0x1] =	stream.linear.gather [spmem:s17], $0x280, $0x38;
	[tilespmem:$0xCB20] =	vst v63  }
0xd2: {  	_ =	swait.ge [sflag:s25], $0x280  }
0xd3: {  	[sflag:s25] =	ssyncset.done $0x0  }
0xd4: {  	s1 =	simm.s32 $0x0;
	[sflag:s25] =	ssyncadd.s32 $0xFFFFFD80  }
0xd5: {  	s26 =	simm.s32 $0x40;
	v1 =	vld [tilespmem:s1+$0xC8A0]  }
.LBB2_26:
0xd6: {  	p0 =	sne.s32 s26, $0x9C0;
	v2 =	vld [tilespmem:s1+$0xC620];
	_ =	sdelay $0x2  }
.Ltmp12:
0xd7: {  	(pc) =	sbr.rel @p0 .LBB2_26-.Ltmp12, $4  }
0xd8: {  	_ = 	snop  }
0xd9: {  	v2 =	vadd.f32 v1, v2  }
0xda: {  	s28 =	sshra.s32 s26, $0x2  }
0xdb: {  	s26 =	sadd.s32 $0x40, s26;
	v1 =	vld [tilespmem:s28+$0xC8A0];
	[tilespmem:s1+$0xC620] =	vst v2;
	s1 =	smov.u32 s28  }
0xdc: {  	v2 =	vld [tilespmem:s1+$0xC620];
	_ =	sdelay $0x4  }
0xdd: {  	v1 =	vadd.f32 v1, v2;
	_ =	sdelay $0x1  }
0xde: {  	[tilespmem:s1+$0xC620] =	vst v1  }
0xdf: {  	[tilespmem:s31], [sflag:$0x1] =	stream.linear.gather [spmem:s18], $0x280, $0x38;
	[tilespmem:$0xCB20] =	vst v63  }
0xe0: {  	_ =	swait.ge [sflag:s25], $0x280  }
0xe1: {  	[sflag:s25] =	ssyncset.done $0x0  }
0xe2: {  	s1 =	simm.s32 $0x0;
	[sflag:s25] =	ssyncadd.s32 $0xFFFFFD80  }
0xe3: {  	s26 =	simm.s32 $0x40;
	v1 =	vld [tilespmem:s1+$0xC8A0]  }
.LBB2_28:
0xe4: {  	p0 =	sne.s32 s26, $0x9C0;
	v2 =	vld [tilespmem:s1+$0xC620];
	_ =	sdelay $0x2  }
.Ltmp13:
0xe5: {  	(pc) =	sbr.rel @p0 .LBB2_28-.Ltmp13, $4  }
0xe6: {  	_ = 	snop  }
0xe7: {  	v2 =	vadd.f32 v1, v2  }
0xe8: {  	s28 =	sshra.s32 s26, $0x2  }
0xe9: {  	s26 =	sadd.s32 $0x40, s26;
	v1 =	vld [tilespmem:s28+$0xC8A0];
	[tilespmem:s1+$0xC620] =	vst v2;
	s1 =	smov.u32 s28  }
0xea: {  	v2 =	vld [tilespmem:s1+$0xC620];
	_ =	sdelay $0x4  }
0xeb: {  	v1 =	vadd.f32 v1, v2;
	_ =	sdelay $0x1  }
0xec: {  	[tilespmem:s1+$0xC620] =	vst v1  }
0xed: {  	[tilespmem:s31], [sflag:$0x1] =	stream.linear.gather [spmem:s19], $0x280, $0x38;
	[tilespmem:$0xCB20] =	vst v63  }
0xee: {  	_ =	swait.ge [sflag:s25], $0x280  }
0xef: {  	[sflag:s25] =	ssyncset.done $0x0  }
0xf0: {  	s1 =	simm.s32 $0x0;
	[sflag:s25] =	ssyncadd.s32 $0xFFFFFD80  }
0xf1: {  	s26 =	simm.s32 $0x40;
	v1 =	vld [tilespmem:s1+$0xC8A0]  }
.LBB2_30:
0xf2: {  	p0 =	sne.s32 s26, $0x9C0;
	v2 =	vld [tilespmem:s1+$0xC620];
	_ =	sdelay $0x2  }
.Ltmp14:
0xf3: {  	(pc) =	sbr.rel @p0 .LBB2_30-.Ltmp14, $4  }
0xf4: {  	_ = 	snop  }
0xf5: {  	v2 =	vadd.f32 v1, v2  }
0xf6: {  	s28 =	sshra.s32 s26, $0x2  }
0xf7: {  	s26 =	sadd.s32 $0x40, s26;
	v1 =	vld [tilespmem:s28+$0xC8A0];
	[tilespmem:s1+$0xC620] =	vst v2;
	s1 =	smov.u32 s28  }
0xf8: {  	v2 =	vld [tilespmem:s1+$0xC620];
	_ =	sdelay $0x4  }
0xf9: {  	v1 =	vadd.f32 v1, v2;
	_ =	sdelay $0x1  }
0xfa: {  	[tilespmem:s1+$0xC620] =	vst v1  }
0xfb: {  	[tilespmem:s31], [sflag:$0x1] =	stream.linear.gather [spmem:s20], $0x280, $0x38;
	[tilespmem:$0xCB20] =	vst v63  }
0xfc: {  	_ =	swait.ge [sflag:s25], $0x280  }
0xfd: {  	[sflag:s25] =	ssyncset.done $0x0  }
0xfe: {  	s1 =	simm.s32 $0x0;
	[sflag:s25] =	ssyncadd.s32 $0xFFFFFD80  }
0xff: {  	s26 =	simm.s32 $0x40;
	v1 =	vld [tilespmem:s1+$0xC8A0]  }
.LBB2_32:
0x100: {  	p0 =	sne.s32 s26, $0x9C0;
	v2 =	vld [tilespmem:s1+$0xC620];
	_ =	sdelay $0x2  }
.Ltmp15:
0x101: {  	(pc) =	sbr.rel @p0 .LBB2_32-.Ltmp15, $4  }
0x102: {  	_ = 	snop  }
0x103: {  	v2 =	vadd.f32 v1, v2  }
0x104: {  	s28 =	sshra.s32 s26, $0x2  }
0x105: {  	s26 =	sadd.s32 $0x40, s26;
	v1 =	vld [tilespmem:s28+$0xC8A0];
	[tilespmem:s1+$0xC620] =	vst v2;
	s1 =	smov.u32 s28  }
0x106: {  	v2 =	vld [tilespmem:s1+$0xC620];
	_ =	sdelay $0x4  }
0x107: {  	v1 =	vadd.f32 v1, v2;
	_ =	sdelay $0x1  }
0x108: {  	[tilespmem:s1+$0xC620] =	vst v1  }
0x109: {  	[tilespmem:s31], [sflag:$0x1] =	stream.linear.gather [spmem:s22], $0x280, $0x38;
	[tilespmem:$0xCB20] =	vst v63  }
0x10a: {  	_ =	swait.ge [sflag:s25], $0x280  }
0x10b: {  	[sflag:s25] =	ssyncset.done $0x0  }
0x10c: {  	s1 =	simm.s32 $0x0;
	[sflag:s25] =	ssyncadd.s32 $0xFFFFFD80  }
0x10d: {  	s26 =	simm.s32 $0x40;
	v1 =	vld [tilespmem:s1+$0xC8A0]  }
.LBB2_34:
0x10e: {  	p0 =	sne.s32 s26, $0x9C0;
	v2 =	vld [tilespmem:s1+$0xC620];
	_ =	sdelay $0x2  }
.Ltmp16:
0x10f: {  	(pc) =	sbr.rel @p0 .LBB2_34-.Ltmp16, $4  }
0x110: {  	_ = 	snop  }
0x111: {  	v2 =	vadd.f32 v1, v2  }
0x112: {  	s28 =	sshra.s32 s26, $0x2  }
0x113: {  	s26 =	sadd.s32 $0x40, s26;
	v1 =	vld [tilespmem:s28+$0xC8A0];
	[tilespmem:s1+$0xC620] =	vst v2;
	s1 =	smov.u32 s28  }
0x114: {  	v2 =	vld [tilespmem:s1+$0xC620];
	_ =	sdelay $0x4  }
0x115: {  	s0 =	sadd.s32 $0x1, s0;
	v1 =	vadd.f32 v1, v2  }
0x116: {  	p0 =	sne.s32 s0, s23  }
.Ltmp17:
0x117: {  	[tilespmem:s1+$0xC620] =	vst v1;
	(pc) =	sbr.rel @p0 .LBB2_1-.Ltmp17, $4  }
0x118: {  	[hbm4b:s21+s2] =	stream.linear.scatter [tilespmem:s30], [sflag:$0x1], $0x280, $0x38;
	[tilespmem:$0xCB20] =	vst v63  }
0x119: {  	_ =	swait.ge [sflag:s25], $0x280  }
0x11a: {  	[sflag:s25] =	ssyncset.done $0x0  }
0x11b: {  	[sflag:s25] =	ssyncadd.s32 $0xFFFFFD80  }
0x11c: {  	_ =	sfence.sel $0x180000  }
0x11d: {  	[bflag:$0x0] =	sbarrier.arrive $0xFFFF  }
0x11e: {  	_ =	strace $0x9000004D  }
0x11f: {  	s0 =	stileid.u32;
	[bflag:$0x2] =	sbarrier.arrive $0xFFFF  }
0x120: {  	p0 =	sne.s32 s0, $0x0;
	s0 =	rddreg [dreg:$0x2]  }
0x121: {  	s0 =	sadd.s32 @!p0 $0x100000, s0  }
0x122: {  	[sflag:s0] =	ssyncadd.tile.s32 @!p0 $0x1;
	_ =	shalt  }
.Lfunc_end2:
_tile_overlayer_lowered:
.L_overlay_start_2:
0x123: {  	(tag) =	ssettag $0x2  }
0x124: {  	s0 =	rddreg [dreg:$0x0];
	s2 =	stileid.u32  }
0x125: {  	s1 =	rddreg [dreg:$0x1];
	p0 =	sne.s32 s2, $0x0  }
0x126: {  	s3 =	rddreg [dreg:$0x2];
	[bflag:$0x3] =	sbarrier.arrive $0xFFFF;
	s2 =	simm.s32 @!p0 $0x1C01  }
0x127: {  	[timem:s3], [sflag:s2] =	dma.local @!p0 [hbm:s0], s1  }
0x128: {  	s0 =	simm.s32 @!p0 $0x1  }
0x129: {  	_ =	swait.ge @!p0 [sflag:s0], s1  }
0x12a: {  	s1 =	ssub.s32 @!p0 $0x0, s1;
	[sflag:s0] =	ssyncset.done @!p0 $0x0  }
0x12b: {  	[sflag:s0] =	ssyncadd.s32 @!p0 s1  }
0x12c: {  	[bflag:$0x3] =	sbarrier.arrive $0xFFFF  }
0x12d: {  	_ =	shalt  }

// kernel: kernel.8.cloned.1.call-start
scs
__scs_entry_jumppad:
0x0: {  	(pc) =	sbr.rel $0x88, $3  }
0x1: {  	(tag) =	ssettag $0x0;
	lr =	simm.s32 $0x1  }
0x2: {  	[smem:$0x3F9B] =	sst lr;
	_ =	strace $0xD0000000  }
0x3: {  	_ = 	snop  }
0x4: {  	_ = 	snop  }
0x5: {  	_ = 	snop  }
0x6: {  	_ = 	snop  }
0x7: {  	_ = 	snop  }
__scs_overlays_trampoline_lowered:
0x8: {  	[smem:$0x3FAA] =	sst s0  }
0x9: {  	[smem:$0x3FAB] =	sst s1  }
0xa: {  	[smem:$0x3FAC] =	sst s2  }
0xb: {  	[smem:$0x3FAD] =	sst s3  }
0xc: {  	[smem:$0x3FAE] =	sst s4  }
0xd: {  	[smem:$0x3FAF] =	sst s5  }
0xe: {  	[smem:$0x3FB0] =	sst s6  }
0xf: {  	[smem:$0x3FB1] =	sst s7  }
0x10: {  	[smem:$0x3FB2] =	sst s8  }
0x11: {  	[smem:$0x3FB3] =	sst s9;
	s0 =	simm.s32 @!p0 $0x0  }
0x12: {  	s1 =	sld [smem:$0x3F99];
	s0 =	simm.s32 @p0 $0x1  }
0x13: {  	[smem:$0x3FB4] =	sst s0;
	s0 =	simm.s32 @!p1 $0x0  }
0x14: {  	s2 =	sld [smem:$0x3F98];
	s0 =	simm.s32 @p1 $0x1  }
0x15: {  	[smem:$0x3FB5] =	sst s0;
	s0 =	simm.s32 @!p2 $0x0  }
0x16: {  	s3 =	sld [smem:$0x3FDB];
	s0 =	simm.s32 @p2 $0x1  }
0x17: {  	s4 =	simm.s32 $0x1BF5;
	[smem:$0x3FB7] =	sst s0  }
0x18: {  	s0 =	sld [smem:$0x3F9A];
	_ =	swait.ge [sflag:s4], $0x0  }
0x19: {  	s7 =	sld [smem:$0x3F9B]  }
0x1a: {  	s8 =	sadd.s32 $0xFFFFE003, lr  }
0x1b: {  	s9 =	sadd.s32 $0xFFFFFEF7, lr;
	s5 =	simm.s32 $0xFFFFFFFF;
	p2 =	slt.u32 s8, $0xFFFFF086  }
0x1c: {  	p1 =	slt.u32 s9, $0xF7A;
	s5 =	simm.s32 @!p2 $0x0  }
0x1d: {  	s5 =	simm.s32 @p1 $0x1;
	p0 =	seq.s32 s7, s2  }
0x1e: {  	s7 =	smul.u32 @!p0 $0xF7A, s2;
	p2 =	seq.s32 @!p0 s5, $0x0  }
0x1f: {  	s9 =	smul.u32 $0xF7A, s1;
	s8 =	simm.s32 @!p0 $0x1BF5;
	p2 =	por !p2, p0  }
0x20: {  	[sflag:s8] =	ssyncset.s32 @!p0 $0xFFFFF086;
	s6 =	sadd.s32 @!p0 s3, s7;
	s7 =	simm.s32 @!p0 $0x108  }
0x21: {  	s3 =	sadd.s32 s3, s9;
	s6 =	sadd.s32 @!p0 $0x88, s6;
	s7 =	simm.s32 @p2 $0x1082  }
0x22: {  	[simem:s7], [sflag:s8] =	dma.local @!p0 [hbm:s6], $0xF7A  }
0x23: {  	s9 =	sor.u32 $0xD0000000, s2;
	s6 =	simm.s32 $0x108;
	_ =	swait.ge @!p0 [sflag:s8], $0x0  }
0x24: {  	s3 =	sadd.s32 $0x88, s3;
	s6 =	simm.s32 @!p1 $0x1082;
	[sflag:s4] =	ssyncset.s32 $0xFFFFF086  }
0x25: {  	[simem:s6], [sflag:s4] =	dma.local [hbm:s3], $0xF7A  }
0x26: {  	[smem:$0x3F9B] =	sst s1;
	(tag) =	ssettag s2;
	_ =	strace s9  }
0x27: {  	s1 =	sld [smem:$0x3FAB]  }
0x28: {  	s2 =	sld [smem:$0x3FAC]  }
0x29: {  	s4 =	sld [smem:$0x3FAE]  }
0x2a: {  	p0 =	seq.s32 s5, $0x0;
	s5 =	sld [smem:$0x3FAF]  }
0x2b: {  	s6 =	sld [smem:$0x3FB0]  }
0x2c: {  	s7 =	sld [smem:$0x3FB1]  }
0x2d: {  	s3 =	simm.s32 $0x108;
	s8 =	sld [smem:$0x3FB2]  }
0x2e: {  	s3 =	simm.s32 @!p0 $0x1082;
	s9 =	sld [smem:$0x3FB3]  }
0x2f: {  	lr =	sadd.s32 s0, s3;
	s0 =	sld [smem:$0x3FAA]  }
0x30: {  	s3 =	sld [smem:$0x3FAD]  }
0x31: {  	[smem:$0x3FB6] =	sst s10  }
0x32: {  	s10 =	sld [smem:$0x3FB4];
	_ =	sdelay $0x3  }
0x33: {  	p0 =	seq.s32 s10, $0x1;
	s10 =	sld [smem:$0x3FB6];
	_ =	sdelay $0x3  }
0x34: {  	[smem:$0x3FB6] =	sst s10  }
0x35: {  	s10 =	sld [smem:$0x3FB5];
	_ =	sdelay $0x3  }
0x36: {  	p1 =	seq.s32 s10, $0x1;
	s10 =	sld [smem:$0x3FB6];
	_ =	sdelay $0x3  }
0x37: {  	[smem:$0x3FB6] =	sst s10  }
0x38: {  	s10 =	sld [smem:$0x3FB7]  }
0x39: {  	_ = 	snop;
	(pc) =	sbr.ind lr, $3  }
0x3a: {  	_ = 	snop  }
0x3b: {  	_ = 	snop  }
0x3c: {  	p2 =	seq.s32 s10, $0x1;
	s10 =	sld [smem:$0x3FB6]  }
0x3d: {  	_ =	shalt  }
0x3e: {  	_ =	shalt  }
0x3f: {  	_ =	shalt  }
0x40: {  	_ =	shalt  }
0x41: {  	_ =	shalt  }
0x42: {  	_ =	shalt  }
0x43: {  	_ =	shalt  }
0x44: {  	_ =	shalt  }
0x45: {  	_ =	shalt  }
0x46: {  	_ =	shalt  }
0x47: {  	_ =	shalt  }
0x48: {  	_ =	shalt  }
0x49: {  	_ =	shalt  }
0x4a: {  	_ =	shalt  }
0x4b: {  	_ =	shalt  }
0x4c: {  	_ =	shalt  }
0x4d: {  	_ =	shalt  }
0x4e: {  	_ =	shalt  }
0x4f: {  	_ =	shalt  }
0x50: {  	_ =	shalt  }
0x51: {  	_ =	shalt  }
0x52: {  	_ =	shalt  }
0x53: {  	_ =	shalt  }
0x54: {  	_ =	shalt  }
0x55: {  	_ =	shalt  }
0x56: {  	_ =	shalt  }
0x57: {  	_ =	shalt  }
0x58: {  	_ =	shalt  }
0x59: {  	_ =	shalt  }
0x5a: {  	_ =	shalt  }
0x5b: {  	_ =	shalt  }
0x5c: {  	_ =	shalt  }
0x5d: {  	_ =	shalt  }
0x5e: {  	_ =	shalt  }
0x5f: {  	_ =	shalt  }
0x60: {  	_ =	shalt  }
0x61: {  	_ =	shalt  }
0x62: {  	_ =	shalt  }
0x63: {  	_ =	shalt  }
0x64: {  	_ =	shalt  }
0x65: {  	_ =	shalt  }
0x66: {  	_ =	shalt  }
0x67: {  	_ =	shalt  }
0x68: {  	_ =	shalt  }
0x69: {  	_ =	shalt  }
0x6a: {  	_ =	shalt  }
0x6b: {  	_ =	shalt  }
0x6c: {  	_ =	shalt  }
0x6d: {  	_ =	shalt  }
0x6e: {  	_ =	shalt  }
0x6f: {  	_ =	shalt  }
0x70: {  	_ =	shalt  }
0x71: {  	_ =	shalt  }
0x72: {  	_ =	shalt  }
0x73: {  	_ =	shalt  }
0x74: {  	_ =	shalt  }
0x75: {  	_ =	shalt  }
0x76: {  	_ =	shalt  }
0x77: {  	_ =	shalt  }
0x78: {  	_ =	shalt  }
0x79: {  	_ =	shalt  }
0x7a: {  	_ =	shalt  }
0x7b: {  	_ =	shalt  }
0x7c: {  	_ =	shalt  }
0x7d: {  	_ =	shalt  }
0x7e: {  	_ =	shalt  }
0x7f: {  	_ =	shalt  }
0x80: {  	_ =	shalt  }
0x81: {  	_ =	shalt  }
0x82: {  	_ =	shalt  }
0x83: {  	_ =	shalt  }
0x84: {  	_ =	shalt  }
0x85: {  	_ =	shalt  }
0x86: {  	_ =	shalt  }
0x87: {  	_ =	shalt  }
.Lfunc_end0:
.L_simem_size_0:
called_computation_lowered:
.L_overlay_start_0:
0x88: {  	s2 =	sld [smem:$0x3FD9]  }
0x89: {  	s3 =	sld [smem:$0x3FFE];
	_ =	sdelay $0x1  }
0x8a: {  	s1 =	srdreg.scid  }
0x8b: {  	s0 =	sand.u32 $0x1, s1  }
0x8c: {  	s16 =	sshll.u32 s0, $0xA;
	s2 =	sadd.s32 s3, s2  }
0x8d: {  	s2 =	sadd.s32 s2, s16  }
0x8e: {  	[smem:$0x3FC2] =	sst s2  }
0x8f: {  	_ = 	snop  }
0x90: {  	(tm) =	ssettm $0x1  }
0x91: {  	s17 =	sld [smem:$0x3FFB];
	_ =	sdelay $0x3  }
0x92: {  	_ =	strace s17  }
0x93: {  	s2 =	sld [smem:$0x3FFC];
	_ =	sdelay $0x3  }
0x94: {  	_ =	strace s2  }
0x95: {  	s2 =	sld [smem:$0x3FFD];
	_ =	sdelay $0x3  }
0x96: {  	_ =	strace s2  }
0x97: {  	_ =	strace $0x8FFFFFFF  }
0x98: {  	s18 =	sld [smem:$0x3FDB];
	_ =	sdelay $0x1  }
0x99: {  	s19 =	simm.s32 $_scs_section_size  }
0x9a: {  	s4 =	simm.s32 $_size__tile_overlayer_lowered;
	s5 =	simm.s32 $_tile_overlayer_lowered  }
0x9b: {  	s22 =	simm.s32 $0x1BFF;
	s21 =	sshll.u32 s5, $0x1;
	s2 =	sadd.s32 s19, s18  }
0x9c: {  	s6 =	simm.s32 $0x0;
	s20 =	sshll.u32 s4, $0x1;
	s4 =	sadd.s32 s21, s2  }
0x9d: {  	[timem:s6], [sflag:s22] =	dma.local [hbm:s4], s20  }
0x9e: {  	_ =	swait.ge [sflag:s22], s20  }
0x9f: {  	s3 =	ssub.s32 $0x0, s20;
	[sflag:s22] =	ssyncset.done $0x0  }
0xa0: {  	[sflag:s22] =	ssyncadd.s32 s3;
	_ =	sdelay $0x1  }
0xa1: {  	s23 =	simm.s32 $0x1B8B  }
0xa2: {  	_ =	swait.ge [sflag:s23], $0x1  }
0xa3: {  	[sflag:s23] =	ssyncset.done $0x0  }
0xa4: {  	s25 =	simm.s32 $0x1B8E;
	s24 =	sld [smem:$0x3FFE];
	[sflag:s23] =	ssyncadd.s32 $0xFFFFFFFF  }
0xa5: {  	s26 =	simm.s32 $execute0_lowered;
	[smem:$0x3FD2] =	sst s25  }
0xa6: {  	s4 =	sshll.u32 s26, $0x1;
	_ =	strace $0x80000046;
	[dreg:$0x1] =	wrdreg $0xFFFFFFFF  }
0xa7: {  	s28 =	simm.s32 $_size_execute0_lowered;
	s2 =	sadd.s32 s2, s4;
	[dreg:$0x0] =	wrdreg $0x0  }
0xa8: {  	s4 =	sshll.u32 s28, $0x1;
	[dreg:$0x2] =	wrdreg s2  }
0xa9: {  	[dreg:$0x3] =	wrdreg s4  }
0xaa: {  	[dreg:$0x4] =	wrdreg $0xC0  }
0xab: {  	_ =	task [dreg:s6], $0x5FFFF  }
0xac: {  	[dreg:$0x1] =	wrdreg $0xFFFFFFFF  }
0xad: {  	[dreg:$0x0] =	wrdreg $0x60  }
0xae: {  	[dreg:$0x2] =	wrdreg s24  }
0xaf: {  	[dreg:$0x3] =	wrdreg $0x4F100  }
0xb0: {  	[dreg:$0x4] =	wrdreg $0x9  }
0xb1: {  	_ =	task.clear_ibuf [dreg:s6], $0x5FFFF;
	_ =	strace $0x90000046  }
0xb2: {  	s29 =	simm.s32 $0x9;
	_ =	strace $0x80000048  }
0xb3: {  	_ =	swait.ge [sflag:s29], $0x1  }
0xb4: {  	[sflag:s29] =	ssyncadd.s32 $0xFFFFFFFF  }
0xb5: {  	_ =	strace $0x90000048  }
0xb6: {  	_ =	sfence  }
0xb7: {  	s30 =	sld [smem:$0x0];
	_ =	sdelay $0x2  }
0xb8: {  	s31 =	sshll.u32 s1, $0xD;
	s1 =	sshrl.u32 s1, $0x2  }
0xb9: {  	s3 =	sand.u32 $0x4000, s31;
	s1 =	sadd.s32 s1, s30  }
0xba: {  	s0 =	sor.u32 s3, s0;
	s1 =	sshll.u32 s1, $0x11  }
0xbb: {  	s0 =	sor.u32 s1, s0  }
0xbc: {  	s0 =	sadd.s32 $0x8F2B, s0  }
0xbd: {  	[sflag:s0] =	ssyncadd.remote.s32 $0x1  }
0xbe: {  	_ =	sfence.sel $0xFFFF  }
0xbf: {  	[dreg:$0x0] =	wrdreg $0xFFFFFFFF;
	(pc) =	sbr.abs _section_cstart, $3  }
0xc0: {  	[dreg:$0x1] =	wrdreg $0xFFFFFFFF  }
0xc1: {  	_ =	task.clear_ibuf [dreg:s6], $0x2FFFF;
	_ =	strace $0x9FFFFFFF  }
0xc2: {  	(tm) =	ssettm $0x7FFFFFFF  }
0xc3: {  	_ =	shalt  }
tec
execute0_lowered:
.L_overlay_start_1:
0x0: {  	(tag) =	ssettag $0x1  }
0x1: {  	s1 =	srdreg.scid;
	s22 =	rddreg [dreg:$0x0]  }
0x2: {  	s0 =	stileid.u32;
	s5 =	rddreg [dreg:$0x1]  }
0x3: {  	s2 =	simm.s32 $0x0;
	s24 =	simm.s32 $0x17400;
	s26 =	simm.s32 $0x7990  }
0x4: {  	s28 =	simm.s32 $0x0;
	s19 =	sand.u32 $0x1, s1;
	s1 =	rddreg [dreg:$0x2]  }
0x5: {  	s30 =	sshll.u32 s0, $0x1;
	[smem:$0x7FF] =	sst s2;
	s6 =	smul.u32 $0xA000, s0  }
0x6: {  	s21 =	smul.u32 $0x280, s0;
	s3 =	sor.u32 s19, s30;
	s4 =	ssub.s32 $0x2, s19  }
0x7: {  	_ =	strace $0x80000047;
	p0 =	seq.s32 s19, $0x1;
	s3 =	smul.u32 $0x4E2, s3  }
0x8: {  	s7 =	sshrl.u32 s4, $0x1;
	s31 =	sshrl.u32 s6, $0x2;
	s24 =	simm.s32 @!p0 $0x16E00  }
0x9: {  	s23 =	ssub.s32 s4, s7;
	s4 =	sadd.s32 s31, s5;
	s5 =	sadd.s32 s21, s5  }
0xa: {  	s25 =	sshrl.u32 s21, $0x3;
	s3 =	sadd.s32 s3, s22;
	s6 =	sadd.s32 $0x2800, s5  }
0xb: {  	s7 =	sadd.s32 $0x5000, s5;
	s8 =	sadd.s32 $0x7800, s5;
	s9 =	sadd.s32 $0xA000, s5  }
0xc: {  	s10 =	sadd.s32 $0xC800, s5;
	s11 =	sadd.s32 $0xF000, s5;
	s12 =	sadd.s32 $0x11800, s5  }
0xd: {  	s13 =	sadd.s32 $0x14000, s5;
	s14 =	sadd.s32 $0x16800, s5;
	s15 =	sadd.s32 $0x19000, s5  }
0xe: {  	s16 =	sadd.s32 $0x1B800, s5;
	s17 =	sadd.s32 $0x1E000, s5;
	s18 =	sadd.s32 $0x20800, s5  }
0xf: {  	s19 =	sadd.s32 $0x23000, s5;
	s20 =	sadd.s32 $0x25800, s5;
	s21 =	smax.u32 s23, $0x1  }
0x10: {  	s22 =	sadd.s32 s24, s22;
	s23 =	simm.s32 $0x1;
	s24 =	simm.s32 $0x2710  }
0x11: {  	v0 =	vimm.f32 $0.0e+00;
	v1 =	vimm.f32 $1.000000000e+00;
	s3 =	sadd.s32 $0xD040, s3;
	s22 =	sadd.s32 s22, s25;
	s25 =	simm.s32 $0x7710  }
.LBB2_1:
0x12: {  	[tilespmem:s2], [sflag:$0x1] =	stream.linear.gather [hbm4b:s3+s2], $0x2710, $0x38;
	[tilespmem:$0x7C10] =	vst v63  }
0x13: {  	_ =	swait.ge [sflag:s23], $0x2710  }
0x14: {  	[sflag:s23] =	ssyncset.done $0x0  }
0x15: {  	s29 =	simm.s32 $0x0;
	[sflag:s23] =	ssyncadd.s32 $0xFFFFD8F0  }
.LBB2_2:
0x16: {  	p0 =	sne.s32 s29, $0x9FC0  }
.Ltmp0:
0x17: {  	_ = 	snop;
	(pc) =	sbr.rel @p0 .LBB2_2-.Ltmp0, $3  }
0x18: {  	_ =	sdelay $0x1  }
0x19: {  	s30 =	sshra.s32 s29, $0x2  }
0x1a: {  	s29 =	sadd.s32 $0x40, s29;
	[tilespmem:s30+$0x2710] =	vst v0  }
0x1b: {  	s29 =	simm.s32 $0x0  }
.LBB2_4:
0x1c: {  	s30 =	sshra.s32 s29, $0x2  }
0x1d: {  	v2 =	vld [tilespmem:s30+$0x0];
	_ =	sdelay $0x7  }
0x1e: {  	[tilespmem:v2+s24+$0x0] =	vst.idx.add.f32.msk $0xffff, v1  }
0x1f: {  	v2 =	vld [tilespmem:s30+$0x10];
	_ =	sdelay $0x7  }
0x20: {  	[tilespmem:v2+s24+$0x0] =	vst.idx.add.f32.msk $0xffff, v1  }
0x21: {  	v2 =	vld [tilespmem:s30+$0x20];
	_ =	sdelay $0x7  }
0x22: {  	[tilespmem:v2+s24+$0x0] =	vst.idx.add.f32.msk $0xffff, v1  }
0x23: {  	v2 =	vld [tilespmem:s30+$0x30];
	_ =	sdelay $0x7  }
0x24: {  	[tilespmem:v2+s24+$0x0] =	vst.idx.add.f32.msk $0xffff, v1  }
0x25: {  	v2 =	vld [tilespmem:s30+$0x40];
	_ =	sdelay $0x2  }
0x26: {  	p0 =	sne.s32 s29, $0x9B00  }
.Ltmp1:
0x27: {  	_ = 	snop;
	(pc) =	sbr.rel @p0 .LBB2_4-.Ltmp1, $2  }
0x28: {  	_ =	sdelay $0x2  }
0x29: {  	s29 =	sadd.s32 $0x140, s29;
	[tilespmem:v2+s24+$0x0] =	vst.idx.add.f32.msk $0xffff, v1  }
0x2a: {  	[spmem:s4] =	stream.linear.scatter [tilespmem:s24], [sflag:$0x1], $0x2800, $0x38;
	[tilespmem:$0x7C10] =	vst v63  }
0x2b: {  	_ =	swait.ge [sflag:s23], $0x2800  }
0x2c: {  	[sflag:s23] =	ssyncset.done $0x0  }
0x2d: {  	[sflag:s23] =	ssyncadd.s32 $0xFFFFD800  }
0x2e: {  	[bflag:$0x0] =	sbarrier.arrive $0xFFFF  }
0x2f: {  	[tilespmem:s25], [sflag:$0x1] =	stream.linear.gather [spmem:s5], $0x280, $0x38;
	[tilespmem:$0x7C10] =	vst v63  }
0x30: {  	_ =	swait.ge [sflag:s23], $0x280  }
0x31: {  	[sflag:s23] =	ssyncset.done $0x0  }
0x32: {  	[sflag:s23] =	ssyncadd.s32 $0xFFFFFD80  }
0x33: {  	[tilespmem:s26], [sflag:$0x1] =	stream.linear.gather [spmem:s6], $0x280, $0x38;
	[tilespmem:$0x7C10] =	vst v63  }
0x34: {  	_ =	swait.ge [sflag:s23], $0x280  }
0x35: {  	[sflag:s23] =	ssyncset.done $0x0  }
0x36: {  	s29 =	simm.s32 $0x0;
	[sflag:s23] =	ssyncadd.s32 $0xFFFFFD80  }
0x37: {  	s30 =	simm.s32 $0x40;
	v2 =	vld [tilespmem:s29+$0x7990]  }
.LBB2_6:
0x38: {  	p0 =	sne.s32 s30, $0x9C0;
	v3 =	vld [tilespmem:s29+$0x7710];
	_ =	sdelay $0x2  }
.Ltmp2:
0x39: {  	(pc) =	sbr.rel @p0 .LBB2_6-.Ltmp2, $4  }
0x3a: {  	_ = 	snop  }
0x3b: {  	v3 =	vadd.f32 v2, v3  }
0x3c: {  	s31 =	sshra.s32 s30, $0x2  }
0x3d: {  	s30 =	sadd.s32 $0x40, s30;
	v2 =	vld [tilespmem:s31+$0x7990];
	[tilespmem:s29+$0x7710] =	vst v3;
	s29 =	smov.u32 s31  }
0x3e: {  	v3 =	vld [tilespmem:s29+$0x7710];
	_ =	sdelay $0x4  }
0x3f: {  	v2 =	vadd.f32 v2, v3;
	_ =	sdelay $0x1  }
0x40: {  	[tilespmem:s29+$0x7710] =	vst v2  }
0x41: {  	[tilespmem:s26], [sflag:$0x1] =	stream.linear.gather [spmem:s7], $0x280, $0x38;
	[tilespmem:$0x7C10] =	vst v63  }
0x42: {  	_ =	swait.ge [sflag:s23], $0x280  }
0x43: {  	[sflag:s23] =	ssyncset.done $0x0  }
0x44: {  	s29 =	simm.s32 $0x0;
	[sflag:s23] =	ssyncadd.s32 $0xFFFFFD80  }
0x45: {  	s30 =	simm.s32 $0x40;
	v2 =	vld [tilespmem:s29+$0x7990]  }
.LBB2_8:
0x46: {  	p0 =	sne.s32 s30, $0x9C0;
	v3 =	vld [tilespmem:s29+$0x7710];
	_ =	sdelay $0x2  }
.Ltmp3:
0x47: {  	(pc) =	sbr.rel @p0 .LBB2_8-.Ltmp3, $4  }
0x48: {  	_ = 	snop  }
0x49: {  	v3 =	vadd.f32 v2, v3  }
0x4a: {  	s31 =	sshra.s32 s30, $0x2  }
0x4b: {  	s30 =	sadd.s32 $0x40, s30;
	v2 =	vld [tilespmem:s31+$0x7990];
	[tilespmem:s29+$0x7710] =	vst v3;
	s29 =	smov.u32 s31  }
0x4c: {  	v3 =	vld [tilespmem:s29+$0x7710];
	_ =	sdelay $0x4  }
0x4d: {  	v2 =	vadd.f32 v2, v3;
	_ =	sdelay $0x1  }
0x4e: {  	[tilespmem:s29+$0x7710] =	vst v2  }
0x4f: {  	[tilespmem:s26], [sflag:$0x1] =	stream.linear.gather [spmem:s8], $0x280, $0x38;
	[tilespmem:$0x7C10] =	vst v63  }
0x50: {  	_ =	swait.ge [sflag:s23], $0x280  }
0x51: {  	[sflag:s23] =	ssyncset.done $0x0  }
0x52: {  	s29 =	simm.s32 $0x0;
	[sflag:s23] =	ssyncadd.s32 $0xFFFFFD80  }
0x53: {  	s30 =	simm.s32 $0x40;
	v2 =	vld [tilespmem:s29+$0x7990]  }
.LBB2_10:
0x54: {  	p0 =	sne.s32 s30, $0x9C0;
	v3 =	vld [tilespmem:s29+$0x7710];
	_ =	sdelay $0x2  }
.Ltmp4:
0x55: {  	(pc) =	sbr.rel @p0 .LBB2_10-.Ltmp4, $4  }
0x56: {  	_ = 	snop  }
0x57: {  	v3 =	vadd.f32 v2, v3  }
0x58: {  	s31 =	sshra.s32 s30, $0x2  }
0x59: {  	s30 =	sadd.s32 $0x40, s30;
	v2 =	vld [tilespmem:s31+$0x7990];
	[tilespmem:s29+$0x7710] =	vst v3;
	s29 =	smov.u32 s31  }
0x5a: {  	v3 =	vld [tilespmem:s29+$0x7710];
	_ =	sdelay $0x4  }
0x5b: {  	v2 =	vadd.f32 v2, v3;
	_ =	sdelay $0x1  }
0x5c: {  	[tilespmem:s29+$0x7710] =	vst v2  }
0x5d: {  	[tilespmem:s26], [sflag:$0x1] =	stream.linear.gather [spmem:s9], $0x280, $0x38;
	[tilespmem:$0x7C10] =	vst v63  }
0x5e: {  	_ =	swait.ge [sflag:s23], $0x280  }
0x5f: {  	[sflag:s23] =	ssyncset.done $0x0  }
0x60: {  	s29 =	simm.s32 $0x0;
	[sflag:s23] =	ssyncadd.s32 $0xFFFFFD80  }
0x61: {  	s30 =	simm.s32 $0x40;
	v2 =	vld [tilespmem:s29+$0x7990]  }
.LBB2_12:
0x62: {  	p0 =	sne.s32 s30, $0x9C0;
	v3 =	vld [tilespmem:s29+$0x7710];
	_ =	sdelay $0x2  }
.Ltmp5:
0x63: {  	(pc) =	sbr.rel @p0 .LBB2_12-.Ltmp5, $4  }
0x64: {  	_ = 	snop  }
0x65: {  	v3 =	vadd.f32 v2, v3  }
0x66: {  	s31 =	sshra.s32 s30, $0x2  }
0x67: {  	s30 =	sadd.s32 $0x40, s30;
	v2 =	vld [tilespmem:s31+$0x7990];
	[tilespmem:s29+$0x7710] =	vst v3;
	s29 =	smov.u32 s31  }
0x68: {  	v3 =	vld [tilespmem:s29+$0x7710];
	_ =	sdelay $0x4  }
0x69: {  	v2 =	vadd.f32 v2, v3;
	_ =	sdelay $0x1  }
0x6a: {  	[tilespmem:s29+$0x7710] =	vst v2  }
0x6b: {  	[tilespmem:s26], [sflag:$0x1] =	stream.linear.gather [spmem:s10], $0x280, $0x38;
	[tilespmem:$0x7C10] =	vst v63  }
0x6c: {  	_ =	swait.ge [sflag:s23], $0x280  }
0x6d: {  	[sflag:s23] =	ssyncset.done $0x0  }
0x6e: {  	s29 =	simm.s32 $0x0;
	[sflag:s23] =	ssyncadd.s32 $0xFFFFFD80  }
0x6f: {  	s30 =	simm.s32 $0x40;
	v2 =	vld [tilespmem:s29+$0x7990]  }
.LBB2_14:
0x70: {  	p0 =	sne.s32 s30, $0x9C0;
	v3 =	vld [tilespmem:s29+$0x7710];
	_ =	sdelay $0x2  }
.Ltmp6:
0x71: {  	(pc) =	sbr.rel @p0 .LBB2_14-.Ltmp6, $4  }
0x72: {  	_ = 	snop  }
0x73: {  	v3 =	vadd.f32 v2, v3  }
0x74: {  	s31 =	sshra.s32 s30, $0x2  }
0x75: {  	s30 =	sadd.s32 $0x40, s30;
	v2 =	vld [tilespmem:s31+$0x7990];
	[tilespmem:s29+$0x7710] =	vst v3;
	s29 =	smov.u32 s31  }
0x76: {  	v3 =	vld [tilespmem:s29+$0x7710];
	_ =	sdelay $0x4  }
0x77: {  	v2 =	vadd.f32 v2, v3;
	_ =	sdelay $0x1  }
0x78: {  	[tilespmem:s29+$0x7710] =	vst v2  }
0x79: {  	[tilespmem:s26], [sflag:$0x1] =	stream.linear.gather [spmem:s11], $0x280, $0x38;
	[tilespmem:$0x7C10] =	vst v63  }
0x7a: {  	_ =	swait.ge [sflag:s23], $0x280  }
0x7b: {  	[sflag:s23] =	ssyncset.done $0x0  }
0x7c: {  	s29 =	simm.s32 $0x0;
	[sflag:s23] =	ssyncadd.s32 $0xFFFFFD80  }
0x7d: {  	s30 =	simm.s32 $0x40;
	v2 =	vld [tilespmem:s29+$0x7990]  }
.LBB2_16:
0x7e: {  	p0 =	sne.s32 s30, $0x9C0;
	v3 =	vld [tilespmem:s29+$0x7710];
	_ =	sdelay $0x2  }
.Ltmp7:
0x7f: {  	(pc) =	sbr.rel @p0 .LBB2_16-.Ltmp7, $4  }
0x80: {  	_ = 	snop  }
0x81: {  	v3 =	vadd.f32 v2, v3  }
0x82: {  	s31 =	sshra.s32 s30, $0x2  }
0x83: {  	s30 =	sadd.s32 $0x40, s30;
	v2 =	vld [tilespmem:s31+$0x7990];
	[tilespmem:s29+$0x7710] =	vst v3;
	s29 =	smov.u32 s31  }
0x84: {  	v3 =	vld [tilespmem:s29+$0x7710];
	_ =	sdelay $0x4  }
0x85: {  	v2 =	vadd.f32 v2, v3;
	_ =	sdelay $0x1  }
0x86: {  	[tilespmem:s29+$0x7710] =	vst v2  }
0x87: {  	[tilespmem:s26], [sflag:$0x1] =	stream.linear.gather [spmem:s12], $0x280, $0x38;
	[tilespmem:$0x7C10] =	vst v63  }
0x88: {  	_ =	swait.ge [sflag:s23], $0x280  }
0x89: {  	[sflag:s23] =	ssyncset.done $0x0  }
0x8a: {  	s29 =	simm.s32 $0x0;
	[sflag:s23] =	ssyncadd.s32 $0xFFFFFD80  }
0x8b: {  	s30 =	simm.s32 $0x40;
	v2 =	vld [tilespmem:s29+$0x7990]  }
.LBB2_18:
0x8c: {  	p0 =	sne.s32 s30, $0x9C0;
	v3 =	vld [tilespmem:s29+$0x7710];
	_ =	sdelay $0x2  }
.Ltmp8:
0x8d: {  	(pc) =	sbr.rel @p0 .LBB2_18-.Ltmp8, $4  }
0x8e: {  	_ = 	snop  }
0x8f: {  	v3 =	vadd.f32 v2, v3  }
0x90: {  	s31 =	sshra.s32 s30, $0x2  }
0x91: {  	s30 =	sadd.s32 $0x40, s30;
	v2 =	vld [tilespmem:s31+$0x7990];
	[tilespmem:s29+$0x7710] =	vst v3;
	s29 =	smov.u32 s31  }
0x92: {  	v3 =	vld [tilespmem:s29+$0x7710];
	_ =	sdelay $0x4  }
0x93: {  	v2 =	vadd.f32 v2, v3;
	_ =	sdelay $0x1  }
0x94: {  	[tilespmem:s29+$0x7710] =	vst v2  }
0x95: {  	[tilespmem:s26], [sflag:$0x1] =	stream.linear.gather [spmem:s13], $0x280, $0x38;
	[tilespmem:$0x7C10] =	vst v63  }
0x96: {  	_ =	swait.ge [sflag:s23], $0x280  }
0x97: {  	[sflag:s23] =	ssyncset.done $0x0  }
0x98: {  	s29 =	simm.s32 $0x0;
	[sflag:s23] =	ssyncadd.s32 $0xFFFFFD80  }
0x99: {  	s30 =	simm.s32 $0x40;
	v2 =	vld [tilespmem:s29+$0x7990]  }
.LBB2_20:
0x9a: {  	p0 =	sne.s32 s30, $0x9C0;
	v3 =	vld [tilespmem:s29+$0x7710];
	_ =	sdelay $0x2  }
.Ltmp9:
0x9b: {  	(pc) =	sbr.rel @p0 .LBB2_20-.Ltmp9, $4  }
0x9c: {  	_ = 	snop  }
0x9d: {  	v3 =	vadd.f32 v2, v3  }
0x9e: {  	s31 =	sshra.s32 s30, $0x2  }
0x9f: {  	s30 =	sadd.s32 $0x40, s30;
	v2 =	vld [tilespmem:s31+$0x7990];
	[tilespmem:s29+$0x7710] =	vst v3;
	s29 =	smov.u32 s31  }
0xa0: {  	v3 =	vld [tilespmem:s29+$0x7710];
	_ =	sdelay $0x4  }
0xa1: {  	v2 =	vadd.f32 v2, v3;
	_ =	sdelay $0x1  }
0xa2: {  	[tilespmem:s29+$0x7710] =	vst v2  }
0xa3: {  	[tilespmem:s26], [sflag:$0x1] =	stream.linear.gather [spmem:s14], $0x280, $0x38;
	[tilespmem:$0x7C10] =	vst v63  }
0xa4: {  	_ =	swait.ge [sflag:s23], $0x280  }
0xa5: {  	[sflag:s23] =	ssyncset.done $0x0  }
0xa6: {  	s29 =	simm.s32 $0x0;
	[sflag:s23] =	ssyncadd.s32 $0xFFFFFD80  }
0xa7: {  	s30 =	simm.s32 $0x40;
	v2 =	vld [tilespmem:s29+$0x7990]  }
.LBB2_22:
0xa8: {  	p0 =	sne.s32 s30, $0x9C0;
	v3 =	vld [tilespmem:s29+$0x7710];
	_ =	sdelay $0x2  }
.Ltmp10:
0xa9: {  	(pc) =	sbr.rel @p0 .LBB2_22-.Ltmp10, $4  }
0xaa: {  	_ = 	snop  }
0xab: {  	v3 =	vadd.f32 v2, v3  }
0xac: {  	s31 =	sshra.s32 s30, $0x2  }
0xad: {  	s30 =	sadd.s32 $0x40, s30;
	v2 =	vld [tilespmem:s31+$0x7990];
	[tilespmem:s29+$0x7710] =	vst v3;
	s29 =	smov.u32 s31  }
0xae: {  	v3 =	vld [tilespmem:s29+$0x7710];
	_ =	sdelay $0x4  }
0xaf: {  	v2 =	vadd.f32 v2, v3;
	_ =	sdelay $0x1  }
0xb0: {  	[tilespmem:s29+$0x7710] =	vst v2  }
0xb1: {  	[tilespmem:s26], [sflag:$0x1] =	stream.linear.gather [spmem:s15], $0x280, $0x38;
	[tilespmem:$0x7C10] =	vst v63  }
0xb2: {  	_ =	swait.ge [sflag:s23], $0x280  }
0xb3: {  	[sflag:s23] =	ssyncset.done $0x0  }
0xb4: {  	s29 =	simm.s32 $0x0;
	[sflag:s23] =	ssyncadd.s32 $0xFFFFFD80  }
0xb5: {  	s30 =	simm.s32 $0x40;
	v2 =	vld [tilespmem:s29+$0x7990]  }
.LBB2_24:
0xb6: {  	p0 =	sne.s32 s30, $0x9C0;
	v3 =	vld [tilespmem:s29+$0x7710];
	_ =	sdelay $0x2  }
.Ltmp11:
0xb7: {  	(pc) =	sbr.rel @p0 .LBB2_24-.Ltmp11, $4  }
0xb8: {  	_ = 	snop  }
0xb9: {  	v3 =	vadd.f32 v2, v3  }
0xba: {  	s31 =	sshra.s32 s30, $0x2  }
0xbb: {  	s30 =	sadd.s32 $0x40, s30;
	v2 =	vld [tilespmem:s31+$0x7990];
	[tilespmem:s29+$0x7710] =	vst v3;
	s29 =	smov.u32 s31  }
0xbc: {  	v3 =	vld [tilespmem:s29+$0x7710];
	_ =	sdelay $0x4  }
0xbd: {  	v2 =	vadd.f32 v2, v3;
	_ =	sdelay $0x1  }
0xbe: {  	[tilespmem:s29+$0x7710] =	vst v2  }
0xbf: {  	[tilespmem:s26], [sflag:$0x1] =	stream.linear.gather [spmem:s16], $0x280, $0x38;
	[tilespmem:$0x7C10] =	vst v63  }
0xc0: {  	_ =	swait.ge [sflag:s23], $0x280  }
0xc1: {  	[sflag:s23] =	ssyncset.done $0x0  }
0xc2: {  	s29 =	simm.s32 $0x0;
	[sflag:s23] =	ssyncadd.s32 $0xFFFFFD80  }
0xc3: {  	s30 =	simm.s32 $0x40;
	v2 =	vld [tilespmem:s29+$0x7990]  }
.LBB2_26:
0xc4: {  	p0 =	sne.s32 s30, $0x9C0;
	v3 =	vld [tilespmem:s29+$0x7710];
	_ =	sdelay $0x2  }
.Ltmp12:
0xc5: {  	(pc) =	sbr.rel @p0 .LBB2_26-.Ltmp12, $4  }
0xc6: {  	_ = 	snop  }
0xc7: {  	v3 =	vadd.f32 v2, v3  }
0xc8: {  	s31 =	sshra.s32 s30, $0x2  }
0xc9: {  	s30 =	sadd.s32 $0x40, s30;
	v2 =	vld [tilespmem:s31+$0x7990];
	[tilespmem:s29+$0x7710] =	vst v3;
	s29 =	smov.u32 s31  }
0xca: {  	v3 =	vld [tilespmem:s29+$0x7710];
	_ =	sdelay $0x4  }
0xcb: {  	v2 =	vadd.f32 v2, v3;
	_ =	sdelay $0x1  }
0xcc: {  	[tilespmem:s29+$0x7710] =	vst v2  }
0xcd: {  	[tilespmem:s26], [sflag:$0x1] =	stream.linear.gather [spmem:s17], $0x280, $0x38;
	[tilespmem:$0x7C10] =	vst v63  }
0xce: {  	_ =	swait.ge [sflag:s23], $0x280  }
0xcf: {  	[sflag:s23] =	ssyncset.done $0x0  }
0xd0: {  	s29 =	simm.s32 $0x0;
	[sflag:s23] =	ssyncadd.s32 $0xFFFFFD80  }
0xd1: {  	s30 =	simm.s32 $0x40;
	v2 =	vld [tilespmem:s29+$0x7990]  }
.LBB2_28:
0xd2: {  	p0 =	sne.s32 s30, $0x9C0;
	v3 =	vld [tilespmem:s29+$0x7710];
	_ =	sdelay $0x2  }
.Ltmp13:
0xd3: {  	(pc) =	sbr.rel @p0 .LBB2_28-.Ltmp13, $4  }
0xd4: {  	_ = 	snop  }
0xd5: {  	v3 =	vadd.f32 v2, v3  }
0xd6: {  	s31 =	sshra.s32 s30, $0x2  }
0xd7: {  	s30 =	sadd.s32 $0x40, s30;
	v2 =	vld [tilespmem:s31+$0x7990];
	[tilespmem:s29+$0x7710] =	vst v3;
	s29 =	smov.u32 s31  }
0xd8: {  	v3 =	vld [tilespmem:s29+$0x7710];
	_ =	sdelay $0x4  }
0xd9: {  	v2 =	vadd.f32 v2, v3;
	_ =	sdelay $0x1  }
0xda: {  	[tilespmem:s29+$0x7710] =	vst v2  }
0xdb: {  	[tilespmem:s26], [sflag:$0x1] =	stream.linear.gather [spmem:s18], $0x280, $0x38;
	[tilespmem:$0x7C10] =	vst v63  }
0xdc: {  	_ =	swait.ge [sflag:s23], $0x280  }
0xdd: {  	[sflag:s23] =	ssyncset.done $0x0  }
0xde: {  	s29 =	simm.s32 $0x0;
	[sflag:s23] =	ssyncadd.s32 $0xFFFFFD80  }
0xdf: {  	s30 =	simm.s32 $0x40;
	v2 =	vld [tilespmem:s29+$0x7990]  }
.LBB2_30:
0xe0: {  	p0 =	sne.s32 s30, $0x9C0;
	v3 =	vld [tilespmem:s29+$0x7710];
	_ =	sdelay $0x2  }
.Ltmp14:
0xe1: {  	(pc) =	sbr.rel @p0 .LBB2_30-.Ltmp14, $4  }
0xe2: {  	_ = 	snop  }
0xe3: {  	v3 =	vadd.f32 v2, v3  }
0xe4: {  	s31 =	sshra.s32 s30, $0x2  }
0xe5: {  	s30 =	sadd.s32 $0x40, s30;
	v2 =	vld [tilespmem:s31+$0x7990];
	[tilespmem:s29+$0x7710] =	vst v3;
	s29 =	smov.u32 s31  }
0xe6: {  	v3 =	vld [tilespmem:s29+$0x7710];
	_ =	sdelay $0x4  }
0xe7: {  	v2 =	vadd.f32 v2, v3;
	_ =	sdelay $0x1  }
0xe8: {  	[tilespmem:s29+$0x7710] =	vst v2  }
0xe9: {  	[tilespmem:s26], [sflag:$0x1] =	stream.linear.gather [spmem:s19], $0x280, $0x38;
	[tilespmem:$0x7C10] =	vst v63  }
0xea: {  	_ =	swait.ge [sflag:s23], $0x280  }
0xeb: {  	[sflag:s23] =	ssyncset.done $0x0  }
0xec: {  	s29 =	simm.s32 $0x0;
	[sflag:s23] =	ssyncadd.s32 $0xFFFFFD80  }
0xed: {  	s30 =	simm.s32 $0x40;
	v2 =	vld [tilespmem:s29+$0x7990]  }
.LBB2_32:
0xee: {  	p0 =	sne.s32 s30, $0x9C0;
	v3 =	vld [tilespmem:s29+$0x7710];
	_ =	sdelay $0x2  }
.Ltmp15:
0xef: {  	(pc) =	sbr.rel @p0 .LBB2_32-.Ltmp15, $4  }
0xf0: {  	_ = 	snop  }
0xf1: {  	v3 =	vadd.f32 v2, v3  }
0xf2: {  	s31 =	sshra.s32 s30, $0x2  }
0xf3: {  	s30 =	sadd.s32 $0x40, s30;
	v2 =	vld [tilespmem:s31+$0x7990];
	[tilespmem:s29+$0x7710] =	vst v3;
	s29 =	smov.u32 s31  }
0xf4: {  	v3 =	vld [tilespmem:s29+$0x7710];
	_ =	sdelay $0x4  }
0xf5: {  	v2 =	vadd.f32 v2, v3;
	_ =	sdelay $0x1  }
0xf6: {  	[tilespmem:s29+$0x7710] =	vst v2  }
0xf7: {  	[tilespmem:s26], [sflag:$0x1] =	stream.linear.gather [spmem:s20], $0x280, $0x38;
	[tilespmem:$0x7C10] =	vst v63  }
0xf8: {  	_ =	swait.ge [sflag:s23], $0x280  }
0xf9: {  	[sflag:s23] =	ssyncset.done $0x0  }
0xfa: {  	s29 =	simm.s32 $0x0;
	[sflag:s23] =	ssyncadd.s32 $0xFFFFFD80  }
0xfb: {  	s30 =	simm.s32 $0x40;
	v2 =	vld [tilespmem:s29+$0x7990]  }
.LBB2_34:
0xfc: {  	p0 =	sne.s32 s30, $0x9C0;
	v3 =	vld [tilespmem:s29+$0x7710];
	_ =	sdelay $0x2  }
.Ltmp16:
0xfd: {  	(pc) =	sbr.rel @p0 .LBB2_34-.Ltmp16, $4  }
0xfe: {  	_ = 	snop  }
0xff: {  	v3 =	vadd.f32 v2, v3  }
0x100: {  	s31 =	sshra.s32 s30, $0x2  }
0x101: {  	s30 =	sadd.s32 $0x40, s30;
	v2 =	vld [tilespmem:s31+$0x7990];
	[tilespmem:s29+$0x7710] =	vst v3;
	s29 =	smov.u32 s31  }
0x102: {  	v3 =	vld [tilespmem:s29+$0x7710];
	_ =	sdelay $0x4  }
0x103: {  	s28 =	sadd.s32 $0x1, s28;
	v2 =	vadd.f32 v2, v3  }
0x104: {  	p0 =	sne.s32 s28, s21  }
.Ltmp17:
0x105: {  	[tilespmem:s29+$0x7710] =	vst v2;
	(pc) =	sbr.rel @p0 .LBB2_1-.Ltmp17, $4  }
0x106: {  	[hbm4b:s22+s2] =	stream.linear.scatter [tilespmem:s25], [sflag:$0x1], $0x280, $0x38;
	[tilespmem:$0x7C10] =	vst v63  }
0x107: {  	_ =	swait.ge [sflag:s23], $0x280  }
0x108: {  	[sflag:s23] =	ssyncset.done $0x0  }
0x109: {  	[sflag:s23] =	ssyncadd.s32 $0xFFFFFD80  }
0x10a: {  	_ =	sfence.sel $0x180000  }
0x10b: {  	[bflag:$0x0] =	sbarrier.arrive $0xFFFF  }
0x10c: {  	p0 =	sne.s32 s0, $0x0;
	_ =	strace $0x90000047  }
0x10d: {  	s0 =	sadd.s32 @!p0 $0x100000, s1;
	[bflag:$0x2] =	sbarrier.arrive $0xFFFF  }
0x10e: {  	[sflag:s0] =	ssyncadd.tile.s32 @!p0 $0x1;
	_ =	shalt  }
.Lfunc_end2:
_tile_overlayer_lowered:
.L_overlay_start_2:
0x10f: {  	(tag) =	ssettag $0x2  }
0x110: {  	s0 =	rddreg [dreg:$0x0];
	s2 =	stileid.u32  }
0x111: {  	s1 =	rddreg [dreg:$0x1];
	p0 =	sne.s32 s2, $0x0  }
0x112: {  	s3 =	rddreg [dreg:$0x2];
	[bflag:$0x3] =	sbarrier.arrive $0xFFFF;
	s2 =	simm.s32 @!p0 $0x1C01  }
0x113: {  	[timem:s3], [sflag:s2] =	dma.local @!p0 [hbm:s0], s1  }
0x114: {  	s0 =	simm.s32 @!p0 $0x1  }
0x115: {  	_ =	swait.ge @!p0 [sflag:s0], s1  }
0x116: {  	s1 =	ssub.s32 @!p0 $0x0, s1;
	[sflag:s0] =	ssyncset.done @!p0 $0x0  }
0x117: {  	[sflag:s0] =	ssyncadd.s32 @!p0 s1  }
0x118: {  	[bflag:$0x3] =	sbarrier.arrive $0xFFFF  }
0x119: {  	_ =	shalt  }

</sc_bundles>
